<compile_context>
chip_gen: v7x
topology: tpu7x:2x2x1
jax: 0.10.2.dev20260603
libtpu: 0.0.44.dev20260713+nightly
codegen_flags: <defaults>
</compile_context>

<pallas_src>
import functools

import jax
import jax.numpy as jnp
from jax import lax
from jax.experimental import pallas as pl
from jax.experimental.pallas import tpu as pltpu
from jax.experimental.pallas import tpu_sc as plsc

N = 100000
E = 6400000
NUM_GRAPHS = 128
HID = 32
BN_EPS = 1e-5

NC = 2
NS = 16
HALF = N // NC
ROWS_PER_TILE = HALF // NS
TRASH = 512
ACC_ROWS = HALF + TRASH
EDGES_PER_TILE = E // NS
SUBW = 128
SUBN = 5
CHUNK = SUBN * SUBW
NCHUNK = EDGES_PER_TILE // CHUNK
ROWS128_PER_TILE = EDGES_PER_TILE // SUBW


def _sc_aggregate(h):
  D = h.shape[1]
  mesh = plsc.VectorSubcoreMesh(core_axis_name="c", subcore_axis_name="s",
                                num_cores=NC, num_subcores=NS)

  @functools.partial(
      pl.kernel,
      out_type=jax.ShapeDtypeStruct((N, D), jnp.float32),
      mesh=mesh,
      compiler_params=pltpu.CompilerParams(use_tc_tiling_on_sc=False),
      scratch_types=[
          pltpu.VMEM_SHARED((ACC_ROWS, D), jnp.float32),
          pltpu.VMEM((SUBN, SUBW), jnp.int32),
          pltpu.VMEM((SUBN, SUBW), jnp.int32),
          pltpu.VMEM((SUBN, SUBW), jnp.int32),
          pltpu.VMEM((CHUNK, D), jnp.float32),
          pltpu.SemaphoreType.DMA,
          pltpu.SemaphoreType.DMA,
      ],
  )
  def agg_kernel(h_hbm, src_hbm, dst_hbm, out_hbm,
                 acc, srcbuf, dstbuf, locbuf, rows, gsem, ssem):
    c = lax.axis_index("c")
    s = lax.axis_index("s")
    node_base = c * HALF + s * ROWS_PER_TILE
    local_base = s * ROWS_PER_TILE
    pltpu.sync_copy(h_hbm.at[pl.ds(node_base, ROWS_PER_TILE)],
                    acc.at[pl.ds(local_base, ROWS_PER_TILE)])
    plsc.subcore_barrier()

    range_base = c * HALF
    lane = lax.broadcasted_iota(jnp.int32, (16,), 0)
    row_base = s * ROWS128_PER_TILE

    def chunk_body(g, _):
      rb = row_base + g * SUBN
      pltpu.sync_copy(src_hbm.at[pl.ds(rb, SUBN)], srcbuf)
      pltpu.sync_copy(dst_hbm.at[pl.ds(rb, SUBN)], dstbuf)
      for j in range(SUBN):
        pltpu.async_copy(h_hbm.at[srcbuf.at[j]],
                         rows.at[pl.ds(j * SUBW, SUBW)], gsem)

      def loc_body(i, _):
        j = i // (SUBW // 16)
        k = lax.rem(i, SUBW // 16)
        v = dstbuf[j, pl.ds(k * 16, 16)]
        rel = v - range_base
        ok = (rel >= 0) & (rel < HALF)
        tr = HALF + ((lane + i * 16) & (TRASH - 1))
        locbuf[j, pl.ds(k * 16, 16)] = jnp.where(ok, rel, tr)
        return 0

      lax.fori_loop(0, CHUNK // 16, loc_body, 0)
      for j in range(SUBN):
        pltpu.make_async_copy(h_hbm.at[srcbuf.at[j]],
                              rows.at[pl.ds(j * SUBW, SUBW)], gsem).wait()
      for j in range(SUBN):
        pltpu.async_copy(rows.at[pl.ds(j * SUBW, SUBW)],
                         acc.at[locbuf.at[j]], ssem, add=True)
      for j in range(SUBN):
        pltpu.make_async_copy(rows.at[pl.ds(j * SUBW, SUBW)],
                              acc.at[locbuf.at[j]], ssem).wait()
      return 0

    lax.fori_loop(0, NCHUNK, chunk_body, 0)
    plsc.subcore_barrier()
    pltpu.sync_copy(acc.at[pl.ds(local_base, ROWS_PER_TILE)],
                    out_hbm.at[pl.ds(node_base, ROWS_PER_TILE)])

  return agg_kernel


MLP_BLK = 5000
MLP_NBLK = N // MLP_BLK


def _mlp_body(relu_out, z_ref, w1_ref, b1_ref, g_ref, bta_ref, w2_ref, b2_ref,
              out_ref, stats):
  p = pl.program_id(0)
  b = pl.program_id(1)

  @pl.when((p == 0) & (b == 0))
  def _():
    stats[...] = jnp.zeros_like(stats)

  hid = jnp.dot(z_ref[...], w1_ref[...],
                preferred_element_type=jnp.float32) + b1_ref[...]

  @pl.when(p == 0)
  def _():
    stats[0, :] += jnp.sum(hid, axis=0)

  @pl.when(p > 0)
  def _():
    dev = hid - stats[0:1, :] / N

    @pl.when(p == 1)
    def _():
      stats[1, :] += jnp.sum(dev * dev, axis=0)

    @pl.when(p == 2)
    def _():
      sd = jnp.sqrt(stats[1:2, :] / N + BN_EPS)
      hnorm = jax.nn.relu(dev / sd * g_ref[...] + bta_ref[...])
      o = jnp.dot(hnorm, w2_ref[...],
                  preferred_element_type=jnp.float32) + b2_ref[...]
      if relu_out:
        o = jax.nn.relu(o)
      out_ref[...] = o


def _tc_mlp(z, w1, b1, g, bta, w2, b2, relu_out):
  row = lambda v: v.reshape(1, -1)
  spec_full = lambda shp: pl.BlockSpec(shp, lambda p, b: (0, 0))
  return pl.pallas_call(
      functools.partial(_mlp_body, relu_out),
      grid=(3, MLP_NBLK),
      in_specs=[
          pl.BlockSpec((MLP_BLK, HID), lambda p, b: (b, 0)),
          spec_full((HID, HID)),
          spec_full((1, HID)),
          spec_full((1, HID)),
          spec_full((1, HID)),
          spec_full((HID, HID)),
          spec_full((1, HID)),
      ],
      out_specs=pl.BlockSpec((MLP_BLK, HID), lambda p, b: (b, 0)),
      out_shape=jax.ShapeDtypeStruct((N, HID), jnp.float32),
      scratch_shapes=[pltpu.VMEM((8, HID), jnp.float32)],
  )(z, w1, row(b1), row(g), row(bta), w2, row(b2))


def _pool_body(h_ref, batch_ref, fw1_ref, fb1_ref, fw2_ref, fb2_ref,
               out_ref, gacc):
  b = pl.program_id(0)

  @pl.when(b == 0)
  def _():
    gacc[...] = jnp.zeros_like(gacc)

  ids = batch_ref[0, 0, :]
  onehot = (lax.broadcasted_iota(jnp.int32, (NUM_GRAPHS, MLP_BLK), 0)
            == ids[None, :]).astype(jnp.float32)
  gacc[...] += jnp.dot(onehot, h_ref[...], preferred_element_type=jnp.float32,
                 precision=lax.Precision.HIGHEST)

  @pl.when(b == MLP_NBLK - 1)
  def _():
    t = jax.nn.relu(jnp.dot(gacc[...], fw1_ref[...],
                            preferred_element_type=jnp.float32)
                    + fb1_ref[...])
    out_ref[...] = jnp.dot(t, fw2_ref[...],
                           preferred_element_type=jnp.float32) + fb2_ref[...]


def _tc_pool_head(h, batch, fw1, fb1, fw2, fb2):
  fw2p = jnp.zeros((HID, 8), jnp.float32).at[:, 0].set(fw2[:, 0])
  fb2p = jnp.zeros((1, 8), jnp.float32).at[0, 0].set(fb2[0])
  out = pl.pallas_call(
      _pool_body,
      grid=(MLP_NBLK,),
      in_specs=[
          pl.BlockSpec((MLP_BLK, HID), lambda b: (b, 0)),
          pl.BlockSpec((1, 1, MLP_BLK), lambda b: (b, 0, 0)),
          pl.BlockSpec((HID, HID), lambda b: (0, 0)),
          pl.BlockSpec((1, HID), lambda b: (0, 0)),
          pl.BlockSpec((HID, 8), lambda b: (0, 0)),
          pl.BlockSpec((1, 8), lambda b: (0, 0)),
      ],
      out_specs=pl.BlockSpec((NUM_GRAPHS, 8), lambda b: (0, 0)),
      out_shape=jax.ShapeDtypeStruct((NUM_GRAPHS, 8), jnp.float32),
      scratch_shapes=[pltpu.VMEM((NUM_GRAPHS, HID), jnp.float32)],
  )(h, batch.reshape(MLP_NBLK, 1, MLP_BLK), fw1, fb1.reshape(1, -1),
    fw2p, fb2p)
  return out[:, 0]


def kernel(x, edge_index, batch, params):
  src = edge_index[0]
  dst = edge_index[1]
  h = jnp.pad(x, ((0, 0), (0, HID - x.shape[1])))
  layers = params["gin"]
  num_layers = len(layers)
  for i, (w1, b1, g, bta, w2, b2) in enumerate(layers):
    w1p = w1 if w1.shape[0] == HID else jnp.pad(
        w1, ((0, HID - w1.shape[0]), (0, 0)))
    z = _sc_aggregate(h)(h, src.reshape(E // SUBW, SUBW),
                         dst.reshape(E // SUBW, SUBW))
    h = _tc_mlp(z, w1p, b1, g, bta, w2, b2, relu_out=(i < num_layers - 1))
  fw1, fb1 = params["fc1"]
  fw2, fb2 = params["fc2"]
  return _tc_pool_head(h, batch, fw1, fb1, fw2, fb2)

# --- scband reference (transcript-rebuilt; emitter-appended) ---
"""Pipeline reference for scband-ginmodel-24249385353655 (READ-ONLY COPY).

The authoritative reference and input builder live on the scoring server;
editing this copy changes nothing except your own understanding.
"""

import jax, jax.numpy as jnp
import numpy as np

N = 100000
E = 6400000
NUM_GRAPHS = 128
HID = 32
NUM_LAYERS = 5
BN_EPS = 1e-5


def _glorot(key, shape):
    fan_in = shape[0]
    return jax.random.normal(key, shape, dtype=jnp.float32) / np.sqrt(fan_in)


def _mlp(h, p):
    # PyG MLP([in, hid, hid]): Linear -> BatchNorm(train stats) -> ReLU -> Linear (plain_last)
    W1, b1, g, bta, W2, b2 = p
    h = h @ W1 + b1
    mu = jnp.mean(h, axis=0, keepdims=True)
    var = jnp.var(h, axis=0, keepdims=True)
    h = (h - mu) / jnp.sqrt(var + BN_EPS) * g + bta
    h = jax.nn.relu(h)
    return h @ W2 + b2


def setup_inputs(seed: int = 0) -> dict:
    key = jax.random.key(seed)
    ks = jax.random.split(key, 64)
    x = jax.random.normal(ks[0], (N, 3), dtype=jnp.float32)
    edge_index = jax.random.randint(ks[1], (2, E), 0, N, dtype=jnp.int32)
    batch = jnp.sort(jax.random.randint(ks[2], (N,), 0, NUM_GRAPHS, dtype=jnp.int32))
    gin_params = []
    kidx = 3
    for l in range(NUM_LAYERS):
        fin = 3 if l == 0 else HID
        W1 = _glorot(ks[kidx], (fin, HID)); kidx += 1
        b1 = jnp.zeros((HID,), jnp.float32)
        g = jnp.ones((HID,), jnp.float32)
        bta = jnp.zeros((HID,), jnp.float32)
        W2 = _glorot(ks[kidx], (HID, HID)); kidx += 1
        b2 = jnp.zeros((HID,), jnp.float32)
        gin_params.append((W1, b1, g, bta, W2, b2))
    fc1 = (_glorot(ks[kidx], (HID, HID)), jnp.zeros((HID,), jnp.float32)); kidx += 1
    fc2 = (_glorot(ks[kidx], (HID, 1)), jnp.zeros((1,), jnp.float32)); kidx += 1
    params = {"gin": tuple(gin_params), "fc1": fc1, "fc2": fc2}
    return {"x": x, "edge_index": edge_index, "batch": batch, "params": params}


def reference(x, edge_index, batch, params):
    src = edge_index[0]
    dst = edge_index[1]
    h = x
    layers = params["gin"]
    for i, p in enumerate(layers):
        # GINConv: mlp((1+eps)*x + sum_{j in N(i)} x_j), eps=0
        agg = jax.ops.segment_sum(h[src], dst, num_segments=N)
        h = _mlp(h + agg, p)
        if i < len(layers) - 1:
            h = jax.nn.relu(h)
    g = jax.ops.segment_sum(h, batch, num_segments=NUM_GRAPHS)  # global_add_pool
    W1, b1 = params["fc1"]
    g = jax.nn.relu(g @ W1 + b1)
    W2, b2 = params["fc2"]
    out = g @ W2 + b2
    return out.squeeze(-1)

if __name__ == "__main__":
    import jax
    _d = setup_inputs()
    print(jax.jit(kernel)(*tuple(_d.values())))

</pallas_src>

<mosaic_0001>
#map = affine_map<(d0, d1) -> (0, 0)>
module attributes {stable_mosaic.version = 14 : i64} {
  func.func @agg_kernel(%arg0: i32, %arg1: i32, %arg2: memref<100000x32xf32, #tpu.memory_space<hbm>>, %arg3: memref<50000x128xi32, #tpu.memory_space<hbm>>, %arg4: memref<50000x128xi32, #tpu.memory_space<hbm>>, %arg5: memref<100000x32xf32, #tpu.memory_space<hbm>>, %arg6: memref<50512x32xf32, #tpu.memory_space<vmem_shared>>, %arg7: memref<5x128xi32, #tpu.memory_space<vmem>>, %arg8: memref<5x128xi32, #tpu.memory_space<vmem>>, %arg9: memref<5x128xi32, #tpu.memory_space<vmem>>, %arg10: memref<640x32xf32, #tpu.memory_space<vmem>>, %arg11: memref<!tpu.dma_semaphore, #tpu.memory_space<semaphore_mem>>, %arg12: memref<!tpu.dma_semaphore, #tpu.memory_space<semaphore_mem>>) attributes {dimension_semantics = [#tpu.dimension_semantics<core_parallel>, #tpu.dimension_semantics<subcore_parallel>], iteration_bounds = array<i64: 2, 16>, scalar_prefetch = 0 : i64, scratch_operands = 7 : i64, tpu.core_type = #tpu.core_type<sc_vector_subcore>, window_params = [{transform_indices = #map}, {transform_indices = #map}, {transform_indices = #map}, {transform_indices = #map}]} {
    %mul3A = arith.constant 50000 : i32
    %mul3A_0 = arith.muli %arg0, %mul3A : i32
    %mul3A_1 = arith.constant 3125 : i32
    %mul3A_2 = arith.muli %arg1, %mul3A_1 : i32
    %add3A = arith.addi %mul3A_0, %mul3A_2 : i32
    %mul3A_3 = arith.constant 3125 : i32
    %mul3A_4 = arith.muli %arg1, %mul3A_3 : i32
    "tpu.region"() ({
      %run_scoped3A = tpu.sem_alloc : memref<!tpu.dma_semaphore, #tpu.memory_space<semaphore_mem>>
      %dma_start3A = arith.constant 0 : i32
      %dma_start3A_16 = tpu.memref_slice %arg6[%mul3A_4, %dma_start3A] : memref<50512x32xf32, #tpu.memory_space<vmem_shared>> -> memref<3125x32xf32, #tpu.memory_space<vmem_shared>>
      %dma_start3A_17 = arith.constant 0 : i32
      %dma_start3A_18 = tpu.memref_slice %arg2[%add3A, %dma_start3A_17] : memref<100000x32xf32, #tpu.memory_space<hbm>> -> memref<3125x32xf32, #tpu.memory_space<hbm>>
      tpu.enqueue_dma source(%dma_start3A_18 : memref<3125x32xf32, #tpu.memory_space<hbm>>) target(%dma_start3A_16 : memref<3125x32xf32, #tpu.memory_space<vmem_shared>>) target_semaphore(%run_scoped3A : memref<!tpu.dma_semaphore, #tpu.memory_space<semaphore_mem>>)
      %dma_wait3A = arith.constant 0 : i32
      %dma_wait3A_19 = tpu.memref_slice %arg6[%mul3A_4, %dma_wait3A] : memref<50512x32xf32, #tpu.memory_space<vmem_shared>> -> memref<3125x32xf32, #tpu.memory_space<vmem_shared>>
      %dma_wait3A_20 = arith.constant 0 : i32
      %dma_wait3A_21 = tpu.memref_slice %arg2[%add3A, %dma_wait3A_20] : memref<100000x32xf32, #tpu.memory_space<hbm>> -> memref<3125x32xf32, #tpu.memory_space<hbm>>
      tpu.wait_dma2 semaphore(%run_scoped3A : memref<!tpu.dma_semaphore, #tpu.memory_space<semaphore_mem>>) src(%dma_wait3A_21 : memref<3125x32xf32, #tpu.memory_space<hbm>>) dst(%dma_wait3A_19 : memref<3125x32xf32, #tpu.memory_space<vmem_shared>>)
      tpu.yield
    }) : () -> ()
    %barrier3A = arith.constant 0 : index
    tpu.barrier barrier_id(%barrier3A)
    %mul3A_5 = arith.constant 50000 : i32
    %mul3A_6 = arith.muli %arg0, %mul3A_5 : i32
    %iota3A = tpu.iota {dimensions = array<i32: 0>} : vector<16xi32>
    %mul3A_7 = arith.constant 3125 : i32
    %mul3A_8 = arith.muli %arg1, %mul3A_7 : i32
    %scan3A = arith.constant 0 : i32
    %scan3A_9 = arith.constant 0 : i32
    %scan3A_10 = arith.constant 625 : i32
    %scan3A_11 = arith.addi %scan3A_9, %scan3A_10 : i32
    %scan3A_12 = arith.constant 1 : i32
    %scan3A_13 = scf.for %scan3A_16 = %scan3A_9 to %scan3A_11 step %scan3A_12 iter_args(%scan3A_17 = %scan3A) -> (i32)  : i32 {
      %mul3A_18 = arith.constant 5 : i32
      %mul3A_19 = arith.muli %scan3A_16, %mul3A_18 : i32
      %add3A_20 = arith.addi %mul3A_8, %mul3A_19 : i32
      "tpu.region"() ({
        %run_scoped3A = tpu.sem_alloc : memref<!tpu.dma_semaphore, #tpu.memory_space<semaphore_mem>>
        %dma_start3A_227 = arith.constant 0 : i32
        %dma_start3A_228 = tpu.memref_slice %arg3[%add3A_20, %dma_start3A_227] : memref<50000x128xi32, #tpu.memory_space<hbm>> -> memref<5x128xi32, #tpu.memory_space<hbm>>
        %dma_start3A_229 = arith.constant 0 : i32
        %dma_start3A_230 = tpu.memref_slice %arg3[%add3A_20, %dma_start3A_229] : memref<50000x128xi32, #tpu.memory_space<hbm>> -> memref<5x128xi32, #tpu.memory_space<hbm>>
        tpu.enqueue_dma source(%dma_start3A_230 : memref<5x128xi32, #tpu.memory_space<hbm>>) target(%arg7 : memref<5x128xi32, #tpu.memory_space<vmem>>) target_semaphore(%run_scoped3A : memref<!tpu.dma_semaphore, #tpu.memory_space<semaphore_mem>>)
        %dma_wait3A_231 = arith.constant 0 : i32
        %dma_wait3A_232 = tpu.memref_slice %arg3[%add3A_20, %dma_wait3A_231] : memref<50000x128xi32, #tpu.memory_space<hbm>> -> memref<5x128xi32, #tpu.memory_space<hbm>>
        %dma_wait3A_233 = arith.constant 0 : i32
        %dma_wait3A_234 = tpu.memref_slice %arg3[%add3A_20, %dma_wait3A_233] : memref<50000x128xi32, #tpu.memory_space<hbm>> -> memref<5x128xi32, #tpu.memory_space<hbm>>
        tpu.wait_dma2 semaphore(%run_scoped3A : memref<!tpu.dma_semaphore, #tpu.memory_space<semaphore_mem>>) src(%dma_wait3A_234 : memref<5x128xi32, #tpu.memory_space<hbm>>) dst(%arg7 : memref<5x128xi32, #tpu.memory_space<vmem>>)
        tpu.yield
      }) : () -> ()
      "tpu.region"() ({
        %run_scoped3A = tpu.sem_alloc : memref<!tpu.dma_semaphore, #tpu.memory_space<semaphore_mem>>
        %dma_start3A_227 = arith.constant 0 : i32
        %dma_start3A_228 = tpu.memref_slice %arg4[%add3A_20, %dma_start3A_227] : memref<50000x128xi32, #tpu.memory_space<hbm>> -> memref<5x128xi32, #tpu.memory_space<hbm>>
        %dma_start3A_229 = arith.constant 0 : i32
        %dma_start3A_230 = tpu.memref_slice %arg4[%add3A_20, %dma_start3A_229] : memref<50000x128xi32, #tpu.memory_space<hbm>> -> memref<5x128xi32, #tpu.memory_space<hbm>>
        tpu.enqueue_dma source(%dma_start3A_230 : memref<5x128xi32, #tpu.memory_space<hbm>>) target(%arg8 : memref<5x128xi32, #tpu.memory_space<vmem>>) target_semaphore(%run_scoped3A : memref<!tpu.dma_semaphore, #tpu.memory_space<semaphore_mem>>)
        %dma_wait3A_231 = arith.constant 0 : i32
        %dma_wait3A_232 = tpu.memref_slice %arg4[%add3A_20, %dma_wait3A_231] : memref<50000x128xi32, #tpu.memory_space<hbm>> -> memref<5x128xi32, #tpu.memory_space<hbm>>
        %dma_wait3A_233 = arith.constant 0 : i32
        %dma_wait3A_234 = tpu.memref_slice %arg4[%add3A_20, %dma_wait3A_233] : memref<50000x128xi32, #tpu.memory_space<hbm>> -> memref<5x128xi32, #tpu.memory_space<hbm>>
        tpu.wait_dma2 semaphore(%run_scoped3A : memref<!tpu.dma_semaphore, #tpu.memory_space<semaphore_mem>>) src(%dma_wait3A_234 : memref<5x128xi32, #tpu.memory_space<hbm>>) dst(%arg8 : memref<5x128xi32, #tpu.memory_space<vmem>>)
        tpu.yield
      }) : () -> ()
      %dma_start3A = arith.constant 0 : i32
      %dma_start3A_21 = arith.constant 0 : i32
      %dma_start3A_22 = arith.constant 0 : i32
      %dma_start3A_23 = tpu.memref_slice %arg10[%dma_start3A_21, %dma_start3A_22] : memref<640x32xf32, #tpu.memory_space<vmem>> -> memref<128x32xf32, #tpu.memory_space<vmem>>
      %dma_start3A_24 = arith.constant 0 : i32
      %dma_start3A_25 = tpu.memref_slice %arg7[%dma_start3A, %dma_start3A_24] : memref<5x128xi32, #tpu.memory_space<vmem>> -> memref<1x128xi32, #tpu.memory_space<vmem>>
      %dma_start3A_26 = tpu.memref_squeeze %dma_start3A_25 : memref<1x128xi32, #tpu.memory_space<vmem>> -> memref<128xi32, #tpu.memory_space<vmem>>
      %dma_start3A_27 = arith.constant 0 : i32
      %dma_start3A_28 = arith.constant 0 : i32
      %dma_start3A_29 = tpu.memref_slice %arg2[%dma_start3A_27, %dma_start3A_28] : memref<100000x32xf32, #tpu.memory_space<hbm>> -> memref<100000x32xf32, #tpu.memory_space<hbm>>
      tpu.enqueue_indirect_dma source(%dma_start3A_29 : memref<100000x32xf32, #tpu.memory_space<hbm>>) target(%dma_start3A_23 : memref<128x32xf32, #tpu.memory_space<vmem>>) offsets(%dma_start3A_26 : memref<128xi32, #tpu.memory_space<vmem>>) semaphore(%arg11 : memref<!tpu.dma_semaphore, #tpu.memory_space<semaphore_mem>>)
      %dma_start3A_30 = arith.constant 1 : i32
      %dma_start3A_31 = arith.constant 128 : i32
      %dma_start3A_32 = arith.constant 0 : i32
      %dma_start3A_33 = tpu.memref_slice %arg10[%dma_start3A_31, %dma_start3A_32] : memref<640x32xf32, #tpu.memory_space<vmem>> -> memref<128x32xf32, #tpu.memory_space<vmem>>
      %dma_start3A_34 = arith.constant 0 : i32
      %dma_start3A_35 = tpu.memref_slice %arg7[%dma_start3A_30, %dma_start3A_34] : memref<5x128xi32, #tpu.memory_space<vmem>> -> memref<1x128xi32, #tpu.memory_space<vmem>>
      %dma_start3A_36 = tpu.memref_squeeze %dma_start3A_35 : memref<1x128xi32, #tpu.memory_space<vmem>> -> memref<128xi32, #tpu.memory_space<vmem>>
      %dma_start3A_37 = arith.constant 0 : i32
      %dma_start3A_38 = arith.constant 0 : i32
      %dma_start3A_39 = tpu.memref_slice %arg2[%dma_start3A_37, %dma_start3A_38] : memref<100000x32xf32, #tpu.memory_space<hbm>> -> memref<100000x32xf32, #tpu.memory_space<hbm>>
      tpu.enqueue_indirect_dma source(%dma_start3A_39 : memref<100000x32xf32, #tpu.memory_space<hbm>>) target(%dma_start3A_33 : memref<128x32xf32, #tpu.memory_space<vmem>>) offsets(%dma_start3A_36 : memref<128xi32, #tpu.memory_space<vmem>>) semaphore(%arg11 : memref<!tpu.dma_semaphore, #tpu.memory_space<semaphore_mem>>)
      %dma_start3A_40 = arith.constant 2 : i32
      %dma_start3A_41 = arith.constant 256 : i32
      %dma_start3A_42 = arith.constant 0 : i32
      %dma_start3A_43 = tpu.memref_slice %arg10[%dma_start3A_41, %dma_start3A_42] : memref<640x32xf32, #tpu.memory_space<vmem>> -> memref<128x32xf32, #tpu.memory_space<vmem>>
      %dma_start3A_44 = arith.constant 0 : i32
      %dma_start3A_45 = tpu.memref_slice %arg7[%dma_start3A_40, %dma_start3A_44] : memref<5x128xi32, #tpu.memory_space<vmem>> -> memref<1x128xi32, #tpu.memory_space<vmem>>
      %dma_start3A_46 = tpu.memref_squeeze %dma_start3A_45 : memref<1x128xi32, #tpu.memory_space<vmem>> -> memref<128xi32, #tpu.memory_space<vmem>>
      %dma_start3A_47 = arith.constant 0 : i32
      %dma_start3A_48 = arith.constant 0 : i32
      %dma_start3A_49 = tpu.memref_slice %arg2[%dma_start3A_47, %dma_start3A_48] : memref<100000x32xf32, #tpu.memory_space<hbm>> -> memref<100000x32xf32, #tpu.memory_space<hbm>>
      tpu.enqueue_indirect_dma source(%dma_start3A_49 : memref<100000x32xf32, #tpu.memory_space<hbm>>) target(%dma_start3A_43 : memref<128x32xf32, #tpu.memory_space<vmem>>) offsets(%dma_start3A_46 : memref<128xi32, #tpu.memory_space<vmem>>) semaphore(%arg11 : memref<!tpu.dma_semaphore, #tpu.memory_space<semaphore_mem>>)
      %dma_start3A_50 = arith.constant 3 : i32
      %dma_start3A_51 = arith.constant 384 : i32
      %dma_start3A_52 = arith.constant 0 : i32
      %dma_start3A_53 = tpu.memref_slice %arg10[%dma_start3A_51, %dma_start3A_52] : memref<640x32xf32, #tpu.memory_space<vmem>> -> memref<128x32xf32, #tpu.memory_space<vmem>>
      %dma_start3A_54 = arith.constant 0 : i32
      %dma_start3A_55 = tpu.memref_slice %arg7[%dma_start3A_50, %dma_start3A_54] : memref<5x128xi32, #tpu.memory_space<vmem>> -> memref<1x128xi32, #tpu.memory_space<vmem>>
      %dma_start3A_56 = tpu.memref_squeeze %dma_start3A_55 : memref<1x128xi32, #tpu.memory_space<vmem>> -> memref<128xi32, #tpu.memory_space<vmem>>
      %dma_start3A_57 = arith.constant 0 : i32
      %dma_start3A_58 = arith.constant 0 : i32
      %dma_start3A_59 = tpu.memref_slice %arg2[%dma_start3A_57, %dma_start3A_58] : memref<100000x32xf32, #tpu.memory_space<hbm>> -> memref<100000x32xf32, #tpu.memory_space<hbm>>
      tpu.enqueue_indirect_dma source(%dma_start3A_59 : memref<100000x32xf32, #tpu.memory_space<hbm>>) target(%dma_start3A_53 : memref<128x32xf32, #tpu.memory_space<vmem>>) offsets(%dma_start3A_56 : memref<128xi32, #tpu.memory_space<vmem>>) semaphore(%arg11 : memref<!tpu.dma_semaphore, #tpu.memory_space<semaphore_mem>>)
      %dma_start3A_60 = arith.constant 4 : i32
      %dma_start3A_61 = arith.constant 512 : i32
      %dma_start3A_62 = arith.constant 0 : i32
      %dma_start3A_63 = tpu.memref_slice %arg10[%dma_start3A_61, %dma_start3A_62] : memref<640x32xf32, #tpu.memory_space<vmem>> -> memref<128x32xf32, #tpu.memory_space<vmem>>
      %dma_start3A_64 = arith.constant 0 : i32
      %dma_start3A_65 = tpu.memref_slice %arg7[%dma_start3A_60, %dma_start3A_64] : memref<5x128xi32, #tpu.memory_space<vmem>> -> memref<1x128xi32, #tpu.memory_space<vmem>>
      %dma_start3A_66 = tpu.memref_squeeze %dma_start3A_65 : memref<1x128xi32, #tpu.memory_space<vmem>> -> memref<128xi32, #tpu.memory_space<vmem>>
      %dma_start3A_67 = arith.constant 0 : i32
      %dma_start3A_68 = arith.constant 0 : i32
      %dma_start3A_69 = tpu.memref_slice %arg2[%dma_start3A_67, %dma_start3A_68] : memref<100000x32xf32, #tpu.memory_space<hbm>> -> memref<100000x32xf32, #tpu.memory_space<hbm>>
      tpu.enqueue_indirect_dma source(%dma_start3A_69 : memref<100000x32xf32, #tpu.memory_space<hbm>>) target(%dma_start3A_63 : memref<128x32xf32, #tpu.memory_space<vmem>>) offsets(%dma_start3A_66 : memref<128xi32, #tpu.memory_space<vmem>>) semaphore(%arg11 : memref<!tpu.dma_semaphore, #tpu.memory_space<semaphore_mem>>)
      %scan3A_70 = arith.constant 0 : i32
      %scan3A_71 = arith.constant 0 : i32
      %scan3A_72 = arith.constant 40 : i32
      %scan3A_73 = arith.addi %scan3A_71, %scan3A_72 : i32
      %scan3A_74 = arith.constant 1 : i32
      %scan3A_75 = scf.for %scan3A_227 = %scan3A_71 to %scan3A_73 step %scan3A_74 iter_args(%scan3A_228 = %scan3A_70) -> (i32)  : i32 {
        %jit3A = arith.constant 8 : i32
        %div3A = arith.divsi %scan3A_227, %jit3A : i32
        %sign3A = arith.constant 0 : i32
        %sign3A_229 = arith.cmpi sgt, %scan3A_227, %sign3A : i32
        %sign3A_230 = arith.extui %sign3A_229 : i1 to i32
        %sign3A_231 = arith.constant 0 : i32
        %sign3A_232 = arith.cmpi slt, %scan3A_227, %sign3A_231 : i32
        %sign3A_233 = arith.extui %sign3A_232 : i1 to i32
        %sign3A_234 = arith.subi %sign3A_230, %sign3A_233 : i32
        %sign3A_235 = arith.constant 0 : i32
        %sign3A_236 = arith.cmpi sgt, %jit3A, %sign3A_235 : i32
        %sign3A_237 = arith.extui %sign3A_236 : i1 to i32
        %sign3A_238 = arith.constant 0 : i32
        %sign3A_239 = arith.cmpi slt, %jit3A, %sign3A_238 : i32
        %sign3A_240 = arith.extui %sign3A_239 : i1 to i32
        %sign3A_241 = arith.subi %sign3A_237, %sign3A_240 : i32
        %ne3A = arith.cmpi ne, %sign3A_234, %sign3A_241 : i32
        %rem3A = arith.remsi %scan3A_227, %jit3A : i32
        %ne3A_242 = arith.constant 0 : i32
        %ne3A_243 = arith.cmpi ne, %rem3A, %ne3A_242 : i32
        %and3A = arith.andi %ne3A, %ne3A_243 : i1
        %sub3A = arith.constant 1 : i32
        %sub3A_244 = arith.subi %div3A, %sub3A : i32
        %select_n3A = arith.select %and3A, %sub3A_244, %div3A : i32
        %rem3A_245 = arith.constant 8 : i32
        %rem3A_246 = arith.remsi %scan3A_227, %rem3A_245 : i32
        %mul3A_247 = arith.constant 16 : i32
        %mul3A_248 = arith.muli %rem3A_246, %mul3A_247 : i32
        %get3A = arith.index_cast %select_n3A : i32 to index
        %get3A_249 = arith.index_cast %mul3A_248 : i32 to index
        %get3A_250 = tpu.vector_load %arg8[%get3A, %get3A_249] {strides = array<i32>} : memref<5x128xi32, #tpu.memory_space<vmem>>, vector<1x16xi32>,
        %get3A_251 = vector.shape_cast %get3A_250 : vector<1x16xi32> to vector<16xi32>
        %sub3A_252 = vector.broadcast %mul3A_6 : i32 to vector<16xi32>
        %sub3A_253 = arith.subi %get3A_251, %sub3A_252 : vector<16xi32>
        %ge3A = arith.constant 0 : i32
        %ge3A_254 = vector.broadcast %ge3A : i32 to vector<16xi32>
        %ge3A_255 = arith.cmpi sge, %sub3A_253, %ge3A_254 : vector<16xi32>
        %lt3A = arith.constant 50000 : i32
        %lt3A_256 = vector.broadcast %lt3A : i32 to vector<16xi32>
        %lt3A_257 = arith.cmpi slt, %sub3A_253, %lt3A_256 : vector<16xi32>
        %and3A_258 = arith.andi %ge3A_255, %lt3A_257 : vector<16xi1>
        %mul3A_259 = arith.constant 16 : i32
        %mul3A_260 = arith.muli %scan3A_227, %mul3A_259 : i32
        %add3A_261 = vector.broadcast %mul3A_260 : i32 to vector<16xi32>
        %add3A_262 = arith.addi %iota3A, %add3A_261 : vector<16xi32>
        %and3A_263 = arith.constant 511 : i32
        %and3A_264 = vector.broadcast %and3A_263 : i32 to vector<16xi32>
        %and3A_265 = arith.andi %add3A_262, %and3A_264 : vector<16xi32>
        %add3A_266 = arith.constant 50000 : i32
        %add3A_267 = vector.broadcast %add3A_266 : i32 to vector<16xi32>
        %add3A_268 = arith.addi %add3A_267, %and3A_265 : vector<16xi32>
        %select_n3A_269 = arith.select %and3A_258, %sub3A_253, %add3A_268 : vector<16xi1>, vector<16xi32>
        %mul3A_270 = arith.constant 16 : i32
        %mul3A_271 = arith.muli %rem3A_246, %mul3A_270 : i32
        %swap3A = arith.index_cast %select_n3A : i32 to index
        %swap3A_272 = arith.index_cast %mul3A_271 : i32 to index
        %swap3A_273 = tpu.vector_load %arg9[%swap3A, %swap3A_272] {strides = array<i32>} : memref<5x128xi32, #tpu.memory_space<vmem>>, vector<1x16xi32>,
        %swap3A_274 = vector.shape_cast %swap3A_273 : vector<1x16xi32> to vector<16xi32>
        %swap3A_275 = vector.shape_cast %select_n3A_269 : vector<16xi32> to vector<1x16xi32>
        tpu.vector_store %arg9[%swap3A, %swap3A_272], %swap3A_275 {strides = array<i32>} : memref<5x128xi32, #tpu.memory_space<vmem>>, vector<1x16xi32>,
        %scan3A_276 = arith.constant 0 : i32
        scf.yield %scan3A_276 : i32
      }
      %scan3A_76 = arith.constant 40 : i32
      %dma_wait3A = arith.constant 0 : i32
      %dma_wait3A_77 = arith.constant 0 : i32
      %dma_wait3A_78 = arith.constant 0 : i32
      %dma_wait3A_79 = tpu.memref_slice %arg10[%dma_wait3A_77, %dma_wait3A_78] : memref<640x32xf32, #tpu.memory_space<vmem>> -> memref<128x32xf32, #tpu.memory_space<vmem>>
      %dma_wait3A_80 = arith.constant 0 : i32
      %dma_wait3A_81 = tpu.memref_slice %arg7[%dma_wait3A, %dma_wait3A_80] : memref<5x128xi32, #tpu.memory_space<vmem>> -> memref<1x128xi32, #tpu.memory_space<vmem>>
      %dma_wait3A_82 = tpu.memref_squeeze %dma_wait3A_81 : memref<1x128xi32, #tpu.memory_space<vmem>> -> memref<128xi32, #tpu.memory_space<vmem>>
      %dma_wait3A_83 = arith.constant 0 : i32
      %dma_wait3A_84 = arith.constant 0 : i32
      %dma_wait3A_85 = tpu.memref_slice %arg2[%dma_wait3A_83, %dma_wait3A_84] : memref<100000x32xf32, #tpu.memory_space<hbm>> -> memref<100000x32xf32, #tpu.memory_space<hbm>>
      tpu.wait_indirect_dma semaphore(%arg11 : memref<!tpu.dma_semaphore, #tpu.memory_space<semaphore_mem>>) src(%dma_wait3A_85 : memref<100000x32xf32, #tpu.memory_space<hbm>>) dst(%dma_wait3A_79 : memref<128x32xf32, #tpu.memory_space<vmem>>)
      %dma_wait3A_86 = arith.constant 1 : i32
      %dma_wait3A_87 = arith.constant 128 : i32
      %dma_wait3A_88 = arith.constant 0 : i32
      %dma_wait3A_89 = tpu.memref_slice %arg10[%dma_wait3A_87, %dma_wait3A_88] : memref<640x32xf32, #tpu.memory_space<vmem>> -> memref<128x32xf32, #tpu.memory_space<vmem>>
      %dma_wait3A_90 = arith.constant 0 : i32
      %dma_wait3A_91 = tpu.memref_slice %arg7[%dma_wait3A_86, %dma_wait3A_90] : memref<5x128xi32, #tpu.memory_space<vmem>> -> memref<1x128xi32, #tpu.memory_space<vmem>>
      %dma_wait3A_92 = tpu.memref_squeeze %dma_wait3A_91 : memref<1x128xi32, #tpu.memory_space<vmem>> -> memref<128xi32, #tpu.memory_space<vmem>>
      %dma_wait3A_93 = arith.constant 0 : i32
      %dma_wait3A_94 = arith.constant 0 : i32
      %dma_wait3A_95 = tpu.memref_slice %arg2[%dma_wait3A_93, %dma_wait3A_94] : memref<100000x32xf32, #tpu.memory_space<hbm>> -> memref<100000x32xf32, #tpu.memory_space<hbm>>
      tpu.wait_indirect_dma semaphore(%arg11 : memref<!tpu.dma_semaphore, #tpu.memory_space<semaphore_mem>>) src(%dma_wait3A_95 : memref<100000x32xf32, #tpu.memory_space<hbm>>) dst(%dma_wait3A_89 : memref<128x32xf32, #tpu.memory_space<vmem>>)
      %dma_wait3A_96 = arith.constant 2 : i32
      %dma_wait3A_97 = arith.constant 256 : i32
      %dma_wait3A_98 = arith.constant 0 : i32
      %dma_wait3A_99 = tpu.memref_slice %arg10[%dma_wait3A_97, %dma_wait3A_98] : memref<640x32xf32, #tpu.memory_space<vmem>> -> memref<128x32xf32, #tpu.memory_space<vmem>>
      %dma_wait3A_100 = arith.constant 0 : i32
      %dma_wait3A_101 = tpu.memref_slice %arg7[%dma_wait3A_96, %dma_wait3A_100] : memref<5x128xi32, #tpu.memory_space<vmem>> -> memref<1x128xi32, #tpu.memory_space<vmem>>
      %dma_wait3A_102 = tpu.memref_squeeze %dma_wait3A_101 : memref<1x128xi32, #tpu.memory_space<vmem>> -> memref<128xi32, #tpu.memory_space<vmem>>
      %dma_wait3A_103 = arith.constant 0 : i32
      %dma_wait3A_104 = arith.constant 0 : i32
      %dma_wait3A_105 = tpu.memref_slice %arg2[%dma_wait3A_103, %dma_wait3A_104] : memref<100000x32xf32, #tpu.memory_space<hbm>> -> memref<100000x32xf32, #tpu.memory_space<hbm>>
      tpu.wait_indirect_dma semaphore(%arg11 : memref<!tpu.dma_semaphore, #tpu.memory_space<semaphore_mem>>) src(%dma_wait3A_105 : memref<100000x32xf32, #tpu.memory_space<hbm>>) dst(%dma_wait3A_99 : memref<128x32xf32, #tpu.memory_space<vmem>>)
      %dma_wait3A_106 = arith.constant 3 : i32
      %dma_wait3A_107 = arith.constant 384 : i32
      %dma_wait3A_108 = arith.constant 0 : i32
      %dma_wait3A_109 = tpu.memref_slice %arg10[%dma_wait3A_107, %dma_wait3A_108] : memref<640x32xf32, #tpu.memory_space<vmem>> -> memref<128x32xf32, #tpu.memory_space<vmem>>
      %dma_wait3A_110 = arith.constant 0 : i32
      %dma_wait3A_111 = tpu.memref_slice %arg7[%dma_wait3A_106, %dma_wait3A_110] : memref<5x128xi32, #tpu.memory_space<vmem>> -> memref<1x128xi32, #tpu.memory_space<vmem>>
      %dma_wait3A_112 = tpu.memref_squeeze %dma_wait3A_111 : memref<1x128xi32, #tpu.memory_space<vmem>> -> memref<128xi32, #tpu.memory_space<vmem>>
      %dma_wait3A_113 = arith.constant 0 : i32
      %dma_wait3A_114 = arith.constant 0 : i32
      %dma_wait3A_115 = tpu.memref_slice %arg2[%dma_wait3A_113, %dma_wait3A_114] : memref<100000x32xf32, #tpu.memory_space<hbm>> -> memref<100000x32xf32, #tpu.memory_space<hbm>>
      tpu.wait_indirect_dma semaphore(%arg11 : memref<!tpu.dma_semaphore, #tpu.memory_space<semaphore_mem>>) src(%dma_wait3A_115 : memref<100000x32xf32, #tpu.memory_space<hbm>>) dst(%dma_wait3A_109 : memref<128x32xf32, #tpu.memory_space<vmem>>)
      %dma_wait3A_116 = arith.constant 4 : i32
      %dma_wait3A_117 = arith.constant 512 : i32
      %dma_wait3A_118 = arith.constant 0 : i32
      %dma_wait3A_119 = tpu.memref_slice %arg10[%dma_wait3A_117, %dma_wait3A_118] : memref<640x32xf32, #tpu.memory_space<vmem>> -> memref<128x32xf32, #tpu.memory_space<vmem>>
      %dma_wait3A_120 = arith.constant 0 : i32
      %dma_wait3A_121 = tpu.memref_slice %arg7[%dma_wait3A_116, %dma_wait3A_120] : memref<5x128xi32, #tpu.memory_space<vmem>> -> memref<1x128xi32, #tpu.memory_space<vmem>>
      %dma_wait3A_122 = tpu.memref_squeeze %dma_wait3A_121 : memref<1x128xi32, #tpu.memory_space<vmem>> -> memref<128xi32, #tpu.memory_space<vmem>>
      %dma_wait3A_123 = arith.constant 0 : i32
      %dma_wait3A_124 = arith.constant 0 : i32
      %dma_wait3A_125 = tpu.memref_slice %arg2[%dma_wait3A_123, %dma_wait3A_124] : memref<100000x32xf32, #tpu.memory_space<hbm>> -> memref<100000x32xf32, #tpu.memory_space<hbm>>
      tpu.wait_indirect_dma semaphore(%arg11 : memref<!tpu.dma_semaphore, #tpu.memory_space<semaphore_mem>>) src(%dma_wait3A_125 : memref<100000x32xf32, #tpu.memory_space<hbm>>) dst(%dma_wait3A_119 : memref<128x32xf32, #tpu.memory_space<vmem>>)
      %dma_start3A_126 = arith.constant 0 : i32
      %dma_start3A_127 = arith.constant 0 : i32
      %dma_start3A_128 = arith.constant 0 : i32
      %dma_start3A_129 = tpu.memref_slice %arg10[%dma_start3A_127, %dma_start3A_128] : memref<640x32xf32, #tpu.memory_space<vmem>> -> memref<128x32xf32, #tpu.memory_space<vmem>>
      %dma_start3A_130 = arith.constant 0 : i32
      %dma_start3A_131 = tpu.memref_slice %arg9[%dma_start3A_126, %dma_start3A_130] : memref<5x128xi32, #tpu.memory_space<vmem>> -> memref<1x128xi32, #tpu.memory_space<vmem>>
      %dma_start3A_132 = tpu.memref_squeeze %dma_start3A_131 : memref<1x128xi32, #tpu.memory_space<vmem>> -> memref<128xi32, #tpu.memory_space<vmem>>
      %dma_start3A_133 = arith.constant 0 : i32
      %dma_start3A_134 = arith.constant 0 : i32
      %dma_start3A_135 = tpu.memref_slice %arg6[%dma_start3A_133, %dma_start3A_134] : memref<50512x32xf32, #tpu.memory_space<vmem_shared>> -> memref<50512x32xf32, #tpu.memory_space<vmem_shared>>
      tpu.enqueue_indirect_dma source(%dma_start3A_129 : memref<128x32xf32, #tpu.memory_space<vmem>>) target(%dma_start3A_135 : memref<50512x32xf32, #tpu.memory_space<vmem_shared>>) offsets(%dma_start3A_132 : memref<128xi32, #tpu.memory_space<vmem>>) semaphore(%arg12 : memref<!tpu.dma_semaphore, #tpu.memory_space<semaphore_mem>>) {add = true}
      %dma_start3A_136 = arith.constant 1 : i32
      %dma_start3A_137 = arith.constant 128 : i32
      %dma_start3A_138 = arith.constant 0 : i32
      %dma_start3A_139 = tpu.memref_slice %arg10[%dma_start3A_137, %dma_start3A_138] : memref<640x32xf32, #tpu.memory_space<vmem>> -> memref<128x32xf32, #tpu.memory_space<vmem>>
      %dma_start3A_140 = arith.constant 0 : i32
      %dma_start3A_141 = tpu.memref_slice %arg9[%dma_start3A_136, %dma_start3A_140] : memref<5x128xi32, #tpu.memory_space<vmem>> -> memref<1x128xi32, #tpu.memory_space<vmem>>
      %dma_start3A_142 = tpu.memref_squeeze %dma_start3A_141 : memref<1x128xi32, #tpu.memory_space<vmem>> -> memref<128xi32, #tpu.memory_space<vmem>>
      %dma_start3A_143 = arith.constant 0 : i32
      %dma_start3A_144 = arith.constant 0 : i32
      %dma_start3A_145 = tpu.memref_slice %arg6[%dma_start3A_143, %dma_start3A_144] : memref<50512x32xf32, #tpu.memory_space<vmem_shared>> -> memref<50512x32xf32, #tpu.memory_space<vmem_shared>>
      tpu.enqueue_indirect_dma source(%dma_start3A_139 : memref<128x32xf32, #tpu.memory_space<vmem>>) target(%dma_start3A_145 : memref<50512x32xf32, #tpu.memory_space<vmem_shared>>) offsets(%dma_start3A_142 : memref<128xi32, #tpu.memory_space<vmem>>) semaphore(%arg12 : memref<!tpu.dma_semaphore, #tpu.memory_space<semaphore_mem>>) {add = true}
      %dma_start3A_146 = arith.constant 2 : i32
      %dma_start3A_147 = arith.constant 256 : i32
      %dma_start3A_148 = arith.constant 0 : i32
      %dma_start3A_149 = tpu.memref_slice %arg10[%dma_start3A_147, %dma_start3A_148] : memref<640x32xf32, #tpu.memory_space<vmem>> -> memref<128x32xf32, #tpu.memory_space<vmem>>
      %dma_start3A_150 = arith.constant 0 : i32
      %dma_start3A_151 = tpu.memref_slice %arg9[%dma_start3A_146, %dma_start3A_150] : memref<5x128xi32, #tpu.memory_space<vmem>> -> memref<1x128xi32, #tpu.memory_space<vmem>>
      %dma_start3A_152 = tpu.memref_squeeze %dma_start3A_151 : memref<1x128xi32, #tpu.memory_space<vmem>> -> memref<128xi32, #tpu.memory_space<vmem>>
      %dma_start3A_153 = arith.constant 0 : i32
      %dma_start3A_154 = arith.constant 0 : i32
      %dma_start3A_155 = tpu.memref_slice %arg6[%dma_start3A_153, %dma_start3A_154] : memref<50512x32xf32, #tpu.memory_space<vmem_shared>> -> memref<50512x32xf32, #tpu.memory_space<vmem_shared>>
      tpu.enqueue_indirect_dma source(%dma_start3A_149 : memref<128x32xf32, #tpu.memory_space<vmem>>) target(%dma_start3A_155 : memref<50512x32xf32, #tpu.memory_space<vmem_shared>>) offsets(%dma_start3A_152 : memref<128xi32, #tpu.memory_space<vmem>>) semaphore(%arg12 : memref<!tpu.dma_semaphore, #tpu.memory_space<semaphore_mem>>) {add = true}
      %dma_start3A_156 = arith.constant 3 : i32
      %dma_start3A_157 = arith.constant 384 : i32
      %dma_start3A_158 = arith.constant 0 : i32
      %dma_start3A_159 = tpu.memref_slice %arg10[%dma_start3A_157, %dma_start3A_158] : memref<640x32xf32, #tpu.memory_space<vmem>> -> memref<128x32xf32, #tpu.memory_space<vmem>>
      %dma_start3A_160 = arith.constant 0 : i32
      %dma_start3A_161 = tpu.memref_slice %arg9[%dma_start3A_156, %dma_start3A_160] : memref<5x128xi32, #tpu.memory_space<vmem>> -> memref<1x128xi32, #tpu.memory_space<vmem>>
      %dma_start3A_162 = tpu.memref_squeeze %dma_start3A_161 : memref<1x128xi32, #tpu.memory_space<vmem>> -> memref<128xi32, #tpu.memory_space<vmem>>
      %dma_start3A_163 = arith.constant 0 : i32
      %dma_start3A_164 = arith.constant 0 : i32
      %dma_start3A_165 = tpu.memref_slice %arg6[%dma_start3A_163, %dma_start3A_164] : memref<50512x32xf32, #tpu.memory_space<vmem_shared>> -> memref<50512x32xf32, #tpu.memory_space<vmem_shared>>
      tpu.enqueue_indirect_dma source(%dma_start3A_159 : memref<128x32xf32, #tpu.memory_space<vmem>>) target(%dma_start3A_165 : memref<50512x32xf32, #tpu.memory_space<vmem_shared>>) offsets(%dma_start3A_162 : memref<128xi32, #tpu.memory_space<vmem>>) semaphore(%arg12 : memref<!tpu.dma_semaphore, #tpu.memory_space<semaphore_mem>>) {add = true}
      %dma_start3A_166 = arith.constant 4 : i32
      %dma_start3A_167 = arith.constant 512 : i32
      %dma_start3A_168 = arith.constant 0 : i32
      %dma_start3A_169 = tpu.memref_slice %arg10[%dma_start3A_167, %dma_start3A_168] : memref<640x32xf32, #tpu.memory_space<vmem>> -> memref<128x32xf32, #tpu.memory_space<vmem>>
      %dma_start3A_170 = arith.constant 0 : i32
      %dma_start3A_171 = tpu.memref_slice %arg9[%dma_start3A_166, %dma_start3A_170] : memref<5x128xi32, #tpu.memory_space<vmem>> -> memref<1x128xi32, #tpu.memory_space<vmem>>
      %dma_start3A_172 = tpu.memref_squeeze %dma_start3A_171 : memref<1x128xi32, #tpu.memory_space<vmem>> -> memref<128xi32, #tpu.memory_space<vmem>>
      %dma_start3A_173 = arith.constant 0 : i32
      %dma_start3A_174 = arith.constant 0 : i32
      %dma_start3A_175 = tpu.memref_slice %arg6[%dma_start3A_173, %dma_start3A_174] : memref<50512x32xf32, #tpu.memory_space<vmem_shared>> -> memref<50512x32xf32, #tpu.memory_space<vmem_shared>>
      tpu.enqueue_indirect_dma source(%dma_start3A_169 : memref<128x32xf32, #tpu.memory_space<vmem>>) target(%dma_start3A_175 : memref<50512x32xf32, #tpu.memory_space<vmem_shared>>) offsets(%dma_start3A_172 : memref<128xi32, #tpu.memory_space<vmem>>) semaphore(%arg12 : memref<!tpu.dma_semaphore, #tpu.memory_space<semaphore_mem>>) {add = true}
      %dma_wait3A_176 = arith.constant 0 : i32
      %dma_wait3A_177 = arith.constant 0 : i32
      %dma_wait3A_178 = arith.constant 0 : i32
      %dma_wait3A_179 = tpu.memref_slice %arg10[%dma_wait3A_177, %dma_wait3A_178] : memref<640x32xf32, #tpu.memory_space<vmem>> -> memref<128x32xf32, #tpu.memory_space<vmem>>
      %dma_wait3A_180 = arith.constant 0 : i32
      %dma_wait3A_181 = tpu.memref_slice %arg9[%dma_wait3A_176, %dma_wait3A_180] : memref<5x128xi32, #tpu.memory_space<vmem>> -> memref<1x128xi32, #tpu.memory_space<vmem>>
      %dma_wait3A_182 = tpu.memref_squeeze %dma_wait3A_181 : memref<1x128xi32, #tpu.memory_space<vmem>> -> memref<128xi32, #tpu.memory_space<vmem>>
      %dma_wait3A_183 = arith.constant 0 : i32
      %dma_wait3A_184 = arith.constant 0 : i32
      %dma_wait3A_185 = tpu.memref_slice %arg6[%dma_wait3A_183, %dma_wait3A_184] : memref<50512x32xf32, #tpu.memory_space<vmem_shared>> -> memref<50512x32xf32, #tpu.memory_space<vmem_shared>>
      tpu.wait_indirect_dma semaphore(%arg12 : memref<!tpu.dma_semaphore, #tpu.memory_space<semaphore_mem>>) src(%dma_wait3A_179 : memref<128x32xf32, #tpu.memory_space<vmem>>) dst(%dma_wait3A_185 : memref<50512x32xf32, #tpu.memory_space<vmem_shared>>)
      %dma_wait3A_186 = arith.constant 1 : i32
      %dma_wait3A_187 = arith.constant 128 : i32
      %dma_wait3A_188 = arith.constant 0 : i32
      %dma_wait3A_189 = tpu.memref_slice %arg10[%dma_wait3A_187, %dma_wait3A_188] : memref<640x32xf32, #tpu.memory_space<vmem>> -> memref<128x32xf32, #tpu.memory_space<vmem>>
      %dma_wait3A_190 = arith.constant 0 : i32
      %dma_wait3A_191 = tpu.memref_slice %arg9[%dma_wait3A_186, %dma_wait3A_190] : memref<5x128xi32, #tpu.memory_space<vmem>> -> memref<1x128xi32, #tpu.memory_space<vmem>>
      %dma_wait3A_192 = tpu.memref_squeeze %dma_wait3A_191 : memref<1x128xi32, #tpu.memory_space<vmem>> -> memref<128xi32, #tpu.memory_space<vmem>>
      %dma_wait3A_193 = arith.constant 0 : i32
      %dma_wait3A_194 = arith.constant 0 : i32
      %dma_wait3A_195 = tpu.memref_slice %arg6[%dma_wait3A_193, %dma_wait3A_194] : memref<50512x32xf32, #tpu.memory_space<vmem_shared>> -> memref<50512x32xf32, #tpu.memory_space<vmem_shared>>
      tpu.wait_indirect_dma semaphore(%arg12 : memref<!tpu.dma_semaphore, #tpu.memory_space<semaphore_mem>>) src(%dma_wait3A_189 : memref<128x32xf32, #tpu.memory_space<vmem>>) dst(%dma_wait3A_195 : memref<50512x32xf32, #tpu.memory_space<vmem_shared>>)
      %dma_wait3A_196 = arith.constant 2 : i32
      %dma_wait3A_197 = arith.constant 256 : i32
      %dma_wait3A_198 = arith.constant 0 : i32
      %dma_wait3A_199 = tpu.memref_slice %arg10[%dma_wait3A_197, %dma_wait3A_198] : memref<640x32xf32, #tpu.memory_space<vmem>> -> memref<128x32xf32, #tpu.memory_space<vmem>>
      %dma_wait3A_200 = arith.constant 0 : i32
      %dma_wait3A_201 = tpu.memref_slice %arg9[%dma_wait3A_196, %dma_wait3A_200] : memref<5x128xi32, #tpu.memory_space<vmem>> -> memref<1x128xi32, #tpu.memory_space<vmem>>
      %dma_wait3A_202 = tpu.memref_squeeze %dma_wait3A_201 : memref<1x128xi32, #tpu.memory_space<vmem>> -> memref<128xi32, #tpu.memory_space<vmem>>
      %dma_wait3A_203 = arith.constant 0 : i32
      %dma_wait3A_204 = arith.constant 0 : i32
      %dma_wait3A_205 = tpu.memref_slice %arg6[%dma_wait3A_203, %dma_wait3A_204] : memref<50512x32xf32, #tpu.memory_space<vmem_shared>> -> memref<50512x32xf32, #tpu.memory_space<vmem_shared>>
      tpu.wait_indirect_dma semaphore(%arg12 : memref<!tpu.dma_semaphore, #tpu.memory_space<semaphore_mem>>) src(%dma_wait3A_199 : memref<128x32xf32, #tpu.memory_space<vmem>>) dst(%dma_wait3A_205 : memref<50512x32xf32, #tpu.memory_space<vmem_shared>>)
      %dma_wait3A_206 = arith.constant 3 : i32
      %dma_wait3A_207 = arith.constant 384 : i32
      %dma_wait3A_208 = arith.constant 0 : i32
      %dma_wait3A_209 = tpu.memref_slice %arg10[%dma_wait3A_207, %dma_wait3A_208] : memref<640x32xf32, #tpu.memory_space<vmem>> -> memref<128x32xf32, #tpu.memory_space<vmem>>
      %dma_wait3A_210 = arith.constant 0 : i32
      %dma_wait3A_211 = tpu.memref_slice %arg9[%dma_wait3A_206, %dma_wait3A_210] : memref<5x128xi32, #tpu.memory_space<vmem>> -> memref<1x128xi32, #tpu.memory_space<vmem>>
      %dma_wait3A_212 = tpu.memref_squeeze %dma_wait3A_211 : memref<1x128xi32, #tpu.memory_space<vmem>> -> memref<128xi32, #tpu.memory_space<vmem>>
      %dma_wait3A_213 = arith.constant 0 : i32
      %dma_wait3A_214 = arith.constant 0 : i32
      %dma_wait3A_215 = tpu.memref_slice %arg6[%dma_wait3A_213, %dma_wait3A_214] : memref<50512x32xf32, #tpu.memory_space<vmem_shared>> -> memref<50512x32xf32, #tpu.memory_space<vmem_shared>>
      tpu.wait_indirect_dma semaphore(%arg12 : memref<!tpu.dma_semaphore, #tpu.memory_space<semaphore_mem>>) src(%dma_wait3A_209 : memref<128x32xf32, #tpu.memory_space<vmem>>) dst(%dma_wait3A_215 : memref<50512x32xf32, #tpu.memory_space<vmem_shared>>)
      %dma_wait3A_216 = arith.constant 4 : i32
      %dma_wait3A_217 = arith.constant 512 : i32
      %dma_wait3A_218 = arith.constant 0 : i32
      %dma_wait3A_219 = tpu.memref_slice %arg10[%dma_wait3A_217, %dma_wait3A_218] : memref<640x32xf32, #tpu.memory_space<vmem>> -> memref<128x32xf32, #tpu.memory_space<vmem>>
      %dma_wait3A_220 = arith.constant 0 : i32
      %dma_wait3A_221 = tpu.memref_slice %arg9[%dma_wait3A_216, %dma_wait3A_220] : memref<5x128xi32, #tpu.memory_space<vmem>> -> memref<1x128xi32, #tpu.memory_space<vmem>>
      %dma_wait3A_222 = tpu.memref_squeeze %dma_wait3A_221 : memref<1x128xi32, #tpu.memory_space<vmem>> -> memref<128xi32, #tpu.memory_space<vmem>>
      %dma_wait3A_223 = arith.constant 0 : i32
      %dma_wait3A_224 = arith.constant 0 : i32
      %dma_wait3A_225 = tpu.memref_slice %arg6[%dma_wait3A_223, %dma_wait3A_224] : memref<50512x32xf32, #tpu.memory_space<vmem_shared>> -> memref<50512x32xf32, #tpu.memory_space<vmem_shared>>
      tpu.wait_indirect_dma semaphore(%arg12 : memref<!tpu.dma_semaphore, #tpu.memory_space<semaphore_mem>>) src(%dma_wait3A_219 : memref<128x32xf32, #tpu.memory_space<vmem>>) dst(%dma_wait3A_225 : memref<50512x32xf32, #tpu.memory_space<vmem_shared>>)
      %scan3A_226 = arith.constant 0 : i32
      scf.yield %scan3A_226 : i32
    }
    %scan3A_14 = arith.constant 625 : i32
    %barrier3A_15 = arith.constant 0 : index
    tpu.barrier barrier_id(%barrier3A_15)
    "tpu.region"() ({
      %run_scoped3A = tpu.sem_alloc : memref<!tpu.dma_semaphore, #tpu.memory_space<semaphore_mem>>
      %dma_start3A = arith.constant 0 : i32
      %dma_start3A_16 = tpu.memref_slice %arg5[%add3A, %dma_start3A] : memref<100000x32xf32, #tpu.memory_space<hbm>> -> memref<3125x32xf32, #tpu.memory_space<hbm>>
      %dma_start3A_17 = arith.constant 0 : i32
      %dma_start3A_18 = tpu.memref_slice %arg6[%mul3A_4, %dma_start3A_17] : memref<50512x32xf32, #tpu.memory_space<vmem_shared>> -> memref<3125x32xf32, #tpu.memory_space<vmem_shared>>
      tpu.enqueue_dma source(%dma_start3A_18 : memref<3125x32xf32, #tpu.memory_space<vmem_shared>>) target(%dma_start3A_16 : memref<3125x32xf32, #tpu.memory_space<hbm>>) target_semaphore(%run_scoped3A : memref<!tpu.dma_semaphore, #tpu.memory_space<semaphore_mem>>)
      %dma_wait3A = arith.constant 0 : i32
      %dma_wait3A_19 = tpu.memref_slice %arg5[%add3A, %dma_wait3A] : memref<100000x32xf32, #tpu.memory_space<hbm>> -> memref<3125x32xf32, #tpu.memory_space<hbm>>
      %dma_wait3A_20 = arith.constant 0 : i32
      %dma_wait3A_21 = tpu.memref_slice %arg6[%mul3A_4, %dma_wait3A_20] : memref<50512x32xf32, #tpu.memory_space<vmem_shared>> -> memref<3125x32xf32, #tpu.memory_space<vmem_shared>>
      tpu.wait_dma2 semaphore(%run_scoped3A : memref<!tpu.dma_semaphore, #tpu.memory_space<semaphore_mem>>) src(%dma_wait3A_21 : memref<3125x32xf32, #tpu.memory_space<vmem_shared>>) dst(%dma_wait3A_19 : memref<3125x32xf32, #tpu.memory_space<hbm>>)
      tpu.yield
    }) : () -> ()
    return
  }
}

#map = affine_map<(d0, d1) -> (0, 0)>
module attributes {stable_mosaic.version = 14 : i64} {
  func.func @agg_kernel(%arg0: i32, %arg1: i32, %arg2: memref<100000x32xf32, #tpu.memory_space<hbm>>, %arg3: memref<50000x128xi32, #tpu.memory_space<hbm>>, %arg4: memref<50000x128xi32, #tpu.memory_space<hbm>>, %arg5: memref<100000x32xf32, #tpu.memory_space<hbm>>, %arg6: memref<50512x32xf32, #tpu.memory_space<vmem_shared>>, %arg7: memref<5x128xi32, #tpu.memory_space<vmem>>, %arg8: memref<5x128xi32, #tpu.memory_space<vmem>>, %arg9: memref<5x128xi32, #tpu.memory_space<vmem>>, %arg10: memref<640x32xf32, #tpu.memory_space<vmem>>, %arg11: memref<!tpu.dma_semaphore, #tpu.memory_space<semaphore_mem>>, %arg12: memref<!tpu.dma_semaphore, #tpu.memory_space<semaphore_mem>>) attributes {dimension_semantics = [#tpu.dimension_semantics<core_parallel>, #tpu.dimension_semantics<subcore_parallel>], iteration_bounds = array<i64: 2, 16>, scalar_prefetch = 0 : i64, scratch_operands = 7 : i64, tpu.core_type = #tpu.core_type<sc_vector_subcore>, window_params = [{transform_indices = #map}, {transform_indices = #map}, {transform_indices = #map}, {transform_indices = #map}]} {
    %mul3A = arith.constant 50000 : i32
    %mul3A_0 = arith.muli %arg0, %mul3A : i32
    %mul3A_1 = arith.constant 3125 : i32
    %mul3A_2 = arith.muli %arg1, %mul3A_1 : i32
    %add3A = arith.addi %mul3A_0, %mul3A_2 : i32
    %mul3A_3 = arith.constant 3125 : i32
    %mul3A_4 = arith.muli %arg1, %mul3A_3 : i32
    "tpu.region"() ({
      %run_scoped3A = tpu.sem_alloc : memref<!tpu.dma_semaphore, #tpu.memory_space<semaphore_mem>>
      %dma_start3A = arith.constant 0 : i32
      %dma_start3A_16 = tpu.memref_slice %arg6[%mul3A_4, %dma_start3A] : memref<50512x32xf32, #tpu.memory_space<vmem_shared>> -> memref<3125x32xf32, #tpu.memory_space<vmem_shared>>
      %dma_start3A_17 = arith.constant 0 : i32
      %dma_start3A_18 = tpu.memref_slice %arg2[%add3A, %dma_start3A_17] : memref<100000x32xf32, #tpu.memory_space<hbm>> -> memref<3125x32xf32, #tpu.memory_space<hbm>>
      tpu.enqueue_dma source(%dma_start3A_18 : memref<3125x32xf32, #tpu.memory_space<hbm>>) target(%dma_start3A_16 : memref<3125x32xf32, #tpu.memory_space<vmem_shared>>) target_semaphore(%run_scoped3A : memref<!tpu.dma_semaphore, #tpu.memory_space<semaphore_mem>>)
      %dma_wait3A = arith.constant 0 : i32
      %dma_wait3A_19 = tpu.memref_slice %arg6[%mul3A_4, %dma_wait3A] : memref<50512x32xf32, #tpu.memory_space<vmem_shared>> -> memref<3125x32xf32, #tpu.memory_space<vmem_shared>>
      %dma_wait3A_20 = arith.constant 0 : i32
      %dma_wait3A_21 = tpu.memref_slice %arg2[%add3A, %dma_wait3A_20] : memref<100000x32xf32, #tpu.memory_space<hbm>> -> memref<3125x32xf32, #tpu.memory_space<hbm>>
      tpu.wait_dma2 semaphore(%run_scoped3A : memref<!tpu.dma_semaphore, #tpu.memory_space<semaphore_mem>>) src(%dma_wait3A_21 : memref<3125x32xf32, #tpu.memory_space<hbm>>) dst(%dma_wait3A_19 : memref<3125x32xf32, #tpu.memory_space<vmem_shared>>)
      tpu.yield
    }) : () -> ()
    %barrier3A = arith.constant 0 : index
    tpu.barrier barrier_id(%barrier3A)
    %mul3A_5 = arith.constant 50000 : i32
    %mul3A_6 = arith.muli %arg0, %mul3A_5 : i32
    %iota3A = tpu.iota {dimensions = array<i32: 0>} : vector<16xi32>
    %mul3A_7 = arith.constant 3125 : i32
    %mul3A_8 = arith.muli %arg1, %mul3A_7 : i32
    %scan3A = arith.constant 0 : i32
    %scan3A_9 = arith.constant 0 : i32
    %scan3A_10 = arith.constant 625 : i32
    %scan3A_11 = arith.addi %scan3A_9, %scan3A_10 : i32
    %scan3A_12 = arith.constant 1 : i32
    %scan3A_13 = scf.for %scan3A_16 = %scan3A_9 to %scan3A_11 step %scan3A_12 iter_args(%scan3A_17 = %scan3A) -> (i32)  : i32 {
      %mul3A_18 = arith.constant 5 : i32
      %mul3A_19 = arith.muli %scan3A_16, %mul3A_18 : i32
      %add3A_20 = arith.addi %mul3A_8, %mul3A_19 : i32
      "tpu.region"() ({
        %run_scoped3A = tpu.sem_alloc : memref<!tpu.dma_semaphore, #tpu.memory_space<semaphore_mem>>
        %dma_start3A_227 = arith.constant 0 : i32
        %dma_start3A_228 = tpu.memref_slice %arg3[%add3A_20, %dma_start3A_227] : memref<50000x128xi32, #tpu.memory_space<hbm>> -> memref<5x128xi32, #tpu.memory_space<hbm>>
        %dma_start3A_229 = arith.constant 0 : i32
        %dma_start3A_230 = tpu.memref_slice %arg3[%add3A_20, %dma_start3A_229] : memref<50000x128xi32, #tpu.memory_space<hbm>> -> memref<5x128xi32, #tpu.memory_space<hbm>>
        tpu.enqueue_dma source(%dma_start3A_230 : memref<5x128xi32, #tpu.memory_space<hbm>>) target(%arg7 : memref<5x128xi32, #tpu.memory_space<vmem>>) target_semaphore(%run_scoped3A : memref<!tpu.dma_semaphore, #tpu.memory_space<semaphore_mem>>)
        %dma_wait3A_231 = arith.constant 0 : i32
        %dma_wait3A_232 = tpu.memref_slice %arg3[%add3A_20, %dma_wait3A_231] : memref<50000x128xi32, #tpu.memory_space<hbm>> -> memref<5x128xi32, #tpu.memory_space<hbm>>
        %dma_wait3A_233 = arith.constant 0 : i32
        %dma_wait3A_234 = tpu.memref_slice %arg3[%add3A_20, %dma_wait3A_233] : memref<50000x128xi32, #tpu.memory_space<hbm>> -> memref<5x128xi32, #tpu.memory_space<hbm>>
        tpu.wait_dma2 semaphore(%run_scoped3A : memref<!tpu.dma_semaphore, #tpu.memory_space<semaphore_mem>>) src(%dma_wait3A_234 : memref<5x128xi32, #tpu.memory_space<hbm>>) dst(%arg7 : memref<5x128xi32, #tpu.memory_space<vmem>>)
        tpu.yield
      }) : () -> ()
      "tpu.region"() ({
        %run_scoped3A = tpu.sem_alloc : memref<!tpu.dma_semaphore, #tpu.memory_space<semaphore_mem>>
        %dma_start3A_227 = arith.constant 0 : i32
        %dma_start3A_228 = tpu.memref_slice %arg4[%add3A_20, %dma_start3A_227] : memref<50000x128xi32, #tpu.memory_space<hbm>> -> memref<5x128xi32, #tpu.memory_space<hbm>>
        %dma_start3A_229 = arith.constant 0 : i32
        %dma_start3A_230 = tpu.memref_slice %arg4[%add3A_20, %dma_start3A_229] : memref<50000x128xi32, #tpu.memory_space<hbm>> -> memref<5x128xi32, #tpu.memory_space<hbm>>
        tpu.enqueue_dma source(%dma_start3A_230 : memref<5x128xi32, #tpu.memory_space<hbm>>) target(%arg8 : memref<5x128xi32, #tpu.memory_space<vmem>>) target_semaphore(%run_scoped3A : memref<!tpu.dma_semaphore, #tpu.memory_space<semaphore_mem>>)
        %dma_wait3A_231 = arith.constant 0 : i32
        %dma_wait3A_232 = tpu.memref_slice %arg4[%add3A_20, %dma_wait3A_231] : memref<50000x128xi32, #tpu.memory_space<hbm>> -> memref<5x128xi32, #tpu.memory_space<hbm>>
        %dma_wait3A_233 = arith.constant 0 : i32
        %dma_wait3A_234 = tpu.memref_slice %arg4[%add3A_20, %dma_wait3A_233] : memref<50000x128xi32, #tpu.memory_space<hbm>> -> memref<5x128xi32, #tpu.memory_space<hbm>>
        tpu.wait_dma2 semaphore(%run_scoped3A : memref<!tpu.dma_semaphore, #tpu.memory_space<semaphore_mem>>) src(%dma_wait3A_234 : memref<5x128xi32, #tpu.memory_space<hbm>>) dst(%arg8 : memref<5x128xi32, #tpu.memory_space<vmem>>)
        tpu.yield
      }) : () -> ()
      %dma_start3A = arith.constant 0 : i32
      %dma_start3A_21 = arith.constant 0 : i32
      %dma_start3A_22 = arith.constant 0 : i32
      %dma_start3A_23 = tpu.memref_slice %arg10[%dma_start3A_21, %dma_start3A_22] : memref<640x32xf32, #tpu.memory_space<vmem>> -> memref<128x32xf32, #tpu.memory_space<vmem>>
      %dma_start3A_24 = arith.constant 0 : i32
      %dma_start3A_25 = tpu.memref_slice %arg7[%dma_start3A, %dma_start3A_24] : memref<5x128xi32, #tpu.memory_space<vmem>> -> memref<1x128xi32, #tpu.memory_space<vmem>>
      %dma_start3A_26 = tpu.memref_squeeze %dma_start3A_25 : memref<1x128xi32, #tpu.memory_space<vmem>> -> memref<128xi32, #tpu.memory_space<vmem>>
      %dma_start3A_27 = arith.constant 0 : i32
      %dma_start3A_28 = arith.constant 0 : i32
      %dma_start3A_29 = tpu.memref_slice %arg2[%dma_start3A_27, %dma_start3A_28] : memref<100000x32xf32, #tpu.memory_space<hbm>> -> memref<100000x32xf32, #tpu.memory_space<hbm>>
      tpu.enqueue_indirect_dma source(%dma_start3A_29 : memref<100000x32xf32, #tpu.memory_space<hbm>>) target(%dma_start3A_23 : memref<128x32xf32, #tpu.memory_space<vmem>>) offsets(%dma_start3A_26 : memref<128xi32, #tpu.memory_space<vmem>>) semaphore(%arg11 : memref<!tpu.dma_semaphore, #tpu.memory_space<semaphore_mem>>)
      %dma_start3A_30 = arith.constant 1 : i32
      %dma_start3A_31 = arith.constant 128 : i32
      %dma_start3A_32 = arith.constant 0 : i32
      %dma_start3A_33 = tpu.memref_slice %arg10[%dma_start3A_31, %dma_start3A_32] : memref<640x32xf32, #tpu.memory_space<vmem>> -> memref<128x32xf32, #tpu.memory_space<vmem>>
      %dma_start3A_34 = arith.constant 0 : i32
      %dma_start3A_35 = tpu.memref_slice %arg7[%dma_start3A_30, %dma_start3A_34] : memref<5x128xi32, #tpu.memory_space<vmem>> -> memref<1x128xi32, #tpu.memory_space<vmem>>
      %dma_start3A_36 = tpu.memref_squeeze %dma_start3A_35 : memref<1x128xi32, #tpu.memory_space<vmem>> -> memref<128xi32, #tpu.memory_space<vmem>>
      %dma_start3A_37 = arith.constant 0 : i32
      %dma_start3A_38 = arith.constant 0 : i32
      %dma_start3A_39 = tpu.memref_slice %arg2[%dma_start3A_37, %dma_start3A_38] : memref<100000x32xf32, #tpu.memory_space<hbm>> -> memref<100000x32xf32, #tpu.memory_space<hbm>>
      tpu.enqueue_indirect_dma source(%dma_start3A_39 : memref<100000x32xf32, #tpu.memory_space<hbm>>) target(%dma_start3A_33 : memref<128x32xf32, #tpu.memory_space<vmem>>) offsets(%dma_start3A_36 : memref<128xi32, #tpu.memory_space<vmem>>) semaphore(%arg11 : memref<!tpu.dma_semaphore, #tpu.memory_space<semaphore_mem>>)
      %dma_start3A_40 = arith.constant 2 : i32
      %dma_start3A_41 = arith.constant 256 : i32
      %dma_start3A_42 = arith.constant 0 : i32
      %dma_start3A_43 = tpu.memref_slice %arg10[%dma_start3A_41, %dma_start3A_42] : memref<640x32xf32, #tpu.memory_space<vmem>> -> memref<128x32xf32, #tpu.memory_space<vmem>>
      %dma_start3A_44 = arith.constant 0 : i32
      %dma_start3A_45 = tpu.memref_slice %arg7[%dma_start3A_40, %dma_start3A_44] : memref<5x128xi32, #tpu.memory_space<vmem>> -> memref<1x128xi32, #tpu.memory_space<vmem>>
      %dma_start3A_46 = tpu.memref_squeeze %dma_start3A_45 : memref<1x128xi32, #tpu.memory_space<vmem>> -> memref<128xi32, #tpu.memory_space<vmem>>
      %dma_start3A_47 = arith.constant 0 : i32
      %dma_start3A_48 = arith.constant 0 : i32
      %dma_start3A_49 = tpu.memref_slice %arg2[%dma_start3A_47, %dma_start3A_48] : memref<100000x32xf32, #tpu.memory_space<hbm>> -> memref<100000x32xf32, #tpu.memory_space<hbm>>
      tpu.enqueue_indirect_dma source(%dma_start3A_49 : memref<100000x32xf32, #tpu.memory_space<hbm>>) target(%dma_start3A_43 : memref<128x32xf32, #tpu.memory_space<vmem>>) offsets(%dma_start3A_46 : memref<128xi32, #tpu.memory_space<vmem>>) semaphore(%arg11 : memref<!tpu.dma_semaphore, #tpu.memory_space<semaphore_mem>>)
      %dma_start3A_50 = arith.constant 3 : i32
      %dma_start3A_51 = arith.constant 384 : i32
      %dma_start3A_52 = arith.constant 0 : i32
      %dma_start3A_53 = tpu.memref_slice %arg10[%dma_start3A_51, %dma_start3A_52] : memref<640x32xf32, #tpu.memory_space<vmem>> -> memref<128x32xf32, #tpu.memory_space<vmem>>
      %dma_start3A_54 = arith.constant 0 : i32
      %dma_start3A_55 = tpu.memref_slice %arg7[%dma_start3A_50, %dma_start3A_54] : memref<5x128xi32, #tpu.memory_space<vmem>> -> memref<1x128xi32, #tpu.memory_space<vmem>>
      %dma_start3A_56 = tpu.memref_squeeze %dma_start3A_55 : memref<1x128xi32, #tpu.memory_space<vmem>> -> memref<128xi32, #tpu.memory_space<vmem>>
      %dma_start3A_57 = arith.constant 0 : i32
      %dma_start3A_58 = arith.constant 0 : i32
      %dma_start3A_59 = tpu.memref_slice %arg2[%dma_start3A_57, %dma_start3A_58] : memref<100000x32xf32, #tpu.memory_space<hbm>> -> memref<100000x32xf32, #tpu.memory_space<hbm>>
      tpu.enqueue_indirect_dma source(%dma_start3A_59 : memref<100000x32xf32, #tpu.memory_space<hbm>>) target(%dma_start3A_53 : memref<128x32xf32, #tpu.memory_space<vmem>>) offsets(%dma_start3A_56 : memref<128xi32, #tpu.memory_space<vmem>>) semaphore(%arg11 : memref<!tpu.dma_semaphore, #tpu.memory_space<semaphore_mem>>)
      %dma_start3A_60 = arith.constant 4 : i32
      %dma_start3A_61 = arith.constant 512 : i32
      %dma_start3A_62 = arith.constant 0 : i32
      %dma_start3A_63 = tpu.memref_slice %arg10[%dma_start3A_61, %dma_start3A_62] : memref<640x32xf32, #tpu.memory_space<vmem>> -> memref<128x32xf32, #tpu.memory_space<vmem>>
      %dma_start3A_64 = arith.constant 0 : i32
      %dma_start3A_65 = tpu.memref_slice %arg7[%dma_start3A_60, %dma_start3A_64] : memref<5x128xi32, #tpu.memory_space<vmem>> -> memref<1x128xi32, #tpu.memory_space<vmem>>
      %dma_start3A_66 = tpu.memref_squeeze %dma_start3A_65 : memref<1x128xi32, #tpu.memory_space<vmem>> -> memref<128xi32, #tpu.memory_space<vmem>>
      %dma_start3A_67 = arith.constant 0 : i32
      %dma_start3A_68 = arith.constant 0 : i32
      %dma_start3A_69 = tpu.memref_slice %arg2[%dma_start3A_67, %dma_start3A_68] : memref<100000x32xf32, #tpu.memory_space<hbm>> -> memref<100000x32xf32, #tpu.memory_space<hbm>>
      tpu.enqueue_indirect_dma source(%dma_start3A_69 : memref<100000x32xf32, #tpu.memory_space<hbm>>) target(%dma_start3A_63 : memref<128x32xf32, #tpu.memory_space<vmem>>) offsets(%dma_start3A_66 : memref<128xi32, #tpu.memory_space<vmem>>) semaphore(%arg11 : memref<!tpu.dma_semaphore, #tpu.memory_space<semaphore_mem>>)
      %scan3A_70 = arith.constant 0 : i32
      %scan3A_71 = arith.constant 0 : i32
      %scan3A_72 = arith.constant 40 : i32
      %scan3A_73 = arith.addi %scan3A_71, %scan3A_72 : i32
      %scan3A_74 = arith.constant 1 : i32
      %scan3A_75 = scf.for %scan3A_227 = %scan3A_71 to %scan3A_73 step %scan3A_74 iter_args(%scan3A_228 = %scan3A_70) -> (i32)  : i32 {
        %jit3A = arith.constant 8 : i32
        %div3A = arith.divsi %scan3A_227, %jit3A : i32
        %sign3A = arith.constant 0 : i32
        %sign3A_229 = arith.cmpi sgt, %scan3A_227, %sign3A : i32
        %sign3A_230 = arith.extui %sign3A_229 : i1 to i32
        %sign3A_231 = arith.constant 0 : i32
        %sign3A_232 = arith.cmpi slt, %scan3A_227, %sign3A_231 : i32
        %sign3A_233 = arith.extui %sign3A_232 : i1 to i32
        %sign3A_234 = arith.subi %sign3A_230, %sign3A_233 : i32
        %sign3A_235 = arith.constant 0 : i32
        %sign3A_236 = arith.cmpi sgt, %jit3A, %sign3A_235 : i32
        %sign3A_237 = arith.extui %sign3A_236 : i1 to i32
        %sign3A_238 = arith.constant 0 : i32
        %sign3A_239 = arith.cmpi slt, %jit3A, %sign3A_238 : i32
        %sign3A_240 = arith.extui %sign3A_239 : i1 to i32
        %sign3A_241 = arith.subi %sign3A_237, %sign3A_240 : i32
        %ne3A = arith.cmpi ne, %sign3A_234, %sign3A_241 : i32
        %rem3A = arith.remsi %scan3A_227, %jit3A : i32
        %ne3A_242 = arith.constant 0 : i32
        %ne3A_243 = arith.cmpi ne, %rem3A, %ne3A_242 : i32
        %and3A = arith.andi %ne3A, %ne3A_243 : i1
        %sub3A = arith.constant 1 : i32
        %sub3A_244 = arith.subi %div3A, %sub3A : i32
        %select_n3A = arith.select %and3A, %sub3A_244, %div3A : i32
        %rem3A_245 = arith.constant 8 : i32
        %rem3A_246 = arith.remsi %scan3A_227, %rem3A_245 : i32
        %mul3A_247 = arith.constant 16 : i32
        %mul3A_248 = arith.muli %rem3A_246, %mul3A_247 : i32
        %get3A = arith.index_cast %select_n3A : i32 to index
        %get3A_249 = arith.index_cast %mul3A_248 : i32 to index
        %get3A_250 = tpu.vector_load %arg8[%get3A, %get3A_249] {strides = array<i32>} : memref<5x128xi32, #tpu.memory_space<vmem>>, vector<1x16xi32>,
        %get3A_251 = vector.shape_cast %get3A_250 : vector<1x16xi32> to vector<16xi32>
        %sub3A_252 = vector.broadcast %mul3A_6 : i32 to vector<16xi32>
        %sub3A_253 = arith.subi %get3A_251, %sub3A_252 : vector<16xi32>
        %ge3A = arith.constant 0 : i32
        %ge3A_254 = vector.broadcast %ge3A : i32 to vector<16xi32>
        %ge3A_255 = arith.cmpi sge, %sub3A_253, %ge3A_254 : vector<16xi32>
        %lt3A = arith.constant 50000 : i32
        %lt3A_256 = vector.broadcast %lt3A : i32 to vector<16xi32>
        %lt3A_257 = arith.cmpi slt, %sub3A_253, %lt3A_256 : vector<16xi32>
        %and3A_258 = arith.andi %ge3A_255, %lt3A_257 : vector<16xi1>
        %mul3A_259 = arith.constant 16 : i32
        %mul3A_260 = arith.muli %scan3A_227, %mul3A_259 : i32
        %add3A_261 = vector.broadcast %mul3A_260 : i32 to vector<16xi32>
        %add3A_262 = arith.addi %iota3A, %add3A_261 : vector<16xi32>
        %and3A_263 = arith.constant 511 : i32
        %and3A_264 = vector.broadcast %and3A_263 : i32 to vector<16xi32>
        %and3A_265 = arith.andi %add3A_262, %and3A_264 : vector<16xi32>
        %add3A_266 = arith.constant 50000 : i32
        %add3A_267 = vector.broadcast %add3A_266 : i32 to vector<16xi32>
        %add3A_268 = arith.addi %add3A_267, %and3A_265 : vector<16xi32>
        %select_n3A_269 = arith.select %and3A_258, %sub3A_253, %add3A_268 : vector<16xi1>, vector<16xi32>
        %mul3A_270 = arith.constant 16 : i32
        %mul3A_271 = arith.muli %rem3A_246, %mul3A_270 : i32
        %swap3A = arith.index_cast %select_n3A : i32 to index
        %swap3A_272 = arith.index_cast %mul3A_271 : i32 to index
        %swap3A_273 = tpu.vector_load %arg9[%swap3A, %swap3A_272] {strides = array<i32>} : memref<5x128xi32, #tpu.memory_space<vmem>>, vector<1x16xi32>,
        %swap3A_274 = vector.shape_cast %swap3A_273 : vector<1x16xi32> to vector<16xi32>
        %swap3A_275 = vector.shape_cast %select_n3A_269 : vector<16xi32> to vector<1x16xi32>
        tpu.vector_store %arg9[%swap3A, %swap3A_272], %swap3A_275 {strides = array<i32>} : memref<5x128xi32, #tpu.memory_space<vmem>>, vector<1x16xi32>,
        %scan3A_276 = arith.constant 0 : i32
        scf.yield %scan3A_276 : i32
      }
      %scan3A_76 = arith.constant 40 : i32
      %dma_wait3A = arith.constant 0 : i32
      %dma_wait3A_77 = arith.constant 0 : i32
      %dma_wait3A_78 = arith.constant 0 : i32
      %dma_wait3A_79 = tpu.memref_slice %arg10[%dma_wait3A_77, %dma_wait3A_78] : memref<640x32xf32, #tpu.memory_space<vmem>> -> memref<128x32xf32, #tpu.memory_space<vmem>>
      %dma_wait3A_80 = arith.constant 0 : i32
      %dma_wait3A_81 = tpu.memref_slice %arg7[%dma_wait3A, %dma_wait3A_80] : memref<5x128xi32, #tpu.memory_space<vmem>> -> memref<1x128xi32, #tpu.memory_space<vmem>>
      %dma_wait3A_82 = tpu.memref_squeeze %dma_wait3A_81 : memref<1x128xi32, #tpu.memory_space<vmem>> -> memref<128xi32, #tpu.memory_space<vmem>>
      %dma_wait3A_83 = arith.constant 0 : i32
      %dma_wait3A_84 = arith.constant 0 : i32
      %dma_wait3A_85 = tpu.memref_slice %arg2[%dma_wait3A_83, %dma_wait3A_84] : memref<100000x32xf32, #tpu.memory_space<hbm>> -> memref<100000x32xf32, #tpu.memory_space<hbm>>
      tpu.wait_indirect_dma semaphore(%arg11 : memref<!tpu.dma_semaphore, #tpu.memory_space<semaphore_mem>>) src(%dma_wait3A_85 : memref<100000x32xf32, #tpu.memory_space<hbm>>) dst(%dma_wait3A_79 : memref<128x32xf32, #tpu.memory_space<vmem>>)
      %dma_wait3A_86 = arith.constant 1 : i32
      %dma_wait3A_87 = arith.constant 128 : i32
      %dma_wait3A_88 = arith.constant 0 : i32
      %dma_wait3A_89 = tpu.memref_slice %arg10[%dma_wait3A_87, %dma_wait3A_88] : memref<640x32xf32, #tpu.memory_space<vmem>> -> memref<128x32xf32, #tpu.memory_space<vmem>>
      %dma_wait3A_90 = arith.constant 0 : i32
      %dma_wait3A_91 = tpu.memref_slice %arg7[%dma_wait3A_86, %dma_wait3A_90] : memref<5x128xi32, #tpu.memory_space<vmem>> -> memref<1x128xi32, #tpu.memory_space<vmem>>
      %dma_wait3A_92 = tpu.memref_squeeze %dma_wait3A_91 : memref<1x128xi32, #tpu.memory_space<vmem>> -> memref<128xi32, #tpu.memory_space<vmem>>
      %dma_wait3A_93 = arith.constant 0 : i32
      %dma_wait3A_94 = arith.constant 0 : i32
      %dma_wait3A_95 = tpu.memref_slice %arg2[%dma_wait3A_93, %dma_wait3A_94] : memref<100000x32xf32, #tpu.memory_space<hbm>> -> memref<100000x32xf32, #tpu.memory_space<hbm>>
      tpu.wait_indirect_dma semaphore(%arg11 : memref<!tpu.dma_semaphore, #tpu.memory_space<semaphore_mem>>) src(%dma_wait3A_95 : memref<100000x32xf32, #tpu.memory_space<hbm>>) dst(%dma_wait3A_89 : memref<128x32xf32, #tpu.memory_space<vmem>>)
      %dma_wait3A_96 = arith.constant 2 : i32
      %dma_wait3A_97 = arith.constant 256 : i32
      %dma_wait3A_98 = arith.constant 0 : i32
      %dma_wait3A_99 = tpu.memref_slice %arg10[%dma_wait3A_97, %dma_wait3A_98] : memref<640x32xf32, #tpu.memory_space<vmem>> -> memref<128x32xf32, #tpu.memory_space<vmem>>
      %dma_wait3A_100 = arith.constant 0 : i32
      %dma_wait3A_101 = tpu.memref_slice %arg7[%dma_wait3A_96, %dma_wait3A_100] : memref<5x128xi32, #tpu.memory_space<vmem>> -> memref<1x128xi32, #tpu.memory_space<vmem>>
      %dma_wait3A_102 = tpu.memref_squeeze %dma_wait3A_101 : memref<1x128xi32, #tpu.memory_space<vmem>> -> memref<128xi32, #tpu.memory_space<vmem>>
      %dma_wait3A_103 = arith.constant 0 : i32
      %dma_wait3A_104 = arith.constant 0 : i32
      %dma_wait3A_105 = tpu.memref_slice %arg2[%dma_wait3A_103, %dma_wait3A_104] : memref<100000x32xf32, #tpu.memory_space<hbm>> -> memref<100000x32xf32, #tpu.memory_space<hbm>>
      tpu.wait_indirect_dma semaphore(%arg11 : memref<!tpu.dma_semaphore, #tpu.memory_space<semaphore_mem>>) src(%dma_wait3A_105 : memref<100000x32xf32, #tpu.memory_space<hbm>>) dst(%dma_wait3A_99 : memref<128x32xf32, #tpu.memory_space<vmem>>)
      %dma_wait3A_106 = arith.constant 3 : i32
      %dma_wait3A_107 = arith.constant 384 : i32
      %dma_wait3A_108 = arith.constant 0 : i32
      %dma_wait3A_109 = tpu.memref_slice %arg10[%dma_wait3A_107, %dma_wait3A_108] : memref<640x32xf32, #tpu.memory_space<vmem>> -> memref<128x32xf32, #tpu.memory_space<vmem>>
      %dma_wait3A_110 = arith.constant 0 : i32
      %dma_wait3A_111 = tpu.memref_slice %arg7[%dma_wait3A_106, %dma_wait3A_110] : memref<5x128xi32, #tpu.memory_space<vmem>> -> memref<1x128xi32, #tpu.memory_space<vmem>>
      %dma_wait3A_112 = tpu.memref_squeeze %dma_wait3A_111 : memref<1x128xi32, #tpu.memory_space<vmem>> -> memref<128xi32, #tpu.memory_space<vmem>>
      %dma_wait3A_113 = arith.constant 0 : i32
      %dma_wait3A_114 = arith.constant 0 : i32
      %dma_wait3A_115 = tpu.memref_slice %arg2[%dma_wait3A_113, %dma_wait3A_114] : memref<100000x32xf32, #tpu.memory_space<hbm>> -> memref<100000x32xf32, #tpu.memory_space<hbm>>
      tpu.wait_indirect_dma semaphore(%arg11 : memref<!tpu.dma_semaphore, #tpu.memory_space<semaphore_mem>>) src(%dma_wait3A_115 : memref<100000x32xf32, #tpu.memory_space<hbm>>) dst(%dma_wait3A_109 : memref<128x32xf32, #tpu.memory_space<vmem>>)
      %dma_wait3A_116 = arith.constant 4 : i32
      %dma_wait3A_117 = arith.constant 512 : i32
      %dma_wait3A_118 = arith.constant 0 : i32
      %dma_wait3A_119 = tpu.memref_slice %arg10[%dma_wait3A_117, %dma_wait3A_118] : memref<640x32xf32, #tpu.memory_space<vmem>> -> memref<128x32xf32, #tpu.memory_space<vmem>>
      %dma_wait3A_120 = arith.constant 0 : i32
      %dma_wait3A_121 = tpu.memref_slice %arg7[%dma_wait3A_116, %dma_wait3A_120] : memref<5x128xi32, #tpu.memory_space<vmem>> -> memref<1x128xi32, #tpu.memory_space<vmem>>
      %dma_wait3A_122 = tpu.memref_squeeze %dma_wait3A_121 : memref<1x128xi32, #tpu.memory_space<vmem>> -> memref<128xi32, #tpu.memory_space<vmem>>
      %dma_wait3A_123 = arith.constant 0 : i32
      %dma_wait3A_124 = arith.constant 0 : i32
      %dma_wait3A_125 = tpu.memref_slice %arg2[%dma_wait3A_123, %dma_wait3A_124] : memref<100000x32xf32, #tpu.memory_space<hbm>> -> memref<100000x32xf32, #tpu.memory_space<hbm>>
      tpu.wait_indirect_dma semaphore(%arg11 : memref<!tpu.dma_semaphore, #tpu.memory_space<semaphore_mem>>) src(%dma_wait3A_125 : memref<100000x32xf32, #tpu.memory_space<hbm>>) dst(%dma_wait3A_119 : memref<128x32xf32, #tpu.memory_space<vmem>>)
      %dma_start3A_126 = arith.constant 0 : i32
      %dma_start3A_127 = arith.constant 0 : i32
      %dma_start3A_128 = arith.constant 0 : i32
      %dma_start3A_129 = tpu.memref_slice %arg10[%dma_start3A_127, %dma_start3A_128] : memref<640x32xf32, #tpu.memory_space<vmem>> -> memref<128x32xf32, #tpu.memory_space<vmem>>
      %dma_start3A_130 = arith.constant 0 : i32
      %dma_start3A_131 = tpu.memref_slice %arg9[%dma_start3A_126, %dma_start3A_130] : memref<5x128xi32, #tpu.memory_space<vmem>> -> memref<1x128xi32, #tpu.memory_space<vmem>>
      %dma_start3A_132 = tpu.memref_squeeze %dma_start3A_131 : memref<1x128xi32, #tpu.memory_space<vmem>> -> memref<128xi32, #tpu.memory_space<vmem>>
      %dma_start3A_133 = arith.constant 0 : i32
      %dma_start3A_134 = arith.constant 0 : i32
      %dma_start3A_135 = tpu.memref_slice %arg6[%dma_start3A_133, %dma_start3A_134] : memref<50512x32xf32, #tpu.memory_space<vmem_shared>> -> memref<50512x32xf32, #tpu.memory_space<vmem_shared>>
      tpu.enqueue_indirect_dma source(%dma_start3A_129 : memref<128x32xf32, #tpu.memory_space<vmem>>) target(%dma_start3A_135 : memref<50512x32xf32, #tpu.memory_space<vmem_shared>>) offsets(%dma_start3A_132 : memref<128xi32, #tpu.memory_space<vmem>>) semaphore(%arg12 : memref<!tpu.dma_semaphore, #tpu.memory_space<semaphore_mem>>) {add = true}
      %dma_start3A_136 = arith.constant 1 : i32
      %dma_start3A_137 = arith.constant 128 : i32
      %dma_start3A_138 = arith.constant 0 : i32
      %dma_start3A_139 = tpu.memref_slice %arg10[%dma_start3A_137, %dma_start3A_138] : memref<640x32xf32, #tpu.memory_space<vmem>> -> memref<128x32xf32, #tpu.memory_space<vmem>>
      %dma_start3A_140 = arith.constant 0 : i32
      %dma_start3A_141 = tpu.memref_slice %arg9[%dma_start3A_136, %dma_start3A_140] : memref<5x128xi32, #tpu.memory_space<vmem>> -> memref<1x128xi32, #tpu.memory_space<vmem>>
      %dma_start3A_142 = tpu.memref_squeeze %dma_start3A_141 : memref<1x128xi32, #tpu.memory_space<vmem>> -> memref<128xi32, #tpu.memory_space<vmem>>
      %dma_start3A_143 = arith.constant 0 : i32
      %dma_start3A_144 = arith.constant 0 : i32
      %dma_start3A_145 = tpu.memref_slice %arg6[%dma_start3A_143, %dma_start3A_144] : memref<50512x32xf32, #tpu.memory_space<vmem_shared>> -> memref<50512x32xf32, #tpu.memory_space<vmem_shared>>
      tpu.enqueue_indirect_dma source(%dma_start3A_139 : memref<128x32xf32, #tpu.memory_space<vmem>>) target(%dma_start3A_145 : memref<50512x32xf32, #tpu.memory_space<vmem_shared>>) offsets(%dma_start3A_142 : memref<128xi32, #tpu.memory_space<vmem>>) semaphore(%arg12 : memref<!tpu.dma_semaphore, #tpu.memory_space<semaphore_mem>>) {add = true}
      %dma_start3A_146 = arith.constant 2 : i32
      %dma_start3A_147 = arith.constant 256 : i32
      %dma_start3A_148 = arith.constant 0 : i32
      %dma_start3A_149 = tpu.memref_slice %arg10[%dma_start3A_147, %dma_start3A_148] : memref<640x32xf32, #tpu.memory_space<vmem>> -> memref<128x32xf32, #tpu.memory_space<vmem>>
      %dma_start3A_150 = arith.constant 0 : i32
      %dma_start3A_151 = tpu.memref_slice %arg9[%dma_start3A_146, %dma_start3A_150] : memref<5x128xi32, #tpu.memory_space<vmem>> -> memref<1x128xi32, #tpu.memory_space<vmem>>
      %dma_start3A_152 = tpu.memref_squeeze %dma_start3A_151 : memref<1x128xi32, #tpu.memory_space<vmem>> -> memref<128xi32, #tpu.memory_space<vmem>>
      %dma_start3A_153 = arith.constant 0 : i32
      %dma_start3A_154 = arith.constant 0 : i32
      %dma_start3A_155 = tpu.memref_slice %arg6[%dma_start3A_153, %dma_start3A_154] : memref<50512x32xf32, #tpu.memory_space<vmem_shared>> -> memref<50512x32xf32, #tpu.memory_space<vmem_shared>>
      tpu.enqueue_indirect_dma source(%dma_start3A_149 : memref<128x32xf32, #tpu.memory_space<vmem>>) target(%dma_start3A_155 : memref<50512x32xf32, #tpu.memory_space<vmem_shared>>) offsets(%dma_start3A_152 : memref<128xi32, #tpu.memory_space<vmem>>) semaphore(%arg12 : memref<!tpu.dma_semaphore, #tpu.memory_space<semaphore_mem>>) {add = true}
      %dma_start3A_156 = arith.constant 3 : i32
      %dma_start3A_157 = arith.constant 384 : i32
      %dma_start3A_158 = arith.constant 0 : i32
      %dma_start3A_159 = tpu.memref_slice %arg10[%dma_start3A_157, %dma_start3A_158] : memref<640x32xf32, #tpu.memory_space<vmem>> -> memref<128x32xf32, #tpu.memory_space<vmem>>
      %dma_start3A_160 = arith.constant 0 : i32
      %dma_start3A_161 = tpu.memref_slice %arg9[%dma_start3A_156, %dma_start3A_160] : memref<5x128xi32, #tpu.memory_space<vmem>> -> memref<1x128xi32, #tpu.memory_space<vmem>>
      %dma_start3A_162 = tpu.memref_squeeze %dma_start3A_161 : memref<1x128xi32, #tpu.memory_space<vmem>> -> memref<128xi32, #tpu.memory_space<vmem>>
      %dma_start3A_163 = arith.constant 0 : i32
      %dma_start3A_164 = arith.constant 0 : i32
      %dma_start3A_165 = tpu.memref_slice %arg6[%dma_start3A_163, %dma_start3A_164] : memref<50512x32xf32, #tpu.memory_space<vmem_shared>> -> memref<50512x32xf32, #tpu.memory_space<vmem_shared>>
      tpu.enqueue_indirect_dma source(%dma_start3A_159 : memref<128x32xf32, #tpu.memory_space<vmem>>) target(%dma_start3A_165 : memref<50512x32xf32, #tpu.memory_space<vmem_shared>>) offsets(%dma_start3A_162 : memref<128xi32, #tpu.memory_space<vmem>>) semaphore(%arg12 : memref<!tpu.dma_semaphore, #tpu.memory_space<semaphore_mem>>) {add = true}
      %dma_start3A_166 = arith.constant 4 : i32
      %dma_start3A_167 = arith.constant 512 : i32
      %dma_start3A_168 = arith.constant 0 : i32
      %dma_start3A_169 = tpu.memref_slice %arg10[%dma_start3A_167, %dma_start3A_168] : memref<640x32xf32, #tpu.memory_space<vmem>> -> memref<128x32xf32, #tpu.memory_space<vmem>>
      %dma_start3A_170 = arith.constant 0 : i32
      %dma_start3A_171 = tpu.memref_slice %arg9[%dma_start3A_166, %dma_start3A_170] : memref<5x128xi32, #tpu.memory_space<vmem>> -> memref<1x128xi32, #tpu.memory_space<vmem>>
      %dma_start3A_172 = tpu.memref_squeeze %dma_start3A_171 : memref<1x128xi32, #tpu.memory_space<vmem>> -> memref<128xi32, #tpu.memory_space<vmem>>
      %dma_start3A_173 = arith.constant 0 : i32
      %dma_start3A_174 = arith.constant 0 : i32
      %dma_start3A_175 = tpu.memref_slice %arg6[%dma_start3A_173, %dma_start3A_174] : memref<50512x32xf32, #tpu.memory_space<vmem_shared>> -> memref<50512x32xf32, #tpu.memory_space<vmem_shared>>
      tpu.enqueue_indirect_dma source(%dma_start3A_169 : memref<128x32xf32, #tpu.memory_space<vmem>>) target(%dma_start3A_175 : memref<50512x32xf32, #tpu.memory_space<vmem_shared>>) offsets(%dma_start3A_172 : memref<128xi32, #tpu.memory_space<vmem>>) semaphore(%arg12 : memref<!tpu.dma_semaphore, #tpu.memory_space<semaphore_mem>>) {add = true}
      %dma_wait3A_176 = arith.constant 0 : i32
      %dma_wait3A_177 = arith.constant 0 : i32
      %dma_wait3A_178 = arith.constant 0 : i32
      %dma_wait3A_179 = tpu.memref_slice %arg10[%dma_wait3A_177, %dma_wait3A_178] : memref<640x32xf32, #tpu.memory_space<vmem>> -> memref<128x32xf32, #tpu.memory_space<vmem>>
      %dma_wait3A_180 = arith.constant 0 : i32
      %dma_wait3A_181 = tpu.memref_slice %arg9[%dma_wait3A_176, %dma_wait3A_180] : memref<5x128xi32, #tpu.memory_space<vmem>> -> memref<1x128xi32, #tpu.memory_space<vmem>>
      %dma_wait3A_182 = tpu.memref_squeeze %dma_wait3A_181 : memref<1x128xi32, #tpu.memory_space<vmem>> -> memref<128xi32, #tpu.memory_space<vmem>>
      %dma_wait3A_183 = arith.constant 0 : i32
      %dma_wait3A_184 = arith.constant 0 : i32
      %dma_wait3A_185 = tpu.memref_slice %arg6[%dma_wait3A_183, %dma_wait3A_184] : memref<50512x32xf32, #tpu.memory_space<vmem_shared>> -> memref<50512x32xf32, #tpu.memory_space<vmem_shared>>
      tpu.wait_indirect_dma semaphore(%arg12 : memref<!tpu.dma_semaphore, #tpu.memory_space<semaphore_mem>>) src(%dma_wait3A_179 : memref<128x32xf32, #tpu.memory_space<vmem>>) dst(%dma_wait3A_185 : memref<50512x32xf32, #tpu.memory_space<vmem_shared>>)
      %dma_wait3A_186 = arith.constant 1 : i32
      %dma_wait3A_187 = arith.constant 128 : i32
      %dma_wait3A_188 = arith.constant 0 : i32
      %dma_wait3A_189 = tpu.memref_slice %arg10[%dma_wait3A_187, %dma_wait3A_188] : memref<640x32xf32, #tpu.memory_space<vmem>> -> memref<128x32xf32, #tpu.memory_space<vmem>>
      %dma_wait3A_190 = arith.constant 0 : i32
      %dma_wait3A_191 = tpu.memref_slice %arg9[%dma_wait3A_186, %dma_wait3A_190] : memref<5x128xi32, #tpu.memory_space<vmem>> -> memref<1x128xi32, #tpu.memory_space<vmem>>
      %dma_wait3A_192 = tpu.memref_squeeze %dma_wait3A_191 : memref<1x128xi32, #tpu.memory_space<vmem>> -> memref<128xi32, #tpu.memory_space<vmem>>
      %dma_wait3A_193 = arith.constant 0 : i32
      %dma_wait3A_194 = arith.constant 0 : i32
      %dma_wait3A_195 = tpu.memref_slice %arg6[%dma_wait3A_193, %dma_wait3A_194] : memref<50512x32xf32, #tpu.memory_space<vmem_shared>> -> memref<50512x32xf32, #tpu.memory_space<vmem_shared>>
      tpu.wait_indirect_dma semaphore(%arg12 : memref<!tpu.dma_semaphore, #tpu.memory_space<semaphore_mem>>) src(%dma_wait3A_189 : memref<128x32xf32, #tpu.memory_space<vmem>>) dst(%dma_wait3A_195 : memref<50512x32xf32, #tpu.memory_space<vmem_shared>>)
      %dma_wait3A_196 = arith.constant 2 : i32
      %dma_wait3A_197 = arith.constant 256 : i32
      %dma_wait3A_198 = arith.constant 0 : i32
      %dma_wait3A_199 = tpu.memref_slice %arg10[%dma_wait3A_197, %dma_wait3A_198] : memref<640x32xf32, #tpu.memory_space<vmem>> -> memref<128x32xf32, #tpu.memory_space<vmem>>
      %dma_wait3A_200 = arith.constant 0 : i32
      %dma_wait3A_201 = tpu.memref_slice %arg9[%dma_wait3A_196, %dma_wait3A_200] : memref<5x128xi32, #tpu.memory_space<vmem>> -> memref<1x128xi32, #tpu.memory_space<vmem>>
      %dma_wait3A_202 = tpu.memref_squeeze %dma_wait3A_201 : memref<1x128xi32, #tpu.memory_space<vmem>> -> memref<128xi32, #tpu.memory_space<vmem>>
      %dma_wait3A_203 = arith.constant 0 : i32
      %dma_wait3A_204 = arith.constant 0 : i32
      %dma_wait3A_205 = tpu.memref_slice %arg6[%dma_wait3A_203, %dma_wait3A_204] : memref<50512x32xf32, #tpu.memory_space<vmem_shared>> -> memref<50512x32xf32, #tpu.memory_space<vmem_shared>>
      tpu.wait_indirect_dma semaphore(%arg12 : memref<!tpu.dma_semaphore, #tpu.memory_space<semaphore_mem>>) src(%dma_wait3A_199 : memref<128x32xf32, #tpu.memory_space<vmem>>) dst(%dma_wait3A_205 : memref<50512x32xf32, #tpu.memory_space<vmem_shared>>)
      %dma_wait3A_206 = arith.constant 3 : i32
      %dma_wait3A_207 = arith.constant 384 : i32
      %dma_wait3A_208 = arith.constant 0 : i32
      %dma_wait3A_209 = tpu.memref_slice %arg10[%dma_wait3A_207, %dma_wait3A_208] : memref<640x32xf32, #tpu.memory_space<vmem>> -> memref<128x32xf32, #tpu.memory_space<vmem>>
      %dma_wait3A_210 = arith.constant 0 : i32
      %dma_wait3A_211 = tpu.memref_slice %arg9[%dma_wait3A_206, %dma_wait3A_210] : memref<5x128xi32, #tpu.memory_space<vmem>> -> memref<1x128xi32, #tpu.memory_space<vmem>>
      %dma_wait3A_212 = tpu.memref_squeeze %dma_wait3A_211 : memref<1x128xi32, #tpu.memory_space<vmem>> -> memref<128xi32, #tpu.memory_space<vmem>>
      %dma_wait3A_213 = arith.constant 0 : i32
      %dma_wait3A_214 = arith.constant 0 : i32
      %dma_wait3A_215 = tpu.memref_slice %arg6[%dma_wait3A_213, %dma_wait3A_214] : memref<50512x32xf32, #tpu.memory_space<vmem_shared>> -> memref<50512x32xf32, #tpu.memory_space<vmem_shared>>
      tpu.wait_indirect_dma semaphore(%arg12 : memref<!tpu.dma_semaphore, #tpu.memory_space<semaphore_mem>>) src(%dma_wait3A_209 : memref<128x32xf32, #tpu.memory_space<vmem>>) dst(%dma_wait3A_215 : memref<50512x32xf32, #tpu.memory_space<vmem_shared>>)
      %dma_wait3A_216 = arith.constant 4 : i32
      %dma_wait3A_217 = arith.constant 512 : i32
      %dma_wait3A_218 = arith.constant 0 : i32
      %dma_wait3A_219 = tpu.memref_slice %arg10[%dma_wait3A_217, %dma_wait3A_218] : memref<640x32xf32, #tpu.memory_space<vmem>> -> memref<128x32xf32, #tpu.memory_space<vmem>>
      %dma_wait3A_220 = arith.constant 0 : i32
      %dma_wait3A_221 = tpu.memref_slice %arg9[%dma_wait3A_216, %dma_wait3A_220] : memref<5x128xi32, #tpu.memory_space<vmem>> -> memref<1x128xi32, #tpu.memory_space<vmem>>
      %dma_wait3A_222 = tpu.memref_squeeze %dma_wait3A_221 : memref<1x128xi32, #tpu.memory_space<vmem>> -> memref<128xi32, #tpu.memory_space<vmem>>
      %dma_wait3A_223 = arith.constant 0 : i32
      %dma_wait3A_224 = arith.constant 0 : i32
      %dma_wait3A_225 = tpu.memref_slice %arg6[%dma_wait3A_223, %dma_wait3A_224] : memref<50512x32xf32, #tpu.memory_space<vmem_shared>> -> memref<50512x32xf32, #tpu.memory_space<vmem_shared>>
      tpu.wait_indirect_dma semaphore(%arg12 : memref<!tpu.dma_semaphore, #tpu.memory_space<semaphore_mem>>) src(%dma_wait3A_219 : memref<128x32xf32, #tpu.memory_space<vmem>>) dst(%dma_wait3A_225 : memref<50512x32xf32, #tpu.memory_space<vmem_shared>>)
      %scan3A_226 = arith.constant 0 : i32
      scf.yield %scan3A_226 : i32
    }
    %scan3A_14 = arith.constant 625 : i32
    %barrier3A_15 = arith.constant 0 : index
    tpu.barrier barrier_id(%barrier3A_15)
    "tpu.region"() ({
      %run_scoped3A = tpu.sem_alloc : memref<!tpu.dma_semaphore, #tpu.memory_space<semaphore_mem>>
      %dma_start3A = arith.constant 0 : i32
      %dma_start3A_16 = tpu.memref_slice %arg5[%add3A, %dma_start3A] : memref<100000x32xf32, #tpu.memory_space<hbm>> -> memref<3125x32xf32, #tpu.memory_space<hbm>>
      %dma_start3A_17 = arith.constant 0 : i32
      %dma_start3A_18 = tpu.memref_slice %arg6[%mul3A_4, %dma_start3A_17] : memref<50512x32xf32, #tpu.memory_space<vmem_shared>> -> memref<3125x32xf32, #tpu.memory_space<vmem_shared>>
      tpu.enqueue_dma source(%dma_start3A_18 : memref<3125x32xf32, #tpu.memory_space<vmem_shared>>) target(%dma_start3A_16 : memref<3125x32xf32, #tpu.memory_space<hbm>>) target_semaphore(%run_scoped3A : memref<!tpu.dma_semaphore, #tpu.memory_space<semaphore_mem>>)
      %dma_wait3A = arith.constant 0 : i32
      %dma_wait3A_19 = tpu.memref_slice %arg5[%add3A, %dma_wait3A] : memref<100000x32xf32, #tpu.memory_space<hbm>> -> memref<3125x32xf32, #tpu.memory_space<hbm>>
      %dma_wait3A_20 = arith.constant 0 : i32
      %dma_wait3A_21 = tpu.memref_slice %arg6[%mul3A_4, %dma_wait3A_20] : memref<50512x32xf32, #tpu.memory_space<vmem_shared>> -> memref<3125x32xf32, #tpu.memory_space<vmem_shared>>
      tpu.wait_dma2 semaphore(%run_scoped3A : memref<!tpu.dma_semaphore, #tpu.memory_space<semaphore_mem>>) src(%dma_wait3A_21 : memref<3125x32xf32, #tpu.memory_space<vmem_shared>>) dst(%dma_wait3A_19 : memref<3125x32xf32, #tpu.memory_space<hbm>>)
      tpu.yield
    }) : () -> ()
    return
  }
}

#map = affine_map<(d0, d1) -> (0, 0)>
module attributes {stable_mosaic.version = 14 : i64} {
  func.func @agg_kernel(%arg0: i32, %arg1: i32, %arg2: memref<100000x32xf32, #tpu.memory_space<hbm>>, %arg3: memref<50000x128xi32, #tpu.memory_space<hbm>>, %arg4: memref<50000x128xi32, #tpu.memory_space<hbm>>, %arg5: memref<100000x32xf32, #tpu.memory_space<hbm>>, %arg6: memref<50512x32xf32, #tpu.memory_space<vmem_shared>>, %arg7: memref<5x128xi32, #tpu.memory_space<vmem>>, %arg8: memref<5x128xi32, #tpu.memory_space<vmem>>, %arg9: memref<5x128xi32, #tpu.memory_space<vmem>>, %arg10: memref<640x32xf32, #tpu.memory_space<vmem>>, %arg11: memref<!tpu.dma_semaphore, #tpu.memory_space<semaphore_mem>>, %arg12: memref<!tpu.dma_semaphore, #tpu.memory_space<semaphore_mem>>) attributes {dimension_semantics = [#tpu.dimension_semantics<core_parallel>, #tpu.dimension_semantics<subcore_parallel>], iteration_bounds = array<i64: 2, 16>, scalar_prefetch = 0 : i64, scratch_operands = 7 : i64, tpu.core_type = #tpu.core_type<sc_vector_subcore>, window_params = [{transform_indices = #map}, {transform_indices = #map}, {transform_indices = #map}, {transform_indices = #map}]} {
    %mul3A = arith.constant 50000 : i32
    %mul3A_0 = arith.muli %arg0, %mul3A : i32
    %mul3A_1 = arith.constant 3125 : i32
    %mul3A_2 = arith.muli %arg1, %mul3A_1 : i32
    %add3A = arith.addi %mul3A_0, %mul3A_2 : i32
    %mul3A_3 = arith.constant 3125 : i32
    %mul3A_4 = arith.muli %arg1, %mul3A_3 : i32
    "tpu.region"() ({
      %run_scoped3A = tpu.sem_alloc : memref<!tpu.dma_semaphore, #tpu.memory_space<semaphore_mem>>
      %dma_start3A = arith.constant 0 : i32
      %dma_start3A_16 = tpu.memref_slice %arg6[%mul3A_4, %dma_start3A] : memref<50512x32xf32, #tpu.memory_space<vmem_shared>> -> memref<3125x32xf32, #tpu.memory_space<vmem_shared>>
      %dma_start3A_17 = arith.constant 0 : i32
      %dma_start3A_18 = tpu.memref_slice %arg2[%add3A, %dma_start3A_17] : memref<100000x32xf32, #tpu.memory_space<hbm>> -> memref<3125x32xf32, #tpu.memory_space<hbm>>
      tpu.enqueue_dma source(%dma_start3A_18 : memref<3125x32xf32, #tpu.memory_space<hbm>>) target(%dma_start3A_16 : memref<3125x32xf32, #tpu.memory_space<vmem_shared>>) target_semaphore(%run_scoped3A : memref<!tpu.dma_semaphore, #tpu.memory_space<semaphore_mem>>)
      %dma_wait3A = arith.constant 0 : i32
      %dma_wait3A_19 = tpu.memref_slice %arg6[%mul3A_4, %dma_wait3A] : memref<50512x32xf32, #tpu.memory_space<vmem_shared>> -> memref<3125x32xf32, #tpu.memory_space<vmem_shared>>
      %dma_wait3A_20 = arith.constant 0 : i32
      %dma_wait3A_21 = tpu.memref_slice %arg2[%add3A, %dma_wait3A_20] : memref<100000x32xf32, #tpu.memory_space<hbm>> -> memref<3125x32xf32, #tpu.memory_space<hbm>>
      tpu.wait_dma2 semaphore(%run_scoped3A : memref<!tpu.dma_semaphore, #tpu.memory_space<semaphore_mem>>) src(%dma_wait3A_21 : memref<3125x32xf32, #tpu.memory_space<hbm>>) dst(%dma_wait3A_19 : memref<3125x32xf32, #tpu.memory_space<vmem_shared>>)
      tpu.yield
    }) : () -> ()
    %barrier3A = arith.constant 0 : index
    tpu.barrier barrier_id(%barrier3A)
    %mul3A_5 = arith.constant 50000 : i32
    %mul3A_6 = arith.muli %arg0, %mul3A_5 : i32
    %iota3A = tpu.iota {dimensions = array<i32: 0>} : vector<16xi32>
    %mul3A_7 = arith.constant 3125 : i32
    %mul3A_8 = arith.muli %arg1, %mul3A_7 : i32
    %scan3A = arith.constant 0 : i32
    %scan3A_9 = arith.constant 0 : i32
    %scan3A_10 = arith.constant 625 : i32
    %scan3A_11 = arith.addi %scan3A_9, %scan3A_10 : i32
    %scan3A_12 = arith.constant 1 : i32
    %scan3A_13 = scf.for %scan3A_16 = %scan3A_9 to %scan3A_11 step %scan3A_12 iter_args(%scan3A_17 = %scan3A) -> (i32)  : i32 {
      %mul3A_18 = arith.constant 5 : i32
      %mul3A_19 = arith.muli %scan3A_16, %mul3A_18 : i32
      %add3A_20 = arith.addi %mul3A_8, %mul3A_19 : i32
      "tpu.region"() ({
        %run_scoped3A = tpu.sem_alloc : memref<!tpu.dma_semaphore, #tpu.memory_space<semaphore_mem>>
        %dma_start3A_227 = arith.constant 0 : i32
        %dma_start3A_228 = tpu.memref_slice %arg3[%add3A_20, %dma_start3A_227] : memref<50000x128xi32, #tpu.memory_space<hbm>> -> memref<5x128xi32, #tpu.memory_space<hbm>>
        %dma_start3A_229 = arith.constant 0 : i32
        %dma_start3A_230 = tpu.memref_slice %arg3[%add3A_20, %dma_start3A_229] : memref<50000x128xi32, #tpu.memory_space<hbm>> -> memref<5x128xi32, #tpu.memory_space<hbm>>
        tpu.enqueue_dma source(%dma_start3A_230 : memref<5x128xi32, #tpu.memory_space<hbm>>) target(%arg7 : memref<5x128xi32, #tpu.memory_space<vmem>>) target_semaphore(%run_scoped3A : memref<!tpu.dma_semaphore, #tpu.memory_space<semaphore_mem>>)
        %dma_wait3A_231 = arith.constant 0 : i32
        %dma_wait3A_232 = tpu.memref_slice %arg3[%add3A_20, %dma_wait3A_231] : memref<50000x128xi32, #tpu.memory_space<hbm>> -> memref<5x128xi32, #tpu.memory_space<hbm>>
        %dma_wait3A_233 = arith.constant 0 : i32
        %dma_wait3A_234 = tpu.memref_slice %arg3[%add3A_20, %dma_wait3A_233] : memref<50000x128xi32, #tpu.memory_space<hbm>> -> memref<5x128xi32, #tpu.memory_space<hbm>>
        tpu.wait_dma2 semaphore(%run_scoped3A : memref<!tpu.dma_semaphore, #tpu.memory_space<semaphore_mem>>) src(%dma_wait3A_234 : memref<5x128xi32, #tpu.memory_space<hbm>>) dst(%arg7 : memref<5x128xi32, #tpu.memory_space<vmem>>)
        tpu.yield
      }) : () -> ()
      "tpu.region"() ({
        %run_scoped3A = tpu.sem_alloc : memref<!tpu.dma_semaphore, #tpu.memory_space<semaphore_mem>>
        %dma_start3A_227 = arith.constant 0 : i32
        %dma_start3A_228 = tpu.memref_slice %arg4[%add3A_20, %dma_start3A_227] : memref<50000x128xi32, #tpu.memory_space<hbm>> -> memref<5x128xi32, #tpu.memory_space<hbm>>
        %dma_start3A_229 = arith.constant 0 : i32
        %dma_start3A_230 = tpu.memref_slice %arg4[%add3A_20, %dma_start3A_229] : memref<50000x128xi32, #tpu.memory_space<hbm>> -> memref<5x128xi32, #tpu.memory_space<hbm>>
        tpu.enqueue_dma source(%dma_start3A_230 : memref<5x128xi32, #tpu.memory_space<hbm>>) target(%arg8 : memref<5x128xi32, #tpu.memory_space<vmem>>) target_semaphore(%run_scoped3A : memref<!tpu.dma_semaphore, #tpu.memory_space<semaphore_mem>>)
        %dma_wait3A_231 = arith.constant 0 : i32
        %dma_wait3A_232 = tpu.memref_slice %arg4[%add3A_20, %dma_wait3A_231] : memref<50000x128xi32, #tpu.memory_space<hbm>> -> memref<5x128xi32, #tpu.memory_space<hbm>>
        %dma_wait3A_233 = arith.constant 0 : i32
        %dma_wait3A_234 = tpu.memref_slice %arg4[%add3A_20, %dma_wait3A_233] : memref<50000x128xi32, #tpu.memory_space<hbm>> -> memref<5x128xi32, #tpu.memory_space<hbm>>
        tpu.wait_dma2 semaphore(%run_scoped3A : memref<!tpu.dma_semaphore, #tpu.memory_space<semaphore_mem>>) src(%dma_wait3A_234 : memref<5x128xi32, #tpu.memory_space<hbm>>) dst(%arg8 : memref<5x128xi32, #tpu.memory_space<vmem>>)
        tpu.yield
      }) : () -> ()
      %dma_start3A = arith.constant 0 : i32
      %dma_start3A_21 = arith.constant 0 : i32
      %dma_start3A_22 = arith.constant 0 : i32
      %dma_start3A_23 = tpu.memref_slice %arg10[%dma_start3A_21, %dma_start3A_22] : memref<640x32xf32, #tpu.memory_space<vmem>> -> memref<128x32xf32, #tpu.memory_space<vmem>>
      %dma_start3A_24 = arith.constant 0 : i32
      %dma_start3A_25 = tpu.memref_slice %arg7[%dma_start3A, %dma_start3A_24] : memref<5x128xi32, #tpu.memory_space<vmem>> -> memref<1x128xi32, #tpu.memory_space<vmem>>
      %dma_start3A_26 = tpu.memref_squeeze %dma_start3A_25 : memref<1x128xi32, #tpu.memory_space<vmem>> -> memref<128xi32, #tpu.memory_space<vmem>>
      %dma_start3A_27 = arith.constant 0 : i32
      %dma_start3A_28 = arith.constant 0 : i32
      %dma_start3A_29 = tpu.memref_slice %arg2[%dma_start3A_27, %dma_start3A_28] : memref<100000x32xf32, #tpu.memory_space<hbm>> -> memref<100000x32xf32, #tpu.memory_space<hbm>>
      tpu.enqueue_indirect_dma source(%dma_start3A_29 : memref<100000x32xf32, #tpu.memory_space<hbm>>) target(%dma_start3A_23 : memref<128x32xf32, #tpu.memory_space<vmem>>) offsets(%dma_start3A_26 : memref<128xi32, #tpu.memory_space<vmem>>) semaphore(%arg11 : memref<!tpu.dma_semaphore, #tpu.memory_space<semaphore_mem>>)
      %dma_start3A_30 = arith.constant 1 : i32
      %dma_start3A_31 = arith.constant 128 : i32
      %dma_start3A_32 = arith.constant 0 : i32
      %dma_start3A_33 = tpu.memref_slice %arg10[%dma_start3A_31, %dma_start3A_32] : memref<640x32xf32, #tpu.memory_space<vmem>> -> memref<128x32xf32, #tpu.memory_space<vmem>>
      %dma_start3A_34 = arith.constant 0 : i32
      %dma_start3A_35 = tpu.memref_slice %arg7[%dma_start3A_30, %dma_start3A_34] : memref<5x128xi32, #tpu.memory_space<vmem>> -> memref<1x128xi32, #tpu.memory_space<vmem>>
      %dma_start3A_36 = tpu.memref_squeeze %dma_start3A_35 : memref<1x128xi32, #tpu.memory_space<vmem>> -> memref<128xi32, #tpu.memory_space<vmem>>
      %dma_start3A_37 = arith.constant 0 : i32
      %dma_start3A_38 = arith.constant 0 : i32
      %dma_start3A_39 = tpu.memref_slice %arg2[%dma_start3A_37, %dma_start3A_38] : memref<100000x32xf32, #tpu.memory_space<hbm>> -> memref<100000x32xf32, #tpu.memory_space<hbm>>
      tpu.enqueue_indirect_dma source(%dma_start3A_39 : memref<100000x32xf32, #tpu.memory_space<hbm>>) target(%dma_start3A_33 : memref<128x32xf32, #tpu.memory_space<vmem>>) offsets(%dma_start3A_36 : memref<128xi32, #tpu.memory_space<vmem>>) semaphore(%arg11 : memref<!tpu.dma_semaphore, #tpu.memory_space<semaphore_mem>>)
      %dma_start3A_40 = arith.constant 2 : i32
      %dma_start3A_41 = arith.constant 256 : i32
      %dma_start3A_42 = arith.constant 0 : i32
      %dma_start3A_43 = tpu.memref_slice %arg10[%dma_start3A_41, %dma_start3A_42] : memref<640x32xf32, #tpu.memory_space<vmem>> -> memref<128x32xf32, #tpu.memory_space<vmem>>
      %dma_start3A_44 = arith.constant 0 : i32
      %dma_start3A_45 = tpu.memref_slice %arg7[%dma_start3A_40, %dma_start3A_44] : memref<5x128xi32, #tpu.memory_space<vmem>> -> memref<1x128xi32, #tpu.memory_space<vmem>>
      %dma_start3A_46 = tpu.memref_squeeze %dma_start3A_45 : memref<1x128xi32, #tpu.memory_space<vmem>> -> memref<128xi32, #tpu.memory_space<vmem>>
      %dma_start3A_47 = arith.constant 0 : i32
      %dma_start3A_48 = arith.constant 0 : i32
      %dma_start3A_49 = tpu.memref_slice %arg2[%dma_start3A_47, %dma_start3A_48] : memref<100000x32xf32, #tpu.memory_space<hbm>> -> memref<100000x32xf32, #tpu.memory_space<hbm>>
      tpu.enqueue_indirect_dma source(%dma_start3A_49 : memref<100000x32xf32, #tpu.memory_space<hbm>>) target(%dma_start3A_43 : memref<128x32xf32, #tpu.memory_space<vmem>>) offsets(%dma_start3A_46 : memref<128xi32, #tpu.memory_space<vmem>>) semaphore(%arg11 : memref<!tpu.dma_semaphore, #tpu.memory_space<semaphore_mem>>)
      %dma_start3A_50 = arith.constant 3 : i32
      %dma_start3A_51 = arith.constant 384 : i32
      %dma_start3A_52 = arith.constant 0 : i32
      %dma_start3A_53 = tpu.memref_slice %arg10[%dma_start3A_51, %dma_start3A_52] : memref<640x32xf32, #tpu.memory_space<vmem>> -> memref<128x32xf32, #tpu.memory_space<vmem>>
      %dma_start3A_54 = arith.constant 0 : i32
      %dma_start3A_55 = tpu.memref_slice %arg7[%dma_start3A_50, %dma_start3A_54] : memref<5x128xi32, #tpu.memory_space<vmem>> -> memref<1x128xi32, #tpu.memory_space<vmem>>
      %dma_start3A_56 = tpu.memref_squeeze %dma_start3A_55 : memref<1x128xi32, #tpu.memory_space<vmem>> -> memref<128xi32, #tpu.memory_space<vmem>>
      %dma_start3A_57 = arith.constant 0 : i32
      %dma_start3A_58 = arith.constant 0 : i32
      %dma_start3A_59 = tpu.memref_slice %arg2[%dma_start3A_57, %dma_start3A_58] : memref<100000x32xf32, #tpu.memory_space<hbm>> -> memref<100000x32xf32, #tpu.memory_space<hbm>>
      tpu.enqueue_indirect_dma source(%dma_start3A_59 : memref<100000x32xf32, #tpu.memory_space<hbm>>) target(%dma_start3A_53 : memref<128x32xf32, #tpu.memory_space<vmem>>) offsets(%dma_start3A_56 : memref<128xi32, #tpu.memory_space<vmem>>) semaphore(%arg11 : memref<!tpu.dma_semaphore, #tpu.memory_space<semaphore_mem>>)
      %dma_start3A_60 = arith.constant 4 : i32
      %dma_start3A_61 = arith.constant 512 : i32
      %dma_start3A_62 = arith.constant 0 : i32
      %dma_start3A_63 = tpu.memref_slice %arg10[%dma_start3A_61, %dma_start3A_62] : memref<640x32xf32, #tpu.memory_space<vmem>> -> memref<128x32xf32, #tpu.memory_space<vmem>>
      %dma_start3A_64 = arith.constant 0 : i32
      %dma_start3A_65 = tpu.memref_slice %arg7[%dma_start3A_60, %dma_start3A_64] : memref<5x128xi32, #tpu.memory_space<vmem>> -> memref<1x128xi32, #tpu.memory_space<vmem>>
      %dma_start3A_66 = tpu.memref_squeeze %dma_start3A_65 : memref<1x128xi32, #tpu.memory_space<vmem>> -> memref<128xi32, #tpu.memory_space<vmem>>
      %dma_start3A_67 = arith.constant 0 : i32
      %dma_start3A_68 = arith.constant 0 : i32
      %dma_start3A_69 = tpu.memref_slice %arg2[%dma_start3A_67, %dma_start3A_68] : memref<100000x32xf32, #tpu.memory_space<hbm>> -> memref<100000x32xf32, #tpu.memory_space<hbm>>
      tpu.enqueue_indirect_dma source(%dma_start3A_69 : memref<100000x32xf32, #tpu.memory_space<hbm>>) target(%dma_start3A_63 : memref<128x32xf32, #tpu.memory_space<vmem>>) offsets(%dma_start3A_66 : memref<128xi32, #tpu.memory_space<vmem>>) semaphore(%arg11 : memref<!tpu.dma_semaphore, #tpu.memory_space<semaphore_mem>>)
      %scan3A_70 = arith.constant 0 : i32
      %scan3A_71 = arith.constant 0 : i32
      %scan3A_72 = arith.constant 40 : i32
      %scan3A_73 = arith.addi %scan3A_71, %scan3A_72 : i32
      %scan3A_74 = arith.constant 1 : i32
      %scan3A_75 = scf.for %scan3A_227 = %scan3A_71 to %scan3A_73 step %scan3A_74 iter_args(%scan3A_228 = %scan3A_70) -> (i32)  : i32 {
        %jit3A = arith.constant 8 : i32
        %div3A = arith.divsi %scan3A_227, %jit3A : i32
        %sign3A = arith.constant 0 : i32
        %sign3A_229 = arith.cmpi sgt, %scan3A_227, %sign3A : i32
        %sign3A_230 = arith.extui %sign3A_229 : i1 to i32
        %sign3A_231 = arith.constant 0 : i32
        %sign3A_232 = arith.cmpi slt, %scan3A_227, %sign3A_231 : i32
        %sign3A_233 = arith.extui %sign3A_232 : i1 to i32
        %sign3A_234 = arith.subi %sign3A_230, %sign3A_233 : i32
        %sign3A_235 = arith.constant 0 : i32
        %sign3A_236 = arith.cmpi sgt, %jit3A, %sign3A_235 : i32
        %sign3A_237 = arith.extui %sign3A_236 : i1 to i32
        %sign3A_238 = arith.constant 0 : i32
        %sign3A_239 = arith.cmpi slt, %jit3A, %sign3A_238 : i32
        %sign3A_240 = arith.extui %sign3A_239 : i1 to i32
        %sign3A_241 = arith.subi %sign3A_237, %sign3A_240 : i32
        %ne3A = arith.cmpi ne, %sign3A_234, %sign3A_241 : i32
        %rem3A = arith.remsi %scan3A_227, %jit3A : i32
        %ne3A_242 = arith.constant 0 : i32
        %ne3A_243 = arith.cmpi ne, %rem3A, %ne3A_242 : i32
        %and3A = arith.andi %ne3A, %ne3A_243 : i1
        %sub3A = arith.constant 1 : i32
        %sub3A_244 = arith.subi %div3A, %sub3A : i32
        %select_n3A = arith.select %and3A, %sub3A_244, %div3A : i32
        %rem3A_245 = arith.constant 8 : i32
        %rem3A_246 = arith.remsi %scan3A_227, %rem3A_245 : i32
        %mul3A_247 = arith.constant 16 : i32
        %mul3A_248 = arith.muli %rem3A_246, %mul3A_247 : i32
        %get3A = arith.index_cast %select_n3A : i32 to index
        %get3A_249 = arith.index_cast %mul3A_248 : i32 to index
        %get3A_250 = tpu.vector_load %arg8[%get3A, %get3A_249] {strides = array<i32>} : memref<5x128xi32, #tpu.memory_space<vmem>>, vector<1x16xi32>,
        %get3A_251 = vector.shape_cast %get3A_250 : vector<1x16xi32> to vector<16xi32>
        %sub3A_252 = vector.broadcast %mul3A_6 : i32 to vector<16xi32>
        %sub3A_253 = arith.subi %get3A_251, %sub3A_252 : vector<16xi32>
        %ge3A = arith.constant 0 : i32
        %ge3A_254 = vector.broadcast %ge3A : i32 to vector<16xi32>
        %ge3A_255 = arith.cmpi sge, %sub3A_253, %ge3A_254 : vector<16xi32>
        %lt3A = arith.constant 50000 : i32
        %lt3A_256 = vector.broadcast %lt3A : i32 to vector<16xi32>
        %lt3A_257 = arith.cmpi slt, %sub3A_253, %lt3A_256 : vector<16xi32>
        %and3A_258 = arith.andi %ge3A_255, %lt3A_257 : vector<16xi1>
        %mul3A_259 = arith.constant 16 : i32
        %mul3A_260 = arith.muli %scan3A_227, %mul3A_259 : i32
        %add3A_261 = vector.broadcast %mul3A_260 : i32 to vector<16xi32>
        %add3A_262 = arith.addi %iota3A, %add3A_261 : vector<16xi32>
        %and3A_263 = arith.constant 511 : i32
        %and3A_264 = vector.broadcast %and3A_263 : i32 to vector<16xi32>
        %and3A_265 = arith.andi %add3A_262, %and3A_264 : vector<16xi32>
        %add3A_266 = arith.constant 50000 : i32
        %add3A_267 = vector.broadcast %add3A_266 : i32 to vector<16xi32>
        %add3A_268 = arith.addi %add3A_267, %and3A_265 : vector<16xi32>
        %select_n3A_269 = arith.select %and3A_258, %sub3A_253, %add3A_268 : vector<16xi1>, vector<16xi32>
        %mul3A_270 = arith.constant 16 : i32
        %mul3A_271 = arith.muli %rem3A_246, %mul3A_270 : i32
        %swap3A = arith.index_cast %select_n3A : i32 to index
        %swap3A_272 = arith.index_cast %mul3A_271 : i32 to index
        %swap3A_273 = tpu.vector_load %arg9[%swap3A, %swap3A_272] {strides = array<i32>} : memref<5x128xi32, #tpu.memory_space<vmem>>, vector<1x16xi32>,
        %swap3A_274 = vector.shape_cast %swap3A_273 : vector<1x16xi32> to vector<16xi32>
        %swap3A_275 = vector.shape_cast %select_n3A_269 : vector<16xi32> to vector<1x16xi32>
        tpu.vector_store %arg9[%swap3A, %swap3A_272], %swap3A_275 {strides = array<i32>} : memref<5x128xi32, #tpu.memory_space<vmem>>, vector<1x16xi32>,
        %scan3A_276 = arith.constant 0 : i32
        scf.yield %scan3A_276 : i32
      }
      %scan3A_76 = arith.constant 40 : i32
      %dma_wait3A = arith.constant 0 : i32
      %dma_wait3A_77 = arith.constant 0 : i32
      %dma_wait3A_78 = arith.constant 0 : i32
      %dma_wait3A_79 = tpu.memref_slice %arg10[%dma_wait3A_77, %dma_wait3A_78] : memref<640x32xf32, #tpu.memory_space<vmem>> -> memref<128x32xf32, #tpu.memory_space<vmem>>
      %dma_wait3A_80 = arith.constant 0 : i32
      %dma_wait3A_81 = tpu.memref_slice %arg7[%dma_wait3A, %dma_wait3A_80] : memref<5x128xi32, #tpu.memory_space<vmem>> -> memref<1x128xi32, #tpu.memory_space<vmem>>
      %dma_wait3A_82 = tpu.memref_squeeze %dma_wait3A_81 : memref<1x128xi32, #tpu.memory_space<vmem>> -> memref<128xi32, #tpu.memory_space<vmem>>
      %dma_wait3A_83 = arith.constant 0 : i32
      %dma_wait3A_84 = arith.constant 0 : i32
      %dma_wait3A_85 = tpu.memref_slice %arg2[%dma_wait3A_83, %dma_wait3A_84] : memref<100000x32xf32, #tpu.memory_space<hbm>> -> memref<100000x32xf32, #tpu.memory_space<hbm>>
      tpu.wait_indirect_dma semaphore(%arg11 : memref<!tpu.dma_semaphore, #tpu.memory_space<semaphore_mem>>) src(%dma_wait3A_85 : memref<100000x32xf32, #tpu.memory_space<hbm>>) dst(%dma_wait3A_79 : memref<128x32xf32, #tpu.memory_space<vmem>>)
      %dma_wait3A_86 = arith.constant 1 : i32
      %dma_wait3A_87 = arith.constant 128 : i32
      %dma_wait3A_88 = arith.constant 0 : i32
      %dma_wait3A_89 = tpu.memref_slice %arg10[%dma_wait3A_87, %dma_wait3A_88] : memref<640x32xf32, #tpu.memory_space<vmem>> -> memref<128x32xf32, #tpu.memory_space<vmem>>
      %dma_wait3A_90 = arith.constant 0 : i32
      %dma_wait3A_91 = tpu.memref_slice %arg7[%dma_wait3A_86, %dma_wait3A_90] : memref<5x128xi32, #tpu.memory_space<vmem>> -> memref<1x128xi32, #tpu.memory_space<vmem>>
      %dma_wait3A_92 = tpu.memref_squeeze %dma_wait3A_91 : memref<1x128xi32, #tpu.memory_space<vmem>> -> memref<128xi32, #tpu.memory_space<vmem>>
      %dma_wait3A_93 = arith.constant 0 : i32
      %dma_wait3A_94 = arith.constant 0 : i32
      %dma_wait3A_95 = tpu.memref_slice %arg2[%dma_wait3A_93, %dma_wait3A_94] : memref<100000x32xf32, #tpu.memory_space<hbm>> -> memref<100000x32xf32, #tpu.memory_space<hbm>>
      tpu.wait_indirect_dma semaphore(%arg11 : memref<!tpu.dma_semaphore, #tpu.memory_space<semaphore_mem>>) src(%dma_wait3A_95 : memref<100000x32xf32, #tpu.memory_space<hbm>>) dst(%dma_wait3A_89 : memref<128x32xf32, #tpu.memory_space<vmem>>)
      %dma_wait3A_96 = arith.constant 2 : i32
      %dma_wait3A_97 = arith.constant 256 : i32
      %dma_wait3A_98 = arith.constant 0 : i32
      %dma_wait3A_99 = tpu.memref_slice %arg10[%dma_wait3A_97, %dma_wait3A_98] : memref<640x32xf32, #tpu.memory_space<vmem>> -> memref<128x32xf32, #tpu.memory_space<vmem>>
      %dma_wait3A_100 = arith.constant 0 : i32
      %dma_wait3A_101 = tpu.memref_slice %arg7[%dma_wait3A_96, %dma_wait3A_100] : memref<5x128xi32, #tpu.memory_space<vmem>> -> memref<1x128xi32, #tpu.memory_space<vmem>>
      %dma_wait3A_102 = tpu.memref_squeeze %dma_wait3A_101 : memref<1x128xi32, #tpu.memory_space<vmem>> -> memref<128xi32, #tpu.memory_space<vmem>>
      %dma_wait3A_103 = arith.constant 0 : i32
      %dma_wait3A_104 = arith.constant 0 : i32
      %dma_wait3A_105 = tpu.memref_slice %arg2[%dma_wait3A_103, %dma_wait3A_104] : memref<100000x32xf32, #tpu.memory_space<hbm>> -> memref<100000x32xf32, #tpu.memory_space<hbm>>
      tpu.wait_indirect_dma semaphore(%arg11 : memref<!tpu.dma_semaphore, #tpu.memory_space<semaphore_mem>>) src(%dma_wait3A_105 : memref<100000x32xf32, #tpu.memory_space<hbm>>) dst(%dma_wait3A_99 : memref<128x32xf32, #tpu.memory_space<vmem>>)
      %dma_wait3A_106 = arith.constant 3 : i32
      %dma_wait3A_107 = arith.constant 384 : i32
      %dma_wait3A_108 = arith.constant 0 : i32
      %dma_wait3A_109 = tpu.memref_slice %arg10[%dma_wait3A_107, %dma_wait3A_108] : memref<640x32xf32, #tpu.memory_space<vmem>> -> memref<128x32xf32, #tpu.memory_space<vmem>>
      %dma_wait3A_110 = arith.constant 0 : i32
      %dma_wait3A_111 = tpu.memref_slice %arg7[%dma_wait3A_106, %dma_wait3A_110] : memref<5x128xi32, #tpu.memory_space<vmem>> -> memref<1x128xi32, #tpu.memory_space<vmem>>
      %dma_wait3A_112 = tpu.memref_squeeze %dma_wait3A_111 : memref<1x128xi32, #tpu.memory_space<vmem>> -> memref<128xi32, #tpu.memory_space<vmem>>
      %dma_wait3A_113 = arith.constant 0 : i32
      %dma_wait3A_114 = arith.constant 0 : i32
      %dma_wait3A_115 = tpu.memref_slice %arg2[%dma_wait3A_113, %dma_wait3A_114] : memref<100000x32xf32, #tpu.memory_space<hbm>> -> memref<100000x32xf32, #tpu.memory_space<hbm>>
      tpu.wait_indirect_dma semaphore(%arg11 : memref<!tpu.dma_semaphore, #tpu.memory_space<semaphore_mem>>) src(%dma_wait3A_115 : memref<100000x32xf32, #tpu.memory_space<hbm>>) dst(%dma_wait3A_109 : memref<128x32xf32, #tpu.memory_space<vmem>>)
      %dma_wait3A_116 = arith.constant 4 : i32
      %dma_wait3A_117 = arith.constant 512 : i32
      %dma_wait3A_118 = arith.constant 0 : i32
      %dma_wait3A_119 = tpu.memref_slice %arg10[%dma_wait3A_117, %dma_wait3A_118] : memref<640x32xf32, #tpu.memory_space<vmem>> -> memref<128x32xf32, #tpu.memory_space<vmem>>
      %dma_wait3A_120 = arith.constant 0 : i32
      %dma_wait3A_121 = tpu.memref_slice %arg7[%dma_wait3A_116, %dma_wait3A_120] : memref<5x128xi32, #tpu.memory_space<vmem>> -> memref<1x128xi32, #tpu.memory_space<vmem>>
      %dma_wait3A_122 = tpu.memref_squeeze %dma_wait3A_121 : memref<1x128xi32, #tpu.memory_space<vmem>> -> memref<128xi32, #tpu.memory_space<vmem>>
      %dma_wait3A_123 = arith.constant 0 : i32
      %dma_wait3A_124 = arith.constant 0 : i32
      %dma_wait3A_125 = tpu.memref_slice %arg2[%dma_wait3A_123, %dma_wait3A_124] : memref<100000x32xf32, #tpu.memory_space<hbm>> -> memref<100000x32xf32, #tpu.memory_space<hbm>>
      tpu.wait_indirect_dma semaphore(%arg11 : memref<!tpu.dma_semaphore, #tpu.memory_space<semaphore_mem>>) src(%dma_wait3A_125 : memref<100000x32xf32, #tpu.memory_space<hbm>>) dst(%dma_wait3A_119 : memref<128x32xf32, #tpu.memory_space<vmem>>)
      %dma_start3A_126 = arith.constant 0 : i32
      %dma_start3A_127 = arith.constant 0 : i32
      %dma_start3A_128 = arith.constant 0 : i32
      %dma_start3A_129 = tpu.memref_slice %arg10[%dma_start3A_127, %dma_start3A_128] : memref<640x32xf32, #tpu.memory_space<vmem>> -> memref<128x32xf32, #tpu.memory_space<vmem>>
      %dma_start3A_130 = arith.constant 0 : i32
      %dma_start3A_131 = tpu.memref_slice %arg9[%dma_start3A_126, %dma_start3A_130] : memref<5x128xi32, #tpu.memory_space<vmem>> -> memref<1x128xi32, #tpu.memory_space<vmem>>
      %dma_start3A_132 = tpu.memref_squeeze %dma_start3A_131 : memref<1x128xi32, #tpu.memory_space<vmem>> -> memref<128xi32, #tpu.memory_space<vmem>>
      %dma_start3A_133 = arith.constant 0 : i32
      %dma_start3A_134 = arith.constant 0 : i32
      %dma_start3A_135 = tpu.memref_slice %arg6[%dma_start3A_133, %dma_start3A_134] : memref<50512x32xf32, #tpu.memory_space<vmem_shared>> -> memref<50512x32xf32, #tpu.memory_space<vmem_shared>>
      tpu.enqueue_indirect_dma source(%dma_start3A_129 : memref<128x32xf32, #tpu.memory_space<vmem>>) target(%dma_start3A_135 : memref<50512x32xf32, #tpu.memory_space<vmem_shared>>) offsets(%dma_start3A_132 : memref<128xi32, #tpu.memory_space<vmem>>) semaphore(%arg12 : memref<!tpu.dma_semaphore, #tpu.memory_space<semaphore_mem>>) {add = true}
      %dma_start3A_136 = arith.constant 1 : i32
      %dma_start3A_137 = arith.constant 128 : i32
      %dma_start3A_138 = arith.constant 0 : i32
      %dma_start3A_139 = tpu.memref_slice %arg10[%dma_start3A_137, %dma_start3A_138] : memref<640x32xf32, #tpu.memory_space<vmem>> -> memref<128x32xf32, #tpu.memory_space<vmem>>
      %dma_start3A_140 = arith.constant 0 : i32
      %dma_start3A_141 = tpu.memref_slice %arg9[%dma_start3A_136, %dma_start3A_140] : memref<5x128xi32, #tpu.memory_space<vmem>> -> memref<1x128xi32, #tpu.memory_space<vmem>>
      %dma_start3A_142 = tpu.memref_squeeze %dma_start3A_141 : memref<1x128xi32, #tpu.memory_space<vmem>> -> memref<128xi32, #tpu.memory_space<vmem>>
      %dma_start3A_143 = arith.constant 0 : i32
      %dma_start3A_144 = arith.constant 0 : i32
      %dma_start3A_145 = tpu.memref_slice %arg6[%dma_start3A_143, %dma_start3A_144] : memref<50512x32xf32, #tpu.memory_space<vmem_shared>> -> memref<50512x32xf32, #tpu.memory_space<vmem_shared>>
      tpu.enqueue_indirect_dma source(%dma_start3A_139 : memref<128x32xf32, #tpu.memory_space<vmem>>) target(%dma_start3A_145 : memref<50512x32xf32, #tpu.memory_space<vmem_shared>>) offsets(%dma_start3A_142 : memref<128xi32, #tpu.memory_space<vmem>>) semaphore(%arg12 : memref<!tpu.dma_semaphore, #tpu.memory_space<semaphore_mem>>) {add = true}
      %dma_start3A_146 = arith.constant 2 : i32
      %dma_start3A_147 = arith.constant 256 : i32
      %dma_start3A_148 = arith.constant 0 : i32
      %dma_start3A_149 = tpu.memref_slice %arg10[%dma_start3A_147, %dma_start3A_148] : memref<640x32xf32, #tpu.memory_space<vmem>> -> memref<128x32xf32, #tpu.memory_space<vmem>>
      %dma_start3A_150 = arith.constant 0 : i32
      %dma_start3A_151 = tpu.memref_slice %arg9[%dma_start3A_146, %dma_start3A_150] : memref<5x128xi32, #tpu.memory_space<vmem>> -> memref<1x128xi32, #tpu.memory_space<vmem>>
      %dma_start3A_152 = tpu.memref_squeeze %dma_start3A_151 : memref<1x128xi32, #tpu.memory_space<vmem>> -> memref<128xi32, #tpu.memory_space<vmem>>
      %dma_start3A_153 = arith.constant 0 : i32
      %dma_start3A_154 = arith.constant 0 : i32
      %dma_start3A_155 = tpu.memref_slice %arg6[%dma_start3A_153, %dma_start3A_154] : memref<50512x32xf32, #tpu.memory_space<vmem_shared>> -> memref<50512x32xf32, #tpu.memory_space<vmem_shared>>
      tpu.enqueue_indirect_dma source(%dma_start3A_149 : memref<128x32xf32, #tpu.memory_space<vmem>>) target(%dma_start3A_155 : memref<50512x32xf32, #tpu.memory_space<vmem_shared>>) offsets(%dma_start3A_152 : memref<128xi32, #tpu.memory_space<vmem>>) semaphore(%arg12 : memref<!tpu.dma_semaphore, #tpu.memory_space<semaphore_mem>>) {add = true}
      %dma_start3A_156 = arith.constant 3 : i32
      %dma_start3A_157 = arith.constant 384 : i32
      %dma_start3A_158 = arith.constant 0 : i32
      %dma_start3A_159 = tpu.memref_slice %arg10[%dma_start3A_157, %dma_start3A_158] : memref<640x32xf32, #tpu.memory_space<vmem>> -> memref<128x32xf32, #tpu.memory_space<vmem>>
      %dma_start3A_160 = arith.constant 0 : i32
      %dma_start3A_161 = tpu.memref_slice %arg9[%dma_start3A_156, %dma_start3A_160] : memref<5x128xi32, #tpu.memory_space<vmem>> -> memref<1x128xi32, #tpu.memory_space<vmem>>
      %dma_start3A_162 = tpu.memref_squeeze %dma_start3A_161 : memref<1x128xi32, #tpu.memory_space<vmem>> -> memref<128xi32, #tpu.memory_space<vmem>>
      %dma_start3A_163 = arith.constant 0 : i32
      %dma_start3A_164 = arith.constant 0 : i32
      %dma_start3A_165 = tpu.memref_slice %arg6[%dma_start3A_163, %dma_start3A_164] : memref<50512x32xf32, #tpu.memory_space<vmem_shared>> -> memref<50512x32xf32, #tpu.memory_space<vmem_shared>>
      tpu.enqueue_indirect_dma source(%dma_start3A_159 : memref<128x32xf32, #tpu.memory_space<vmem>>) target(%dma_start3A_165 : memref<50512x32xf32, #tpu.memory_space<vmem_shared>>) offsets(%dma_start3A_162 : memref<128xi32, #tpu.memory_space<vmem>>) semaphore(%arg12 : memref<!tpu.dma_semaphore, #tpu.memory_space<semaphore_mem>>) {add = true}
      %dma_start3A_166 = arith.constant 4 : i32
      %dma_start3A_167 = arith.constant 512 : i32
      %dma_start3A_168 = arith.constant 0 : i32
      %dma_start3A_169 = tpu.memref_slice %arg10[%dma_start3A_167, %dma_start3A_168] : memref<640x32xf32, #tpu.memory_space<vmem>> -> memref<128x32xf32, #tpu.memory_space<vmem>>
      %dma_start3A_170 = arith.constant 0 : i32
      %dma_start3A_171 = tpu.memref_slice %arg9[%dma_start3A_166, %dma_start3A_170] : memref<5x128xi32, #tpu.memory_space<vmem>> -> memref<1x128xi32, #tpu.memory_space<vmem>>
      %dma_start3A_172 = tpu.memref_squeeze %dma_start3A_171 : memref<1x128xi32, #tpu.memory_space<vmem>> -> memref<128xi32, #tpu.memory_space<vmem>>
      %dma_start3A_173 = arith.constant 0 : i32
      %dma_start3A_174 = arith.constant 0 : i32
      %dma_start3A_175 = tpu.memref_slice %arg6[%dma_start3A_173, %dma_start3A_174] : memref<50512x32xf32, #tpu.memory_space<vmem_shared>> -> memref<50512x32xf32, #tpu.memory_space<vmem_shared>>
      tpu.enqueue_indirect_dma source(%dma_start3A_169 : memref<128x32xf32, #tpu.memory_space<vmem>>) target(%dma_start3A_175 : memref<50512x32xf32, #tpu.memory_space<vmem_shared>>) offsets(%dma_start3A_172 : memref<128xi32, #tpu.memory_space<vmem>>) semaphore(%arg12 : memref<!tpu.dma_semaphore, #tpu.memory_space<semaphore_mem>>) {add = true}
      %dma_wait3A_176 = arith.constant 0 : i32
      %dma_wait3A_177 = arith.constant 0 : i32
      %dma_wait3A_178 = arith.constant 0 : i32
      %dma_wait3A_179 = tpu.memref_slice %arg10[%dma_wait3A_177, %dma_wait3A_178] : memref<640x32xf32, #tpu.memory_space<vmem>> -> memref<128x32xf32, #tpu.memory_space<vmem>>
      %dma_wait3A_180 = arith.constant 0 : i32
      %dma_wait3A_181 = tpu.memref_slice %arg9[%dma_wait3A_176, %dma_wait3A_180] : memref<5x128xi32, #tpu.memory_space<vmem>> -> memref<1x128xi32, #tpu.memory_space<vmem>>
      %dma_wait3A_182 = tpu.memref_squeeze %dma_wait3A_181 : memref<1x128xi32, #tpu.memory_space<vmem>> -> memref<128xi32, #tpu.memory_space<vmem>>
      %dma_wait3A_183 = arith.constant 0 : i32
      %dma_wait3A_184 = arith.constant 0 : i32
      %dma_wait3A_185 = tpu.memref_slice %arg6[%dma_wait3A_183, %dma_wait3A_184] : memref<50512x32xf32, #tpu.memory_space<vmem_shared>> -> memref<50512x32xf32, #tpu.memory_space<vmem_shared>>
      tpu.wait_indirect_dma semaphore(%arg12 : memref<!tpu.dma_semaphore, #tpu.memory_space<semaphore_mem>>) src(%dma_wait3A_179 : memref<128x32xf32, #tpu.memory_space<vmem>>) dst(%dma_wait3A_185 : memref<50512x32xf32, #tpu.memory_space<vmem_shared>>)
      %dma_wait3A_186 = arith.constant 1 : i32
      %dma_wait3A_187 = arith.constant 128 : i32
      %dma_wait3A_188 = arith.constant 0 : i32
      %dma_wait3A_189 = tpu.memref_slice %arg10[%dma_wait3A_187, %dma_wait3A_188] : memref<640x32xf32, #tpu.memory_space<vmem>> -> memref<128x32xf32, #tpu.memory_space<vmem>>
      %dma_wait3A_190 = arith.constant 0 : i32
      %dma_wait3A_191 = tpu.memref_slice %arg9[%dma_wait3A_186, %dma_wait3A_190] : memref<5x128xi32, #tpu.memory_space<vmem>> -> memref<1x128xi32, #tpu.memory_space<vmem>>
      %dma_wait3A_192 = tpu.memref_squeeze %dma_wait3A_191 : memref<1x128xi32, #tpu.memory_space<vmem>> -> memref<128xi32, #tpu.memory_space<vmem>>
      %dma_wait3A_193 = arith.constant 0 : i32
      %dma_wait3A_194 = arith.constant 0 : i32
      %dma_wait3A_195 = tpu.memref_slice %arg6[%dma_wait3A_193, %dma_wait3A_194] : memref<50512x32xf32, #tpu.memory_space<vmem_shared>> -> memref<50512x32xf32, #tpu.memory_space<vmem_shared>>
      tpu.wait_indirect_dma semaphore(%arg12 : memref<!tpu.dma_semaphore, #tpu.memory_space<semaphore_mem>>) src(%dma_wait3A_189 : memref<128x32xf32, #tpu.memory_space<vmem>>) dst(%dma_wait3A_195 : memref<50512x32xf32, #tpu.memory_space<vmem_shared>>)
      %dma_wait3A_196 = arith.constant 2 : i32
      %dma_wait3A_197 = arith.constant 256 : i32
      %dma_wait3A_198 = arith.constant 0 : i32
      %dma_wait3A_199 = tpu.memref_slice %arg10[%dma_wait3A_197, %dma_wait3A_198] : memref<640x32xf32, #tpu.memory_space<vmem>> -> memref<128x32xf32, #tpu.memory_space<vmem>>
      %dma_wait3A_200 = arith.constant 0 : i32
      %dma_wait3A_201 = tpu.memref_slice %arg9[%dma_wait3A_196, %dma_wait3A_200] : memref<5x128xi32, #tpu.memory_space<vmem>> -> memref<1x128xi32, #tpu.memory_space<vmem>>
      %dma_wait3A_202 = tpu.memref_squeeze %dma_wait3A_201 : memref<1x128xi32, #tpu.memory_space<vmem>> -> memref<128xi32, #tpu.memory_space<vmem>>
      %dma_wait3A_203 = arith.constant 0 : i32
      %dma_wait3A_204 = arith.constant 0 : i32
      %dma_wait3A_205 = tpu.memref_slice %arg6[%dma_wait3A_203, %dma_wait3A_204] : memref<50512x32xf32, #tpu.memory_space<vmem_shared>> -> memref<50512x32xf32, #tpu.memory_space<vmem_shared>>
      tpu.wait_indirect_dma semaphore(%arg12 : memref<!tpu.dma_semaphore, #tpu.memory_space<semaphore_mem>>) src(%dma_wait3A_199 : memref<128x32xf32, #tpu.memory_space<vmem>>) dst(%dma_wait3A_205 : memref<50512x32xf32, #tpu.memory_space<vmem_shared>>)
      %dma_wait3A_206 = arith.constant 3 : i32
      %dma_wait3A_207 = arith.constant 384 : i32
      %dma_wait3A_208 = arith.constant 0 : i32
      %dma_wait3A_209 = tpu.memref_slice %arg10[%dma_wait3A_207, %dma_wait3A_208] : memref<640x32xf32, #tpu.memory_space<vmem>> -> memref<128x32xf32, #tpu.memory_space<vmem>>
      %dma_wait3A_210 = arith.constant 0 : i32
      %dma_wait3A_211 = tpu.memref_slice %arg9[%dma_wait3A_206, %dma_wait3A_210] : memref<5x128xi32, #tpu.memory_space<vmem>> -> memref<1x128xi32, #tpu.memory_space<vmem>>
      %dma_wait3A_212 = tpu.memref_squeeze %dma_wait3A_211 : memref<1x128xi32, #tpu.memory_space<vmem>> -> memref<128xi32, #tpu.memory_space<vmem>>
      %dma_wait3A_213 = arith.constant 0 : i32
      %dma_wait3A_214 = arith.constant 0 : i32
      %dma_wait3A_215 = tpu.memref_slice %arg6[%dma_wait3A_213, %dma_wait3A_214] : memref<50512x32xf32, #tpu.memory_space<vmem_shared>> -> memref<50512x32xf32, #tpu.memory_space<vmem_shared>>
      tpu.wait_indirect_dma semaphore(%arg12 : memref<!tpu.dma_semaphore, #tpu.memory_space<semaphore_mem>>) src(%dma_wait3A_209 : memref<128x32xf32, #tpu.memory_space<vmem>>) dst(%dma_wait3A_215 : memref<50512x32xf32, #tpu.memory_space<vmem_shared>>)
      %dma_wait3A_216 = arith.constant 4 : i32
      %dma_wait3A_217 = arith.constant 512 : i32
      %dma_wait3A_218 = arith.constant 0 : i32
      %dma_wait3A_219 = tpu.memref_slice %arg10[%dma_wait3A_217, %dma_wait3A_218] : memref<640x32xf32, #tpu.memory_space<vmem>> -> memref<128x32xf32, #tpu.memory_space<vmem>>
      %dma_wait3A_220 = arith.constant 0 : i32
      %dma_wait3A_221 = tpu.memref_slice %arg9[%dma_wait3A_216, %dma_wait3A_220] : memref<5x128xi32, #tpu.memory_space<vmem>> -> memref<1x128xi32, #tpu.memory_space<vmem>>
      %dma_wait3A_222 = tpu.memref_squeeze %dma_wait3A_221 : memref<1x128xi32, #tpu.memory_space<vmem>> -> memref<128xi32, #tpu.memory_space<vmem>>
      %dma_wait3A_223 = arith.constant 0 : i32
      %dma_wait3A_224 = arith.constant 0 : i32
      %dma_wait3A_225 = tpu.memref_slice %arg6[%dma_wait3A_223, %dma_wait3A_224] : memref<50512x32xf32, #tpu.memory_space<vmem_shared>> -> memref<50512x32xf32, #tpu.memory_space<vmem_shared>>
      tpu.wait_indirect_dma semaphore(%arg12 : memref<!tpu.dma_semaphore, #tpu.memory_space<semaphore_mem>>) src(%dma_wait3A_219 : memref<128x32xf32, #tpu.memory_space<vmem>>) dst(%dma_wait3A_225 : memref<50512x32xf32, #tpu.memory_space<vmem_shared>>)
      %scan3A_226 = arith.constant 0 : i32
      scf.yield %scan3A_226 : i32
    }
    %scan3A_14 = arith.constant 625 : i32
    %barrier3A_15 = arith.constant 0 : index
    tpu.barrier barrier_id(%barrier3A_15)
    "tpu.region"() ({
      %run_scoped3A = tpu.sem_alloc : memref<!tpu.dma_semaphore, #tpu.memory_space<semaphore_mem>>
      %dma_start3A = arith.constant 0 : i32
      %dma_start3A_16 = tpu.memref_slice %arg5[%add3A, %dma_start3A] : memref<100000x32xf32, #tpu.memory_space<hbm>> -> memref<3125x32xf32, #tpu.memory_space<hbm>>
      %dma_start3A_17 = arith.constant 0 : i32
      %dma_start3A_18 = tpu.memref_slice %arg6[%mul3A_4, %dma_start3A_17] : memref<50512x32xf32, #tpu.memory_space<vmem_shared>> -> memref<3125x32xf32, #tpu.memory_space<vmem_shared>>
      tpu.enqueue_dma source(%dma_start3A_18 : memref<3125x32xf32, #tpu.memory_space<vmem_shared>>) target(%dma_start3A_16 : memref<3125x32xf32, #tpu.memory_space<hbm>>) target_semaphore(%run_scoped3A : memref<!tpu.dma_semaphore, #tpu.memory_space<semaphore_mem>>)
      %dma_wait3A = arith.constant 0 : i32
      %dma_wait3A_19 = tpu.memref_slice %arg5[%add3A, %dma_wait3A] : memref<100000x32xf32, #tpu.memory_space<hbm>> -> memref<3125x32xf32, #tpu.memory_space<hbm>>
      %dma_wait3A_20 = arith.constant 0 : i32
      %dma_wait3A_21 = tpu.memref_slice %arg6[%mul3A_4, %dma_wait3A_20] : memref<50512x32xf32, #tpu.memory_space<vmem_shared>> -> memref<3125x32xf32, #tpu.memory_space<vmem_shared>>
      tpu.wait_dma2 semaphore(%run_scoped3A : memref<!tpu.dma_semaphore, #tpu.memory_space<semaphore_mem>>) src(%dma_wait3A_21 : memref<3125x32xf32, #tpu.memory_space<vmem_shared>>) dst(%dma_wait3A_19 : memref<3125x32xf32, #tpu.memory_space<hbm>>)
      tpu.yield
    }) : () -> ()
    return
  }
}

#map = affine_map<(d0, d1) -> (0, 0)>
module attributes {stable_mosaic.version = 14 : i64} {
  func.func @agg_kernel(%arg0: i32, %arg1: i32, %arg2: memref<100000x32xf32, #tpu.memory_space<hbm>>, %arg3: memref<50000x128xi32, #tpu.memory_space<hbm>>, %arg4: memref<50000x128xi32, #tpu.memory_space<hbm>>, %arg5: memref<100000x32xf32, #tpu.memory_space<hbm>>, %arg6: memref<50512x32xf32, #tpu.memory_space<vmem_shared>>, %arg7: memref<5x128xi32, #tpu.memory_space<vmem>>, %arg8: memref<5x128xi32, #tpu.memory_space<vmem>>, %arg9: memref<5x128xi32, #tpu.memory_space<vmem>>, %arg10: memref<640x32xf32, #tpu.memory_space<vmem>>, %arg11: memref<!tpu.dma_semaphore, #tpu.memory_space<semaphore_mem>>, %arg12: memref<!tpu.dma_semaphore, #tpu.memory_space<semaphore_mem>>) attributes {dimension_semantics = [#tpu.dimension_semantics<core_parallel>, #tpu.dimension_semantics<subcore_parallel>], iteration_bounds = array<i64: 2, 16>, scalar_prefetch = 0 : i64, scratch_operands = 7 : i64, tpu.core_type = #tpu.core_type<sc_vector_subcore>, window_params = [{transform_indices = #map}, {transform_indices = #map}, {transform_indices = #map}, {transform_indices = #map}]} {
    %mul3A = arith.constant 50000 : i32
    %mul3A_0 = arith.muli %arg0, %mul3A : i32
    %mul3A_1 = arith.constant 3125 : i32
    %mul3A_2 = arith.muli %arg1, %mul3A_1 : i32
    %add3A = arith.addi %mul3A_0, %mul3A_2 : i32
    %mul3A_3 = arith.constant 3125 : i32
    %mul3A_4 = arith.muli %arg1, %mul3A_3 : i32
    "tpu.region"() ({
      %run_scoped3A = tpu.sem_alloc : memref<!tpu.dma_semaphore, #tpu.memory_space<semaphore_mem>>
      %dma_start3A = arith.constant 0 : i32
      %dma_start3A_16 = tpu.memref_slice %arg6[%mul3A_4, %dma_start3A] : memref<50512x32xf32, #tpu.memory_space<vmem_shared>> -> memref<3125x32xf32, #tpu.memory_space<vmem_shared>>
      %dma_start3A_17 = arith.constant 0 : i32
      %dma_start3A_18 = tpu.memref_slice %arg2[%add3A, %dma_start3A_17] : memref<100000x32xf32, #tpu.memory_space<hbm>> -> memref<3125x32xf32, #tpu.memory_space<hbm>>
      tpu.enqueue_dma source(%dma_start3A_18 : memref<3125x32xf32, #tpu.memory_space<hbm>>) target(%dma_start3A_16 : memref<3125x32xf32, #tpu.memory_space<vmem_shared>>) target_semaphore(%run_scoped3A : memref<!tpu.dma_semaphore, #tpu.memory_space<semaphore_mem>>)
      %dma_wait3A = arith.constant 0 : i32
      %dma_wait3A_19 = tpu.memref_slice %arg6[%mul3A_4, %dma_wait3A] : memref<50512x32xf32, #tpu.memory_space<vmem_shared>> -> memref<3125x32xf32, #tpu.memory_space<vmem_shared>>
      %dma_wait3A_20 = arith.constant 0 : i32
      %dma_wait3A_21 = tpu.memref_slice %arg2[%add3A, %dma_wait3A_20] : memref<100000x32xf32, #tpu.memory_space<hbm>> -> memref<3125x32xf32, #tpu.memory_space<hbm>>
      tpu.wait_dma2 semaphore(%run_scoped3A : memref<!tpu.dma_semaphore, #tpu.memory_space<semaphore_mem>>) src(%dma_wait3A_21 : memref<3125x32xf32, #tpu.memory_space<hbm>>) dst(%dma_wait3A_19 : memref<3125x32xf32, #tpu.memory_space<vmem_shared>>)
      tpu.yield
    }) : () -> ()
    %barrier3A = arith.constant 0 : index
    tpu.barrier barrier_id(%barrier3A)
    %mul3A_5 = arith.constant 50000 : i32
    %mul3A_6 = arith.muli %arg0, %mul3A_5 : i32
    %iota3A = tpu.iota {dimensions = array<i32: 0>} : vector<16xi32>
    %mul3A_7 = arith.constant 3125 : i32
    %mul3A_8 = arith.muli %arg1, %mul3A_7 : i32
    %scan3A = arith.constant 0 : i32
    %scan3A_9 = arith.constant 0 : i32
    %scan3A_10 = arith.constant 625 : i32
    %scan3A_11 = arith.addi %scan3A_9, %scan3A_10 : i32
    %scan3A_12 = arith.constant 1 : i32
    %scan3A_13 = scf.for %scan3A_16 = %scan3A_9 to %scan3A_11 step %scan3A_12 iter_args(%scan3A_17 = %scan3A) -> (i32)  : i32 {
      %mul3A_18 = arith.constant 5 : i32
      %mul3A_19 = arith.muli %scan3A_16, %mul3A_18 : i32
      %add3A_20 = arith.addi %mul3A_8, %mul3A_19 : i32
      "tpu.region"() ({
        %run_scoped3A = tpu.sem_alloc : memref<!tpu.dma_semaphore, #tpu.memory_space<semaphore_mem>>
        %dma_start3A_227 = arith.constant 0 : i32
        %dma_start3A_228 = tpu.memref_slice %arg3[%add3A_20, %dma_start3A_227] : memref<50000x128xi32, #tpu.memory_space<hbm>> -> memref<5x128xi32, #tpu.memory_space<hbm>>
        %dma_start3A_229 = arith.constant 0 : i32
        %dma_start3A_230 = tpu.memref_slice %arg3[%add3A_20, %dma_start3A_229] : memref<50000x128xi32, #tpu.memory_space<hbm>> -> memref<5x128xi32, #tpu.memory_space<hbm>>
        tpu.enqueue_dma source(%dma_start3A_230 : memref<5x128xi32, #tpu.memory_space<hbm>>) target(%arg7 : memref<5x128xi32, #tpu.memory_space<vmem>>) target_semaphore(%run_scoped3A : memref<!tpu.dma_semaphore, #tpu.memory_space<semaphore_mem>>)
        %dma_wait3A_231 = arith.constant 0 : i32
        %dma_wait3A_232 = tpu.memref_slice %arg3[%add3A_20, %dma_wait3A_231] : memref<50000x128xi32, #tpu.memory_space<hbm>> -> memref<5x128xi32, #tpu.memory_space<hbm>>
        %dma_wait3A_233 = arith.constant 0 : i32
        %dma_wait3A_234 = tpu.memref_slice %arg3[%add3A_20, %dma_wait3A_233] : memref<50000x128xi32, #tpu.memory_space<hbm>> -> memref<5x128xi32, #tpu.memory_space<hbm>>
        tpu.wait_dma2 semaphore(%run_scoped3A : memref<!tpu.dma_semaphore, #tpu.memory_space<semaphore_mem>>) src(%dma_wait3A_234 : memref<5x128xi32, #tpu.memory_space<hbm>>) dst(%arg7 : memref<5x128xi32, #tpu.memory_space<vmem>>)
        tpu.yield
      }) : () -> ()
      "tpu.region"() ({
        %run_scoped3A = tpu.sem_alloc : memref<!tpu.dma_semaphore, #tpu.memory_space<semaphore_mem>>
        %dma_start3A_227 = arith.constant 0 : i32
        %dma_start3A_228 = tpu.memref_slice %arg4[%add3A_20, %dma_start3A_227] : memref<50000x128xi32, #tpu.memory_space<hbm>> -> memref<5x128xi32, #tpu.memory_space<hbm>>
        %dma_start3A_229 = arith.constant 0 : i32
        %dma_start3A_230 = tpu.memref_slice %arg4[%add3A_20, %dma_start3A_229] : memref<50000x128xi32, #tpu.memory_space<hbm>> -> memref<5x128xi32, #tpu.memory_space<hbm>>
        tpu.enqueue_dma source(%dma_start3A_230 : memref<5x128xi32, #tpu.memory_space<hbm>>) target(%arg8 : memref<5x128xi32, #tpu.memory_space<vmem>>) target_semaphore(%run_scoped3A : memref<!tpu.dma_semaphore, #tpu.memory_space<semaphore_mem>>)
        %dma_wait3A_231 = arith.constant 0 : i32
        %dma_wait3A_232 = tpu.memref_slice %arg4[%add3A_20, %dma_wait3A_231] : memref<50000x128xi32, #tpu.memory_space<hbm>> -> memref<5x128xi32, #tpu.memory_space<hbm>>
        %dma_wait3A_233 = arith.constant 0 : i32
        %dma_wait3A_234 = tpu.memref_slice %arg4[%add3A_20, %dma_wait3A_233] : memref<50000x128xi32, #tpu.memory_space<hbm>> -> memref<5x128xi32, #tpu.memory_space<hbm>>
        tpu.wait_dma2 semaphore(%run_scoped3A : memref<!tpu.dma_semaphore, #tpu.memory_space<semaphore_mem>>) src(%dma_wait3A_234 : memref<5x128xi32, #tpu.memory_space<hbm>>) dst(%arg8 : memref<5x128xi32, #tpu.memory_space<vmem>>)
        tpu.yield
      }) : () -> ()
      %dma_start3A = arith.constant 0 : i32
      %dma_start3A_21 = arith.constant 0 : i32
      %dma_start3A_22 = arith.constant 0 : i32
      %dma_start3A_23 = tpu.memref_slice %arg10[%dma_start3A_21, %dma_start3A_22] : memref<640x32xf32, #tpu.memory_space<vmem>> -> memref<128x32xf32, #tpu.memory_space<vmem>>
      %dma_start3A_24 = arith.constant 0 : i32
      %dma_start3A_25 = tpu.memref_slice %arg7[%dma_start3A, %dma_start3A_24] : memref<5x128xi32, #tpu.memory_space<vmem>> -> memref<1x128xi32, #tpu.memory_space<vmem>>
      %dma_start3A_26 = tpu.memref_squeeze %dma_start3A_25 : memref<1x128xi32, #tpu.memory_space<vmem>> -> memref<128xi32, #tpu.memory_space<vmem>>
      %dma_start3A_27 = arith.constant 0 : i32
      %dma_start3A_28 = arith.constant 0 : i32
      %dma_start3A_29 = tpu.memref_slice %arg2[%dma_start3A_27, %dma_start3A_28] : memref<100000x32xf32, #tpu.memory_space<hbm>> -> memref<100000x32xf32, #tpu.memory_space<hbm>>
      tpu.enqueue_indirect_dma source(%dma_start3A_29 : memref<100000x32xf32, #tpu.memory_space<hbm>>) target(%dma_start3A_23 : memref<128x32xf32, #tpu.memory_space<vmem>>) offsets(%dma_start3A_26 : memref<128xi32, #tpu.memory_space<vmem>>) semaphore(%arg11 : memref<!tpu.dma_semaphore, #tpu.memory_space<semaphore_mem>>)
      %dma_start3A_30 = arith.constant 1 : i32
      %dma_start3A_31 = arith.constant 128 : i32
      %dma_start3A_32 = arith.constant 0 : i32
      %dma_start3A_33 = tpu.memref_slice %arg10[%dma_start3A_31, %dma_start3A_32] : memref<640x32xf32, #tpu.memory_space<vmem>> -> memref<128x32xf32, #tpu.memory_space<vmem>>
      %dma_start3A_34 = arith.constant 0 : i32
      %dma_start3A_35 = tpu.memref_slice %arg7[%dma_start3A_30, %dma_start3A_34] : memref<5x128xi32, #tpu.memory_space<vmem>> -> memref<1x128xi32, #tpu.memory_space<vmem>>
      %dma_start3A_36 = tpu.memref_squeeze %dma_start3A_35 : memref<1x128xi32, #tpu.memory_space<vmem>> -> memref<128xi32, #tpu.memory_space<vmem>>
      %dma_start3A_37 = arith.constant 0 : i32
      %dma_start3A_38 = arith.constant 0 : i32
      %dma_start3A_39 = tpu.memref_slice %arg2[%dma_start3A_37, %dma_start3A_38] : memref<100000x32xf32, #tpu.memory_space<hbm>> -> memref<100000x32xf32, #tpu.memory_space<hbm>>
      tpu.enqueue_indirect_dma source(%dma_start3A_39 : memref<100000x32xf32, #tpu.memory_space<hbm>>) target(%dma_start3A_33 : memref<128x32xf32, #tpu.memory_space<vmem>>) offsets(%dma_start3A_36 : memref<128xi32, #tpu.memory_space<vmem>>) semaphore(%arg11 : memref<!tpu.dma_semaphore, #tpu.memory_space<semaphore_mem>>)
      %dma_start3A_40 = arith.constant 2 : i32
      %dma_start3A_41 = arith.constant 256 : i32
      %dma_start3A_42 = arith.constant 0 : i32
      %dma_start3A_43 = tpu.memref_slice %arg10[%dma_start3A_41, %dma_start3A_42] : memref<640x32xf32, #tpu.memory_space<vmem>> -> memref<128x32xf32, #tpu.memory_space<vmem>>
      %dma_start3A_44 = arith.constant 0 : i32
      %dma_start3A_45 = tpu.memref_slice %arg7[%dma_start3A_40, %dma_start3A_44] : memref<5x128xi32, #tpu.memory_space<vmem>> -> memref<1x128xi32, #tpu.memory_space<vmem>>
      %dma_start3A_46 = tpu.memref_squeeze %dma_start3A_45 : memref<1x128xi32, #tpu.memory_space<vmem>> -> memref<128xi32, #tpu.memory_space<vmem>>
      %dma_start3A_47 = arith.constant 0 : i32
      %dma_start3A_48 = arith.constant 0 : i32
      %dma_start3A_49 = tpu.memref_slice %arg2[%dma_start3A_47, %dma_start3A_48] : memref<100000x32xf32, #tpu.memory_space<hbm>> -> memref<100000x32xf32, #tpu.memory_space<hbm>>
      tpu.enqueue_indirect_dma source(%dma_start3A_49 : memref<100000x32xf32, #tpu.memory_space<hbm>>) target(%dma_start3A_43 : memref<128x32xf32, #tpu.memory_space<vmem>>) offsets(%dma_start3A_46 : memref<128xi32, #tpu.memory_space<vmem>>) semaphore(%arg11 : memref<!tpu.dma_semaphore, #tpu.memory_space<semaphore_mem>>)
      %dma_start3A_50 = arith.constant 3 : i32
      %dma_start3A_51 = arith.constant 384 : i32
      %dma_start3A_52 = arith.constant 0 : i32
      %dma_start3A_53 = tpu.memref_slice %arg10[%dma_start3A_51, %dma_start3A_52] : memref<640x32xf32, #tpu.memory_space<vmem>> -> memref<128x32xf32, #tpu.memory_space<vmem>>
      %dma_start3A_54 = arith.constant 0 : i32
      %dma_start3A_55 = tpu.memref_slice %arg7[%dma_start3A_50, %dma_start3A_54] : memref<5x128xi32, #tpu.memory_space<vmem>> -> memref<1x128xi32, #tpu.memory_space<vmem>>
      %dma_start3A_56 = tpu.memref_squeeze %dma_start3A_55 : memref<1x128xi32, #tpu.memory_space<vmem>> -> memref<128xi32, #tpu.memory_space<vmem>>
      %dma_start3A_57 = arith.constant 0 : i32
      %dma_start3A_58 = arith.constant 0 : i32
      %dma_start3A_59 = tpu.memref_slice %arg2[%dma_start3A_57, %dma_start3A_58] : memref<100000x32xf32, #tpu.memory_space<hbm>> -> memref<100000x32xf32, #tpu.memory_space<hbm>>
      tpu.enqueue_indirect_dma source(%dma_start3A_59 : memref<100000x32xf32, #tpu.memory_space<hbm>>) target(%dma_start3A_53 : memref<128x32xf32, #tpu.memory_space<vmem>>) offsets(%dma_start3A_56 : memref<128xi32, #tpu.memory_space<vmem>>) semaphore(%arg11 : memref<!tpu.dma_semaphore, #tpu.memory_space<semaphore_mem>>)
      %dma_start3A_60 = arith.constant 4 : i32
      %dma_start3A_61 = arith.constant 512 : i32
      %dma_start3A_62 = arith.constant 0 : i32
      %dma_start3A_63 = tpu.memref_slice %arg10[%dma_start3A_61, %dma_start3A_62] : memref<640x32xf32, #tpu.memory_space<vmem>> -> memref<128x32xf32, #tpu.memory_space<vmem>>
      %dma_start3A_64 = arith.constant 0 : i32
      %dma_start3A_65 = tpu.memref_slice %arg7[%dma_start3A_60, %dma_start3A_64] : memref<5x128xi32, #tpu.memory_space<vmem>> -> memref<1x128xi32, #tpu.memory_space<vmem>>
      %dma_start3A_66 = tpu.memref_squeeze %dma_start3A_65 : memref<1x128xi32, #tpu.memory_space<vmem>> -> memref<128xi32, #tpu.memory_space<vmem>>
      %dma_start3A_67 = arith.constant 0 : i32
      %dma_start3A_68 = arith.constant 0 : i32
      %dma_start3A_69 = tpu.memref_slice %arg2[%dma_start3A_67, %dma_start3A_68] : memref<100000x32xf32, #tpu.memory_space<hbm>> -> memref<100000x32xf32, #tpu.memory_space<hbm>>
      tpu.enqueue_indirect_dma source(%dma_start3A_69 : memref<100000x32xf32, #tpu.memory_space<hbm>>) target(%dma_start3A_63 : memref<128x32xf32, #tpu.memory_space<vmem>>) offsets(%dma_start3A_66 : memref<128xi32, #tpu.memory_space<vmem>>) semaphore(%arg11 : memref<!tpu.dma_semaphore, #tpu.memory_space<semaphore_mem>>)
      %scan3A_70 = arith.constant 0 : i32
      %scan3A_71 = arith.constant 0 : i32
      %scan3A_72 = arith.constant 40 : i32
      %scan3A_73 = arith.addi %scan3A_71, %scan3A_72 : i32
      %scan3A_74 = arith.constant 1 : i32
      %scan3A_75 = scf.for %scan3A_227 = %scan3A_71 to %scan3A_73 step %scan3A_74 iter_args(%scan3A_228 = %scan3A_70) -> (i32)  : i32 {
        %jit3A = arith.constant 8 : i32
        %div3A = arith.divsi %scan3A_227, %jit3A : i32
        %sign3A = arith.constant 0 : i32
        %sign3A_229 = arith.cmpi sgt, %scan3A_227, %sign3A : i32
        %sign3A_230 = arith.extui %sign3A_229 : i1 to i32
        %sign3A_231 = arith.constant 0 : i32
        %sign3A_232 = arith.cmpi slt, %scan3A_227, %sign3A_231 : i32
        %sign3A_233 = arith.extui %sign3A_232 : i1 to i32
        %sign3A_234 = arith.subi %sign3A_230, %sign3A_233 : i32
        %sign3A_235 = arith.constant 0 : i32
        %sign3A_236 = arith.cmpi sgt, %jit3A, %sign3A_235 : i32
        %sign3A_237 = arith.extui %sign3A_236 : i1 to i32
        %sign3A_238 = arith.constant 0 : i32
        %sign3A_239 = arith.cmpi slt, %jit3A, %sign3A_238 : i32
        %sign3A_240 = arith.extui %sign3A_239 : i1 to i32
        %sign3A_241 = arith.subi %sign3A_237, %sign3A_240 : i32
        %ne3A = arith.cmpi ne, %sign3A_234, %sign3A_241 : i32
        %rem3A = arith.remsi %scan3A_227, %jit3A : i32
        %ne3A_242 = arith.constant 0 : i32
        %ne3A_243 = arith.cmpi ne, %rem3A, %ne3A_242 : i32
        %and3A = arith.andi %ne3A, %ne3A_243 : i1
        %sub3A = arith.constant 1 : i32
        %sub3A_244 = arith.subi %div3A, %sub3A : i32
        %select_n3A = arith.select %and3A, %sub3A_244, %div3A : i32
        %rem3A_245 = arith.constant 8 : i32
        %rem3A_246 = arith.remsi %scan3A_227, %rem3A_245 : i32
        %mul3A_247 = arith.constant 16 : i32
        %mul3A_248 = arith.muli %rem3A_246, %mul3A_247 : i32
        %get3A = arith.index_cast %select_n3A : i32 to index
        %get3A_249 = arith.index_cast %mul3A_248 : i32 to index
        %get3A_250 = tpu.vector_load %arg8[%get3A, %get3A_249] {strides = array<i32>} : memref<5x128xi32, #tpu.memory_space<vmem>>, vector<1x16xi32>,
        %get3A_251 = vector.shape_cast %get3A_250 : vector<1x16xi32> to vector<16xi32>
        %sub3A_252 = vector.broadcast %mul3A_6 : i32 to vector<16xi32>
        %sub3A_253 = arith.subi %get3A_251, %sub3A_252 : vector<16xi32>
        %ge3A = arith.constant 0 : i32
        %ge3A_254 = vector.broadcast %ge3A : i32 to vector<16xi32>
        %ge3A_255 = arith.cmpi sge, %sub3A_253, %ge3A_254 : vector<16xi32>
        %lt3A = arith.constant 50000 : i32
        %lt3A_256 = vector.broadcast %lt3A : i32 to vector<16xi32>
        %lt3A_257 = arith.cmpi slt, %sub3A_253, %lt3A_256 : vector<16xi32>
        %and3A_258 = arith.andi %ge3A_255, %lt3A_257 : vector<16xi1>
        %mul3A_259 = arith.constant 16 : i32
        %mul3A_260 = arith.muli %scan3A_227, %mul3A_259 : i32
        %add3A_261 = vector.broadcast %mul3A_260 : i32 to vector<16xi32>
        %add3A_262 = arith.addi %iota3A, %add3A_261 : vector<16xi32>
        %and3A_263 = arith.constant 511 : i32
        %and3A_264 = vector.broadcast %and3A_263 : i32 to vector<16xi32>
        %and3A_265 = arith.andi %add3A_262, %and3A_264 : vector<16xi32>
        %add3A_266 = arith.constant 50000 : i32
        %add3A_267 = vector.broadcast %add3A_266 : i32 to vector<16xi32>
        %add3A_268 = arith.addi %add3A_267, %and3A_265 : vector<16xi32>
        %select_n3A_269 = arith.select %and3A_258, %sub3A_253, %add3A_268 : vector<16xi1>, vector<16xi32>
        %mul3A_270 = arith.constant 16 : i32
        %mul3A_271 = arith.muli %rem3A_246, %mul3A_270 : i32
        %swap3A = arith.index_cast %select_n3A : i32 to index
        %swap3A_272 = arith.index_cast %mul3A_271 : i32 to index
        %swap3A_273 = tpu.vector_load %arg9[%swap3A, %swap3A_272] {strides = array<i32>} : memref<5x128xi32, #tpu.memory_space<vmem>>, vector<1x16xi32>,
        %swap3A_274 = vector.shape_cast %swap3A_273 : vector<1x16xi32> to vector<16xi32>
        %swap3A_275 = vector.shape_cast %select_n3A_269 : vector<16xi32> to vector<1x16xi32>
        tpu.vector_store %arg9[%swap3A, %swap3A_272], %swap3A_275 {strides = array<i32>} : memref<5x128xi32, #tpu.memory_space<vmem>>, vector<1x16xi32>,
        %scan3A_276 = arith.constant 0 : i32
        scf.yield %scan3A_276 : i32
      }
      %scan3A_76 = arith.constant 40 : i32
      %dma_wait3A = arith.constant 0 : i32
      %dma_wait3A_77 = arith.constant 0 : i32
      %dma_wait3A_78 = arith.constant 0 : i32
      %dma_wait3A_79 = tpu.memref_slice %arg10[%dma_wait3A_77, %dma_wait3A_78] : memref<640x32xf32, #tpu.memory_space<vmem>> -> memref<128x32xf32, #tpu.memory_space<vmem>>
      %dma_wait3A_80 = arith.constant 0 : i32
      %dma_wait3A_81 = tpu.memref_slice %arg7[%dma_wait3A, %dma_wait3A_80] : memref<5x128xi32, #tpu.memory_space<vmem>> -> memref<1x128xi32, #tpu.memory_space<vmem>>
      %dma_wait3A_82 = tpu.memref_squeeze %dma_wait3A_81 : memref<1x128xi32, #tpu.memory_space<vmem>> -> memref<128xi32, #tpu.memory_space<vmem>>
      %dma_wait3A_83 = arith.constant 0 : i32
      %dma_wait3A_84 = arith.constant 0 : i32
      %dma_wait3A_85 = tpu.memref_slice %arg2[%dma_wait3A_83, %dma_wait3A_84] : memref<100000x32xf32, #tpu.memory_space<hbm>> -> memref<100000x32xf32, #tpu.memory_space<hbm>>
      tpu.wait_indirect_dma semaphore(%arg11 : memref<!tpu.dma_semaphore, #tpu.memory_space<semaphore_mem>>) src(%dma_wait3A_85 : memref<100000x32xf32, #tpu.memory_space<hbm>>) dst(%dma_wait3A_79 : memref<128x32xf32, #tpu.memory_space<vmem>>)
      %dma_wait3A_86 = arith.constant 1 : i32
      %dma_wait3A_87 = arith.constant 128 : i32
      %dma_wait3A_88 = arith.constant 0 : i32
      %dma_wait3A_89 = tpu.memref_slice %arg10[%dma_wait3A_87, %dma_wait3A_88] : memref<640x32xf32, #tpu.memory_space<vmem>> -> memref<128x32xf32, #tpu.memory_space<vmem>>
      %dma_wait3A_90 = arith.constant 0 : i32
      %dma_wait3A_91 = tpu.memref_slice %arg7[%dma_wait3A_86, %dma_wait3A_90] : memref<5x128xi32, #tpu.memory_space<vmem>> -> memref<1x128xi32, #tpu.memory_space<vmem>>
      %dma_wait3A_92 = tpu.memref_squeeze %dma_wait3A_91 : memref<1x128xi32, #tpu.memory_space<vmem>> -> memref<128xi32, #tpu.memory_space<vmem>>
      %dma_wait3A_93 = arith.constant 0 : i32
      %dma_wait3A_94 = arith.constant 0 : i32
      %dma_wait3A_95 = tpu.memref_slice %arg2[%dma_wait3A_93, %dma_wait3A_94] : memref<100000x32xf32, #tpu.memory_space<hbm>> -> memref<100000x32xf32, #tpu.memory_space<hbm>>
      tpu.wait_indirect_dma semaphore(%arg11 : memref<!tpu.dma_semaphore, #tpu.memory_space<semaphore_mem>>) src(%dma_wait3A_95 : memref<100000x32xf32, #tpu.memory_space<hbm>>) dst(%dma_wait3A_89 : memref<128x32xf32, #tpu.memory_space<vmem>>)
      %dma_wait3A_96 = arith.constant 2 : i32
      %dma_wait3A_97 = arith.constant 256 : i32
      %dma_wait3A_98 = arith.constant 0 : i32
      %dma_wait3A_99 = tpu.memref_slice %arg10[%dma_wait3A_97, %dma_wait3A_98] : memref<640x32xf32, #tpu.memory_space<vmem>> -> memref<128x32xf32, #tpu.memory_space<vmem>>
      %dma_wait3A_100 = arith.constant 0 : i32
      %dma_wait3A_101 = tpu.memref_slice %arg7[%dma_wait3A_96, %dma_wait3A_100] : memref<5x128xi32, #tpu.memory_space<vmem>> -> memref<1x128xi32, #tpu.memory_space<vmem>>
      %dma_wait3A_102 = tpu.memref_squeeze %dma_wait3A_101 : memref<1x128xi32, #tpu.memory_space<vmem>> -> memref<128xi32, #tpu.memory_space<vmem>>
      %dma_wait3A_103 = arith.constant 0 : i32
      %dma_wait3A_104 = arith.constant 0 : i32
      %dma_wait3A_105 = tpu.memref_slice %arg2[%dma_wait3A_103, %dma_wait3A_104] : memref<100000x32xf32, #tpu.memory_space<hbm>> -> memref<100000x32xf32, #tpu.memory_space<hbm>>
      tpu.wait_indirect_dma semaphore(%arg11 : memref<!tpu.dma_semaphore, #tpu.memory_space<semaphore_mem>>) src(%dma_wait3A_105 : memref<100000x32xf32, #tpu.memory_space<hbm>>) dst(%dma_wait3A_99 : memref<128x32xf32, #tpu.memory_space<vmem>>)
      %dma_wait3A_106 = arith.constant 3 : i32
      %dma_wait3A_107 = arith.constant 384 : i32
      %dma_wait3A_108 = arith.constant 0 : i32
      %dma_wait3A_109 = tpu.memref_slice %arg10[%dma_wait3A_107, %dma_wait3A_108] : memref<640x32xf32, #tpu.memory_space<vmem>> -> memref<128x32xf32, #tpu.memory_space<vmem>>
      %dma_wait3A_110 = arith.constant 0 : i32
      %dma_wait3A_111 = tpu.memref_slice %arg7[%dma_wait3A_106, %dma_wait3A_110] : memref<5x128xi32, #tpu.memory_space<vmem>> -> memref<1x128xi32, #tpu.memory_space<vmem>>
      %dma_wait3A_112 = tpu.memref_squeeze %dma_wait3A_111 : memref<1x128xi32, #tpu.memory_space<vmem>> -> memref<128xi32, #tpu.memory_space<vmem>>
      %dma_wait3A_113 = arith.constant 0 : i32
      %dma_wait3A_114 = arith.constant 0 : i32
      %dma_wait3A_115 = tpu.memref_slice %arg2[%dma_wait3A_113, %dma_wait3A_114] : memref<100000x32xf32, #tpu.memory_space<hbm>> -> memref<100000x32xf32, #tpu.memory_space<hbm>>
      tpu.wait_indirect_dma semaphore(%arg11 : memref<!tpu.dma_semaphore, #tpu.memory_space<semaphore_mem>>) src(%dma_wait3A_115 : memref<100000x32xf32, #tpu.memory_space<hbm>>) dst(%dma_wait3A_109 : memref<128x32xf32, #tpu.memory_space<vmem>>)
      %dma_wait3A_116 = arith.constant 4 : i32
      %dma_wait3A_117 = arith.constant 512 : i32
      %dma_wait3A_118 = arith.constant 0 : i32
      %dma_wait3A_119 = tpu.memref_slice %arg10[%dma_wait3A_117, %dma_wait3A_118] : memref<640x32xf32, #tpu.memory_space<vmem>> -> memref<128x32xf32, #tpu.memory_space<vmem>>
      %dma_wait3A_120 = arith.constant 0 : i32
      %dma_wait3A_121 = tpu.memref_slice %arg7[%dma_wait3A_116, %dma_wait3A_120] : memref<5x128xi32, #tpu.memory_space<vmem>> -> memref<1x128xi32, #tpu.memory_space<vmem>>
      %dma_wait3A_122 = tpu.memref_squeeze %dma_wait3A_121 : memref<1x128xi32, #tpu.memory_space<vmem>> -> memref<128xi32, #tpu.memory_space<vmem>>
      %dma_wait3A_123 = arith.constant 0 : i32
      %dma_wait3A_124 = arith.constant 0 : i32
      %dma_wait3A_125 = tpu.memref_slice %arg2[%dma_wait3A_123, %dma_wait3A_124] : memref<100000x32xf32, #tpu.memory_space<hbm>> -> memref<100000x32xf32, #tpu.memory_space<hbm>>
      tpu.wait_indirect_dma semaphore(%arg11 : memref<!tpu.dma_semaphore, #tpu.memory_space<semaphore_mem>>) src(%dma_wait3A_125 : memref<100000x32xf32, #tpu.memory_space<hbm>>) dst(%dma_wait3A_119 : memref<128x32xf32, #tpu.memory_space<vmem>>)
      %dma_start3A_126 = arith.constant 0 : i32
      %dma_start3A_127 = arith.constant 0 : i32
      %dma_start3A_128 = arith.constant 0 : i32
      %dma_start3A_129 = tpu.memref_slice %arg10[%dma_start3A_127, %dma_start3A_128] : memref<640x32xf32, #tpu.memory_space<vmem>> -> memref<128x32xf32, #tpu.memory_space<vmem>>
      %dma_start3A_130 = arith.constant 0 : i32
      %dma_start3A_131 = tpu.memref_slice %arg9[%dma_start3A_126, %dma_start3A_130] : memref<5x128xi32, #tpu.memory_space<vmem>> -> memref<1x128xi32, #tpu.memory_space<vmem>>
      %dma_start3A_132 = tpu.memref_squeeze %dma_start3A_131 : memref<1x128xi32, #tpu.memory_space<vmem>> -> memref<128xi32, #tpu.memory_space<vmem>>
      %dma_start3A_133 = arith.constant 0 : i32
      %dma_start3A_134 = arith.constant 0 : i32
      %dma_start3A_135 = tpu.memref_slice %arg6[%dma_start3A_133, %dma_start3A_134] : memref<50512x32xf32, #tpu.memory_space<vmem_shared>> -> memref<50512x32xf32, #tpu.memory_space<vmem_shared>>
      tpu.enqueue_indirect_dma source(%dma_start3A_129 : memref<128x32xf32, #tpu.memory_space<vmem>>) target(%dma_start3A_135 : memref<50512x32xf32, #tpu.memory_space<vmem_shared>>) offsets(%dma_start3A_132 : memref<128xi32, #tpu.memory_space<vmem>>) semaphore(%arg12 : memref<!tpu.dma_semaphore, #tpu.memory_space<semaphore_mem>>) {add = true}
      %dma_start3A_136 = arith.constant 1 : i32
      %dma_start3A_137 = arith.constant 128 : i32
      %dma_start3A_138 = arith.constant 0 : i32
      %dma_start3A_139 = tpu.memref_slice %arg10[%dma_start3A_137, %dma_start3A_138] : memref<640x32xf32, #tpu.memory_space<vmem>> -> memref<128x32xf32, #tpu.memory_space<vmem>>
      %dma_start3A_140 = arith.constant 0 : i32
      %dma_start3A_141 = tpu.memref_slice %arg9[%dma_start3A_136, %dma_start3A_140] : memref<5x128xi32, #tpu.memory_space<vmem>> -> memref<1x128xi32, #tpu.memory_space<vmem>>
      %dma_start3A_142 = tpu.memref_squeeze %dma_start3A_141 : memref<1x128xi32, #tpu.memory_space<vmem>> -> memref<128xi32, #tpu.memory_space<vmem>>
      %dma_start3A_143 = arith.constant 0 : i32
      %dma_start3A_144 = arith.constant 0 : i32
      %dma_start3A_145 = tpu.memref_slice %arg6[%dma_start3A_143, %dma_start3A_144] : memref<50512x32xf32, #tpu.memory_space<vmem_shared>> -> memref<50512x32xf32, #tpu.memory_space<vmem_shared>>
      tpu.enqueue_indirect_dma source(%dma_start3A_139 : memref<128x32xf32, #tpu.memory_space<vmem>>) target(%dma_start3A_145 : memref<50512x32xf32, #tpu.memory_space<vmem_shared>>) offsets(%dma_start3A_142 : memref<128xi32, #tpu.memory_space<vmem>>) semaphore(%arg12 : memref<!tpu.dma_semaphore, #tpu.memory_space<semaphore_mem>>) {add = true}
      %dma_start3A_146 = arith.constant 2 : i32
      %dma_start3A_147 = arith.constant 256 : i32
      %dma_start3A_148 = arith.constant 0 : i32
      %dma_start3A_149 = tpu.memref_slice %arg10[%dma_start3A_147, %dma_start3A_148] : memref<640x32xf32, #tpu.memory_space<vmem>> -> memref<128x32xf32, #tpu.memory_space<vmem>>
      %dma_start3A_150 = arith.constant 0 : i32
      %dma_start3A_151 = tpu.memref_slice %arg9[%dma_start3A_146, %dma_start3A_150] : memref<5x128xi32, #tpu.memory_space<vmem>> -> memref<1x128xi32, #tpu.memory_space<vmem>>
      %dma_start3A_152 = tpu.memref_squeeze %dma_start3A_151 : memref<1x128xi32, #tpu.memory_space<vmem>> -> memref<128xi32, #tpu.memory_space<vmem>>
      %dma_start3A_153 = arith.constant 0 : i32
      %dma_start3A_154 = arith.constant 0 : i32
      %dma_start3A_155 = tpu.memref_slice %arg6[%dma_start3A_153, %dma_start3A_154] : memref<50512x32xf32, #tpu.memory_space<vmem_shared>> -> memref<50512x32xf32, #tpu.memory_space<vmem_shared>>
      tpu.enqueue_indirect_dma source(%dma_start3A_149 : memref<128x32xf32, #tpu.memory_space<vmem>>) target(%dma_start3A_155 : memref<50512x32xf32, #tpu.memory_space<vmem_shared>>) offsets(%dma_start3A_152 : memref<128xi32, #tpu.memory_space<vmem>>) semaphore(%arg12 : memref<!tpu.dma_semaphore, #tpu.memory_space<semaphore_mem>>) {add = true}
      %dma_start3A_156 = arith.constant 3 : i32
      %dma_start3A_157 = arith.constant 384 : i32
      %dma_start3A_158 = arith.constant 0 : i32
      %dma_start3A_159 = tpu.memref_slice %arg10[%dma_start3A_157, %dma_start3A_158] : memref<640x32xf32, #tpu.memory_space<vmem>> -> memref<128x32xf32, #tpu.memory_space<vmem>>
      %dma_start3A_160 = arith.constant 0 : i32
      %dma_start3A_161 = tpu.memref_slice %arg9[%dma_start3A_156, %dma_start3A_160] : memref<5x128xi32, #tpu.memory_space<vmem>> -> memref<1x128xi32, #tpu.memory_space<vmem>>
      %dma_start3A_162 = tpu.memref_squeeze %dma_start3A_161 : memref<1x128xi32, #tpu.memory_space<vmem>> -> memref<128xi32, #tpu.memory_space<vmem>>
      %dma_start3A_163 = arith.constant 0 : i32
      %dma_start3A_164 = arith.constant 0 : i32
      %dma_start3A_165 = tpu.memref_slice %arg6[%dma_start3A_163, %dma_start3A_164] : memref<50512x32xf32, #tpu.memory_space<vmem_shared>> -> memref<50512x32xf32, #tpu.memory_space<vmem_shared>>
      tpu.enqueue_indirect_dma source(%dma_start3A_159 : memref<128x32xf32, #tpu.memory_space<vmem>>) target(%dma_start3A_165 : memref<50512x32xf32, #tpu.memory_space<vmem_shared>>) offsets(%dma_start3A_162 : memref<128xi32, #tpu.memory_space<vmem>>) semaphore(%arg12 : memref<!tpu.dma_semaphore, #tpu.memory_space<semaphore_mem>>) {add = true}
      %dma_start3A_166 = arith.constant 4 : i32
      %dma_start3A_167 = arith.constant 512 : i32
      %dma_start3A_168 = arith.constant 0 : i32
      %dma_start3A_169 = tpu.memref_slice %arg10[%dma_start3A_167, %dma_start3A_168] : memref<640x32xf32, #tpu.memory_space<vmem>> -> memref<128x32xf32, #tpu.memory_space<vmem>>
      %dma_start3A_170 = arith.constant 0 : i32
      %dma_start3A_171 = tpu.memref_slice %arg9[%dma_start3A_166, %dma_start3A_170] : memref<5x128xi32, #tpu.memory_space<vmem>> -> memref<1x128xi32, #tpu.memory_space<vmem>>
      %dma_start3A_172 = tpu.memref_squeeze %dma_start3A_171 : memref<1x128xi32, #tpu.memory_space<vmem>> -> memref<128xi32, #tpu.memory_space<vmem>>
      %dma_start3A_173 = arith.constant 0 : i32
      %dma_start3A_174 = arith.constant 0 : i32
      %dma_start3A_175 = tpu.memref_slice %arg6[%dma_start3A_173, %dma_start3A_174] : memref<50512x32xf32, #tpu.memory_space<vmem_shared>> -> memref<50512x32xf32, #tpu.memory_space<vmem_shared>>
      tpu.enqueue_indirect_dma source(%dma_start3A_169 : memref<128x32xf32, #tpu.memory_space<vmem>>) target(%dma_start3A_175 : memref<50512x32xf32, #tpu.memory_space<vmem_shared>>) offsets(%dma_start3A_172 : memref<128xi32, #tpu.memory_space<vmem>>) semaphore(%arg12 : memref<!tpu.dma_semaphore, #tpu.memory_space<semaphore_mem>>) {add = true}
      %dma_wait3A_176 = arith.constant 0 : i32
      %dma_wait3A_177 = arith.constant 0 : i32
      %dma_wait3A_178 = arith.constant 0 : i32
      %dma_wait3A_179 = tpu.memref_slice %arg10[%dma_wait3A_177, %dma_wait3A_178] : memref<640x32xf32, #tpu.memory_space<vmem>> -> memref<128x32xf32, #tpu.memory_space<vmem>>
      %dma_wait3A_180 = arith.constant 0 : i32
      %dma_wait3A_181 = tpu.memref_slice %arg9[%dma_wait3A_176, %dma_wait3A_180] : memref<5x128xi32, #tpu.memory_space<vmem>> -> memref<1x128xi32, #tpu.memory_space<vmem>>
      %dma_wait3A_182 = tpu.memref_squeeze %dma_wait3A_181 : memref<1x128xi32, #tpu.memory_space<vmem>> -> memref<128xi32, #tpu.memory_space<vmem>>
      %dma_wait3A_183 = arith.constant 0 : i32
      %dma_wait3A_184 = arith.constant 0 : i32
      %dma_wait3A_185 = tpu.memref_slice %arg6[%dma_wait3A_183, %dma_wait3A_184] : memref<50512x32xf32, #tpu.memory_space<vmem_shared>> -> memref<50512x32xf32, #tpu.memory_space<vmem_shared>>
      tpu.wait_indirect_dma semaphore(%arg12 : memref<!tpu.dma_semaphore, #tpu.memory_space<semaphore_mem>>) src(%dma_wait3A_179 : memref<128x32xf32, #tpu.memory_space<vmem>>) dst(%dma_wait3A_185 : memref<50512x32xf32, #tpu.memory_space<vmem_shared>>)
      %dma_wait3A_186 = arith.constant 1 : i32
      %dma_wait3A_187 = arith.constant 128 : i32
      %dma_wait3A_188 = arith.constant 0 : i32
      %dma_wait3A_189 = tpu.memref_slice %arg10[%dma_wait3A_187, %dma_wait3A_188] : memref<640x32xf32, #tpu.memory_space<vmem>> -> memref<128x32xf32, #tpu.memory_space<vmem>>
      %dma_wait3A_190 = arith.constant 0 : i32
      %dma_wait3A_191 = tpu.memref_slice %arg9[%dma_wait3A_186, %dma_wait3A_190] : memref<5x128xi32, #tpu.memory_space<vmem>> -> memref<1x128xi32, #tpu.memory_space<vmem>>
      %dma_wait3A_192 = tpu.memref_squeeze %dma_wait3A_191 : memref<1x128xi32, #tpu.memory_space<vmem>> -> memref<128xi32, #tpu.memory_space<vmem>>
      %dma_wait3A_193 = arith.constant 0 : i32
      %dma_wait3A_194 = arith.constant 0 : i32
      %dma_wait3A_195 = tpu.memref_slice %arg6[%dma_wait3A_193, %dma_wait3A_194] : memref<50512x32xf32, #tpu.memory_space<vmem_shared>> -> memref<50512x32xf32, #tpu.memory_space<vmem_shared>>
      tpu.wait_indirect_dma semaphore(%arg12 : memref<!tpu.dma_semaphore, #tpu.memory_space<semaphore_mem>>) src(%dma_wait3A_189 : memref<128x32xf32, #tpu.memory_space<vmem>>) dst(%dma_wait3A_195 : memref<50512x32xf32, #tpu.memory_space<vmem_shared>>)
      %dma_wait3A_196 = arith.constant 2 : i32
      %dma_wait3A_197 = arith.constant 256 : i32
      %dma_wait3A_198 = arith.constant 0 : i32
      %dma_wait3A_199 = tpu.memref_slice %arg10[%dma_wait3A_197, %dma_wait3A_198] : memref<640x32xf32, #tpu.memory_space<vmem>> -> memref<128x32xf32, #tpu.memory_space<vmem>>
      %dma_wait3A_200 = arith.constant 0 : i32
      %dma_wait3A_201 = tpu.memref_slice %arg9[%dma_wait3A_196, %dma_wait3A_200] : memref<5x128xi32, #tpu.memory_space<vmem>> -> memref<1x128xi32, #tpu.memory_space<vmem>>
      %dma_wait3A_202 = tpu.memref_squeeze %dma_wait3A_201 : memref<1x128xi32, #tpu.memory_space<vmem>> -> memref<128xi32, #tpu.memory_space<vmem>>
      %dma_wait3A_203 = arith.constant 0 : i32
      %dma_wait3A_204 = arith.constant 0 : i32
      %dma_wait3A_205 = tpu.memref_slice %arg6[%dma_wait3A_203, %dma_wait3A_204] : memref<50512x32xf32, #tpu.memory_space<vmem_shared>> -> memref<50512x32xf32, #tpu.memory_space<vmem_shared>>
      tpu.wait_indirect_dma semaphore(%arg12 : memref<!tpu.dma_semaphore, #tpu.memory_space<semaphore_mem>>) src(%dma_wait3A_199 : memref<128x32xf32, #tpu.memory_space<vmem>>) dst(%dma_wait3A_205 : memref<50512x32xf32, #tpu.memory_space<vmem_shared>>)
      %dma_wait3A_206 = arith.constant 3 : i32
      %dma_wait3A_207 = arith.constant 384 : i32
      %dma_wait3A_208 = arith.constant 0 : i32
      %dma_wait3A_209 = tpu.memref_slice %arg10[%dma_wait3A_207, %dma_wait3A_208] : memref<640x32xf32, #tpu.memory_space<vmem>> -> memref<128x32xf32, #tpu.memory_space<vmem>>
      %dma_wait3A_210 = arith.constant 0 : i32
      %dma_wait3A_211 = tpu.memref_slice %arg9[%dma_wait3A_206, %dma_wait3A_210] : memref<5x128xi32, #tpu.memory_space<vmem>> -> memref<1x128xi32, #tpu.memory_space<vmem>>
      %dma_wait3A_212 = tpu.memref_squeeze %dma_wait3A_211 : memref<1x128xi32, #tpu.memory_space<vmem>> -> memref<128xi32, #tpu.memory_space<vmem>>
      %dma_wait3A_213 = arith.constant 0 : i32
      %dma_wait3A_214 = arith.constant 0 : i32
      %dma_wait3A_215 = tpu.memref_slice %arg6[%dma_wait3A_213, %dma_wait3A_214] : memref<50512x32xf32, #tpu.memory_space<vmem_shared>> -> memref<50512x32xf32, #tpu.memory_space<vmem_shared>>
      tpu.wait_indirect_dma semaphore(%arg12 : memref<!tpu.dma_semaphore, #tpu.memory_space<semaphore_mem>>) src(%dma_wait3A_209 : memref<128x32xf32, #tpu.memory_space<vmem>>) dst(%dma_wait3A_215 : memref<50512x32xf32, #tpu.memory_space<vmem_shared>>)
      %dma_wait3A_216 = arith.constant 4 : i32
      %dma_wait3A_217 = arith.constant 512 : i32
      %dma_wait3A_218 = arith.constant 0 : i32
      %dma_wait3A_219 = tpu.memref_slice %arg10[%dma_wait3A_217, %dma_wait3A_218] : memref<640x32xf32, #tpu.memory_space<vmem>> -> memref<128x32xf32, #tpu.memory_space<vmem>>
      %dma_wait3A_220 = arith.constant 0 : i32
      %dma_wait3A_221 = tpu.memref_slice %arg9[%dma_wait3A_216, %dma_wait3A_220] : memref<5x128xi32, #tpu.memory_space<vmem>> -> memref<1x128xi32, #tpu.memory_space<vmem>>
      %dma_wait3A_222 = tpu.memref_squeeze %dma_wait3A_221 : memref<1x128xi32, #tpu.memory_space<vmem>> -> memref<128xi32, #tpu.memory_space<vmem>>
      %dma_wait3A_223 = arith.constant 0 : i32
      %dma_wait3A_224 = arith.constant 0 : i32
      %dma_wait3A_225 = tpu.memref_slice %arg6[%dma_wait3A_223, %dma_wait3A_224] : memref<50512x32xf32, #tpu.memory_space<vmem_shared>> -> memref<50512x32xf32, #tpu.memory_space<vmem_shared>>
      tpu.wait_indirect_dma semaphore(%arg12 : memref<!tpu.dma_semaphore, #tpu.memory_space<semaphore_mem>>) src(%dma_wait3A_219 : memref<128x32xf32, #tpu.memory_space<vmem>>) dst(%dma_wait3A_225 : memref<50512x32xf32, #tpu.memory_space<vmem_shared>>)
      %scan3A_226 = arith.constant 0 : i32
      scf.yield %scan3A_226 : i32
    }
    %scan3A_14 = arith.constant 625 : i32
    %barrier3A_15 = arith.constant 0 : index
    tpu.barrier barrier_id(%barrier3A_15)
    "tpu.region"() ({
      %run_scoped3A = tpu.sem_alloc : memref<!tpu.dma_semaphore, #tpu.memory_space<semaphore_mem>>
      %dma_start3A = arith.constant 0 : i32
      %dma_start3A_16 = tpu.memref_slice %arg5[%add3A, %dma_start3A] : memref<100000x32xf32, #tpu.memory_space<hbm>> -> memref<3125x32xf32, #tpu.memory_space<hbm>>
      %dma_start3A_17 = arith.constant 0 : i32
      %dma_start3A_18 = tpu.memref_slice %arg6[%mul3A_4, %dma_start3A_17] : memref<50512x32xf32, #tpu.memory_space<vmem_shared>> -> memref<3125x32xf32, #tpu.memory_space<vmem_shared>>
      tpu.enqueue_dma source(%dma_start3A_18 : memref<3125x32xf32, #tpu.memory_space<vmem_shared>>) target(%dma_start3A_16 : memref<3125x32xf32, #tpu.memory_space<hbm>>) target_semaphore(%run_scoped3A : memref<!tpu.dma_semaphore, #tpu.memory_space<semaphore_mem>>)
      %dma_wait3A = arith.constant 0 : i32
      %dma_wait3A_19 = tpu.memref_slice %arg5[%add3A, %dma_wait3A] : memref<100000x32xf32, #tpu.memory_space<hbm>> -> memref<3125x32xf32, #tpu.memory_space<hbm>>
      %dma_wait3A_20 = arith.constant 0 : i32
      %dma_wait3A_21 = tpu.memref_slice %arg6[%mul3A_4, %dma_wait3A_20] : memref<50512x32xf32, #tpu.memory_space<vmem_shared>> -> memref<3125x32xf32, #tpu.memory_space<vmem_shared>>
      tpu.wait_dma2 semaphore(%run_scoped3A : memref<!tpu.dma_semaphore, #tpu.memory_space<semaphore_mem>>) src(%dma_wait3A_21 : memref<3125x32xf32, #tpu.memory_space<vmem_shared>>) dst(%dma_wait3A_19 : memref<3125x32xf32, #tpu.memory_space<hbm>>)
      tpu.yield
    }) : () -> ()
    return
  }
}

#map = affine_map<(d0, d1) -> (0, 0)>
module attributes {stable_mosaic.version = 14 : i64} {
  func.func @agg_kernel(%arg0: i32, %arg1: i32, %arg2: memref<100000x32xf32, #tpu.memory_space<hbm>>, %arg3: memref<50000x128xi32, #tpu.memory_space<hbm>>, %arg4: memref<50000x128xi32, #tpu.memory_space<hbm>>, %arg5: memref<100000x32xf32, #tpu.memory_space<hbm>>, %arg6: memref<50512x32xf32, #tpu.memory_space<vmem_shared>>, %arg7: memref<5x128xi32, #tpu.memory_space<vmem>>, %arg8: memref<5x128xi32, #tpu.memory_space<vmem>>, %arg9: memref<5x128xi32, #tpu.memory_space<vmem>>, %arg10: memref<640x32xf32, #tpu.memory_space<vmem>>, %arg11: memref<!tpu.dma_semaphore, #tpu.memory_space<semaphore_mem>>, %arg12: memref<!tpu.dma_semaphore, #tpu.memory_space<semaphore_mem>>) attributes {dimension_semantics = [#tpu.dimension_semantics<core_parallel>, #tpu.dimension_semantics<subcore_parallel>], iteration_bounds = array<i64: 2, 16>, scalar_prefetch = 0 : i64, scratch_operands = 7 : i64, tpu.core_type = #tpu.core_type<sc_vector_subcore>, window_params = [{transform_indices = #map}, {transform_indices = #map}, {transform_indices = #map}, {transform_indices = #map}]} {
    %mul3A = arith.constant 50000 : i32
    %mul3A_0 = arith.muli %arg0, %mul3A : i32
    %mul3A_1 = arith.constant 3125 : i32
    %mul3A_2 = arith.muli %arg1, %mul3A_1 : i32
    %add3A = arith.addi %mul3A_0, %mul3A_2 : i32
    %mul3A_3 = arith.constant 3125 : i32
    %mul3A_4 = arith.muli %arg1, %mul3A_3 : i32
    "tpu.region"() ({
      %run_scoped3A = tpu.sem_alloc : memref<!tpu.dma_semaphore, #tpu.memory_space<semaphore_mem>>
      %dma_start3A = arith.constant 0 : i32
      %dma_start3A_16 = tpu.memref_slice %arg6[%mul3A_4, %dma_start3A] : memref<50512x32xf32, #tpu.memory_space<vmem_shared>> -> memref<3125x32xf32, #tpu.memory_space<vmem_shared>>
      %dma_start3A_17 = arith.constant 0 : i32
      %dma_start3A_18 = tpu.memref_slice %arg2[%add3A, %dma_start3A_17] : memref<100000x32xf32, #tpu.memory_space<hbm>> -> memref<3125x32xf32, #tpu.memory_space<hbm>>
      tpu.enqueue_dma source(%dma_start3A_18 : memref<3125x32xf32, #tpu.memory_space<hbm>>) target(%dma_start3A_16 : memref<3125x32xf32, #tpu.memory_space<vmem_shared>>) target_semaphore(%run_scoped3A : memref<!tpu.dma_semaphore, #tpu.memory_space<semaphore_mem>>)
      %dma_wait3A = arith.constant 0 : i32
      %dma_wait3A_19 = tpu.memref_slice %arg6[%mul3A_4, %dma_wait3A] : memref<50512x32xf32, #tpu.memory_space<vmem_shared>> -> memref<3125x32xf32, #tpu.memory_space<vmem_shared>>
      %dma_wait3A_20 = arith.constant 0 : i32
      %dma_wait3A_21 = tpu.memref_slice %arg2[%add3A, %dma_wait3A_20] : memref<100000x32xf32, #tpu.memory_space<hbm>> -> memref<3125x32xf32, #tpu.memory_space<hbm>>
      tpu.wait_dma2 semaphore(%run_scoped3A : memref<!tpu.dma_semaphore, #tpu.memory_space<semaphore_mem>>) src(%dma_wait3A_21 : memref<3125x32xf32, #tpu.memory_space<hbm>>) dst(%dma_wait3A_19 : memref<3125x32xf32, #tpu.memory_space<vmem_shared>>)
      tpu.yield
    }) : () -> ()
    %barrier3A = arith.constant 0 : index
    tpu.barrier barrier_id(%barrier3A)
    %mul3A_5 = arith.constant 50000 : i32
    %mul3A_6 = arith.muli %arg0, %mul3A_5 : i32
    %iota3A = tpu.iota {dimensions = array<i32: 0>} : vector<16xi32>
    %mul3A_7 = arith.constant 3125 : i32
    %mul3A_8 = arith.muli %arg1, %mul3A_7 : i32
    %scan3A = arith.constant 0 : i32
    %scan3A_9 = arith.constant 0 : i32
    %scan3A_10 = arith.constant 625 : i32
    %scan3A_11 = arith.addi %scan3A_9, %scan3A_10 : i32
    %scan3A_12 = arith.constant 1 : i32
    %scan3A_13 = scf.for %scan3A_16 = %scan3A_9 to %scan3A_11 step %scan3A_12 iter_args(%scan3A_17 = %scan3A) -> (i32)  : i32 {
      %mul3A_18 = arith.constant 5 : i32
      %mul3A_19 = arith.muli %scan3A_16, %mul3A_18 : i32
      %add3A_20 = arith.addi %mul3A_8, %mul3A_19 : i32
      "tpu.region"() ({
        %run_scoped3A = tpu.sem_alloc : memref<!tpu.dma_semaphore, #tpu.memory_space<semaphore_mem>>
        %dma_start3A_227 = arith.constant 0 : i32
        %dma_start3A_228 = tpu.memref_slice %arg3[%add3A_20, %dma_start3A_227] : memref<50000x128xi32, #tpu.memory_space<hbm>> -> memref<5x128xi32, #tpu.memory_space<hbm>>
        %dma_start3A_229 = arith.constant 0 : i32
        %dma_start3A_230 = tpu.memref_slice %arg3[%add3A_20, %dma_start3A_229] : memref<50000x128xi32, #tpu.memory_space<hbm>> -> memref<5x128xi32, #tpu.memory_space<hbm>>
        tpu.enqueue_dma source(%dma_start3A_230 : memref<5x128xi32, #tpu.memory_space<hbm>>) target(%arg7 : memref<5x128xi32, #tpu.memory_space<vmem>>) target_semaphore(%run_scoped3A : memref<!tpu.dma_semaphore, #tpu.memory_space<semaphore_mem>>)
        %dma_wait3A_231 = arith.constant 0 : i32
        %dma_wait3A_232 = tpu.memref_slice %arg3[%add3A_20, %dma_wait3A_231] : memref<50000x128xi32, #tpu.memory_space<hbm>> -> memref<5x128xi32, #tpu.memory_space<hbm>>
        %dma_wait3A_233 = arith.constant 0 : i32
        %dma_wait3A_234 = tpu.memref_slice %arg3[%add3A_20, %dma_wait3A_233] : memref<50000x128xi32, #tpu.memory_space<hbm>> -> memref<5x128xi32, #tpu.memory_space<hbm>>
        tpu.wait_dma2 semaphore(%run_scoped3A : memref<!tpu.dma_semaphore, #tpu.memory_space<semaphore_mem>>) src(%dma_wait3A_234 : memref<5x128xi32, #tpu.memory_space<hbm>>) dst(%arg7 : memref<5x128xi32, #tpu.memory_space<vmem>>)
        tpu.yield
      }) : () -> ()
      "tpu.region"() ({
        %run_scoped3A = tpu.sem_alloc : memref<!tpu.dma_semaphore, #tpu.memory_space<semaphore_mem>>
        %dma_start3A_227 = arith.constant 0 : i32
        %dma_start3A_228 = tpu.memref_slice %arg4[%add3A_20, %dma_start3A_227] : memref<50000x128xi32, #tpu.memory_space<hbm>> -> memref<5x128xi32, #tpu.memory_space<hbm>>
        %dma_start3A_229 = arith.constant 0 : i32
        %dma_start3A_230 = tpu.memref_slice %arg4[%add3A_20, %dma_start3A_229] : memref<50000x128xi32, #tpu.memory_space<hbm>> -> memref<5x128xi32, #tpu.memory_space<hbm>>
        tpu.enqueue_dma source(%dma_start3A_230 : memref<5x128xi32, #tpu.memory_space<hbm>>) target(%arg8 : memref<5x128xi32, #tpu.memory_space<vmem>>) target_semaphore(%run_scoped3A : memref<!tpu.dma_semaphore, #tpu.memory_space<semaphore_mem>>)
        %dma_wait3A_231 = arith.constant 0 : i32
        %dma_wait3A_232 = tpu.memref_slice %arg4[%add3A_20, %dma_wait3A_231] : memref<50000x128xi32, #tpu.memory_space<hbm>> -> memref<5x128xi32, #tpu.memory_space<hbm>>
        %dma_wait3A_233 = arith.constant 0 : i32
        %dma_wait3A_234 = tpu.memref_slice %arg4[%add3A_20, %dma_wait3A_233] : memref<50000x128xi32, #tpu.memory_space<hbm>> -> memref<5x128xi32, #tpu.memory_space<hbm>>
        tpu.wait_dma2 semaphore(%run_scoped3A : memref<!tpu.dma_semaphore, #tpu.memory_space<semaphore_mem>>) src(%dma_wait3A_234 : memref<5x128xi32, #tpu.memory_space<hbm>>) dst(%arg8 : memref<5x128xi32, #tpu.memory_space<vmem>>)
        tpu.yield
      }) : () -> ()
      %dma_start3A = arith.constant 0 : i32
      %dma_start3A_21 = arith.constant 0 : i32
      %dma_start3A_22 = arith.constant 0 : i32
      %dma_start3A_23 = tpu.memref_slice %arg10[%dma_start3A_21, %dma_start3A_22] : memref<640x32xf32, #tpu.memory_space<vmem>> -> memref<128x32xf32, #tpu.memory_space<vmem>>
      %dma_start3A_24 = arith.constant 0 : i32
      %dma_start3A_25 = tpu.memref_slice %arg7[%dma_start3A, %dma_start3A_24] : memref<5x128xi32, #tpu.memory_space<vmem>> -> memref<1x128xi32, #tpu.memory_space<vmem>>
      %dma_start3A_26 = tpu.memref_squeeze %dma_start3A_25 : memref<1x128xi32, #tpu.memory_space<vmem>> -> memref<128xi32, #tpu.memory_space<vmem>>
      %dma_start3A_27 = arith.constant 0 : i32
      %dma_start3A_28 = arith.constant 0 : i32
      %dma_start3A_29 = tpu.memref_slice %arg2[%dma_start3A_27, %dma_start3A_28] : memref<100000x32xf32, #tpu.memory_space<hbm>> -> memref<100000x32xf32, #tpu.memory_space<hbm>>
      tpu.enqueue_indirect_dma source(%dma_start3A_29 : memref<100000x32xf32, #tpu.memory_space<hbm>>) target(%dma_start3A_23 : memref<128x32xf32, #tpu.memory_space<vmem>>) offsets(%dma_start3A_26 : memref<128xi32, #tpu.memory_space<vmem>>) semaphore(%arg11 : memref<!tpu.dma_semaphore, #tpu.memory_space<semaphore_mem>>)
      %dma_start3A_30 = arith.constant 1 : i32
      %dma_start3A_31 = arith.constant 128 : i32
      %dma_start3A_32 = arith.constant 0 : i32
      %dma_start3A_33 = tpu.memref_slice %arg10[%dma_start3A_31, %dma_start3A_32] : memref<640x32xf32, #tpu.memory_space<vmem>> -> memref<128x32xf32, #tpu.memory_space<vmem>>
      %dma_start3A_34 = arith.constant 0 : i32
      %dma_start3A_35 = tpu.memref_slice %arg7[%dma_start3A_30, %dma_start3A_34] : memref<5x128xi32, #tpu.memory_space<vmem>> -> memref<1x128xi32, #tpu.memory_space<vmem>>
      %dma_start3A_36 = tpu.memref_squeeze %dma_start3A_35 : memref<1x128xi32, #tpu.memory_space<vmem>> -> memref<128xi32, #tpu.memory_space<vmem>>
      %dma_start3A_37 = arith.constant 0 : i32
      %dma_start3A_38 = arith.constant 0 : i32
      %dma_start3A_39 = tpu.memref_slice %arg2[%dma_start3A_37, %dma_start3A_38] : memref<100000x32xf32, #tpu.memory_space<hbm>> -> memref<100000x32xf32, #tpu.memory_space<hbm>>
      tpu.enqueue_indirect_dma source(%dma_start3A_39 : memref<100000x32xf32, #tpu.memory_space<hbm>>) target(%dma_start3A_33 : memref<128x32xf32, #tpu.memory_space<vmem>>) offsets(%dma_start3A_36 : memref<128xi32, #tpu.memory_space<vmem>>) semaphore(%arg11 : memref<!tpu.dma_semaphore, #tpu.memory_space<semaphore_mem>>)
      %dma_start3A_40 = arith.constant 2 : i32
      %dma_start3A_41 = arith.constant 256 : i32
      %dma_start3A_42 = arith.constant 0 : i32
      %dma_start3A_43 = tpu.memref_slice %arg10[%dma_start3A_41, %dma_start3A_42] : memref<640x32xf32, #tpu.memory_space<vmem>> -> memref<128x32xf32, #tpu.memory_space<vmem>>
      %dma_start3A_44 = arith.constant 0 : i32
      %dma_start3A_45 = tpu.memref_slice %arg7[%dma_start3A_40, %dma_start3A_44] : memref<5x128xi32, #tpu.memory_space<vmem>> -> memref<1x128xi32, #tpu.memory_space<vmem>>
      %dma_start3A_46 = tpu.memref_squeeze %dma_start3A_45 : memref<1x128xi32, #tpu.memory_space<vmem>> -> memref<128xi32, #tpu.memory_space<vmem>>
      %dma_start3A_47 = arith.constant 0 : i32
      %dma_start3A_48 = arith.constant 0 : i32
      %dma_start3A_49 = tpu.memref_slice %arg2[%dma_start3A_47, %dma_start3A_48] : memref<100000x32xf32, #tpu.memory_space<hbm>> -> memref<100000x32xf32, #tpu.memory_space<hbm>>
      tpu.enqueue_indirect_dma source(%dma_start3A_49 : memref<100000x32xf32, #tpu.memory_space<hbm>>) target(%dma_start3A_43 : memref<128x32xf32, #tpu.memory_space<vmem>>) offsets(%dma_start3A_46 : memref<128xi32, #tpu.memory_space<vmem>>) semaphore(%arg11 : memref<!tpu.dma_semaphore, #tpu.memory_space<semaphore_mem>>)
      %dma_start3A_50 = arith.constant 3 : i32
      %dma_start3A_51 = arith.constant 384 : i32
      %dma_start3A_52 = arith.constant 0 : i32
      %dma_start3A_53 = tpu.memref_slice %arg10[%dma_start3A_51, %dma_start3A_52] : memref<640x32xf32, #tpu.memory_space<vmem>> -> memref<128x32xf32, #tpu.memory_space<vmem>>
      %dma_start3A_54 = arith.constant 0 : i32
      %dma_start3A_55 = tpu.memref_slice %arg7[%dma_start3A_50, %dma_start3A_54] : memref<5x128xi32, #tpu.memory_space<vmem>> -> memref<1x128xi32, #tpu.memory_space<vmem>>
      %dma_start3A_56 = tpu.memref_squeeze %dma_start3A_55 : memref<1x128xi32, #tpu.memory_space<vmem>> -> memref<128xi32, #tpu.memory_space<vmem>>
      %dma_start3A_57 = arith.constant 0 : i32
      %dma_start3A_58 = arith.constant 0 : i32
      %dma_start3A_59 = tpu.memref_slice %arg2[%dma_start3A_57, %dma_start3A_58] : memref<100000x32xf32, #tpu.memory_space<hbm>> -> memref<100000x32xf32, #tpu.memory_space<hbm>>
      tpu.enqueue_indirect_dma source(%dma_start3A_59 : memref<100000x32xf32, #tpu.memory_space<hbm>>) target(%dma_start3A_53 : memref<128x32xf32, #tpu.memory_space<vmem>>) offsets(%dma_start3A_56 : memref<128xi32, #tpu.memory_space<vmem>>) semaphore(%arg11 : memref<!tpu.dma_semaphore, #tpu.memory_space<semaphore_mem>>)
      %dma_start3A_60 = arith.constant 4 : i32
      %dma_start3A_61 = arith.constant 512 : i32
      %dma_start3A_62 = arith.constant 0 : i32
      %dma_start3A_63 = tpu.memref_slice %arg10[%dma_start3A_61, %dma_start3A_62] : memref<640x32xf32, #tpu.memory_space<vmem>> -> memref<128x32xf32, #tpu.memory_space<vmem>>
      %dma_start3A_64 = arith.constant 0 : i32
      %dma_start3A_65 = tpu.memref_slice %arg7[%dma_start3A_60, %dma_start3A_64] : memref<5x128xi32, #tpu.memory_space<vmem>> -> memref<1x128xi32, #tpu.memory_space<vmem>>
      %dma_start3A_66 = tpu.memref_squeeze %dma_start3A_65 : memref<1x128xi32, #tpu.memory_space<vmem>> -> memref<128xi32, #tpu.memory_space<vmem>>
      %dma_start3A_67 = arith.constant 0 : i32
      %dma_start3A_68 = arith.constant 0 : i32
      %dma_start3A_69 = tpu.memref_slice %arg2[%dma_start3A_67, %dma_start3A_68] : memref<100000x32xf32, #tpu.memory_space<hbm>> -> memref<100000x32xf32, #tpu.memory_space<hbm>>
      tpu.enqueue_indirect_dma source(%dma_start3A_69 : memref<100000x32xf32, #tpu.memory_space<hbm>>) target(%dma_start3A_63 : memref<128x32xf32, #tpu.memory_space<vmem>>) offsets(%dma_start3A_66 : memref<128xi32, #tpu.memory_space<vmem>>) semaphore(%arg11 : memref<!tpu.dma_semaphore, #tpu.memory_space<semaphore_mem>>)
      %scan3A_70 = arith.constant 0 : i32
      %scan3A_71 = arith.constant 0 : i32
      %scan3A_72 = arith.constant 40 : i32
      %scan3A_73 = arith.addi %scan3A_71, %scan3A_72 : i32
      %scan3A_74 = arith.constant 1 : i32
      %scan3A_75 = scf.for %scan3A_227 = %scan3A_71 to %scan3A_73 step %scan3A_74 iter_args(%scan3A_228 = %scan3A_70) -> (i32)  : i32 {
        %jit3A = arith.constant 8 : i32
        %div3A = arith.divsi %scan3A_227, %jit3A : i32
        %sign3A = arith.constant 0 : i32
        %sign3A_229 = arith.cmpi sgt, %scan3A_227, %sign3A : i32
        %sign3A_230 = arith.extui %sign3A_229 : i1 to i32
        %sign3A_231 = arith.constant 0 : i32
        %sign3A_232 = arith.cmpi slt, %scan3A_227, %sign3A_231 : i32
        %sign3A_233 = arith.extui %sign3A_232 : i1 to i32
        %sign3A_234 = arith.subi %sign3A_230, %sign3A_233 : i32
        %sign3A_235 = arith.constant 0 : i32
        %sign3A_236 = arith.cmpi sgt, %jit3A, %sign3A_235 : i32
        %sign3A_237 = arith.extui %sign3A_236 : i1 to i32
        %sign3A_238 = arith.constant 0 : i32
        %sign3A_239 = arith.cmpi slt, %jit3A, %sign3A_238 : i32
        %sign3A_240 = arith.extui %sign3A_239 : i1 to i32
        %sign3A_241 = arith.subi %sign3A_237, %sign3A_240 : i32
        %ne3A = arith.cmpi ne, %sign3A_234, %sign3A_241 : i32
        %rem3A = arith.remsi %scan3A_227, %jit3A : i32
        %ne3A_242 = arith.constant 0 : i32
        %ne3A_243 = arith.cmpi ne, %rem3A, %ne3A_242 : i32
        %and3A = arith.andi %ne3A, %ne3A_243 : i1
        %sub3A = arith.constant 1 : i32
        %sub3A_244 = arith.subi %div3A, %sub3A : i32
        %select_n3A = arith.select %and3A, %sub3A_244, %div3A : i32
        %rem3A_245 = arith.constant 8 : i32
        %rem3A_246 = arith.remsi %scan3A_227, %rem3A_245 : i32
        %mul3A_247 = arith.constant 16 : i32
        %mul3A_248 = arith.muli %rem3A_246, %mul3A_247 : i32
        %get3A = arith.index_cast %select_n3A : i32 to index
        %get3A_249 = arith.index_cast %mul3A_248 : i32 to index
        %get3A_250 = tpu.vector_load %arg8[%get3A, %get3A_249] {strides = array<i32>} : memref<5x128xi32, #tpu.memory_space<vmem>>, vector<1x16xi32>,
        %get3A_251 = vector.shape_cast %get3A_250 : vector<1x16xi32> to vector<16xi32>
        %sub3A_252 = vector.broadcast %mul3A_6 : i32 to vector<16xi32>
        %sub3A_253 = arith.subi %get3A_251, %sub3A_252 : vector<16xi32>
        %ge3A = arith.constant 0 : i32
        %ge3A_254 = vector.broadcast %ge3A : i32 to vector<16xi32>
        %ge3A_255 = arith.cmpi sge, %sub3A_253, %ge3A_254 : vector<16xi32>
        %lt3A = arith.constant 50000 : i32
        %lt3A_256 = vector.broadcast %lt3A : i32 to vector<16xi32>
        %lt3A_257 = arith.cmpi slt, %sub3A_253, %lt3A_256 : vector<16xi32>
        %and3A_258 = arith.andi %ge3A_255, %lt3A_257 : vector<16xi1>
        %mul3A_259 = arith.constant 16 : i32
        %mul3A_260 = arith.muli %scan3A_227, %mul3A_259 : i32
        %add3A_261 = vector.broadcast %mul3A_260 : i32 to vector<16xi32>
        %add3A_262 = arith.addi %iota3A, %add3A_261 : vector<16xi32>
        %and3A_263 = arith.constant 511 : i32
        %and3A_264 = vector.broadcast %and3A_263 : i32 to vector<16xi32>
        %and3A_265 = arith.andi %add3A_262, %and3A_264 : vector<16xi32>
        %add3A_266 = arith.constant 50000 : i32
        %add3A_267 = vector.broadcast %add3A_266 : i32 to vector<16xi32>
        %add3A_268 = arith.addi %add3A_267, %and3A_265 : vector<16xi32>
        %select_n3A_269 = arith.select %and3A_258, %sub3A_253, %add3A_268 : vector<16xi1>, vector<16xi32>
        %mul3A_270 = arith.constant 16 : i32
        %mul3A_271 = arith.muli %rem3A_246, %mul3A_270 : i32
        %swap3A = arith.index_cast %select_n3A : i32 to index
        %swap3A_272 = arith.index_cast %mul3A_271 : i32 to index
        %swap3A_273 = tpu.vector_load %arg9[%swap3A, %swap3A_272] {strides = array<i32>} : memref<5x128xi32, #tpu.memory_space<vmem>>, vector<1x16xi32>,
        %swap3A_274 = vector.shape_cast %swap3A_273 : vector<1x16xi32> to vector<16xi32>
        %swap3A_275 = vector.shape_cast %select_n3A_269 : vector<16xi32> to vector<1x16xi32>
        tpu.vector_store %arg9[%swap3A, %swap3A_272], %swap3A_275 {strides = array<i32>} : memref<5x128xi32, #tpu.memory_space<vmem>>, vector<1x16xi32>,
        %scan3A_276 = arith.constant 0 : i32
        scf.yield %scan3A_276 : i32
      }
      %scan3A_76 = arith.constant 40 : i32
      %dma_wait3A = arith.constant 0 : i32
      %dma_wait3A_77 = arith.constant 0 : i32
      %dma_wait3A_78 = arith.constant 0 : i32
      %dma_wait3A_79 = tpu.memref_slice %arg10[%dma_wait3A_77, %dma_wait3A_78] : memref<640x32xf32, #tpu.memory_space<vmem>> -> memref<128x32xf32, #tpu.memory_space<vmem>>
      %dma_wait3A_80 = arith.constant 0 : i32
      %dma_wait3A_81 = tpu.memref_slice %arg7[%dma_wait3A, %dma_wait3A_80] : memref<5x128xi32, #tpu.memory_space<vmem>> -> memref<1x128xi32, #tpu.memory_space<vmem>>
      %dma_wait3A_82 = tpu.memref_squeeze %dma_wait3A_81 : memref<1x128xi32, #tpu.memory_space<vmem>> -> memref<128xi32, #tpu.memory_space<vmem>>
      %dma_wait3A_83 = arith.constant 0 : i32
      %dma_wait3A_84 = arith.constant 0 : i32
      %dma_wait3A_85 = tpu.memref_slice %arg2[%dma_wait3A_83, %dma_wait3A_84] : memref<100000x32xf32, #tpu.memory_space<hbm>> -> memref<100000x32xf32, #tpu.memory_space<hbm>>
      tpu.wait_indirect_dma semaphore(%arg11 : memref<!tpu.dma_semaphore, #tpu.memory_space<semaphore_mem>>) src(%dma_wait3A_85 : memref<100000x32xf32, #tpu.memory_space<hbm>>) dst(%dma_wait3A_79 : memref<128x32xf32, #tpu.memory_space<vmem>>)
      %dma_wait3A_86 = arith.constant 1 : i32
      %dma_wait3A_87 = arith.constant 128 : i32
      %dma_wait3A_88 = arith.constant 0 : i32
      %dma_wait3A_89 = tpu.memref_slice %arg10[%dma_wait3A_87, %dma_wait3A_88] : memref<640x32xf32, #tpu.memory_space<vmem>> -> memref<128x32xf32, #tpu.memory_space<vmem>>
      %dma_wait3A_90 = arith.constant 0 : i32
      %dma_wait3A_91 = tpu.memref_slice %arg7[%dma_wait3A_86, %dma_wait3A_90] : memref<5x128xi32, #tpu.memory_space<vmem>> -> memref<1x128xi32, #tpu.memory_space<vmem>>
      %dma_wait3A_92 = tpu.memref_squeeze %dma_wait3A_91 : memref<1x128xi32, #tpu.memory_space<vmem>> -> memref<128xi32, #tpu.memory_space<vmem>>
      %dma_wait3A_93 = arith.constant 0 : i32
      %dma_wait3A_94 = arith.constant 0 : i32
      %dma_wait3A_95 = tpu.memref_slice %arg2[%dma_wait3A_93, %dma_wait3A_94] : memref<100000x32xf32, #tpu.memory_space<hbm>> -> memref<100000x32xf32, #tpu.memory_space<hbm>>
      tpu.wait_indirect_dma semaphore(%arg11 : memref<!tpu.dma_semaphore, #tpu.memory_space<semaphore_mem>>) src(%dma_wait3A_95 : memref<100000x32xf32, #tpu.memory_space<hbm>>) dst(%dma_wait3A_89 : memref<128x32xf32, #tpu.memory_space<vmem>>)
      %dma_wait3A_96 = arith.constant 2 : i32
      %dma_wait3A_97 = arith.constant 256 : i32
      %dma_wait3A_98 = arith.constant 0 : i32
      %dma_wait3A_99 = tpu.memref_slice %arg10[%dma_wait3A_97, %dma_wait3A_98] : memref<640x32xf32, #tpu.memory_space<vmem>> -> memref<128x32xf32, #tpu.memory_space<vmem>>
      %dma_wait3A_100 = arith.constant 0 : i32
      %dma_wait3A_101 = tpu.memref_slice %arg7[%dma_wait3A_96, %dma_wait3A_100] : memref<5x128xi32, #tpu.memory_space<vmem>> -> memref<1x128xi32, #tpu.memory_space<vmem>>
      %dma_wait3A_102 = tpu.memref_squeeze %dma_wait3A_101 : memref<1x128xi32, #tpu.memory_space<vmem>> -> memref<128xi32, #tpu.memory_space<vmem>>
      %dma_wait3A_103 = arith.constant 0 : i32
      %dma_wait3A_104 = arith.constant 0 : i32
      %dma_wait3A_105 = tpu.memref_slice %arg2[%dma_wait3A_103, %dma_wait3A_104] : memref<100000x32xf32, #tpu.memory_space<hbm>> -> memref<100000x32xf32, #tpu.memory_space<hbm>>
      tpu.wait_indirect_dma semaphore(%arg11 : memref<!tpu.dma_semaphore, #tpu.memory_space<semaphore_mem>>) src(%dma_wait3A_105 : memref<100000x32xf32, #tpu.memory_space<hbm>>) dst(%dma_wait3A_99 : memref<128x32xf32, #tpu.memory_space<vmem>>)
      %dma_wait3A_106 = arith.constant 3 : i32
      %dma_wait3A_107 = arith.constant 384 : i32
      %dma_wait3A_108 = arith.constant 0 : i32
      %dma_wait3A_109 = tpu.memref_slice %arg10[%dma_wait3A_107, %dma_wait3A_108] : memref<640x32xf32, #tpu.memory_space<vmem>> -> memref<128x32xf32, #tpu.memory_space<vmem>>
      %dma_wait3A_110 = arith.constant 0 : i32
      %dma_wait3A_111 = tpu.memref_slice %arg7[%dma_wait3A_106, %dma_wait3A_110] : memref<5x128xi32, #tpu.memory_space<vmem>> -> memref<1x128xi32, #tpu.memory_space<vmem>>
      %dma_wait3A_112 = tpu.memref_squeeze %dma_wait3A_111 : memref<1x128xi32, #tpu.memory_space<vmem>> -> memref<128xi32, #tpu.memory_space<vmem>>
      %dma_wait3A_113 = arith.constant 0 : i32
      %dma_wait3A_114 = arith.constant 0 : i32
      %dma_wait3A_115 = tpu.memref_slice %arg2[%dma_wait3A_113, %dma_wait3A_114] : memref<100000x32xf32, #tpu.memory_space<hbm>> -> memref<100000x32xf32, #tpu.memory_space<hbm>>
      tpu.wait_indirect_dma semaphore(%arg11 : memref<!tpu.dma_semaphore, #tpu.memory_space<semaphore_mem>>) src(%dma_wait3A_115 : memref<100000x32xf32, #tpu.memory_space<hbm>>) dst(%dma_wait3A_109 : memref<128x32xf32, #tpu.memory_space<vmem>>)
      %dma_wait3A_116 = arith.constant 4 : i32
      %dma_wait3A_117 = arith.constant 512 : i32
      %dma_wait3A_118 = arith.constant 0 : i32
      %dma_wait3A_119 = tpu.memref_slice %arg10[%dma_wait3A_117, %dma_wait3A_118] : memref<640x32xf32, #tpu.memory_space<vmem>> -> memref<128x32xf32, #tpu.memory_space<vmem>>
      %dma_wait3A_120 = arith.constant 0 : i32
      %dma_wait3A_121 = tpu.memref_slice %arg7[%dma_wait3A_116, %dma_wait3A_120] : memref<5x128xi32, #tpu.memory_space<vmem>> -> memref<1x128xi32, #tpu.memory_space<vmem>>
      %dma_wait3A_122 = tpu.memref_squeeze %dma_wait3A_121 : memref<1x128xi32, #tpu.memory_space<vmem>> -> memref<128xi32, #tpu.memory_space<vmem>>
      %dma_wait3A_123 = arith.constant 0 : i32
      %dma_wait3A_124 = arith.constant 0 : i32
      %dma_wait3A_125 = tpu.memref_slice %arg2[%dma_wait3A_123, %dma_wait3A_124] : memref<100000x32xf32, #tpu.memory_space<hbm>> -> memref<100000x32xf32, #tpu.memory_space<hbm>>
      tpu.wait_indirect_dma semaphore(%arg11 : memref<!tpu.dma_semaphore, #tpu.memory_space<semaphore_mem>>) src(%dma_wait3A_125 : memref<100000x32xf32, #tpu.memory_space<hbm>>) dst(%dma_wait3A_119 : memref<128x32xf32, #tpu.memory_space<vmem>>)
      %dma_start3A_126 = arith.constant 0 : i32
      %dma_start3A_127 = arith.constant 0 : i32
      %dma_start3A_128 = arith.constant 0 : i32
      %dma_start3A_129 = tpu.memref_slice %arg10[%dma_start3A_127, %dma_start3A_128] : memref<640x32xf32, #tpu.memory_space<vmem>> -> memref<128x32xf32, #tpu.memory_space<vmem>>
      %dma_start3A_130 = arith.constant 0 : i32
      %dma_start3A_131 = tpu.memref_slice %arg9[%dma_start3A_126, %dma_start3A_130] : memref<5x128xi32, #tpu.memory_space<vmem>> -> memref<1x128xi32, #tpu.memory_space<vmem>>
      %dma_start3A_132 = tpu.memref_squeeze %dma_start3A_131 : memref<1x128xi32, #tpu.memory_space<vmem>> -> memref<128xi32, #tpu.memory_space<vmem>>
      %dma_start3A_133 = arith.constant 0 : i32
      %dma_start3A_134 = arith.constant 0 : i32
      %dma_start3A_135 = tpu.memref_slice %arg6[%dma_start3A_133, %dma_start3A_134] : memref<50512x32xf32, #tpu.memory_space<vmem_shared>> -> memref<50512x32xf32, #tpu.memory_space<vmem_shared>>
      tpu.enqueue_indirect_dma source(%dma_start3A_129 : memref<128x32xf32, #tpu.memory_space<vmem>>) target(%dma_start3A_135 : memref<50512x32xf32, #tpu.memory_space<vmem_shared>>) offsets(%dma_start3A_132 : memref<128xi32, #tpu.memory_space<vmem>>) semaphore(%arg12 : memref<!tpu.dma_semaphore, #tpu.memory_space<semaphore_mem>>) {add = true}
      %dma_start3A_136 = arith.constant 1 : i32
      %dma_start3A_137 = arith.constant 128 : i32
      %dma_start3A_138 = arith.constant 0 : i32
      %dma_start3A_139 = tpu.memref_slice %arg10[%dma_start3A_137, %dma_start3A_138] : memref<640x32xf32, #tpu.memory_space<vmem>> -> memref<128x32xf32, #tpu.memory_space<vmem>>
      %dma_start3A_140 = arith.constant 0 : i32
      %dma_start3A_141 = tpu.memref_slice %arg9[%dma_start3A_136, %dma_start3A_140] : memref<5x128xi32, #tpu.memory_space<vmem>> -> memref<1x128xi32, #tpu.memory_space<vmem>>
      %dma_start3A_142 = tpu.memref_squeeze %dma_start3A_141 : memref<1x128xi32, #tpu.memory_space<vmem>> -> memref<128xi32, #tpu.memory_space<vmem>>
      %dma_start3A_143 = arith.constant 0 : i32
      %dma_start3A_144 = arith.constant 0 : i32
      %dma_start3A_145 = tpu.memref_slice %arg6[%dma_start3A_143, %dma_start3A_144] : memref<50512x32xf32, #tpu.memory_space<vmem_shared>> -> memref<50512x32xf32, #tpu.memory_space<vmem_shared>>
      tpu.enqueue_indirect_dma source(%dma_start3A_139 : memref<128x32xf32, #tpu.memory_space<vmem>>) target(%dma_start3A_145 : memref<50512x32xf32, #tpu.memory_space<vmem_shared>>) offsets(%dma_start3A_142 : memref<128xi32, #tpu.memory_space<vmem>>) semaphore(%arg12 : memref<!tpu.dma_semaphore, #tpu.memory_space<semaphore_mem>>) {add = true}
      %dma_start3A_146 = arith.constant 2 : i32
      %dma_start3A_147 = arith.constant 256 : i32
      %dma_start3A_148 = arith.constant 0 : i32
      %dma_start3A_149 = tpu.memref_slice %arg10[%dma_start3A_147, %dma_start3A_148] : memref<640x32xf32, #tpu.memory_space<vmem>> -> memref<128x32xf32, #tpu.memory_space<vmem>>
      %dma_start3A_150 = arith.constant 0 : i32
      %dma_start3A_151 = tpu.memref_slice %arg9[%dma_start3A_146, %dma_start3A_150] : memref<5x128xi32, #tpu.memory_space<vmem>> -> memref<1x128xi32, #tpu.memory_space<vmem>>
      %dma_start3A_152 = tpu.memref_squeeze %dma_start3A_151 : memref<1x128xi32, #tpu.memory_space<vmem>> -> memref<128xi32, #tpu.memory_space<vmem>>
      %dma_start3A_153 = arith.constant 0 : i32
      %dma_start3A_154 = arith.constant 0 : i32
      %dma_start3A_155 = tpu.memref_slice %arg6[%dma_start3A_153, %dma_start3A_154] : memref<50512x32xf32, #tpu.memory_space<vmem_shared>> -> memref<50512x32xf32, #tpu.memory_space<vmem_shared>>
      tpu.enqueue_indirect_dma source(%dma_start3A_149 : memref<128x32xf32, #tpu.memory_space<vmem>>) target(%dma_start3A_155 : memref<50512x32xf32, #tpu.memory_space<vmem_shared>>) offsets(%dma_start3A_152 : memref<128xi32, #tpu.memory_space<vmem>>) semaphore(%arg12 : memref<!tpu.dma_semaphore, #tpu.memory_space<semaphore_mem>>) {add = true}
      %dma_start3A_156 = arith.constant 3 : i32
      %dma_start3A_157 = arith.constant 384 : i32
      %dma_start3A_158 = arith.constant 0 : i32
      %dma_start3A_159 = tpu.memref_slice %arg10[%dma_start3A_157, %dma_start3A_158] : memref<640x32xf32, #tpu.memory_space<vmem>> -> memref<128x32xf32, #tpu.memory_space<vmem>>
      %dma_start3A_160 = arith.constant 0 : i32
      %dma_start3A_161 = tpu.memref_slice %arg9[%dma_start3A_156, %dma_start3A_160] : memref<5x128xi32, #tpu.memory_space<vmem>> -> memref<1x128xi32, #tpu.memory_space<vmem>>
      %dma_start3A_162 = tpu.memref_squeeze %dma_start3A_161 : memref<1x128xi32, #tpu.memory_space<vmem>> -> memref<128xi32, #tpu.memory_space<vmem>>
      %dma_start3A_163 = arith.constant 0 : i32
      %dma_start3A_164 = arith.constant 0 : i32
      %dma_start3A_165 = tpu.memref_slice %arg6[%dma_start3A_163, %dma_start3A_164] : memref<50512x32xf32, #tpu.memory_space<vmem_shared>> -> memref<50512x32xf32, #tpu.memory_space<vmem_shared>>
      tpu.enqueue_indirect_dma source(%dma_start3A_159 : memref<128x32xf32, #tpu.memory_space<vmem>>) target(%dma_start3A_165 : memref<50512x32xf32, #tpu.memory_space<vmem_shared>>) offsets(%dma_start3A_162 : memref<128xi32, #tpu.memory_space<vmem>>) semaphore(%arg12 : memref<!tpu.dma_semaphore, #tpu.memory_space<semaphore_mem>>) {add = true}
      %dma_start3A_166 = arith.constant 4 : i32
      %dma_start3A_167 = arith.constant 512 : i32
      %dma_start3A_168 = arith.constant 0 : i32
      %dma_start3A_169 = tpu.memref_slice %arg10[%dma_start3A_167, %dma_start3A_168] : memref<640x32xf32, #tpu.memory_space<vmem>> -> memref<128x32xf32, #tpu.memory_space<vmem>>
      %dma_start3A_170 = arith.constant 0 : i32
      %dma_start3A_171 = tpu.memref_slice %arg9[%dma_start3A_166, %dma_start3A_170] : memref<5x128xi32, #tpu.memory_space<vmem>> -> memref<1x128xi32, #tpu.memory_space<vmem>>
      %dma_start3A_172 = tpu.memref_squeeze %dma_start3A_171 : memref<1x128xi32, #tpu.memory_space<vmem>> -> memref<128xi32, #tpu.memory_space<vmem>>
      %dma_start3A_173 = arith.constant 0 : i32
      %dma_start3A_174 = arith.constant 0 : i32
      %dma_start3A_175 = tpu.memref_slice %arg6[%dma_start3A_173, %dma_start3A_174] : memref<50512x32xf32, #tpu.memory_space<vmem_shared>> -> memref<50512x32xf32, #tpu.memory_space<vmem_shared>>
      tpu.enqueue_indirect_dma source(%dma_start3A_169 : memref<128x32xf32, #tpu.memory_space<vmem>>) target(%dma_start3A_175 : memref<50512x32xf32, #tpu.memory_space<vmem_shared>>) offsets(%dma_start3A_172 : memref<128xi32, #tpu.memory_space<vmem>>) semaphore(%arg12 : memref<!tpu.dma_semaphore, #tpu.memory_space<semaphore_mem>>) {add = true}
      %dma_wait3A_176 = arith.constant 0 : i32
      %dma_wait3A_177 = arith.constant 0 : i32
      %dma_wait3A_178 = arith.constant 0 : i32
      %dma_wait3A_179 = tpu.memref_slice %arg10[%dma_wait3A_177, %dma_wait3A_178] : memref<640x32xf32, #tpu.memory_space<vmem>> -> memref<128x32xf32, #tpu.memory_space<vmem>>
      %dma_wait3A_180 = arith.constant 0 : i32
      %dma_wait3A_181 = tpu.memref_slice %arg9[%dma_wait3A_176, %dma_wait3A_180] : memref<5x128xi32, #tpu.memory_space<vmem>> -> memref<1x128xi32, #tpu.memory_space<vmem>>
      %dma_wait3A_182 = tpu.memref_squeeze %dma_wait3A_181 : memref<1x128xi32, #tpu.memory_space<vmem>> -> memref<128xi32, #tpu.memory_space<vmem>>
      %dma_wait3A_183 = arith.constant 0 : i32
      %dma_wait3A_184 = arith.constant 0 : i32
      %dma_wait3A_185 = tpu.memref_slice %arg6[%dma_wait3A_183, %dma_wait3A_184] : memref<50512x32xf32, #tpu.memory_space<vmem_shared>> -> memref<50512x32xf32, #tpu.memory_space<vmem_shared>>
      tpu.wait_indirect_dma semaphore(%arg12 : memref<!tpu.dma_semaphore, #tpu.memory_space<semaphore_mem>>) src(%dma_wait3A_179 : memref<128x32xf32, #tpu.memory_space<vmem>>) dst(%dma_wait3A_185 : memref<50512x32xf32, #tpu.memory_space<vmem_shared>>)
      %dma_wait3A_186 = arith.constant 1 : i32
      %dma_wait3A_187 = arith.constant 128 : i32
      %dma_wait3A_188 = arith.constant 0 : i32
      %dma_wait3A_189 = tpu.memref_slice %arg10[%dma_wait3A_187, %dma_wait3A_188] : memref<640x32xf32, #tpu.memory_space<vmem>> -> memref<128x32xf32, #tpu.memory_space<vmem>>
      %dma_wait3A_190 = arith.constant 0 : i32
      %dma_wait3A_191 = tpu.memref_slice %arg9[%dma_wait3A_186, %dma_wait3A_190] : memref<5x128xi32, #tpu.memory_space<vmem>> -> memref<1x128xi32, #tpu.memory_space<vmem>>
      %dma_wait3A_192 = tpu.memref_squeeze %dma_wait3A_191 : memref<1x128xi32, #tpu.memory_space<vmem>> -> memref<128xi32, #tpu.memory_space<vmem>>
      %dma_wait3A_193 = arith.constant 0 : i32
      %dma_wait3A_194 = arith.constant 0 : i32
      %dma_wait3A_195 = tpu.memref_slice %arg6[%dma_wait3A_193, %dma_wait3A_194] : memref<50512x32xf32, #tpu.memory_space<vmem_shared>> -> memref<50512x32xf32, #tpu.memory_space<vmem_shared>>
      tpu.wait_indirect_dma semaphore(%arg12 : memref<!tpu.dma_semaphore, #tpu.memory_space<semaphore_mem>>) src(%dma_wait3A_189 : memref<128x32xf32, #tpu.memory_space<vmem>>) dst(%dma_wait3A_195 : memref<50512x32xf32, #tpu.memory_space<vmem_shared>>)
      %dma_wait3A_196 = arith.constant 2 : i32
      %dma_wait3A_197 = arith.constant 256 : i32
      %dma_wait3A_198 = arith.constant 0 : i32
      %dma_wait3A_199 = tpu.memref_slice %arg10[%dma_wait3A_197, %dma_wait3A_198] : memref<640x32xf32, #tpu.memory_space<vmem>> -> memref<128x32xf32, #tpu.memory_space<vmem>>
      %dma_wait3A_200 = arith.constant 0 : i32
      %dma_wait3A_201 = tpu.memref_slice %arg9[%dma_wait3A_196, %dma_wait3A_200] : memref<5x128xi32, #tpu.memory_space<vmem>> -> memref<1x128xi32, #tpu.memory_space<vmem>>
      %dma_wait3A_202 = tpu.memref_squeeze %dma_wait3A_201 : memref<1x128xi32, #tpu.memory_space<vmem>> -> memref<128xi32, #tpu.memory_space<vmem>>
      %dma_wait3A_203 = arith.constant 0 : i32
      %dma_wait3A_204 = arith.constant 0 : i32
      %dma_wait3A_205 = tpu.memref_slice %arg6[%dma_wait3A_203, %dma_wait3A_204] : memref<50512x32xf32, #tpu.memory_space<vmem_shared>> -> memref<50512x32xf32, #tpu.memory_space<vmem_shared>>
      tpu.wait_indirect_dma semaphore(%arg12 : memref<!tpu.dma_semaphore, #tpu.memory_space<semaphore_mem>>) src(%dma_wait3A_199 : memref<128x32xf32, #tpu.memory_space<vmem>>) dst(%dma_wait3A_205 : memref<50512x32xf32, #tpu.memory_space<vmem_shared>>)
      %dma_wait3A_206 = arith.constant 3 : i32
      %dma_wait3A_207 = arith.constant 384 : i32
      %dma_wait3A_208 = arith.constant 0 : i32
      %dma_wait3A_209 = tpu.memref_slice %arg10[%dma_wait3A_207, %dma_wait3A_208] : memref<640x32xf32, #tpu.memory_space<vmem>> -> memref<128x32xf32, #tpu.memory_space<vmem>>
      %dma_wait3A_210 = arith.constant 0 : i32
      %dma_wait3A_211 = tpu.memref_slice %arg9[%dma_wait3A_206, %dma_wait3A_210] : memref<5x128xi32, #tpu.memory_space<vmem>> -> memref<1x128xi32, #tpu.memory_space<vmem>>
      %dma_wait3A_212 = tpu.memref_squeeze %dma_wait3A_211 : memref<1x128xi32, #tpu.memory_space<vmem>> -> memref<128xi32, #tpu.memory_space<vmem>>
      %dma_wait3A_213 = arith.constant 0 : i32
      %dma_wait3A_214 = arith.constant 0 : i32
      %dma_wait3A_215 = tpu.memref_slice %arg6[%dma_wait3A_213, %dma_wait3A_214] : memref<50512x32xf32, #tpu.memory_space<vmem_shared>> -> memref<50512x32xf32, #tpu.memory_space<vmem_shared>>
      tpu.wait_indirect_dma semaphore(%arg12 : memref<!tpu.dma_semaphore, #tpu.memory_space<semaphore_mem>>) src(%dma_wait3A_209 : memref<128x32xf32, #tpu.memory_space<vmem>>) dst(%dma_wait3A_215 : memref<50512x32xf32, #tpu.memory_space<vmem_shared>>)
      %dma_wait3A_216 = arith.constant 4 : i32
      %dma_wait3A_217 = arith.constant 512 : i32
      %dma_wait3A_218 = arith.constant 0 : i32
      %dma_wait3A_219 = tpu.memref_slice %arg10[%dma_wait3A_217, %dma_wait3A_218] : memref<640x32xf32, #tpu.memory_space<vmem>> -> memref<128x32xf32, #tpu.memory_space<vmem>>
      %dma_wait3A_220 = arith.constant 0 : i32
      %dma_wait3A_221 = tpu.memref_slice %arg9[%dma_wait3A_216, %dma_wait3A_220] : memref<5x128xi32, #tpu.memory_space<vmem>> -> memref<1x128xi32, #tpu.memory_space<vmem>>
      %dma_wait3A_222 = tpu.memref_squeeze %dma_wait3A_221 : memref<1x128xi32, #tpu.memory_space<vmem>> -> memref<128xi32, #tpu.memory_space<vmem>>
      %dma_wait3A_223 = arith.constant 0 : i32
      %dma_wait3A_224 = arith.constant 0 : i32
      %dma_wait3A_225 = tpu.memref_slice %arg6[%dma_wait3A_223, %dma_wait3A_224] : memref<50512x32xf32, #tpu.memory_space<vmem_shared>> -> memref<50512x32xf32, #tpu.memory_space<vmem_shared>>
      tpu.wait_indirect_dma semaphore(%arg12 : memref<!tpu.dma_semaphore, #tpu.memory_space<semaphore_mem>>) src(%dma_wait3A_219 : memref<128x32xf32, #tpu.memory_space<vmem>>) dst(%dma_wait3A_225 : memref<50512x32xf32, #tpu.memory_space<vmem_shared>>)
      %scan3A_226 = arith.constant 0 : i32
      scf.yield %scan3A_226 : i32
    }
    %scan3A_14 = arith.constant 625 : i32
    %barrier3A_15 = arith.constant 0 : index
    tpu.barrier barrier_id(%barrier3A_15)
    "tpu.region"() ({
      %run_scoped3A = tpu.sem_alloc : memref<!tpu.dma_semaphore, #tpu.memory_space<semaphore_mem>>
      %dma_start3A = arith.constant 0 : i32
      %dma_start3A_16 = tpu.memref_slice %arg5[%add3A, %dma_start3A] : memref<100000x32xf32, #tpu.memory_space<hbm>> -> memref<3125x32xf32, #tpu.memory_space<hbm>>
      %dma_start3A_17 = arith.constant 0 : i32
      %dma_start3A_18 = tpu.memref_slice %arg6[%mul3A_4, %dma_start3A_17] : memref<50512x32xf32, #tpu.memory_space<vmem_shared>> -> memref<3125x32xf32, #tpu.memory_space<vmem_shared>>
      tpu.enqueue_dma source(%dma_start3A_18 : memref<3125x32xf32, #tpu.memory_space<vmem_shared>>) target(%dma_start3A_16 : memref<3125x32xf32, #tpu.memory_space<hbm>>) target_semaphore(%run_scoped3A : memref<!tpu.dma_semaphore, #tpu.memory_space<semaphore_mem>>)
      %dma_wait3A = arith.constant 0 : i32
      %dma_wait3A_19 = tpu.memref_slice %arg5[%add3A, %dma_wait3A] : memref<100000x32xf32, #tpu.memory_space<hbm>> -> memref<3125x32xf32, #tpu.memory_space<hbm>>
      %dma_wait3A_20 = arith.constant 0 : i32
      %dma_wait3A_21 = tpu.memref_slice %arg6[%mul3A_4, %dma_wait3A_20] : memref<50512x32xf32, #tpu.memory_space<vmem_shared>> -> memref<3125x32xf32, #tpu.memory_space<vmem_shared>>
      tpu.wait_dma2 semaphore(%run_scoped3A : memref<!tpu.dma_semaphore, #tpu.memory_space<semaphore_mem>>) src(%dma_wait3A_21 : memref<3125x32xf32, #tpu.memory_space<vmem_shared>>) dst(%dma_wait3A_19 : memref<3125x32xf32, #tpu.memory_space<hbm>>)
      tpu.yield
    }) : () -> ()
    return
  }
}

module attributes {stable_mosaic.version = 14 : i64} {
  func.func @_mlp_body(%arg0: i32, %arg1: i32, %arg2: memref<5000x32xf32, #tpu.memory_space<vmem>>, %arg3: memref<32x32xf32, #tpu.memory_space<vmem>>, %arg4: memref<1x32xf32, #tpu.memory_space<vmem>>, %arg5: memref<1x32xf32, #tpu.memory_space<vmem>>, %arg6: memref<1x32xf32, #tpu.memory_space<vmem>>, %arg7: memref<32x32xf32, #tpu.memory_space<vmem>>, %arg8: memref<1x32xf32, #tpu.memory_space<vmem>>, %arg9: memref<5000x32xf32, #tpu.memory_space<vmem>>, %arg10: memref<8x32xf32, #tpu.memory_space<vmem>>) attributes {dimension_semantics = [#tpu.dimension_semantics<arbitrary>, #tpu.dimension_semantics<arbitrary>], iteration_bounds = array<i64: 3, 20>, scalar_prefetch = 0 : i64, scratch_operands = 1 : i64, tpu.core_type = #tpu.core_type<tc>, window_params = [{transform_indices = @transform_0, window_bounds = array<i64: 5000, 32>}, {pipeline_mode = #tpu.pipeline_mode<synchronous>, transform_indices = @transform_1, window_bounds = array<i64: 32, 32>}, {pipeline_mode = #tpu.pipeline_mode<synchronous>, transform_indices = @transform_2, window_bounds = array<i64: 1, 32>}, {pipeline_mode = #tpu.pipeline_mode<synchronous>, transform_indices = @transform_3, window_bounds = array<i64: 1, 32>}, {pipeline_mode = #tpu.pipeline_mode<synchronous>, transform_indices = @transform_4, window_bounds = array<i64: 1, 32>}, {pipeline_mode = #tpu.pipeline_mode<synchronous>, transform_indices = @transform_5, window_bounds = array<i64: 32, 32>}, {pipeline_mode = #tpu.pipeline_mode<synchronous>, transform_indices = @transform_6, window_bounds = array<i64: 1, 32>}, {transform_indices = @transform_7, window_bounds = array<i64: 5000, 32>}]} {
    %eq3A = arith.constant 0 : i32
    %eq3A_0 = arith.cmpi eq, %arg0, %eq3A : i32
    %eq3A_1 = arith.constant 0 : i32
    %eq3A_2 = arith.cmpi eq, %arg1, %eq3A_1 : i32
    %and3A = arith.andi %eq3A_0, %eq3A_2 : i1
    %convert_element_type3A = arith.extui %and3A : i1 to i32
    %cond3A = arith.constant 0 : i32
    %cond3A_3 = arith.cmpi ne, %convert_element_type3A, %cond3A : i32
    scf.if %cond3A_3 {
      %broadcast_in_dim3A = arith.constant 0.000000e+00 : f32
      %broadcast_in_dim3A_23 = vector.broadcast %broadcast_in_dim3A : f32 to vector<8x32xf32>
      %swap3A = arith.constant 0 : index
      %swap3A_24 = arith.constant 0 : index
      %swap3A_25 = vector.load %arg10[%swap3A, %swap3A_24] : memref<8x32xf32, #tpu.memory_space<vmem>>, vector<8x32xf32>
      tpu.vector_store %arg10[%swap3A, %swap3A_24], %broadcast_in_dim3A_23 {strides = array<i32>} : memref<8x32xf32, #tpu.memory_space<vmem>>, vector<8x32xf32>,
    } else {
    }
    %get3A = arith.constant 0 : index
    %get3A_4 = arith.constant 0 : index
    %get3A_5 = vector.load %arg2[%get3A, %get3A_4] : memref<5000x32xf32, #tpu.memory_space<vmem>>, vector<5000x32xf32>
    %get3A_6 = arith.constant 0 : index
    %get3A_7 = arith.constant 0 : index
    %get3A_8 = vector.load %arg3[%get3A_6, %get3A_7] : memref<32x32xf32, #tpu.memory_space<vmem>>, vector<32x32xf32>
    %dot_general3A = arith.constant dense<0.000000e+00> : vector<5000x32xf32>
    %dot_general3A_9 = tpu.matmul %get3A_5, %get3A_8, %dot_general3A {dimension_numbers = #tpu.dot_dimension_numbers<[1], [0], [0], [1], [0, 0, 1, 1], [], []>, transpose_lhs_hint = false} : vector<5000x32xf32>, vector<32x32xf32>, vector<5000x32xf32> -> vector<5000x32xf32>
    %get3A_10 = arith.constant 0 : index
    %get3A_11 = arith.constant 0 : index
    %get3A_12 = vector.load %arg4[%get3A_10, %get3A_11] : memref<1x32xf32, #tpu.memory_space<vmem>>, vector<1x32xf32>
    %add3A = vector.broadcast %get3A_12 : vector<1x32xf32> to vector<5000x32xf32>
    %add3A_13 = arith.addf %dot_general3A_9, %add3A : vector<5000x32xf32>
    %eq3A_14 = arith.constant 0 : i32
    %eq3A_15 = arith.cmpi eq, %arg0, %eq3A_14 : i32
    %convert_element_type3A_16 = arith.extui %eq3A_15 : i1 to i32
    %cond3A_17 = arith.constant 0 : i32
    %cond3A_18 = arith.cmpi ne, %convert_element_type3A_16, %cond3A_17 : i32
    scf.if %cond3A_18 {
      %get3A_23 = arith.constant 0 : index
      %get3A_24 = arith.constant 0 : index
      %get3A_25 = vector.load %arg10[%get3A_23, %get3A_24] : memref<8x32xf32, #tpu.memory_space<vmem>>, vector<1x32xf32>
      %get3A_26 = vector.shape_cast %get3A_25 : vector<1x32xf32> to vector<32xf32>
      %reduce_sum3A = arith.constant dense<0.000000e+00> : vector<32xf32>
      %reduce_sum3A_27 = vector.multi_reduction <add>, %add3A_13, %reduce_sum3A [0] : vector<5000x32xf32> to vector<32xf32>
      %add3A_28 = arith.addf %get3A_26, %reduce_sum3A_27 : vector<32xf32>
      %swap3A = arith.constant 0 : index
      %swap3A_29 = arith.constant 0 : index
      %swap3A_30 = vector.load %arg10[%swap3A, %swap3A_29] : memref<8x32xf32, #tpu.memory_space<vmem>>, vector<1x32xf32>
      %swap3A_31 = vector.shape_cast %swap3A_30 : vector<1x32xf32> to vector<32xf32>
      %swap3A_32 = vector.shape_cast %add3A_28 : vector<32xf32> to vector<1x32xf32>
      tpu.vector_store %arg10[%swap3A, %swap3A_29], %swap3A_32 {strides = array<i32>} : memref<8x32xf32, #tpu.memory_space<vmem>>, vector<1x32xf32>,
    } else {
    }
    %gt3A = arith.constant 0 : i32
    %gt3A_19 = arith.cmpi sgt, %arg0, %gt3A : i32
    %convert_element_type3A_20 = arith.extui %gt3A_19 : i1 to i32
    %cond3A_21 = arith.constant 0 : i32
    %cond3A_22 = arith.cmpi ne, %convert_element_type3A_20, %cond3A_21 : i32
    scf.if %cond3A_22 {
      %get3A_23 = arith.constant 0 : index
      %get3A_24 = arith.constant 0 : index
      %get3A_25 = vector.load %arg10[%get3A_23, %get3A_24] : memref<8x32xf32, #tpu.memory_space<vmem>>, vector<1x32xf32>
      %div3A = arith.constant 1.000000e+05 : f32
      %div3A_26 = vector.broadcast %div3A : f32 to vector<1x32xf32>
      %div3A_27 = arith.divf %get3A_25, %div3A_26 : vector<1x32xf32>
      %sub3A = vector.broadcast %div3A_27 : vector<1x32xf32> to vector<5000x32xf32>
      %sub3A_28 = arith.subf %add3A_13, %sub3A : vector<5000x32xf32>
      %eq3A_29 = arith.constant 1 : i32
      %eq3A_30 = arith.cmpi eq, %arg0, %eq3A_29 : i32
      %convert_element_type3A_31 = arith.extui %eq3A_30 : i1 to i32
      %cond3A_32 = arith.constant 0 : i32
      %cond3A_33 = arith.cmpi ne, %convert_element_type3A_31, %cond3A_32 : i32
      scf.if %cond3A_33 {
        %get3A_39 = arith.constant 1 : index
        %get3A_40 = arith.constant 0 : index
        %get3A_41 = vector.load %arg10[%get3A_39, %get3A_40] : memref<8x32xf32, #tpu.memory_space<vmem>>, vector<1x32xf32>
        %get3A_42 = vector.shape_cast %get3A_41 : vector<1x32xf32> to vector<32xf32>
        %mul3A = arith.mulf %sub3A_28, %sub3A_28 : vector<5000x32xf32>
        %reduce_sum3A = arith.constant dense<0.000000e+00> : vector<32xf32>
        %reduce_sum3A_43 = vector.multi_reduction <add>, %mul3A, %reduce_sum3A [0] : vector<5000x32xf32> to vector<32xf32>
        %add3A_44 = arith.addf %get3A_42, %reduce_sum3A_43 : vector<32xf32>
        %swap3A = arith.constant 1 : index
        %swap3A_45 = arith.constant 0 : index
        %swap3A_46 = vector.load %arg10[%swap3A, %swap3A_45] : memref<8x32xf32, #tpu.memory_space<vmem>>, vector<1x32xf32>
        %swap3A_47 = vector.shape_cast %swap3A_46 : vector<1x32xf32> to vector<32xf32>
        %swap3A_48 = vector.shape_cast %add3A_44 : vector<32xf32> to vector<1x32xf32>
        tpu.vector_store %arg10[%swap3A, %swap3A_45], %swap3A_48 {strides = array<i32>} : memref<8x32xf32, #tpu.memory_space<vmem>>, vector<1x32xf32>,
      } else {
      }
      %eq3A_34 = arith.constant 2 : i32
      %eq3A_35 = arith.cmpi eq, %arg0, %eq3A_34 : i32
      %convert_element_type3A_36 = arith.extui %eq3A_35 : i1 to i32
      %cond3A_37 = arith.constant 0 : i32
      %cond3A_38 = arith.cmpi ne, %convert_element_type3A_36, %cond3A_37 : i32
      scf.if %cond3A_38 {
        %get3A_39 = arith.constant 1 : index
        %get3A_40 = arith.constant 0 : index
        %get3A_41 = vector.load %arg10[%get3A_39, %get3A_40] : memref<8x32xf32, #tpu.memory_space<vmem>>, vector<1x32xf32>
        %div3A_42 = arith.constant 1.000000e+05 : f32
        %div3A_43 = vector.broadcast %div3A_42 : f32 to vector<1x32xf32>
        %div3A_44 = arith.divf %get3A_41, %div3A_43 : vector<1x32xf32>
        %add3A_45 = arith.constant 9.99999974E-6 : f32
        %add3A_46 = vector.broadcast %add3A_45 : f32 to vector<1x32xf32>
        %add3A_47 = arith.addf %div3A_44, %add3A_46 : vector<1x32xf32>
        %sqrt3A = math.sqrt %add3A_47 : vector<1x32xf32>
        %div3A_48 = vector.broadcast %sqrt3A : vector<1x32xf32> to vector<5000x32xf32>
        %div3A_49 = arith.divf %sub3A_28, %div3A_48 : vector<5000x32xf32>
        %get3A_50 = arith.constant 0 : index
        %get3A_51 = arith.constant 0 : index
        %get3A_52 = vector.load %arg5[%get3A_50, %get3A_51] : memref<1x32xf32, #tpu.memory_space<vmem>>, vector<1x32xf32>
        %mul3A = vector.broadcast %get3A_52 : vector<1x32xf32> to vector<5000x32xf32>
        %mul3A_53 = arith.mulf %div3A_49, %mul3A : vector<5000x32xf32>
        %get3A_54 = arith.constant 0 : index
        %get3A_55 = arith.constant 0 : index
        %get3A_56 = vector.load %arg6[%get3A_54, %get3A_55] : memref<1x32xf32, #tpu.memory_space<vmem>>, vector<1x32xf32>
        %add3A_57 = vector.broadcast %get3A_56 : vector<1x32xf32> to vector<5000x32xf32>
        %add3A_58 = arith.addf %mul3A_53, %add3A_57 : vector<5000x32xf32>
        %max3A = arith.constant 0.000000e+00 : f32
        %max3A_59 = vector.broadcast %max3A : f32 to vector<5000x32xf32>
        %max3A_60 = arith.maximumf %add3A_58, %max3A_59 : vector<5000x32xf32>
        %get3A_61 = arith.constant 0 : index
        %get3A_62 = arith.constant 0 : index
        %get3A_63 = vector.load %arg7[%get3A_61, %get3A_62] : memref<32x32xf32, #tpu.memory_space<vmem>>, vector<32x32xf32>
        %dot_general3A_64 = arith.constant dense<0.000000e+00> : vector<5000x32xf32>
        %dot_general3A_65 = tpu.matmul %max3A_60, %get3A_63, %dot_general3A_64 {dimension_numbers = #tpu.dot_dimension_numbers<[1], [0], [0], [1], [0, 0, 1, 1], [], []>, transpose_lhs_hint = false} : vector<5000x32xf32>, vector<32x32xf32>, vector<5000x32xf32> -> vector<5000x32xf32>
        %get3A_66 = arith.constant 0 : index
        %get3A_67 = arith.constant 0 : index
        %get3A_68 = vector.load %arg8[%get3A_66, %get3A_67] : memref<1x32xf32, #tpu.memory_space<vmem>>, vector<1x32xf32>
        %add3A_69 = vector.broadcast %get3A_68 : vector<1x32xf32> to vector<5000x32xf32>
        %add3A_70 = arith.addf %dot_general3A_65, %add3A_69 : vector<5000x32xf32>
        %max3A_71 = arith.constant 0.000000e+00 : f32
        %max3A_72 = vector.broadcast %max3A_71 : f32 to vector<5000x32xf32>
        %max3A_73 = arith.maximumf %add3A_70, %max3A_72 : vector<5000x32xf32>
        %swap3A = arith.constant 0 : index
        %swap3A_74 = arith.constant 0 : index
        %swap3A_75 = vector.load %arg9[%swap3A, %swap3A_74] : memref<5000x32xf32, #tpu.memory_space<vmem>>, vector<5000x32xf32>
        tpu.vector_store %arg9[%swap3A, %swap3A_74], %max3A_73 {strides = array<i32>} : memref<5000x32xf32, #tpu.memory_space<vmem>>, vector<5000x32xf32>,
      } else {
      }
    } else {
    }
    return
  }
  func.func @transform_0(%arg0: i32, %arg1: i32) -> (i32, i32) {
    %c0_i32 = arith.constant 0 : i32
    %c0_i32_0 = arith.constant 0 : i32
    return %arg1, %c0_i32 : i32, i32
  }
  func.func @transform_1(%arg0: i32, %arg1: i32) -> (i32, i32) {
    %c0_i32 = arith.constant 0 : i32
    %c0_i32_0 = arith.constant 0 : i32
    %c0_i32_1 = arith.constant 0 : i32
    return %c0_i32, %c0_i32_0 : i32, i32
  }
  func.func @transform_2(%arg0: i32, %arg1: i32) -> (i32, i32) {
    %c0_i32 = arith.constant 0 : i32
    %c0_i32_0 = arith.constant 0 : i32
    %c0_i32_1 = arith.constant 0 : i32
    return %c0_i32, %c0_i32_0 : i32, i32
  }
  func.func @transform_3(%arg0: i32, %arg1: i32) -> (i32, i32) {
    %c0_i32 = arith.constant 0 : i32
    %c0_i32_0 = arith.constant 0 : i32
    %c0_i32_1 = arith.constant 0 : i32
    return %c0_i32, %c0_i32_0 : i32, i32
  }
  func.func @transform_4(%arg0: i32, %arg1: i32) -> (i32, i32) {
    %c0_i32 = arith.constant 0 : i32
    %c0_i32_0 = arith.constant 0 : i32
    %c0_i32_1 = arith.constant 0 : i32
    return %c0_i32, %c0_i32_0 : i32, i32
  }
  func.func @transform_5(%arg0: i32, %arg1: i32) -> (i32, i32) {
    %c0_i32 = arith.constant 0 : i32
    %c0_i32_0 = arith.constant 0 : i32
    %c0_i32_1 = arith.constant 0 : i32
    return %c0_i32, %c0_i32_0 : i32, i32
  }
  func.func @transform_6(%arg0: i32, %arg1: i32) -> (i32, i32) {
    %c0_i32 = arith.constant 0 : i32
    %c0_i32_0 = arith.constant 0 : i32
    %c0_i32_1 = arith.constant 0 : i32
    return %c0_i32, %c0_i32_0 : i32, i32
  }
  func.func @transform_7(%arg0: i32, %arg1: i32) -> (i32, i32) {
    %c0_i32 = arith.constant 0 : i32
    %c0_i32_0 = arith.constant 0 : i32
    return %arg1, %c0_i32 : i32, i32
  }
}

module attributes {stable_mosaic.version = 14 : i64} {
  func.func @_mlp_body(%arg0: i32, %arg1: i32, %arg2: memref<5000x32xf32, #tpu.memory_space<vmem>>, %arg3: memref<32x32xf32, #tpu.memory_space<vmem>>, %arg4: memref<1x32xf32, #tpu.memory_space<vmem>>, %arg5: memref<1x32xf32, #tpu.memory_space<vmem>>, %arg6: memref<1x32xf32, #tpu.memory_space<vmem>>, %arg7: memref<32x32xf32, #tpu.memory_space<vmem>>, %arg8: memref<1x32xf32, #tpu.memory_space<vmem>>, %arg9: memref<5000x32xf32, #tpu.memory_space<vmem>>, %arg10: memref<8x32xf32, #tpu.memory_space<vmem>>) attributes {dimension_semantics = [#tpu.dimension_semantics<arbitrary>, #tpu.dimension_semantics<arbitrary>], iteration_bounds = array<i64: 3, 20>, scalar_prefetch = 0 : i64, scratch_operands = 1 : i64, tpu.core_type = #tpu.core_type<tc>, window_params = [{transform_indices = @transform_0, window_bounds = array<i64: 5000, 32>}, {pipeline_mode = #tpu.pipeline_mode<synchronous>, transform_indices = @transform_1, window_bounds = array<i64: 32, 32>}, {pipeline_mode = #tpu.pipeline_mode<synchronous>, transform_indices = @transform_2, window_bounds = array<i64: 1, 32>}, {pipeline_mode = #tpu.pipeline_mode<synchronous>, transform_indices = @transform_3, window_bounds = array<i64: 1, 32>}, {pipeline_mode = #tpu.pipeline_mode<synchronous>, transform_indices = @transform_4, window_bounds = array<i64: 1, 32>}, {pipeline_mode = #tpu.pipeline_mode<synchronous>, transform_indices = @transform_5, window_bounds = array<i64: 32, 32>}, {pipeline_mode = #tpu.pipeline_mode<synchronous>, transform_indices = @transform_6, window_bounds = array<i64: 1, 32>}, {transform_indices = @transform_7, window_bounds = array<i64: 5000, 32>}]} {
    %eq3A = arith.constant 0 : i32
    %eq3A_0 = arith.cmpi eq, %arg0, %eq3A : i32
    %eq3A_1 = arith.constant 0 : i32
    %eq3A_2 = arith.cmpi eq, %arg1, %eq3A_1 : i32
    %and3A = arith.andi %eq3A_0, %eq3A_2 : i1
    %convert_element_type3A = arith.extui %and3A : i1 to i32
    %cond3A = arith.constant 0 : i32
    %cond3A_3 = arith.cmpi ne, %convert_element_type3A, %cond3A : i32
    scf.if %cond3A_3 {
      %broadcast_in_dim3A = arith.constant 0.000000e+00 : f32
      %broadcast_in_dim3A_23 = vector.broadcast %broadcast_in_dim3A : f32 to vector<8x32xf32>
      %swap3A = arith.constant 0 : index
      %swap3A_24 = arith.constant 0 : index
      %swap3A_25 = vector.load %arg10[%swap3A, %swap3A_24] : memref<8x32xf32, #tpu.memory_space<vmem>>, vector<8x32xf32>
      tpu.vector_store %arg10[%swap3A, %swap3A_24], %broadcast_in_dim3A_23 {strides = array<i32>} : memref<8x32xf32, #tpu.memory_space<vmem>>, vector<8x32xf32>,
    } else {
    }
    %get3A = arith.constant 0 : index
    %get3A_4 = arith.constant 0 : index
    %get3A_5 = vector.load %arg2[%get3A, %get3A_4] : memref<5000x32xf32, #tpu.memory_space<vmem>>, vector<5000x32xf32>
    %get3A_6 = arith.constant 0 : index
    %get3A_7 = arith.constant 0 : index
    %get3A_8 = vector.load %arg3[%get3A_6, %get3A_7] : memref<32x32xf32, #tpu.memory_space<vmem>>, vector<32x32xf32>
    %dot_general3A = arith.constant dense<0.000000e+00> : vector<5000x32xf32>
    %dot_general3A_9 = tpu.matmul %get3A_5, %get3A_8, %dot_general3A {dimension_numbers = #tpu.dot_dimension_numbers<[1], [0], [0], [1], [0, 0, 1, 1], [], []>, transpose_lhs_hint = false} : vector<5000x32xf32>, vector<32x32xf32>, vector<5000x32xf32> -> vector<5000x32xf32>
    %get3A_10 = arith.constant 0 : index
    %get3A_11 = arith.constant 0 : index
    %get3A_12 = vector.load %arg4[%get3A_10, %get3A_11] : memref<1x32xf32, #tpu.memory_space<vmem>>, vector<1x32xf32>
    %add3A = vector.broadcast %get3A_12 : vector<1x32xf32> to vector<5000x32xf32>
    %add3A_13 = arith.addf %dot_general3A_9, %add3A : vector<5000x32xf32>
    %eq3A_14 = arith.constant 0 : i32
    %eq3A_15 = arith.cmpi eq, %arg0, %eq3A_14 : i32
    %convert_element_type3A_16 = arith.extui %eq3A_15 : i1 to i32
    %cond3A_17 = arith.constant 0 : i32
    %cond3A_18 = arith.cmpi ne, %convert_element_type3A_16, %cond3A_17 : i32
    scf.if %cond3A_18 {
      %get3A_23 = arith.constant 0 : index
      %get3A_24 = arith.constant 0 : index
      %get3A_25 = vector.load %arg10[%get3A_23, %get3A_24] : memref<8x32xf32, #tpu.memory_space<vmem>>, vector<1x32xf32>
      %get3A_26 = vector.shape_cast %get3A_25 : vector<1x32xf32> to vector<32xf32>
      %reduce_sum3A = arith.constant dense<0.000000e+00> : vector<32xf32>
      %reduce_sum3A_27 = vector.multi_reduction <add>, %add3A_13, %reduce_sum3A [0] : vector<5000x32xf32> to vector<32xf32>
      %add3A_28 = arith.addf %get3A_26, %reduce_sum3A_27 : vector<32xf32>
      %swap3A = arith.constant 0 : index
      %swap3A_29 = arith.constant 0 : index
      %swap3A_30 = vector.load %arg10[%swap3A, %swap3A_29] : memref<8x32xf32, #tpu.memory_space<vmem>>, vector<1x32xf32>
      %swap3A_31 = vector.shape_cast %swap3A_30 : vector<1x32xf32> to vector<32xf32>
      %swap3A_32 = vector.shape_cast %add3A_28 : vector<32xf32> to vector<1x32xf32>
      tpu.vector_store %arg10[%swap3A, %swap3A_29], %swap3A_32 {strides = array<i32>} : memref<8x32xf32, #tpu.memory_space<vmem>>, vector<1x32xf32>,
    } else {
    }
    %gt3A = arith.constant 0 : i32
    %gt3A_19 = arith.cmpi sgt, %arg0, %gt3A : i32
    %convert_element_type3A_20 = arith.extui %gt3A_19 : i1 to i32
    %cond3A_21 = arith.constant 0 : i32
    %cond3A_22 = arith.cmpi ne, %convert_element_type3A_20, %cond3A_21 : i32
    scf.if %cond3A_22 {
      %get3A_23 = arith.constant 0 : index
      %get3A_24 = arith.constant 0 : index
      %get3A_25 = vector.load %arg10[%get3A_23, %get3A_24] : memref<8x32xf32, #tpu.memory_space<vmem>>, vector<1x32xf32>
      %div3A = arith.constant 1.000000e+05 : f32
      %div3A_26 = vector.broadcast %div3A : f32 to vector<1x32xf32>
      %div3A_27 = arith.divf %get3A_25, %div3A_26 : vector<1x32xf32>
      %sub3A = vector.broadcast %div3A_27 : vector<1x32xf32> to vector<5000x32xf32>
      %sub3A_28 = arith.subf %add3A_13, %sub3A : vector<5000x32xf32>
      %eq3A_29 = arith.constant 1 : i32
      %eq3A_30 = arith.cmpi eq, %arg0, %eq3A_29 : i32
      %convert_element_type3A_31 = arith.extui %eq3A_30 : i1 to i32
      %cond3A_32 = arith.constant 0 : i32
      %cond3A_33 = arith.cmpi ne, %convert_element_type3A_31, %cond3A_32 : i32
      scf.if %cond3A_33 {
        %get3A_39 = arith.constant 1 : index
        %get3A_40 = arith.constant 0 : index
        %get3A_41 = vector.load %arg10[%get3A_39, %get3A_40] : memref<8x32xf32, #tpu.memory_space<vmem>>, vector<1x32xf32>
        %get3A_42 = vector.shape_cast %get3A_41 : vector<1x32xf32> to vector<32xf32>
        %mul3A = arith.mulf %sub3A_28, %sub3A_28 : vector<5000x32xf32>
        %reduce_sum3A = arith.constant dense<0.000000e+00> : vector<32xf32>
        %reduce_sum3A_43 = vector.multi_reduction <add>, %mul3A, %reduce_sum3A [0] : vector<5000x32xf32> to vector<32xf32>
        %add3A_44 = arith.addf %get3A_42, %reduce_sum3A_43 : vector<32xf32>
        %swap3A = arith.constant 1 : index
        %swap3A_45 = arith.constant 0 : index
        %swap3A_46 = vector.load %arg10[%swap3A, %swap3A_45] : memref<8x32xf32, #tpu.memory_space<vmem>>, vector<1x32xf32>
        %swap3A_47 = vector.shape_cast %swap3A_46 : vector<1x32xf32> to vector<32xf32>
        %swap3A_48 = vector.shape_cast %add3A_44 : vector<32xf32> to vector<1x32xf32>
        tpu.vector_store %arg10[%swap3A, %swap3A_45], %swap3A_48 {strides = array<i32>} : memref<8x32xf32, #tpu.memory_space<vmem>>, vector<1x32xf32>,
      } else {
      }
      %eq3A_34 = arith.constant 2 : i32
      %eq3A_35 = arith.cmpi eq, %arg0, %eq3A_34 : i32
      %convert_element_type3A_36 = arith.extui %eq3A_35 : i1 to i32
      %cond3A_37 = arith.constant 0 : i32
      %cond3A_38 = arith.cmpi ne, %convert_element_type3A_36, %cond3A_37 : i32
      scf.if %cond3A_38 {
        %get3A_39 = arith.constant 1 : index
        %get3A_40 = arith.constant 0 : index
        %get3A_41 = vector.load %arg10[%get3A_39, %get3A_40] : memref<8x32xf32, #tpu.memory_space<vmem>>, vector<1x32xf32>
        %div3A_42 = arith.constant 1.000000e+05 : f32
        %div3A_43 = vector.broadcast %div3A_42 : f32 to vector<1x32xf32>
        %div3A_44 = arith.divf %get3A_41, %div3A_43 : vector<1x32xf32>
        %add3A_45 = arith.constant 9.99999974E-6 : f32
        %add3A_46 = vector.broadcast %add3A_45 : f32 to vector<1x32xf32>
        %add3A_47 = arith.addf %div3A_44, %add3A_46 : vector<1x32xf32>
        %sqrt3A = math.sqrt %add3A_47 : vector<1x32xf32>
        %div3A_48 = vector.broadcast %sqrt3A : vector<1x32xf32> to vector<5000x32xf32>
        %div3A_49 = arith.divf %sub3A_28, %div3A_48 : vector<5000x32xf32>
        %get3A_50 = arith.constant 0 : index
        %get3A_51 = arith.constant 0 : index
        %get3A_52 = vector.load %arg5[%get3A_50, %get3A_51] : memref<1x32xf32, #tpu.memory_space<vmem>>, vector<1x32xf32>
        %mul3A = vector.broadcast %get3A_52 : vector<1x32xf32> to vector<5000x32xf32>
        %mul3A_53 = arith.mulf %div3A_49, %mul3A : vector<5000x32xf32>
        %get3A_54 = arith.constant 0 : index
        %get3A_55 = arith.constant 0 : index
        %get3A_56 = vector.load %arg6[%get3A_54, %get3A_55] : memref<1x32xf32, #tpu.memory_space<vmem>>, vector<1x32xf32>
        %add3A_57 = vector.broadcast %get3A_56 : vector<1x32xf32> to vector<5000x32xf32>
        %add3A_58 = arith.addf %mul3A_53, %add3A_57 : vector<5000x32xf32>
        %max3A = arith.constant 0.000000e+00 : f32
        %max3A_59 = vector.broadcast %max3A : f32 to vector<5000x32xf32>
        %max3A_60 = arith.maximumf %add3A_58, %max3A_59 : vector<5000x32xf32>
        %get3A_61 = arith.constant 0 : index
        %get3A_62 = arith.constant 0 : index
        %get3A_63 = vector.load %arg7[%get3A_61, %get3A_62] : memref<32x32xf32, #tpu.memory_space<vmem>>, vector<32x32xf32>
        %dot_general3A_64 = arith.constant dense<0.000000e+00> : vector<5000x32xf32>
        %dot_general3A_65 = tpu.matmul %max3A_60, %get3A_63, %dot_general3A_64 {dimension_numbers = #tpu.dot_dimension_numbers<[1], [0], [0], [1], [0, 0, 1, 1], [], []>, transpose_lhs_hint = false} : vector<5000x32xf32>, vector<32x32xf32>, vector<5000x32xf32> -> vector<5000x32xf32>
        %get3A_66 = arith.constant 0 : index
        %get3A_67 = arith.constant 0 : index
        %get3A_68 = vector.load %arg8[%get3A_66, %get3A_67] : memref<1x32xf32, #tpu.memory_space<vmem>>, vector<1x32xf32>
        %add3A_69 = vector.broadcast %get3A_68 : vector<1x32xf32> to vector<5000x32xf32>
        %add3A_70 = arith.addf %dot_general3A_65, %add3A_69 : vector<5000x32xf32>
        %swap3A = arith.constant 0 : index
        %swap3A_71 = arith.constant 0 : index
        %swap3A_72 = vector.load %arg9[%swap3A, %swap3A_71] : memref<5000x32xf32, #tpu.memory_space<vmem>>, vector<5000x32xf32>
        tpu.vector_store %arg9[%swap3A, %swap3A_71], %add3A_70 {strides = array<i32>} : memref<5000x32xf32, #tpu.memory_space<vmem>>, vector<5000x32xf32>,
      } else {
      }
    } else {
    }
    return
  }
  func.func @transform_0(%arg0: i32, %arg1: i32) -> (i32, i32) {
    %c0_i32 = arith.constant 0 : i32
    %c0_i32_0 = arith.constant 0 : i32
    return %arg1, %c0_i32 : i32, i32
  }
  func.func @transform_1(%arg0: i32, %arg1: i32) -> (i32, i32) {
    %c0_i32 = arith.constant 0 : i32
    %c0_i32_0 = arith.constant 0 : i32
    %c0_i32_1 = arith.constant 0 : i32
    return %c0_i32, %c0_i32_0 : i32, i32
  }
  func.func @transform_2(%arg0: i32, %arg1: i32) -> (i32, i32) {
    %c0_i32 = arith.constant 0 : i32
    %c0_i32_0 = arith.constant 0 : i32
    %c0_i32_1 = arith.constant 0 : i32
    return %c0_i32, %c0_i32_0 : i32, i32
  }
  func.func @transform_3(%arg0: i32, %arg1: i32) -> (i32, i32) {
    %c0_i32 = arith.constant 0 : i32
    %c0_i32_0 = arith.constant 0 : i32
    %c0_i32_1 = arith.constant 0 : i32
    return %c0_i32, %c0_i32_0 : i32, i32
  }
  func.func @transform_4(%arg0: i32, %arg1: i32) -> (i32, i32) {
    %c0_i32 = arith.constant 0 : i32
    %c0_i32_0 = arith.constant 0 : i32
    %c0_i32_1 = arith.constant 0 : i32
    return %c0_i32, %c0_i32_0 : i32, i32
  }
  func.func @transform_5(%arg0: i32, %arg1: i32) -> (i32, i32) {
    %c0_i32 = arith.constant 0 : i32
    %c0_i32_0 = arith.constant 0 : i32
    %c0_i32_1 = arith.constant 0 : i32
    return %c0_i32, %c0_i32_0 : i32, i32
  }
  func.func @transform_6(%arg0: i32, %arg1: i32) -> (i32, i32) {
    %c0_i32 = arith.constant 0 : i32
    %c0_i32_0 = arith.constant 0 : i32
    %c0_i32_1 = arith.constant 0 : i32
    return %c0_i32, %c0_i32_0 : i32, i32
  }
  func.func @transform_7(%arg0: i32, %arg1: i32) -> (i32, i32) {
    %c0_i32 = arith.constant 0 : i32
    %c0_i32_0 = arith.constant 0 : i32
    return %arg1, %c0_i32 : i32, i32
  }
}

module attributes {stable_mosaic.version = 14 : i64} {
  func.func @_pool_body(%arg0: i32, %arg1: memref<5000x32xf32, #tpu.memory_space<vmem>>, %arg2: memref<1x1x5000xi32, #tpu.memory_space<vmem>>, %arg3: memref<32x32xf32, #tpu.memory_space<vmem>>, %arg4: memref<1x32xf32, #tpu.memory_space<vmem>>, %arg5: memref<32x8xf32, #tpu.memory_space<vmem>>, %arg6: memref<1x8xf32, #tpu.memory_space<vmem>>, %arg7: memref<128x8xf32, #tpu.memory_space<vmem>>, %arg8: memref<128x32xf32, #tpu.memory_space<vmem>>) attributes {dimension_semantics = [#tpu.dimension_semantics<arbitrary>], iteration_bounds = array<i64: 20>, scalar_prefetch = 0 : i64, scratch_operands = 1 : i64, tpu.core_type = #tpu.core_type<tc>, window_params = [{transform_indices = @transform_0, window_bounds = array<i64: 5000, 32>}, {transform_indices = @transform_1, window_bounds = array<i64: 1, 1, 5000>}, {pipeline_mode = #tpu.pipeline_mode<synchronous>, transform_indices = @transform_2, window_bounds = array<i64: 32, 32>}, {pipeline_mode = #tpu.pipeline_mode<synchronous>, transform_indices = @transform_3, window_bounds = array<i64: 1, 32>}, {pipeline_mode = #tpu.pipeline_mode<synchronous>, transform_indices = @transform_4, window_bounds = array<i64: 32, 8>}, {pipeline_mode = #tpu.pipeline_mode<synchronous>, transform_indices = @transform_5, window_bounds = array<i64: 1, 8>}, {pipeline_mode = #tpu.pipeline_mode<synchronous>, transform_indices = @transform_6, window_bounds = array<i64: 128, 8>}]} {
    %eq3A = arith.constant 0 : i32
    %eq3A_0 = arith.cmpi eq, %arg0, %eq3A : i32
    %convert_element_type3A = arith.extui %eq3A_0 : i1 to i32
    %cond3A = arith.constant 0 : i32
    %cond3A_1 = arith.cmpi ne, %convert_element_type3A, %cond3A : i32
    scf.if %cond3A_1 {
      %broadcast_in_dim3A_24 = arith.constant 0.000000e+00 : f32
      %broadcast_in_dim3A_25 = vector.broadcast %broadcast_in_dim3A_24 : f32 to vector<128x32xf32>
      %swap3A_26 = arith.constant 0 : index
      %swap3A_27 = arith.constant 0 : index
      %swap3A_28 = vector.load %arg8[%swap3A_26, %swap3A_27] : memref<128x32xf32, #tpu.memory_space<vmem>>, vector<128x32xf32>
      tpu.vector_store %arg8[%swap3A_26, %swap3A_27], %broadcast_in_dim3A_25 {strides = array<i32>} : memref<128x32xf32, #tpu.memory_space<vmem>>, vector<128x32xf32>,
    } else {
    }
    %get3A = arith.constant 0 : index
    %get3A_2 = arith.constant 0 : index
    %get3A_3 = arith.constant 0 : index
    %get3A_4 = vector.load %arg2[%get3A, %get3A_2, %get3A_3] : memref<1x1x5000xi32, #tpu.memory_space<vmem>>, vector<1x1x5000xi32>
    %get3A_5 = vector.shape_cast %get3A_4 : vector<1x1x5000xi32> to vector<5000xi32>
    %iota3A = tpu.iota {dimensions = array<i32: 0>} : vector<128x5000xi32>
    %broadcast_in_dim3A = vector.shape_cast %get3A_5 : vector<5000xi32> to vector<1x5000xi32>
    %eq3A_6 = vector.broadcast %broadcast_in_dim3A : vector<1x5000xi32> to vector<128x5000xi32>
    %eq3A_7 = arith.cmpi eq, %iota3A, %eq3A_6 : vector<128x5000xi32>
    %convert_element_type3A_8 = arith.extui %eq3A_7 : vector<128x5000xi1> to vector<128x5000xi32>
    %convert_element_type3A_9 = arith.sitofp %convert_element_type3A_8 : vector<128x5000xi32> to vector<128x5000xf32>
    %get3A_10 = arith.constant 0 : index
    %get3A_11 = arith.constant 0 : index
    %get3A_12 = vector.load %arg8[%get3A_10, %get3A_11] : memref<128x32xf32, #tpu.memory_space<vmem>>, vector<128x32xf32>
    %get3A_13 = arith.constant 0 : index
    %get3A_14 = arith.constant 0 : index
    %get3A_15 = vector.load %arg1[%get3A_13, %get3A_14] : memref<5000x32xf32, #tpu.memory_space<vmem>>, vector<5000x32xf32>
    %dot_general3A = arith.constant dense<0.000000e+00> : vector<128x32xf32>
    %dot_general3A_16 = tpu.matmul %convert_element_type3A_9, %get3A_15, %dot_general3A {dimension_numbers = #tpu.dot_dimension_numbers<[1], [0], [0], [1], [0, 0, 1, 1], [], []>, precision = #tpu.contract_precision<fp32>, transpose_lhs_hint = false} : vector<128x5000xf32>, vector<5000x32xf32>, vector<128x32xf32> -> vector<128x32xf32>
    %add3A = arith.addf %get3A_12, %dot_general3A_16 : vector<128x32xf32>
    %swap3A = arith.constant 0 : index
    %swap3A_17 = arith.constant 0 : index
    %swap3A_18 = vector.load %arg8[%swap3A, %swap3A_17] : memref<128x32xf32, #tpu.memory_space<vmem>>, vector<128x32xf32>
    tpu.vector_store %arg8[%swap3A, %swap3A_17], %add3A {strides = array<i32>} : memref<128x32xf32, #tpu.memory_space<vmem>>, vector<128x32xf32>,
    %eq3A_19 = arith.constant 19 : i32
    %eq3A_20 = arith.cmpi eq, %arg0, %eq3A_19 : i32
    %convert_element_type3A_21 = arith.extui %eq3A_20 : i1 to i32
    %cond3A_22 = arith.constant 0 : i32
    %cond3A_23 = arith.cmpi ne, %convert_element_type3A_21, %cond3A_22 : i32
    scf.if %cond3A_23 {
      %get3A_24 = arith.constant 0 : index
      %get3A_25 = arith.constant 0 : index
      %get3A_26 = vector.load %arg8[%get3A_24, %get3A_25] : memref<128x32xf32, #tpu.memory_space<vmem>>, vector<128x32xf32>
      %get3A_27 = arith.constant 0 : index
      %get3A_28 = arith.constant 0 : index
      %get3A_29 = vector.load %arg3[%get3A_27, %get3A_28] : memref<32x32xf32, #tpu.memory_space<vmem>>, vector<32x32xf32>
      %dot_general3A_30 = arith.constant dense<0.000000e+00> : vector<128x32xf32>
      %dot_general3A_31 = tpu.matmul %get3A_26, %get3A_29, %dot_general3A_30 {dimension_numbers = #tpu.dot_dimension_numbers<[1], [0], [0], [1], [0, 0, 1, 1], [], []>, transpose_lhs_hint = false} : vector<128x32xf32>, vector<32x32xf32>, vector<128x32xf32> -> vector<128x32xf32>
      %get3A_32 = arith.constant 0 : index
      %get3A_33 = arith.constant 0 : index
      %get3A_34 = vector.load %arg4[%get3A_32, %get3A_33] : memref<1x32xf32, #tpu.memory_space<vmem>>, vector<1x32xf32>
      %add3A_35 = vector.broadcast %get3A_34 : vector<1x32xf32> to vector<128x32xf32>
      %add3A_36 = arith.addf %dot_general3A_31, %add3A_35 : vector<128x32xf32>
      %max3A = arith.constant 0.000000e+00 : f32
      %max3A_37 = vector.broadcast %max3A : f32 to vector<128x32xf32>
      %max3A_38 = arith.maximumf %add3A_36, %max3A_37 : vector<128x32xf32>
      %get3A_39 = arith.constant 0 : index
      %get3A_40 = arith.constant 0 : index
      %get3A_41 = vector.load %arg5[%get3A_39, %get3A_40] : memref<32x8xf32, #tpu.memory_space<vmem>>, vector<32x8xf32>
      %dot_general3A_42 = arith.constant dense<0.000000e+00> : vector<128x8xf32>
      %dot_general3A_43 = tpu.matmul %max3A_38, %get3A_41, %dot_general3A_42 {dimension_numbers = #tpu.dot_dimension_numbers<[1], [0], [0], [1], [0, 0, 1, 1], [], []>, transpose_lhs_hint = false} : vector<128x32xf32>, vector<32x8xf32>, vector<128x8xf32> -> vector<128x8xf32>
      %get3A_44 = arith.constant 0 : index
      %get3A_45 = arith.constant 0 : index
      %get3A_46 = vector.load %arg6[%get3A_44, %get3A_45] : memref<1x8xf32, #tpu.memory_space<vmem>>, vector<1x8xf32>
      %add3A_47 = vector.broadcast %get3A_46 : vector<1x8xf32> to vector<128x8xf32>
      %add3A_48 = arith.addf %dot_general3A_43, %add3A_47 : vector<128x8xf32>
      %swap3A_49 = arith.constant 0 : index
      %swap3A_50 = arith.constant 0 : index
      %swap3A_51 = vector.load %arg7[%swap3A_49, %swap3A_50] : memref<128x8xf32, #tpu.memory_space<vmem>>, vector<128x8xf32>
      tpu.vector_store %arg7[%swap3A_49, %swap3A_50], %add3A_48 {strides = array<i32>} : memref<128x8xf32, #tpu.memory_space<vmem>>, vector<128x8xf32>,
    } else {
    }
    return
  }
  func.func @transform_0(%arg0: i32) -> (i32, i32) {
    %c0_i32 = arith.constant 0 : i32
    %c0_i32_0 = arith.constant 0 : i32
    return %arg0, %c0_i32 : i32, i32
  }
  func.func @transform_1(%arg0: i32) -> (i32, i32, i32) {
    %c0_i32 = arith.constant 0 : i32
    %c0_i32_0 = arith.constant 0 : i32
    %c0_i32_1 = arith.constant 0 : i32
    return %arg0, %c0_i32, %c0_i32_0 : i32, i32, i32
  }
  func.func @transform_2(%arg0: i32) -> (i32, i32) {
    %c0_i32 = arith.constant 0 : i32
    %c0_i32_0 = arith.constant 0 : i32
    %c0_i32_1 = arith.constant 0 : i32
    return %c0_i32, %c0_i32_0 : i32, i32
  }
  func.func @transform_3(%arg0: i32) -> (i32, i32) {
    %c0_i32 = arith.constant 0 : i32
    %c0_i32_0 = arith.constant 0 : i32
    %c0_i32_1 = arith.constant 0 : i32
    return %c0_i32, %c0_i32_0 : i32, i32
  }
  func.func @transform_4(%arg0: i32) -> (i32, i32) {
    %c0_i32 = arith.constant 0 : i32
    %c0_i32_0 = arith.constant 0 : i32
    %c0_i32_1 = arith.constant 0 : i32
    return %c0_i32, %c0_i32_0 : i32, i32
  }
  func.func @transform_5(%arg0: i32) -> (i32, i32) {
    %c0_i32 = arith.constant 0 : i32
    %c0_i32_0 = arith.constant 0 : i32
    %c0_i32_1 = arith.constant 0 : i32
    return %c0_i32, %c0_i32_0 : i32, i32
  }
  func.func @transform_6(%arg0: i32) -> (i32, i32) {
    %c0_i32 = arith.constant 0 : i32
    %c0_i32_0 = arith.constant 0 : i32
    %c0_i32_1 = arith.constant 0 : i32
    return %c0_i32, %c0_i32_0 : i32, i32
  }
}

</mosaic_0001>

<sc_bundles>
// kernel: kernel.13.cloned.1.call-start
scs
__scs_entry_jumppad:
0x0: {  	(pc) =	sbr.rel $0x88, $3  }
0x1: {  	(tag) =	ssettag $0x0;
	lr =	simm.s32 $0x1  }
0x2: {  	[smem:$0x3F7C] =	sst lr;
	_ =	strace $0xD0000000  }
0x3: {  	_ = 	snop  }
0x4: {  	_ = 	snop  }
0x5: {  	_ = 	snop  }
0x6: {  	_ = 	snop  }
0x7: {  	_ = 	snop  }
__scs_overlays_trampoline_lowered:
0x8: {  	[smem:$0x3F8B] =	sst s0  }
0x9: {  	[smem:$0x3F8C] =	sst s1  }
0xa: {  	[smem:$0x3F8D] =	sst s2  }
0xb: {  	[smem:$0x3F8E] =	sst s3  }
0xc: {  	[smem:$0x3F8F] =	sst s4  }
0xd: {  	[smem:$0x3F90] =	sst s5  }
0xe: {  	[smem:$0x3F91] =	sst s6  }
0xf: {  	[smem:$0x3F92] =	sst s7  }
0x10: {  	[smem:$0x3F93] =	sst s8  }
0x11: {  	[smem:$0x3F94] =	sst s9;
	s0 =	simm.s32 @!p0 $0x0  }
0x12: {  	s1 =	sld [smem:$0x3F7A];
	s0 =	simm.s32 @p0 $0x1  }
0x13: {  	[smem:$0x3F95] =	sst s0;
	s0 =	simm.s32 @!p1 $0x0  }
0x14: {  	s2 =	sld [smem:$0x3F79];
	s0 =	simm.s32 @p1 $0x1  }
0x15: {  	[smem:$0x3F96] =	sst s0;
	s0 =	simm.s32 @!p2 $0x0  }
0x16: {  	s3 =	sld [smem:$0x3FDB];
	s0 =	simm.s32 @p2 $0x1  }
0x17: {  	s4 =	simm.s32 $0x1BF5;
	[smem:$0x3F98] =	sst s0  }
0x18: {  	s0 =	sld [smem:$0x3F7B];
	_ =	swait.ge [sflag:s4], $0x0  }
0x19: {  	s7 =	sld [smem:$0x3F7C]  }
0x1a: {  	s8 =	sadd.s32 $0xFFFFE003, lr  }
0x1b: {  	s9 =	sadd.s32 $0xFFFFFEF7, lr;
	s5 =	simm.s32 $0xFFFFFFFF;
	p2 =	slt.u32 s8, $0xFFFFF086  }
0x1c: {  	p1 =	slt.u32 s9, $0xF7A;
	s5 =	simm.s32 @!p2 $0x0  }
0x1d: {  	s5 =	simm.s32 @p1 $0x1;
	p0 =	seq.s32 s7, s2  }
0x1e: {  	s7 =	smul.u32 @!p0 $0xF7A, s2;
	p2 =	seq.s32 @!p0 s5, $0x0  }
0x1f: {  	s9 =	smul.u32 $0xF7A, s1;
	s8 =	simm.s32 @!p0 $0x1BF5;
	p2 =	por !p2, p0  }
0x20: {  	[sflag:s8] =	ssyncset.s32 @!p0 $0xFFFFF086;
	s6 =	sadd.s32 @!p0 s3, s7;
	s7 =	simm.s32 @!p0 $0x108  }
0x21: {  	s3 =	sadd.s32 s3, s9;
	s6 =	sadd.s32 @!p0 $0x88, s6;
	s7 =	simm.s32 @p2 $0x1082  }
0x22: {  	[simem:s7], [sflag:s8] =	dma.local @!p0 [hbm:s6], $0xF7A  }
0x23: {  	s9 =	sor.u32 $0xD0000000, s2;
	s6 =	simm.s32 $0x108;
	_ =	swait.ge @!p0 [sflag:s8], $0x0  }
0x24: {  	s3 =	sadd.s32 $0x88, s3;
	s6 =	simm.s32 @!p1 $0x1082;
	[sflag:s4] =	ssyncset.s32 $0xFFFFF086  }
0x25: {  	[simem:s6], [sflag:s4] =	dma.local [hbm:s3], $0xF7A  }
0x26: {  	[smem:$0x3F7C] =	sst s1;
	(tag) =	ssettag s2;
	_ =	strace s9  }
0x27: {  	s1 =	sld [smem:$0x3F8C]  }
0x28: {  	s2 =	sld [smem:$0x3F8D]  }
0x29: {  	s4 =	sld [smem:$0x3F8F]  }
0x2a: {  	p0 =	seq.s32 s5, $0x0;
	s5 =	sld [smem:$0x3F90]  }
0x2b: {  	s6 =	sld [smem:$0x3F91]  }
0x2c: {  	s7 =	sld [smem:$0x3F92]  }
0x2d: {  	s3 =	simm.s32 $0x108;
	s8 =	sld [smem:$0x3F93]  }
0x2e: {  	s3 =	simm.s32 @!p0 $0x1082;
	s9 =	sld [smem:$0x3F94]  }
0x2f: {  	lr =	sadd.s32 s0, s3;
	s0 =	sld [smem:$0x3F8B]  }
0x30: {  	s3 =	sld [smem:$0x3F8E]  }
0x31: {  	[smem:$0x3F97] =	sst s10  }
0x32: {  	s10 =	sld [smem:$0x3F95];
	_ =	sdelay $0x3  }
0x33: {  	p0 =	seq.s32 s10, $0x1;
	s10 =	sld [smem:$0x3F97];
	_ =	sdelay $0x3  }
0x34: {  	[smem:$0x3F97] =	sst s10  }
0x35: {  	s10 =	sld [smem:$0x3F96];
	_ =	sdelay $0x3  }
0x36: {  	p1 =	seq.s32 s10, $0x1;
	s10 =	sld [smem:$0x3F97];
	_ =	sdelay $0x3  }
0x37: {  	[smem:$0x3F97] =	sst s10  }
0x38: {  	s10 =	sld [smem:$0x3F98]  }
0x39: {  	_ = 	snop;
	(pc) =	sbr.ind lr, $3  }
0x3a: {  	_ = 	snop  }
0x3b: {  	_ = 	snop  }
0x3c: {  	p2 =	seq.s32 s10, $0x1;
	s10 =	sld [smem:$0x3F97]  }
0x3d: {  	_ =	shalt  }
0x3e: {  	_ =	shalt  }
0x3f: {  	_ =	shalt  }
0x40: {  	_ =	shalt  }
0x41: {  	_ =	shalt  }
0x42: {  	_ =	shalt  }
0x43: {  	_ =	shalt  }
0x44: {  	_ =	shalt  }
0x45: {  	_ =	shalt  }
0x46: {  	_ =	shalt  }
0x47: {  	_ =	shalt  }
0x48: {  	_ =	shalt  }
0x49: {  	_ =	shalt  }
0x4a: {  	_ =	shalt  }
0x4b: {  	_ =	shalt  }
0x4c: {  	_ =	shalt  }
0x4d: {  	_ =	shalt  }
0x4e: {  	_ =	shalt  }
0x4f: {  	_ =	shalt  }
0x50: {  	_ =	shalt  }
0x51: {  	_ =	shalt  }
0x52: {  	_ =	shalt  }
0x53: {  	_ =	shalt  }
0x54: {  	_ =	shalt  }
0x55: {  	_ =	shalt  }
0x56: {  	_ =	shalt  }
0x57: {  	_ =	shalt  }
0x58: {  	_ =	shalt  }
0x59: {  	_ =	shalt  }
0x5a: {  	_ =	shalt  }
0x5b: {  	_ =	shalt  }
0x5c: {  	_ =	shalt  }
0x5d: {  	_ =	shalt  }
0x5e: {  	_ =	shalt  }
0x5f: {  	_ =	shalt  }
0x60: {  	_ =	shalt  }
0x61: {  	_ =	shalt  }
0x62: {  	_ =	shalt  }
0x63: {  	_ =	shalt  }
0x64: {  	_ =	shalt  }
0x65: {  	_ =	shalt  }
0x66: {  	_ =	shalt  }
0x67: {  	_ =	shalt  }
0x68: {  	_ =	shalt  }
0x69: {  	_ =	shalt  }
0x6a: {  	_ =	shalt  }
0x6b: {  	_ =	shalt  }
0x6c: {  	_ =	shalt  }
0x6d: {  	_ =	shalt  }
0x6e: {  	_ =	shalt  }
0x6f: {  	_ =	shalt  }
0x70: {  	_ =	shalt  }
0x71: {  	_ =	shalt  }
0x72: {  	_ =	shalt  }
0x73: {  	_ =	shalt  }
0x74: {  	_ =	shalt  }
0x75: {  	_ =	shalt  }
0x76: {  	_ =	shalt  }
0x77: {  	_ =	shalt  }
0x78: {  	_ =	shalt  }
0x79: {  	_ =	shalt  }
0x7a: {  	_ =	shalt  }
0x7b: {  	_ =	shalt  }
0x7c: {  	_ =	shalt  }
0x7d: {  	_ =	shalt  }
0x7e: {  	_ =	shalt  }
0x7f: {  	_ =	shalt  }
0x80: {  	_ =	shalt  }
0x81: {  	_ =	shalt  }
0x82: {  	_ =	shalt  }
0x83: {  	_ =	shalt  }
0x84: {  	_ =	shalt  }
0x85: {  	_ =	shalt  }
0x86: {  	_ =	shalt  }
0x87: {  	_ =	shalt  }
.Lfunc_end0:
.L_simem_size_0:
called_computation_lowered:
.L_overlay_start_0:
0x88: {  	s2 =	sld [smem:$0x3FD9]  }
0x89: {  	s3 =	sld [smem:$0x3FFE];
	_ =	sdelay $0x1  }
0x8a: {  	s1 =	srdreg.scid  }
0x8b: {  	s0 =	sand.u32 $0x1, s1  }
0x8c: {  	s16 =	sshll.u32 s0, $0xA;
	s2 =	sadd.s32 s3, s2  }
0x8d: {  	s2 =	sadd.s32 s2, s16  }
0x8e: {  	[smem:$0x3FA3] =	sst s2  }
0x8f: {  	_ = 	snop  }
0x90: {  	(tm) =	ssettm $0x1  }
0x91: {  	s17 =	sld [smem:$0x3FFB];
	_ =	sdelay $0x3  }
0x92: {  	_ =	strace s17  }
0x93: {  	s2 =	sld [smem:$0x3FFC];
	_ =	sdelay $0x3  }
0x94: {  	_ =	strace s2  }
0x95: {  	s2 =	sld [smem:$0x3FFD];
	_ =	sdelay $0x3  }
0x96: {  	_ =	strace s2  }
0x97: {  	_ =	strace $0x8FFFFFFF  }
0x98: {  	s18 =	sld [smem:$0x3FDB];
	_ =	sdelay $0x1  }
0x99: {  	s19 =	simm.s32 $_scs_section_size  }
0x9a: {  	s4 =	simm.s32 $_size__tile_overlayer_lowered;
	s5 =	simm.s32 $_tile_overlayer_lowered  }
0x9b: {  	s22 =	simm.s32 $0x1BFF;
	s21 =	sshll.u32 s5, $0x1;
	s2 =	sadd.s32 s19, s18  }
0x9c: {  	s6 =	simm.s32 $0x0;
	s20 =	sshll.u32 s4, $0x1;
	s4 =	sadd.s32 s21, s2  }
0x9d: {  	[timem:s6], [sflag:s22] =	dma.local [hbm:s4], s20  }
0x9e: {  	_ =	swait.ge [sflag:s22], s20  }
0x9f: {  	s3 =	ssub.s32 $0x0, s20;
	[sflag:s22] =	ssyncset.done $0x0  }
0xa0: {  	[sflag:s22] =	ssyncadd.s32 s3;
	_ =	sdelay $0x1  }
0xa1: {  	s23 =	simm.s32 $0x1B8B  }
0xa2: {  	_ =	swait.ge [sflag:s23], $0x1  }
0xa3: {  	[sflag:s23] =	ssyncset.done $0x0  }
0xa4: {  	s25 =	simm.s32 $0x1B8E;
	s24 =	sld [smem:$0x3FFE];
	[sflag:s23] =	ssyncadd.s32 $0xFFFFFFFF  }
0xa5: {  	s26 =	simm.s32 $execute0_lowered;
	[smem:$0x3FD2] =	sst s25  }
0xa6: {  	s4 =	sshll.u32 s26, $0x1;
	_ =	strace $0x80000046;
	[dreg:$0x1] =	wrdreg $0xFFFFFFFF  }
0xa7: {  	s28 =	simm.s32 $_size_execute0_lowered;
	s2 =	sadd.s32 s2, s4;
	[dreg:$0x0] =	wrdreg $0x0  }
0xa8: {  	s4 =	sshll.u32 s28, $0x1;
	[dreg:$0x2] =	wrdreg s2  }
0xa9: {  	[dreg:$0x3] =	wrdreg s4  }
0xaa: {  	[dreg:$0x4] =	wrdreg $0xC0  }
0xab: {  	_ =	task [dreg:s6], $0x5FFFF  }
0xac: {  	[dreg:$0x1] =	wrdreg $0xFFFFFFFF  }
0xad: {  	[dreg:$0x0] =	wrdreg $0x60  }
0xae: {  	[dreg:$0x2] =	wrdreg s24  }
0xaf: {  	[dreg:$0x3] =	wrdreg $0x0  }
0xb0: {  	[dreg:$0x4] =	wrdreg $0x9  }
0xb1: {  	_ =	task.clear_ibuf [dreg:s6], $0x5FFFF;
	_ =	strace $0x90000046  }
0xb2: {  	s29 =	simm.s32 $0x9;
	_ =	strace $0x80000048  }
0xb3: {  	_ =	swait.ge [sflag:s29], $0x1  }
0xb4: {  	[sflag:s29] =	ssyncadd.s32 $0xFFFFFFFF  }
0xb5: {  	_ =	strace $0x90000048  }
0xb6: {  	_ =	sfence  }
0xb7: {  	s30 =	sld [smem:$0x0];
	_ =	sdelay $0x2  }
0xb8: {  	s31 =	sshll.u32 s1, $0xD;
	s1 =	sshrl.u32 s1, $0x2  }
0xb9: {  	s3 =	sand.u32 $0x4000, s31;
	s1 =	sadd.s32 s1, s30  }
0xba: {  	s0 =	sor.u32 s3, s0;
	s1 =	sshll.u32 s1, $0x11  }
0xbb: {  	s0 =	sor.u32 s1, s0  }
0xbc: {  	s0 =	sadd.s32 $0x8F2B, s0  }
0xbd: {  	[sflag:s0] =	ssyncadd.remote.s32 $0x1  }
0xbe: {  	_ =	sfence.sel $0xFFFF  }
0xbf: {  	[dreg:$0x0] =	wrdreg $0xFFFFFFFF;
	(pc) =	sbr.abs _section_cstart, $3  }
0xc0: {  	[dreg:$0x1] =	wrdreg $0xFFFFFFFF  }
0xc1: {  	_ =	task.clear_ibuf [dreg:s6], $0x2FFFF;
	_ =	strace $0x9FFFFFFF  }
0xc2: {  	(tm) =	ssettm $0x7FFFFFFF  }
0xc3: {  	_ =	shalt  }
tec
execute0_lowered:
.L_overlay_start_1:
0x0: {  	(tag) =	ssettag $0x1  }
0x1: {  	s0 =	rddreg [dreg:$0x0]  }
0x2: {  	s1 =	rddreg [dreg:$0x1];
	s2 =	srdreg.scid  }
0x3: {  	s3 =	simm.s32 $0x0;
	s12 =	stileid.u32;
	s13 =	simm.s32 $0x3  }
0x4: {  	s14 =	simm.s32 $0x18AA0;
	s15 =	simm.s32 $0x80;
	s16 =	simm.s32 $0x19220  }
0x5: {  	s17 =	simm.s32 $0x18B20;
	s18 =	simm.s32 $0x1A220;
	s19 =	simm.s32 $0x18BA0  }
0x6: {  	s20 =	simm.s32 $0x1B220;
	s21 =	simm.s32 $0x18C20;
	s22 =	simm.s32 $0x1C220  }
0x7: {  	s23 =	simm.s32 $0x18CA0;
	s24 =	simm.s32 $0x1D220;
	s28 =	simm.s32 $0x19020  }
0x8: {  	s29 =	simm.s32 $0x190A0;
	s30 =	simm.s32 $0x19120;
	s31 =	simm.s32 $0x191A0  }
0x9: {  	s2 =	sand.u32 $0x1, s2;
	[smem:$0x7FF] =	sst s3;
	s4 =	smul.u32 $0xC35, s12  }
0xa: {  	s5 =	sadd.s32 $0x18BE00, s0;
	s6 =	sadd.s32 $0xC8800, s0;
	s10 =	smul.u32 $0x61A80, s12  }
0xb: {  	s7 =	sadd.s32 $0x5200, s0;
	s8 =	smul.u32 $0xC350, s2;
	s2 =	ssub.s32 $0x2, s2  }
0xc: {  	s25 =	sshll.u32 s12, $0x6;
	_ =	strace $0x80000047;
	s11 =	sshrl.u32 s2, $0x1  }
0xd: {  	s10 =	sshrl.u32 s10, $0x2;
	s9 =	sadd.s32 s4, s8;
	s2 =	ssub.s32 s2, s11  }
0xe: {  	s10 =	sadd.s32 s10, s1;
	s9 =	sshll.u32 s9, $0x2;
	s26 =	smax.u32 s2, $0x1  }
0xf: {  	s10 =	sshrl.u32 s10, $0x3;
	s0 =	sadd.s32 s9, s0;
	[dreg:$0x5] =	wrdreg s26  }
0x10: {  	s9 =	sadd.s32 s5, s9;
	s26 =	simm.s32 $0x18FA0;
	[dreg:$0x6] =	wrdreg s10  }
0x11: {  	[dreg:$0x3] =	wrdreg s9;
	s9 =	sor.u32 $0x1C03, s25;
	s0 =	sadd.s32 $0x1EDA00, s0  }
0x12: {  	v1 =	vlaneseq.u32;
	v0 =	vmov s8;
	s25 =	simm.s32 $0x1;
	[dreg:$0x4] =	wrdreg s0;
	s0 =	simm.s32 $0x2  }
.LBB2_1:
0x13: {  	s2 =	rddreg [dreg:$0x3]  }
0x14: {  	[spmem:s10], [sflag:s9] =	dma.local [hbm:s2], $0x30D4  }
0x15: {  	_ =	swait.ge [sflag:s13], $0x30D4  }
0x16: {  	[sflag:s13] =	ssyncset.done $0x0  }
0x17: {  	[sflag:s13] =	ssyncadd.s32 $0xFFFFCF2C  }
0x18: {  	s12 =	smov.u32 s9;
	s2 =	simm.s32 $0x0;
	[bflag:$0x0] =	sbarrier.arrive $0xFFFF  }
.LBB2_2:
0x19: {  	s8 =	smul.u32 $0x5, s2;
	_ =	sdelay $0x1  }
0x1a: {  	s8 =	sadd.s32 s4, s8  }
0x1b: {  	s8 =	sshll.u32 s8, $0x4  }
0x1c: {  	s10 =	simm.s32 $0x0;
	s9 =	sadd.s32 s6, s8  }
0x1d: {  	[tilespmem:s14], [sflag:$0x3] =	stream.linear.gather [hbm4b:s9+s10], $0x280, $0x38;
	[tilespmem:$0x1E220] =	vst v63  }
0x1e: {  	_ =	swait.ge [sflag:s13], $0x280  }
0x1f: {  	[sflag:s13] =	ssyncset.done $0x0  }
0x20: {  	s11 =	simm.s32 $0x18D20;
	s8 =	sadd.s32 s7, s8;
	[sflag:s13] =	ssyncadd.s32 $0xFFFFFD80  }
0x21: {  	[tilespmem:s11], [sflag:$0x3] =	stream.linear.gather [hbm4b:s8+s10], $0x280, $0x38;
	[tilespmem:$0x1E220] =	vst v63  }
0x22: {  	_ =	swait.ge [sflag:s13], $0x280  }
0x23: {  	[sflag:s13] =	ssyncset.done $0x0  }
0x24: {  	[sflag:s13] =	ssyncadd.s32 $0xFFFFFD80  }
0x25: {  	[tilespmem:s16], [sflag:$0x1] =	stream.indirect.gather [hbm4b:s5+s15], $0x20, s14, s15, $0xb8;
	[tilespmem:$0x1E220] =	vst v63  }
0x26: {  	_ = 	snop  }
0x27: {  	[tilespmem:s18], [sflag:$0x1] =	stream.indirect.gather [hbm4b:s5+s15], $0x20, s17, s15, $0xb8;
	[tilespmem:$0x1E220] =	vst v63  }
0x28: {  	_ = 	snop  }
0x29: {  	[tilespmem:s20], [sflag:$0x1] =	stream.indirect.gather [hbm4b:s5+s15], $0x20, s19, s15, $0xb8;
	[tilespmem:$0x1E220] =	vst v63  }
0x2a: {  	_ = 	snop  }
0x2b: {  	[tilespmem:s22], [sflag:$0x1] =	stream.indirect.gather [hbm4b:s5+s15], $0x20, s21, s15, $0xb8;
	[tilespmem:$0x1E220] =	vst v63  }
0x2c: {  	_ = 	snop  }
0x2d: {  	[tilespmem:s24], [sflag:$0x1] =	stream.indirect.gather [hbm4b:s5+s15], $0x20, s23, s15, $0xb8;
	[tilespmem:$0x1E220] =	vst v63  }
0x2e: {  	v2 =	vld [tilespmem:s11+$0x0];
	_ =	sdelay $0x3  }
0x2f: {  	v3 =	vor.u32 s10, v1  }
0x30: {  	v3 =	vand.u32 $0x1FF, v3;
	v2 =	vsub.s32 v2, v0  }
0x31: {  	v3 =	vadd.s32 $0xC350, v3;
	vm0 =	vlt.u32 v2, $0xC350  }
0x32: {  	s8 =	simm.s32 $0x18FA0;
	v2 =	vsel vm0, v2, v3  }
0x33: {  	s10 =	simm.s32 $0x18D30;
	[tilespmem:s8+$0x0] =	vst v2  }
0x34: {  	s9 =	simm.s32 $0x20;
	s11 =	simm.s32 $0x10;
	v2 =	vld [tilespmem:s10+$0x0]  }
.LBB2_3:
0x35: {  	p0 =	sne.s32 s9, $0x270;
	_ =	sdelay $0x2  }
0x36: {  	v3 =	vor.u32 s11, v1;
	s11 =	smov.u32 s9  }
.Ltmp0:
0x37: {  	v3 =	vand.u32 $0x1FF, v3;
	v2 =	vsub.s32 v2, v0;
	(pc) =	sbr.rel @p0 .LBB2_3-.Ltmp0, $4  }
0x38: {  	v3 =	vadd.s32 $0xC350, v3;
	vm0 =	vlt.u32 v2, $0xC350  }
0x39: {  	s8 =	sadd.s32 $0x10, s8;
	v2 =	vsel vm0, v2, v3  }
0x3a: {  	s10 =	sadd.s32 $0x10, s10;
	[tilespmem:s8+$0x0] =	vst v2  }
0x3b: {  	s9 =	sadd.s32 $0x10, s9;
	v2 =	vld [tilespmem:s10+$0x0]  }
0x3c: {  	_ =	sdelay $0x2  }
0x3d: {  	v3 =	vor.u32 s11, v1  }
0x3e: {  	v3 =	vand.u32 $0x1FF, v3;
	v2 =	vsub.s32 v2, v0  }
0x3f: {  	v3 =	vadd.s32 $0xC350, v3;
	vm0 =	vlt.u32 v2, $0xC350  }
0x40: {  	s8 =	sadd.s32 $0x10, s8;
	v2 =	vsel vm0, v2, v3  }
0x41: {  	[tilespmem:s8+$0x0] =	vst v2  }
0x42: {  	_ =	swait.ge [sflag:s25], $0x1000  }
0x43: {  	[sflag:s25] =	ssyncset.done $0x0  }
0x44: {  	[sflag:s25] =	ssyncadd.s32 $0xFFFFF000  }
0x45: {  	_ =	swait.ge [sflag:s25], $0x1000  }
0x46: {  	[sflag:s25] =	ssyncset.done $0x0  }
0x47: {  	[sflag:s25] =	ssyncadd.s32 $0xFFFFF000  }
0x48: {  	_ =	swait.ge [sflag:s25], $0x1000  }
0x49: {  	[sflag:s25] =	ssyncset.done $0x0  }
0x4a: {  	[sflag:s25] =	ssyncadd.s32 $0xFFFFF000  }
0x4b: {  	_ =	swait.ge [sflag:s25], $0x1000  }
0x4c: {  	[sflag:s25] =	ssyncset.done $0x0  }
0x4d: {  	[sflag:s25] =	ssyncadd.s32 $0xFFFFF000  }
0x4e: {  	_ =	swait.ge [sflag:s25], $0x1000  }
0x4f: {  	[sflag:s25] =	ssyncset.done $0x0  }
0x50: {  	[sflag:s25] =	ssyncadd.s32 $0xFFFFF000  }
0x51: {  	[spmem:s1] =	stream.indirect.scatter.add.f32 [tilespmem:s16], [sflag:$0x2], $0x20, s26, s15, $0xb8;
	[tilespmem:$0x1E220] =	vst v63  }
0x52: {  	_ = 	snop  }
0x53: {  	[spmem:s1] =	stream.indirect.scatter.add.f32 [tilespmem:s18], [sflag:$0x2], $0x20, s28, s15, $0xb8;
	[tilespmem:$0x1E220] =	vst v63  }
0x54: {  	_ = 	snop  }
0x55: {  	[spmem:s1] =	stream.indirect.scatter.add.f32 [tilespmem:s20], [sflag:$0x2], $0x20, s29, s15, $0xb8;
	[tilespmem:$0x1E220] =	vst v63  }
0x56: {  	_ = 	snop  }
0x57: {  	[spmem:s1] =	stream.indirect.scatter.add.f32 [tilespmem:s22], [sflag:$0x2], $0x20, s30, s15, $0xb8;
	[tilespmem:$0x1E220] =	vst v63  }
0x58: {  	_ = 	snop  }
0x59: {  	[spmem:s1] =	stream.indirect.scatter.add.f32 [tilespmem:s24], [sflag:$0x2], $0x20, s31, s15, $0xb8;
	[tilespmem:$0x1E220] =	vst v63  }
0x5a: {  	_ =	swait.ge [sflag:s0], $0x1000  }
0x5b: {  	[sflag:s0] =	ssyncset.done $0x0  }
0x5c: {  	[sflag:s0] =	ssyncadd.s32 $0xFFFFF000  }
0x5d: {  	_ =	swait.ge [sflag:s0], $0x1000  }
0x5e: {  	[sflag:s0] =	ssyncset.done $0x0  }
0x5f: {  	[sflag:s0] =	ssyncadd.s32 $0xFFFFF000  }
0x60: {  	_ =	swait.ge [sflag:s0], $0x1000  }
0x61: {  	[sflag:s0] =	ssyncset.done $0x0  }
0x62: {  	s2 =	sadd.s32 $0x1, s2;
	[sflag:s0] =	ssyncadd.s32 $0xFFFFF000  }
0x63: {  	p0 =	sne.s32 s2, $0x271;
	_ =	swait.ge [sflag:s0], $0x1000  }
.Ltmp1:
0x64: {  	[sflag:s0] =	ssyncset.done $0x0;
	(pc) =	sbr.rel @p0 .LBB2_2-.Ltmp1, $4  }
0x65: {  	[sflag:s0] =	ssyncadd.s32 $0xFFFFF000  }
0x66: {  	_ =	swait.ge [sflag:s0], $0x1000  }
0x67: {  	[sflag:s0] =	ssyncset.done $0x0  }
0x68: {  	[sflag:s0] =	ssyncadd.s32 $0xFFFFF000  }
0x69: {  	[bflag:$0x0] =	sbarrier.arrive $0xFFFF  }
0x6a: {  	s2 =	rddreg [dreg:$0x4]  }
0x6b: {  	s10 =	rddreg [dreg:$0x6]  }
0x6c: {  	[hbm:s2], [sflag:s12] =	dma.local [spmem:s10], $0x30D4  }
0x6d: {  	_ =	swait.ge [sflag:s13], $0x30D4  }
0x6e: {  	s9 =	smov.u32 s12;
	s3 =	sadd.s32 $0x1, s3;
	s12 =	rddreg [dreg:$0x5]  }
0x6f: {  	p0 =	sne.s32 s3, s12  }
.Ltmp2:
0x70: {  	_ = 	snop;
	(pc) =	sbr.rel @p0 .LBB2_1-.Ltmp2, $3  }
0x71: {  	_ =	sdelay $0x1  }
0x72: {  	[sflag:s13] =	ssyncset.done $0x0  }
0x73: {  	[sflag:s13] =	ssyncadd.s32 $0xFFFFCF2C  }
0x74: {  	_ =	sfence.sel $0x180000  }
0x75: {  	[bflag:$0x0] =	sbarrier.arrive $0xFFFF  }
0x76: {  	_ =	strace $0x90000047  }
0x77: {  	s0 =	stileid.u32;
	[bflag:$0x2] =	sbarrier.arrive $0xFFFF  }
0x78: {  	p0 =	sne.s32 s0, $0x0;
	s0 =	rddreg [dreg:$0x2]  }
0x79: {  	s0 =	sadd.s32 @!p0 $0x100000, s0  }
0x7a: {  	[sflag:s0] =	ssyncadd.tile.s32 @!p0 $0x1;
	_ =	shalt  }
.Lfunc_end2:
_tile_overlayer_lowered:
.L_overlay_start_2:
0x7b: {  	(tag) =	ssettag $0x2  }
0x7c: {  	s0 =	rddreg [dreg:$0x0];
	s2 =	stileid.u32  }
0x7d: {  	s1 =	rddreg [dreg:$0x1];
	p0 =	sne.s32 s2, $0x0  }
0x7e: {  	s3 =	rddreg [dreg:$0x2];
	[bflag:$0x3] =	sbarrier.arrive $0xFFFF;
	s2 =	simm.s32 @!p0 $0x1C03  }
0x7f: {  	[timem:s3], [sflag:s2] =	dma.local @!p0 [hbm:s0], s1  }
0x80: {  	s0 =	simm.s32 @!p0 $0x3  }
0x81: {  	_ =	swait.ge @!p0 [sflag:s0], s1  }
0x82: {  	s1 =	ssub.s32 @!p0 $0x0, s1;
	[sflag:s0] =	ssyncset.done @!p0 $0x0  }
0x83: {  	[sflag:s0] =	ssyncadd.s32 @!p0 s1  }
0x84: {  	[bflag:$0x3] =	sbarrier.arrive $0xFFFF  }
0x85: {  	_ =	shalt  }

// kernel: kernel.16.cloned.1.call-start
scs
__scs_entry_jumppad:
0x0: {  	(pc) =	sbr.rel $0x88, $3  }
0x1: {  	(tag) =	ssettag $0x0;
	lr =	simm.s32 $0x1  }
0x2: {  	[smem:$0x3F7C] =	sst lr;
	_ =	strace $0xD0000000  }
0x3: {  	_ = 	snop  }
0x4: {  	_ = 	snop  }
0x5: {  	_ = 	snop  }
0x6: {  	_ = 	snop  }
0x7: {  	_ = 	snop  }
__scs_overlays_trampoline_lowered:
0x8: {  	[smem:$0x3F8B] =	sst s0  }
0x9: {  	[smem:$0x3F8C] =	sst s1  }
0xa: {  	[smem:$0x3F8D] =	sst s2  }
0xb: {  	[smem:$0x3F8E] =	sst s3  }
0xc: {  	[smem:$0x3F8F] =	sst s4  }
0xd: {  	[smem:$0x3F90] =	sst s5  }
0xe: {  	[smem:$0x3F91] =	sst s6  }
0xf: {  	[smem:$0x3F92] =	sst s7  }
0x10: {  	[smem:$0x3F93] =	sst s8  }
0x11: {  	[smem:$0x3F94] =	sst s9;
	s0 =	simm.s32 @!p0 $0x0  }
0x12: {  	s1 =	sld [smem:$0x3F7A];
	s0 =	simm.s32 @p0 $0x1  }
0x13: {  	[smem:$0x3F95] =	sst s0;
	s0 =	simm.s32 @!p1 $0x0  }
0x14: {  	s2 =	sld [smem:$0x3F79];
	s0 =	simm.s32 @p1 $0x1  }
0x15: {  	[smem:$0x3F96] =	sst s0;
	s0 =	simm.s32 @!p2 $0x0  }
0x16: {  	s3 =	sld [smem:$0x3FDB];
	s0 =	simm.s32 @p2 $0x1  }
0x17: {  	s4 =	simm.s32 $0x1BF5;
	[smem:$0x3F98] =	sst s0  }
0x18: {  	s0 =	sld [smem:$0x3F7B];
	_ =	swait.ge [sflag:s4], $0x0  }
0x19: {  	s7 =	sld [smem:$0x3F7C]  }
0x1a: {  	s8 =	sadd.s32 $0xFFFFE003, lr  }
0x1b: {  	s9 =	sadd.s32 $0xFFFFFEF7, lr;
	s5 =	simm.s32 $0xFFFFFFFF;
	p2 =	slt.u32 s8, $0xFFFFF086  }
0x1c: {  	p1 =	slt.u32 s9, $0xF7A;
	s5 =	simm.s32 @!p2 $0x0  }
0x1d: {  	s5 =	simm.s32 @p1 $0x1;
	p0 =	seq.s32 s7, s2  }
0x1e: {  	s7 =	smul.u32 @!p0 $0xF7A, s2;
	p2 =	seq.s32 @!p0 s5, $0x0  }
0x1f: {  	s9 =	smul.u32 $0xF7A, s1;
	s8 =	simm.s32 @!p0 $0x1BF5;
	p2 =	por !p2, p0  }
0x20: {  	[sflag:s8] =	ssyncset.s32 @!p0 $0xFFFFF086;
	s6 =	sadd.s32 @!p0 s3, s7;
	s7 =	simm.s32 @!p0 $0x108  }
0x21: {  	s3 =	sadd.s32 s3, s9;
	s6 =	sadd.s32 @!p0 $0x88, s6;
	s7 =	simm.s32 @p2 $0x1082  }
0x22: {  	[simem:s7], [sflag:s8] =	dma.local @!p0 [hbm:s6], $0xF7A  }
0x23: {  	s9 =	sor.u32 $0xD0000000, s2;
	s6 =	simm.s32 $0x108;
	_ =	swait.ge @!p0 [sflag:s8], $0x0  }
0x24: {  	s3 =	sadd.s32 $0x88, s3;
	s6 =	simm.s32 @!p1 $0x1082;
	[sflag:s4] =	ssyncset.s32 $0xFFFFF086  }
0x25: {  	[simem:s6], [sflag:s4] =	dma.local [hbm:s3], $0xF7A  }
0x26: {  	[smem:$0x3F7C] =	sst s1;
	(tag) =	ssettag s2;
	_ =	strace s9  }
0x27: {  	s1 =	sld [smem:$0x3F8C]  }
0x28: {  	s2 =	sld [smem:$0x3F8D]  }
0x29: {  	s4 =	sld [smem:$0x3F8F]  }
0x2a: {  	p0 =	seq.s32 s5, $0x0;
	s5 =	sld [smem:$0x3F90]  }
0x2b: {  	s6 =	sld [smem:$0x3F91]  }
0x2c: {  	s7 =	sld [smem:$0x3F92]  }
0x2d: {  	s3 =	simm.s32 $0x108;
	s8 =	sld [smem:$0x3F93]  }
0x2e: {  	s3 =	simm.s32 @!p0 $0x1082;
	s9 =	sld [smem:$0x3F94]  }
0x2f: {  	lr =	sadd.s32 s0, s3;
	s0 =	sld [smem:$0x3F8B]  }
0x30: {  	s3 =	sld [smem:$0x3F8E]  }
0x31: {  	[smem:$0x3F97] =	sst s10  }
0x32: {  	s10 =	sld [smem:$0x3F95];
	_ =	sdelay $0x3  }
0x33: {  	p0 =	seq.s32 s10, $0x1;
	s10 =	sld [smem:$0x3F97];
	_ =	sdelay $0x3  }
0x34: {  	[smem:$0x3F97] =	sst s10  }
0x35: {  	s10 =	sld [smem:$0x3F96];
	_ =	sdelay $0x3  }
0x36: {  	p1 =	seq.s32 s10, $0x1;
	s10 =	sld [smem:$0x3F97];
	_ =	sdelay $0x3  }
0x37: {  	[smem:$0x3F97] =	sst s10  }
0x38: {  	s10 =	sld [smem:$0x3F98]  }
0x39: {  	_ = 	snop;
	(pc) =	sbr.ind lr, $3  }
0x3a: {  	_ = 	snop  }
0x3b: {  	_ = 	snop  }
0x3c: {  	p2 =	seq.s32 s10, $0x1;
	s10 =	sld [smem:$0x3F97]  }
0x3d: {  	_ =	shalt  }
0x3e: {  	_ =	shalt  }
0x3f: {  	_ =	shalt  }
0x40: {  	_ =	shalt  }
0x41: {  	_ =	shalt  }
0x42: {  	_ =	shalt  }
0x43: {  	_ =	shalt  }
0x44: {  	_ =	shalt  }
0x45: {  	_ =	shalt  }
0x46: {  	_ =	shalt  }
0x47: {  	_ =	shalt  }
0x48: {  	_ =	shalt  }
0x49: {  	_ =	shalt  }
0x4a: {  	_ =	shalt  }
0x4b: {  	_ =	shalt  }
0x4c: {  	_ =	shalt  }
0x4d: {  	_ =	shalt  }
0x4e: {  	_ =	shalt  }
0x4f: {  	_ =	shalt  }
0x50: {  	_ =	shalt  }
0x51: {  	_ =	shalt  }
0x52: {  	_ =	shalt  }
0x53: {  	_ =	shalt  }
0x54: {  	_ =	shalt  }
0x55: {  	_ =	shalt  }
0x56: {  	_ =	shalt  }
0x57: {  	_ =	shalt  }
0x58: {  	_ =	shalt  }
0x59: {  	_ =	shalt  }
0x5a: {  	_ =	shalt  }
0x5b: {  	_ =	shalt  }
0x5c: {  	_ =	shalt  }
0x5d: {  	_ =	shalt  }
0x5e: {  	_ =	shalt  }
0x5f: {  	_ =	shalt  }
0x60: {  	_ =	shalt  }
0x61: {  	_ =	shalt  }
0x62: {  	_ =	shalt  }
0x63: {  	_ =	shalt  }
0x64: {  	_ =	shalt  }
0x65: {  	_ =	shalt  }
0x66: {  	_ =	shalt  }
0x67: {  	_ =	shalt  }
0x68: {  	_ =	shalt  }
0x69: {  	_ =	shalt  }
0x6a: {  	_ =	shalt  }
0x6b: {  	_ =	shalt  }
0x6c: {  	_ =	shalt  }
0x6d: {  	_ =	shalt  }
0x6e: {  	_ =	shalt  }
0x6f: {  	_ =	shalt  }
0x70: {  	_ =	shalt  }
0x71: {  	_ =	shalt  }
0x72: {  	_ =	shalt  }
0x73: {  	_ =	shalt  }
0x74: {  	_ =	shalt  }
0x75: {  	_ =	shalt  }
0x76: {  	_ =	shalt  }
0x77: {  	_ =	shalt  }
0x78: {  	_ =	shalt  }
0x79: {  	_ =	shalt  }
0x7a: {  	_ =	shalt  }
0x7b: {  	_ =	shalt  }
0x7c: {  	_ =	shalt  }
0x7d: {  	_ =	shalt  }
0x7e: {  	_ =	shalt  }
0x7f: {  	_ =	shalt  }
0x80: {  	_ =	shalt  }
0x81: {  	_ =	shalt  }
0x82: {  	_ =	shalt  }
0x83: {  	_ =	shalt  }
0x84: {  	_ =	shalt  }
0x85: {  	_ =	shalt  }
0x86: {  	_ =	shalt  }
0x87: {  	_ =	shalt  }
.Lfunc_end0:
.L_simem_size_0:
called_computation.1_lowered:
.L_overlay_start_0:
0x88: {  	s2 =	sld [smem:$0x3FD9]  }
0x89: {  	s3 =	sld [smem:$0x3FFE];
	_ =	sdelay $0x1  }
0x8a: {  	s1 =	srdreg.scid  }
0x8b: {  	s0 =	sand.u32 $0x1, s1  }
0x8c: {  	s16 =	sshll.u32 s0, $0xA;
	s2 =	sadd.s32 s3, s2  }
0x8d: {  	s2 =	sadd.s32 s2, s16  }
0x8e: {  	[smem:$0x3FA3] =	sst s2  }
0x8f: {  	_ = 	snop  }
0x90: {  	(tm) =	ssettm $0x1  }
0x91: {  	s17 =	sld [smem:$0x3FFB];
	_ =	sdelay $0x3  }
0x92: {  	_ =	strace s17  }
0x93: {  	s2 =	sld [smem:$0x3FFC];
	_ =	sdelay $0x3  }
0x94: {  	_ =	strace s2  }
0x95: {  	s2 =	sld [smem:$0x3FFD];
	_ =	sdelay $0x3  }
0x96: {  	_ =	strace s2  }
0x97: {  	_ =	strace $0x8FFFFFFF  }
0x98: {  	s18 =	sld [smem:$0x3FDB];
	_ =	sdelay $0x1  }
0x99: {  	s19 =	simm.s32 $_scs_section_size  }
0x9a: {  	s4 =	simm.s32 $_size__tile_overlayer_lowered;
	s5 =	simm.s32 $_tile_overlayer_lowered  }
0x9b: {  	s22 =	simm.s32 $0x1BFF;
	s21 =	sshll.u32 s5, $0x1;
	s2 =	sadd.s32 s19, s18  }
0x9c: {  	s6 =	simm.s32 $0x0;
	s20 =	sshll.u32 s4, $0x1;
	s4 =	sadd.s32 s21, s2  }
0x9d: {  	[timem:s6], [sflag:s22] =	dma.local [hbm:s4], s20  }
0x9e: {  	_ =	swait.ge [sflag:s22], s20  }
0x9f: {  	s3 =	ssub.s32 $0x0, s20;
	[sflag:s22] =	ssyncset.done $0x0  }
0xa0: {  	[sflag:s22] =	ssyncadd.s32 s3;
	_ =	sdelay $0x1  }
0xa1: {  	s23 =	simm.s32 $0x1B8B  }
0xa2: {  	_ =	swait.ge [sflag:s23], $0x1  }
0xa3: {  	[sflag:s23] =	ssyncset.done $0x0  }
0xa4: {  	s25 =	simm.s32 $0x1B8E;
	s24 =	sld [smem:$0x3FFE];
	[sflag:s23] =	ssyncadd.s32 $0xFFFFFFFF  }
0xa5: {  	s26 =	simm.s32 $execute0_lowered;
	[smem:$0x3FD2] =	sst s25  }
0xa6: {  	s4 =	sshll.u32 s26, $0x1;
	_ =	strace $0x80000049;
	[dreg:$0x1] =	wrdreg $0xFFFFFFFF  }
0xa7: {  	s28 =	simm.s32 $_size_execute0_lowered;
	s2 =	sadd.s32 s2, s4;
	[dreg:$0x0] =	wrdreg $0x0  }
0xa8: {  	s4 =	sshll.u32 s28, $0x1;
	[dreg:$0x2] =	wrdreg s2  }
0xa9: {  	[dreg:$0x3] =	wrdreg s4  }
0xaa: {  	[dreg:$0x4] =	wrdreg $0xC0  }
0xab: {  	_ =	task [dreg:s6], $0x5FFFF  }
0xac: {  	[dreg:$0x1] =	wrdreg $0xFFFFFFFF  }
0xad: {  	[dreg:$0x0] =	wrdreg $0x60  }
0xae: {  	[dreg:$0x2] =	wrdreg s24  }
0xaf: {  	[dreg:$0x3] =	wrdreg $0x0  }
0xb0: {  	[dreg:$0x4] =	wrdreg $0x9  }
0xb1: {  	_ =	task.clear_ibuf [dreg:s6], $0x5FFFF;
	_ =	strace $0x90000049  }
0xb2: {  	s29 =	simm.s32 $0x9;
	_ =	strace $0x8000004B  }
0xb3: {  	_ =	swait.ge [sflag:s29], $0x1  }
0xb4: {  	[sflag:s29] =	ssyncadd.s32 $0xFFFFFFFF  }
0xb5: {  	_ =	strace $0x9000004B  }
0xb6: {  	_ =	sfence  }
0xb7: {  	s30 =	sld [smem:$0x0];
	_ =	sdelay $0x2  }
0xb8: {  	s31 =	sshll.u32 s1, $0xD;
	s1 =	sshrl.u32 s1, $0x2  }
0xb9: {  	s3 =	sand.u32 $0x4000, s31;
	s1 =	sadd.s32 s1, s30  }
0xba: {  	s0 =	sor.u32 s3, s0;
	s1 =	sshll.u32 s1, $0x11  }
0xbb: {  	s0 =	sor.u32 s1, s0  }
0xbc: {  	s0 =	sadd.s32 $0x8F2B, s0  }
0xbd: {  	[sflag:s0] =	ssyncadd.remote.s32 $0x1  }
0xbe: {  	_ =	sfence.sel $0xFFFF  }
0xbf: {  	[dreg:$0x0] =	wrdreg $0xFFFFFFFF;
	(pc) =	sbr.abs _section_cstart, $3  }
0xc0: {  	[dreg:$0x1] =	wrdreg $0xFFFFFFFF  }
0xc1: {  	_ =	task.clear_ibuf [dreg:s6], $0x2FFFF;
	_ =	strace $0x9FFFFFFF  }
0xc2: {  	(tm) =	ssettm $0x7FFFFFFF  }
0xc3: {  	_ =	shalt  }
tec
execute0_lowered:
.L_overlay_start_1:
0x0: {  	(tag) =	ssettag $0x1  }
0x1: {  	s0 =	rddreg [dreg:$0x0]  }
0x2: {  	s1 =	rddreg [dreg:$0x1];
	s2 =	srdreg.scid  }
0x3: {  	s3 =	simm.s32 $0x0;
	s12 =	stileid.u32;
	s13 =	simm.s32 $0x3  }
0x4: {  	s14 =	simm.s32 $0x18AA0;
	s15 =	simm.s32 $0x80;
	s16 =	simm.s32 $0x19220  }
0x5: {  	s17 =	simm.s32 $0x18B20;
	s18 =	simm.s32 $0x1A220;
	s19 =	simm.s32 $0x18BA0  }
0x6: {  	s20 =	simm.s32 $0x1B220;
	s21 =	simm.s32 $0x18C20;
	s22 =	simm.s32 $0x1C220  }
0x7: {  	s23 =	simm.s32 $0x18CA0;
	s24 =	simm.s32 $0x1D220;
	s28 =	simm.s32 $0x19020  }
0x8: {  	s29 =	simm.s32 $0x190A0;
	s30 =	simm.s32 $0x19120;
	s31 =	simm.s32 $0x191A0  }
0x9: {  	s2 =	sand.u32 $0x1, s2;
	[smem:$0x7FF] =	sst s3;
	s4 =	smul.u32 $0xC35, s12  }
0xa: {  	s5 =	sadd.s32 $0x18BE00, s0;
	s6 =	sadd.s32 $0xC8800, s0;
	s10 =	smul.u32 $0x61A80, s12  }
0xb: {  	s7 =	sadd.s32 $0x5200, s0;
	s8 =	smul.u32 $0xC350, s2;
	s2 =	ssub.s32 $0x2, s2  }
0xc: {  	s25 =	sshll.u32 s12, $0x6;
	_ =	strace $0x8000004A;
	s11 =	sshrl.u32 s2, $0x1  }
0xd: {  	s10 =	sshrl.u32 s10, $0x2;
	s9 =	sadd.s32 s4, s8;
	s2 =	ssub.s32 s2, s11  }
0xe: {  	s10 =	sadd.s32 s10, s1;
	s9 =	sshll.u32 s9, $0x2;
	s26 =	smax.u32 s2, $0x1  }
0xf: {  	s10 =	sshrl.u32 s10, $0x3;
	s0 =	sadd.s32 s9, s0;
	[dreg:$0x5] =	wrdreg s26  }
0x10: {  	s9 =	sadd.s32 s5, s9;
	s26 =	simm.s32 $0x18FA0;
	[dreg:$0x6] =	wrdreg s10  }
0x11: {  	[dreg:$0x3] =	wrdreg s9;
	s9 =	sor.u32 $0x1C03, s25;
	s0 =	sadd.s32 $0x1EDA00, s0  }
0x12: {  	v1 =	vlaneseq.u32;
	v0 =	vmov s8;
	s25 =	simm.s32 $0x1;
	[dreg:$0x4] =	wrdreg s0;
	s0 =	simm.s32 $0x2  }
.LBB2_1:
0x13: {  	s2 =	rddreg [dreg:$0x3]  }
0x14: {  	[spmem:s10], [sflag:s9] =	dma.local [hbm:s2], $0x30D4  }
0x15: {  	_ =	swait.ge [sflag:s13], $0x30D4  }
0x16: {  	[sflag:s13] =	ssyncset.done $0x0  }
0x17: {  	[sflag:s13] =	ssyncadd.s32 $0xFFFFCF2C  }
0x18: {  	s12 =	smov.u32 s9;
	s2 =	simm.s32 $0x0;
	[bflag:$0x0] =	sbarrier.arrive $0xFFFF  }
.LBB2_2:
0x19: {  	s8 =	smul.u32 $0x5, s2;
	_ =	sdelay $0x1  }
0x1a: {  	s8 =	sadd.s32 s4, s8  }
0x1b: {  	s8 =	sshll.u32 s8, $0x4  }
0x1c: {  	s10 =	simm.s32 $0x0;
	s9 =	sadd.s32 s6, s8  }
0x1d: {  	[tilespmem:s14], [sflag:$0x3] =	stream.linear.gather [hbm4b:s9+s10], $0x280, $0x38;
	[tilespmem:$0x1E220] =	vst v63  }
0x1e: {  	_ =	swait.ge [sflag:s13], $0x280  }
0x1f: {  	[sflag:s13] =	ssyncset.done $0x0  }
0x20: {  	s11 =	simm.s32 $0x18D20;
	s8 =	sadd.s32 s7, s8;
	[sflag:s13] =	ssyncadd.s32 $0xFFFFFD80  }
0x21: {  	[tilespmem:s11], [sflag:$0x3] =	stream.linear.gather [hbm4b:s8+s10], $0x280, $0x38;
	[tilespmem:$0x1E220] =	vst v63  }
0x22: {  	_ =	swait.ge [sflag:s13], $0x280  }
0x23: {  	[sflag:s13] =	ssyncset.done $0x0  }
0x24: {  	[sflag:s13] =	ssyncadd.s32 $0xFFFFFD80  }
0x25: {  	[tilespmem:s16], [sflag:$0x1] =	stream.indirect.gather [hbm4b:s5+s15], $0x20, s14, s15, $0xb8;
	[tilespmem:$0x1E220] =	vst v63  }
0x26: {  	_ = 	snop  }
0x27: {  	[tilespmem:s18], [sflag:$0x1] =	stream.indirect.gather [hbm4b:s5+s15], $0x20, s17, s15, $0xb8;
	[tilespmem:$0x1E220] =	vst v63  }
0x28: {  	_ = 	snop  }
0x29: {  	[tilespmem:s20], [sflag:$0x1] =	stream.indirect.gather [hbm4b:s5+s15], $0x20, s19, s15, $0xb8;
	[tilespmem:$0x1E220] =	vst v63  }
0x2a: {  	_ = 	snop  }
0x2b: {  	[tilespmem:s22], [sflag:$0x1] =	stream.indirect.gather [hbm4b:s5+s15], $0x20, s21, s15, $0xb8;
	[tilespmem:$0x1E220] =	vst v63  }
0x2c: {  	_ = 	snop  }
0x2d: {  	[tilespmem:s24], [sflag:$0x1] =	stream.indirect.gather [hbm4b:s5+s15], $0x20, s23, s15, $0xb8;
	[tilespmem:$0x1E220] =	vst v63  }
0x2e: {  	v2 =	vld [tilespmem:s11+$0x0];
	_ =	sdelay $0x3  }
0x2f: {  	v3 =	vor.u32 s10, v1  }
0x30: {  	v3 =	vand.u32 $0x1FF, v3;
	v2 =	vsub.s32 v2, v0  }
0x31: {  	v3 =	vadd.s32 $0xC350, v3;
	vm0 =	vlt.u32 v2, $0xC350  }
0x32: {  	s8 =	simm.s32 $0x18FA0;
	v2 =	vsel vm0, v2, v3  }
0x33: {  	s10 =	simm.s32 $0x18D30;
	[tilespmem:s8+$0x0] =	vst v2  }
0x34: {  	s9 =	simm.s32 $0x20;
	s11 =	simm.s32 $0x10;
	v2 =	vld [tilespmem:s10+$0x0]  }
.LBB2_3:
0x35: {  	p0 =	sne.s32 s9, $0x270;
	_ =	sdelay $0x2  }
0x36: {  	v3 =	vor.u32 s11, v1;
	s11 =	smov.u32 s9  }
.Ltmp0:
0x37: {  	v3 =	vand.u32 $0x1FF, v3;
	v2 =	vsub.s32 v2, v0;
	(pc) =	sbr.rel @p0 .LBB2_3-.Ltmp0, $4  }
0x38: {  	v3 =	vadd.s32 $0xC350, v3;
	vm0 =	vlt.u32 v2, $0xC350  }
0x39: {  	s8 =	sadd.s32 $0x10, s8;
	v2 =	vsel vm0, v2, v3  }
0x3a: {  	s10 =	sadd.s32 $0x10, s10;
	[tilespmem:s8+$0x0] =	vst v2  }
0x3b: {  	s9 =	sadd.s32 $0x10, s9;
	v2 =	vld [tilespmem:s10+$0x0]  }
0x3c: {  	_ =	sdelay $0x2  }
0x3d: {  	v3 =	vor.u32 s11, v1  }
0x3e: {  	v3 =	vand.u32 $0x1FF, v3;
	v2 =	vsub.s32 v2, v0  }
0x3f: {  	v3 =	vadd.s32 $0xC350, v3;
	vm0 =	vlt.u32 v2, $0xC350  }
0x40: {  	s8 =	sadd.s32 $0x10, s8;
	v2 =	vsel vm0, v2, v3  }
0x41: {  	[tilespmem:s8+$0x0] =	vst v2  }
0x42: {  	_ =	swait.ge [sflag:s25], $0x1000  }
0x43: {  	[sflag:s25] =	ssyncset.done $0x0  }
0x44: {  	[sflag:s25] =	ssyncadd.s32 $0xFFFFF000  }
0x45: {  	_ =	swait.ge [sflag:s25], $0x1000  }
0x46: {  	[sflag:s25] =	ssyncset.done $0x0  }
0x47: {  	[sflag:s25] =	ssyncadd.s32 $0xFFFFF000  }
0x48: {  	_ =	swait.ge [sflag:s25], $0x1000  }
0x49: {  	[sflag:s25] =	ssyncset.done $0x0  }
0x4a: {  	[sflag:s25] =	ssyncadd.s32 $0xFFFFF000  }
0x4b: {  	_ =	swait.ge [sflag:s25], $0x1000  }
0x4c: {  	[sflag:s25] =	ssyncset.done $0x0  }
0x4d: {  	[sflag:s25] =	ssyncadd.s32 $0xFFFFF000  }
0x4e: {  	_ =	swait.ge [sflag:s25], $0x1000  }
0x4f: {  	[sflag:s25] =	ssyncset.done $0x0  }
0x50: {  	[sflag:s25] =	ssyncadd.s32 $0xFFFFF000  }
0x51: {  	[spmem:s1] =	stream.indirect.scatter.add.f32 [tilespmem:s16], [sflag:$0x2], $0x20, s26, s15, $0xb8;
	[tilespmem:$0x1E220] =	vst v63  }
0x52: {  	_ = 	snop  }
0x53: {  	[spmem:s1] =	stream.indirect.scatter.add.f32 [tilespmem:s18], [sflag:$0x2], $0x20, s28, s15, $0xb8;
	[tilespmem:$0x1E220] =	vst v63  }
0x54: {  	_ = 	snop  }
0x55: {  	[spmem:s1] =	stream.indirect.scatter.add.f32 [tilespmem:s20], [sflag:$0x2], $0x20, s29, s15, $0xb8;
	[tilespmem:$0x1E220] =	vst v63  }
0x56: {  	_ = 	snop  }
0x57: {  	[spmem:s1] =	stream.indirect.scatter.add.f32 [tilespmem:s22], [sflag:$0x2], $0x20, s30, s15, $0xb8;
	[tilespmem:$0x1E220] =	vst v63  }
0x58: {  	_ = 	snop  }
0x59: {  	[spmem:s1] =	stream.indirect.scatter.add.f32 [tilespmem:s24], [sflag:$0x2], $0x20, s31, s15, $0xb8;
	[tilespmem:$0x1E220] =	vst v63  }
0x5a: {  	_ =	swait.ge [sflag:s0], $0x1000  }
0x5b: {  	[sflag:s0] =	ssyncset.done $0x0  }
0x5c: {  	[sflag:s0] =	ssyncadd.s32 $0xFFFFF000  }
0x5d: {  	_ =	swait.ge [sflag:s0], $0x1000  }
0x5e: {  	[sflag:s0] =	ssyncset.done $0x0  }
0x5f: {  	[sflag:s0] =	ssyncadd.s32 $0xFFFFF000  }
0x60: {  	_ =	swait.ge [sflag:s0], $0x1000  }
0x61: {  	[sflag:s0] =	ssyncset.done $0x0  }
0x62: {  	s2 =	sadd.s32 $0x1, s2;
	[sflag:s0] =	ssyncadd.s32 $0xFFFFF000  }
0x63: {  	p0 =	sne.s32 s2, $0x271;
	_ =	swait.ge [sflag:s0], $0x1000  }
.Ltmp1:
0x64: {  	[sflag:s0] =	ssyncset.done $0x0;
	(pc) =	sbr.rel @p0 .LBB2_2-.Ltmp1, $4  }
0x65: {  	[sflag:s0] =	ssyncadd.s32 $0xFFFFF000  }
0x66: {  	_ =	swait.ge [sflag:s0], $0x1000  }
0x67: {  	[sflag:s0] =	ssyncset.done $0x0  }
0x68: {  	[sflag:s0] =	ssyncadd.s32 $0xFFFFF000  }
0x69: {  	[bflag:$0x0] =	sbarrier.arrive $0xFFFF  }
0x6a: {  	s2 =	rddreg [dreg:$0x4]  }
0x6b: {  	s10 =	rddreg [dreg:$0x6]  }
0x6c: {  	[hbm:s2], [sflag:s12] =	dma.local [spmem:s10], $0x30D4  }
0x6d: {  	_ =	swait.ge [sflag:s13], $0x30D4  }
0x6e: {  	s9 =	smov.u32 s12;
	s3 =	sadd.s32 $0x1, s3;
	s12 =	rddreg [dreg:$0x5]  }
0x6f: {  	p0 =	sne.s32 s3, s12  }
.Ltmp2:
0x70: {  	_ = 	snop;
	(pc) =	sbr.rel @p0 .LBB2_1-.Ltmp2, $3  }
0x71: {  	_ =	sdelay $0x1  }
0x72: {  	[sflag:s13] =	ssyncset.done $0x0  }
0x73: {  	[sflag:s13] =	ssyncadd.s32 $0xFFFFCF2C  }
0x74: {  	_ =	sfence.sel $0x180000  }
0x75: {  	[bflag:$0x0] =	sbarrier.arrive $0xFFFF  }
0x76: {  	_ =	strace $0x9000004A  }
0x77: {  	s0 =	stileid.u32;
	[bflag:$0x2] =	sbarrier.arrive $0xFFFF  }
0x78: {  	p0 =	sne.s32 s0, $0x0;
	s0 =	rddreg [dreg:$0x2]  }
0x79: {  	s0 =	sadd.s32 @!p0 $0x100000, s0  }
0x7a: {  	[sflag:s0] =	ssyncadd.tile.s32 @!p0 $0x1;
	_ =	shalt  }
.Lfunc_end2:
_tile_overlayer_lowered:
.L_overlay_start_2:
0x7b: {  	(tag) =	ssettag $0x2  }
0x7c: {  	s0 =	rddreg [dreg:$0x0];
	s2 =	stileid.u32  }
0x7d: {  	s1 =	rddreg [dreg:$0x1];
	p0 =	sne.s32 s2, $0x0  }
0x7e: {  	s3 =	rddreg [dreg:$0x2];
	[bflag:$0x3] =	sbarrier.arrive $0xFFFF;
	s2 =	simm.s32 @!p0 $0x1C03  }
0x7f: {  	[timem:s3], [sflag:s2] =	dma.local @!p0 [hbm:s0], s1  }
0x80: {  	s0 =	simm.s32 @!p0 $0x3  }
0x81: {  	_ =	swait.ge @!p0 [sflag:s0], s1  }
0x82: {  	s1 =	ssub.s32 @!p0 $0x0, s1;
	[sflag:s0] =	ssyncset.done @!p0 $0x0  }
0x83: {  	[sflag:s0] =	ssyncadd.s32 @!p0 s1  }
0x84: {  	[bflag:$0x3] =	sbarrier.arrive $0xFFFF  }
0x85: {  	_ =	shalt  }

// kernel: kernel.19.cloned.1.call-start
scs
__scs_entry_jumppad:
0x0: {  	(pc) =	sbr.rel $0x88, $3  }
0x1: {  	(tag) =	ssettag $0x0;
	lr =	simm.s32 $0x1  }
0x2: {  	[smem:$0x3F7C] =	sst lr;
	_ =	strace $0xD0000000  }
0x3: {  	_ = 	snop  }
0x4: {  	_ = 	snop  }
0x5: {  	_ = 	snop  }
0x6: {  	_ = 	snop  }
0x7: {  	_ = 	snop  }
__scs_overlays_trampoline_lowered:
0x8: {  	[smem:$0x3F8B] =	sst s0  }
0x9: {  	[smem:$0x3F8C] =	sst s1  }
0xa: {  	[smem:$0x3F8D] =	sst s2  }
0xb: {  	[smem:$0x3F8E] =	sst s3  }
0xc: {  	[smem:$0x3F8F] =	sst s4  }
0xd: {  	[smem:$0x3F90] =	sst s5  }
0xe: {  	[smem:$0x3F91] =	sst s6  }
0xf: {  	[smem:$0x3F92] =	sst s7  }
0x10: {  	[smem:$0x3F93] =	sst s8  }
0x11: {  	[smem:$0x3F94] =	sst s9;
	s0 =	simm.s32 @!p0 $0x0  }
0x12: {  	s1 =	sld [smem:$0x3F7A];
	s0 =	simm.s32 @p0 $0x1  }
0x13: {  	[smem:$0x3F95] =	sst s0;
	s0 =	simm.s32 @!p1 $0x0  }
0x14: {  	s2 =	sld [smem:$0x3F79];
	s0 =	simm.s32 @p1 $0x1  }
0x15: {  	[smem:$0x3F96] =	sst s0;
	s0 =	simm.s32 @!p2 $0x0  }
0x16: {  	s3 =	sld [smem:$0x3FDB];
	s0 =	simm.s32 @p2 $0x1  }
0x17: {  	s4 =	simm.s32 $0x1BF5;
	[smem:$0x3F98] =	sst s0  }
0x18: {  	s0 =	sld [smem:$0x3F7B];
	_ =	swait.ge [sflag:s4], $0x0  }
0x19: {  	s7 =	sld [smem:$0x3F7C]  }
0x1a: {  	s8 =	sadd.s32 $0xFFFFE003, lr  }
0x1b: {  	s9 =	sadd.s32 $0xFFFFFEF7, lr;
	s5 =	simm.s32 $0xFFFFFFFF;
	p2 =	slt.u32 s8, $0xFFFFF086  }
0x1c: {  	p1 =	slt.u32 s9, $0xF7A;
	s5 =	simm.s32 @!p2 $0x0  }
0x1d: {  	s5 =	simm.s32 @p1 $0x1;
	p0 =	seq.s32 s7, s2  }
0x1e: {  	s7 =	smul.u32 @!p0 $0xF7A, s2;
	p2 =	seq.s32 @!p0 s5, $0x0  }
0x1f: {  	s9 =	smul.u32 $0xF7A, s1;
	s8 =	simm.s32 @!p0 $0x1BF5;
	p2 =	por !p2, p0  }
0x20: {  	[sflag:s8] =	ssyncset.s32 @!p0 $0xFFFFF086;
	s6 =	sadd.s32 @!p0 s3, s7;
	s7 =	simm.s32 @!p0 $0x108  }
0x21: {  	s3 =	sadd.s32 s3, s9;
	s6 =	sadd.s32 @!p0 $0x88, s6;
	s7 =	simm.s32 @p2 $0x1082  }
0x22: {  	[simem:s7], [sflag:s8] =	dma.local @!p0 [hbm:s6], $0xF7A  }
0x23: {  	s9 =	sor.u32 $0xD0000000, s2;
	s6 =	simm.s32 $0x108;
	_ =	swait.ge @!p0 [sflag:s8], $0x0  }
0x24: {  	s3 =	sadd.s32 $0x88, s3;
	s6 =	simm.s32 @!p1 $0x1082;
	[sflag:s4] =	ssyncset.s32 $0xFFFFF086  }
0x25: {  	[simem:s6], [sflag:s4] =	dma.local [hbm:s3], $0xF7A  }
0x26: {  	[smem:$0x3F7C] =	sst s1;
	(tag) =	ssettag s2;
	_ =	strace s9  }
0x27: {  	s1 =	sld [smem:$0x3F8C]  }
0x28: {  	s2 =	sld [smem:$0x3F8D]  }
0x29: {  	s4 =	sld [smem:$0x3F8F]  }
0x2a: {  	p0 =	seq.s32 s5, $0x0;
	s5 =	sld [smem:$0x3F90]  }
0x2b: {  	s6 =	sld [smem:$0x3F91]  }
0x2c: {  	s7 =	sld [smem:$0x3F92]  }
0x2d: {  	s3 =	simm.s32 $0x108;
	s8 =	sld [smem:$0x3F93]  }
0x2e: {  	s3 =	simm.s32 @!p0 $0x1082;
	s9 =	sld [smem:$0x3F94]  }
0x2f: {  	lr =	sadd.s32 s0, s3;
	s0 =	sld [smem:$0x3F8B]  }
0x30: {  	s3 =	sld [smem:$0x3F8E]  }
0x31: {  	[smem:$0x3F97] =	sst s10  }
0x32: {  	s10 =	sld [smem:$0x3F95];
	_ =	sdelay $0x3  }
0x33: {  	p0 =	seq.s32 s10, $0x1;
	s10 =	sld [smem:$0x3F97];
	_ =	sdelay $0x3  }
0x34: {  	[smem:$0x3F97] =	sst s10  }
0x35: {  	s10 =	sld [smem:$0x3F96];
	_ =	sdelay $0x3  }
0x36: {  	p1 =	seq.s32 s10, $0x1;
	s10 =	sld [smem:$0x3F97];
	_ =	sdelay $0x3  }
0x37: {  	[smem:$0x3F97] =	sst s10  }
0x38: {  	s10 =	sld [smem:$0x3F98]  }
0x39: {  	_ = 	snop;
	(pc) =	sbr.ind lr, $3  }
0x3a: {  	_ = 	snop  }
0x3b: {  	_ = 	snop  }
0x3c: {  	p2 =	seq.s32 s10, $0x1;
	s10 =	sld [smem:$0x3F97]  }
0x3d: {  	_ =	shalt  }
0x3e: {  	_ =	shalt  }
0x3f: {  	_ =	shalt  }
0x40: {  	_ =	shalt  }
0x41: {  	_ =	shalt  }
0x42: {  	_ =	shalt  }
0x43: {  	_ =	shalt  }
0x44: {  	_ =	shalt  }
0x45: {  	_ =	shalt  }
0x46: {  	_ =	shalt  }
0x47: {  	_ =	shalt  }
0x48: {  	_ =	shalt  }
0x49: {  	_ =	shalt  }
0x4a: {  	_ =	shalt  }
0x4b: {  	_ =	shalt  }
0x4c: {  	_ =	shalt  }
0x4d: {  	_ =	shalt  }
0x4e: {  	_ =	shalt  }
0x4f: {  	_ =	shalt  }
0x50: {  	_ =	shalt  }
0x51: {  	_ =	shalt  }
0x52: {  	_ =	shalt  }
0x53: {  	_ =	shalt  }
0x54: {  	_ =	shalt  }
0x55: {  	_ =	shalt  }
0x56: {  	_ =	shalt  }
0x57: {  	_ =	shalt  }
0x58: {  	_ =	shalt  }
0x59: {  	_ =	shalt  }
0x5a: {  	_ =	shalt  }
0x5b: {  	_ =	shalt  }
0x5c: {  	_ =	shalt  }
0x5d: {  	_ =	shalt  }
0x5e: {  	_ =	shalt  }
0x5f: {  	_ =	shalt  }
0x60: {  	_ =	shalt  }
0x61: {  	_ =	shalt  }
0x62: {  	_ =	shalt  }
0x63: {  	_ =	shalt  }
0x64: {  	_ =	shalt  }
0x65: {  	_ =	shalt  }
0x66: {  	_ =	shalt  }
0x67: {  	_ =	shalt  }
0x68: {  	_ =	shalt  }
0x69: {  	_ =	shalt  }
0x6a: {  	_ =	shalt  }
0x6b: {  	_ =	shalt  }
0x6c: {  	_ =	shalt  }
0x6d: {  	_ =	shalt  }
0x6e: {  	_ =	shalt  }
0x6f: {  	_ =	shalt  }
0x70: {  	_ =	shalt  }
0x71: {  	_ =	shalt  }
0x72: {  	_ =	shalt  }
0x73: {  	_ =	shalt  }
0x74: {  	_ =	shalt  }
0x75: {  	_ =	shalt  }
0x76: {  	_ =	shalt  }
0x77: {  	_ =	shalt  }
0x78: {  	_ =	shalt  }
0x79: {  	_ =	shalt  }
0x7a: {  	_ =	shalt  }
0x7b: {  	_ =	shalt  }
0x7c: {  	_ =	shalt  }
0x7d: {  	_ =	shalt  }
0x7e: {  	_ =	shalt  }
0x7f: {  	_ =	shalt  }
0x80: {  	_ =	shalt  }
0x81: {  	_ =	shalt  }
0x82: {  	_ =	shalt  }
0x83: {  	_ =	shalt  }
0x84: {  	_ =	shalt  }
0x85: {  	_ =	shalt  }
0x86: {  	_ =	shalt  }
0x87: {  	_ =	shalt  }
.Lfunc_end0:
.L_simem_size_0:
called_computation.2_lowered:
.L_overlay_start_0:
0x88: {  	s2 =	sld [smem:$0x3FD9]  }
0x89: {  	s3 =	sld [smem:$0x3FFE];
	_ =	sdelay $0x1  }
0x8a: {  	s1 =	srdreg.scid  }
0x8b: {  	s0 =	sand.u32 $0x1, s1  }
0x8c: {  	s16 =	sshll.u32 s0, $0xA;
	s2 =	sadd.s32 s3, s2  }
0x8d: {  	s2 =	sadd.s32 s2, s16  }
0x8e: {  	[smem:$0x3FA3] =	sst s2  }
0x8f: {  	_ = 	snop  }
0x90: {  	(tm) =	ssettm $0x1  }
0x91: {  	s17 =	sld [smem:$0x3FFB];
	_ =	sdelay $0x3  }
0x92: {  	_ =	strace s17  }
0x93: {  	s2 =	sld [smem:$0x3FFC];
	_ =	sdelay $0x3  }
0x94: {  	_ =	strace s2  }
0x95: {  	s2 =	sld [smem:$0x3FFD];
	_ =	sdelay $0x3  }
0x96: {  	_ =	strace s2  }
0x97: {  	_ =	strace $0x8FFFFFFF  }
0x98: {  	s18 =	sld [smem:$0x3FDB];
	_ =	sdelay $0x1  }
0x99: {  	s19 =	simm.s32 $_scs_section_size  }
0x9a: {  	s4 =	simm.s32 $_size__tile_overlayer_lowered;
	s5 =	simm.s32 $_tile_overlayer_lowered  }
0x9b: {  	s22 =	simm.s32 $0x1BFF;
	s21 =	sshll.u32 s5, $0x1;
	s2 =	sadd.s32 s19, s18  }
0x9c: {  	s6 =	simm.s32 $0x0;
	s20 =	sshll.u32 s4, $0x1;
	s4 =	sadd.s32 s21, s2  }
0x9d: {  	[timem:s6], [sflag:s22] =	dma.local [hbm:s4], s20  }
0x9e: {  	_ =	swait.ge [sflag:s22], s20  }
0x9f: {  	s3 =	ssub.s32 $0x0, s20;
	[sflag:s22] =	ssyncset.done $0x0  }
0xa0: {  	[sflag:s22] =	ssyncadd.s32 s3;
	_ =	sdelay $0x1  }
0xa1: {  	s23 =	simm.s32 $0x1B8B  }
0xa2: {  	_ =	swait.ge [sflag:s23], $0x1  }
0xa3: {  	[sflag:s23] =	ssyncset.done $0x0  }
0xa4: {  	s25 =	simm.s32 $0x1B8E;
	s24 =	sld [smem:$0x3FFE];
	[sflag:s23] =	ssyncadd.s32 $0xFFFFFFFF  }
0xa5: {  	s26 =	simm.s32 $execute0_lowered;
	[smem:$0x3FD2] =	sst s25  }
0xa6: {  	s4 =	sshll.u32 s26, $0x1;
	_ =	strace $0x8000004C;
	[dreg:$0x1] =	wrdreg $0xFFFFFFFF  }
0xa7: {  	s28 =	simm.s32 $_size_execute0_lowered;
	s2 =	sadd.s32 s2, s4;
	[dreg:$0x0] =	wrdreg $0x0  }
0xa8: {  	s4 =	sshll.u32 s28, $0x1;
	[dreg:$0x2] =	wrdreg s2  }
0xa9: {  	[dreg:$0x3] =	wrdreg s4  }
0xaa: {  	[dreg:$0x4] =	wrdreg $0xC0  }
0xab: {  	_ =	task [dreg:s6], $0x5FFFF  }
0xac: {  	[dreg:$0x1] =	wrdreg $0xFFFFFFFF  }
0xad: {  	[dreg:$0x0] =	wrdreg $0x60  }
0xae: {  	[dreg:$0x2] =	wrdreg s24  }
0xaf: {  	[dreg:$0x3] =	wrdreg $0x0  }
0xb0: {  	[dreg:$0x4] =	wrdreg $0x9  }
0xb1: {  	_ =	task.clear_ibuf [dreg:s6], $0x5FFFF;
	_ =	strace $0x9000004C  }
0xb2: {  	s29 =	simm.s32 $0x9;
	_ =	strace $0x8000004E  }
0xb3: {  	_ =	swait.ge [sflag:s29], $0x1  }
0xb4: {  	[sflag:s29] =	ssyncadd.s32 $0xFFFFFFFF  }
0xb5: {  	_ =	strace $0x9000004E  }
0xb6: {  	_ =	sfence  }
0xb7: {  	s30 =	sld [smem:$0x0];
	_ =	sdelay $0x2  }
0xb8: {  	s31 =	sshll.u32 s1, $0xD;
	s1 =	sshrl.u32 s1, $0x2  }
0xb9: {  	s3 =	sand.u32 $0x4000, s31;
	s1 =	sadd.s32 s1, s30  }
0xba: {  	s0 =	sor.u32 s3, s0;
	s1 =	sshll.u32 s1, $0x11  }
0xbb: {  	s0 =	sor.u32 s1, s0  }
0xbc: {  	s0 =	sadd.s32 $0x8F2B, s0  }
0xbd: {  	[sflag:s0] =	ssyncadd.remote.s32 $0x1  }
0xbe: {  	_ =	sfence.sel $0xFFFF  }
0xbf: {  	[dreg:$0x0] =	wrdreg $0xFFFFFFFF;
	(pc) =	sbr.abs _section_cstart, $3  }
0xc0: {  	[dreg:$0x1] =	wrdreg $0xFFFFFFFF  }
0xc1: {  	_ =	task.clear_ibuf [dreg:s6], $0x2FFFF;
	_ =	strace $0x9FFFFFFF  }
0xc2: {  	(tm) =	ssettm $0x7FFFFFFF  }
0xc3: {  	_ =	shalt  }
tec
execute0_lowered:
.L_overlay_start_1:
0x0: {  	(tag) =	ssettag $0x1  }
0x1: {  	s0 =	rddreg [dreg:$0x0]  }
0x2: {  	s1 =	rddreg [dreg:$0x1];
	s2 =	srdreg.scid  }
0x3: {  	s3 =	simm.s32 $0x0;
	s12 =	stileid.u32;
	s13 =	simm.s32 $0x3  }
0x4: {  	s14 =	simm.s32 $0x18AA0;
	s15 =	simm.s32 $0x80;
	s16 =	simm.s32 $0x19220  }
0x5: {  	s17 =	simm.s32 $0x18B20;
	s18 =	simm.s32 $0x1A220;
	s19 =	simm.s32 $0x18BA0  }
0x6: {  	s20 =	simm.s32 $0x1B220;
	s21 =	simm.s32 $0x18C20;
	s22 =	simm.s32 $0x1C220  }
0x7: {  	s23 =	simm.s32 $0x18CA0;
	s24 =	simm.s32 $0x1D220;
	s28 =	simm.s32 $0x19020  }
0x8: {  	s29 =	simm.s32 $0x190A0;
	s30 =	simm.s32 $0x19120;
	s31 =	simm.s32 $0x191A0  }
0x9: {  	s2 =	sand.u32 $0x1, s2;
	[smem:$0x7FF] =	sst s3;
	s4 =	smul.u32 $0xC35, s12  }
0xa: {  	s5 =	sadd.s32 $0x18BE00, s0;
	s6 =	sadd.s32 $0xC8800, s0;
	s10 =	smul.u32 $0x61A80, s12  }
0xb: {  	s7 =	sadd.s32 $0x5200, s0;
	s8 =	smul.u32 $0xC350, s2;
	s2 =	ssub.s32 $0x2, s2  }
0xc: {  	s25 =	sshll.u32 s12, $0x6;
	_ =	strace $0x8000004D;
	s11 =	sshrl.u32 s2, $0x1  }
0xd: {  	s10 =	sshrl.u32 s10, $0x2;
	s9 =	sadd.s32 s4, s8;
	s2 =	ssub.s32 s2, s11  }
0xe: {  	s10 =	sadd.s32 s10, s1;
	s9 =	sshll.u32 s9, $0x2;
	s26 =	smax.u32 s2, $0x1  }
0xf: {  	s10 =	sshrl.u32 s10, $0x3;
	s0 =	sadd.s32 s9, s0;
	[dreg:$0x5] =	wrdreg s26  }
0x10: {  	s9 =	sadd.s32 s5, s9;
	s26 =	simm.s32 $0x18FA0;
	[dreg:$0x6] =	wrdreg s10  }
0x11: {  	[dreg:$0x3] =	wrdreg s9;
	s9 =	sor.u32 $0x1C03, s25;
	s0 =	sadd.s32 $0x1EDA00, s0  }
0x12: {  	v1 =	vlaneseq.u32;
	v0 =	vmov s8;
	s25 =	simm.s32 $0x1;
	[dreg:$0x4] =	wrdreg s0;
	s0 =	simm.s32 $0x2  }
.LBB2_1:
0x13: {  	s2 =	rddreg [dreg:$0x3]  }
0x14: {  	[spmem:s10], [sflag:s9] =	dma.local [hbm:s2], $0x30D4  }
0x15: {  	_ =	swait.ge [sflag:s13], $0x30D4  }
0x16: {  	[sflag:s13] =	ssyncset.done $0x0  }
0x17: {  	[sflag:s13] =	ssyncadd.s32 $0xFFFFCF2C  }
0x18: {  	s12 =	smov.u32 s9;
	s2 =	simm.s32 $0x0;
	[bflag:$0x0] =	sbarrier.arrive $0xFFFF  }
.LBB2_2:
0x19: {  	s8 =	smul.u32 $0x5, s2;
	_ =	sdelay $0x1  }
0x1a: {  	s8 =	sadd.s32 s4, s8  }
0x1b: {  	s8 =	sshll.u32 s8, $0x4  }
0x1c: {  	s10 =	simm.s32 $0x0;
	s9 =	sadd.s32 s6, s8  }
0x1d: {  	[tilespmem:s14], [sflag:$0x3] =	stream.linear.gather [hbm4b:s9+s10], $0x280, $0x38;
	[tilespmem:$0x1E220] =	vst v63  }
0x1e: {  	_ =	swait.ge [sflag:s13], $0x280  }
0x1f: {  	[sflag:s13] =	ssyncset.done $0x0  }
0x20: {  	s11 =	simm.s32 $0x18D20;
	s8 =	sadd.s32 s7, s8;
	[sflag:s13] =	ssyncadd.s32 $0xFFFFFD80  }
0x21: {  	[tilespmem:s11], [sflag:$0x3] =	stream.linear.gather [hbm4b:s8+s10], $0x280, $0x38;
	[tilespmem:$0x1E220] =	vst v63  }
0x22: {  	_ =	swait.ge [sflag:s13], $0x280  }
0x23: {  	[sflag:s13] =	ssyncset.done $0x0  }
0x24: {  	[sflag:s13] =	ssyncadd.s32 $0xFFFFFD80  }
0x25: {  	[tilespmem:s16], [sflag:$0x1] =	stream.indirect.gather [hbm4b:s5+s15], $0x20, s14, s15, $0xb8;
	[tilespmem:$0x1E220] =	vst v63  }
0x26: {  	_ = 	snop  }
0x27: {  	[tilespmem:s18], [sflag:$0x1] =	stream.indirect.gather [hbm4b:s5+s15], $0x20, s17, s15, $0xb8;
	[tilespmem:$0x1E220] =	vst v63  }
0x28: {  	_ = 	snop  }
0x29: {  	[tilespmem:s20], [sflag:$0x1] =	stream.indirect.gather [hbm4b:s5+s15], $0x20, s19, s15, $0xb8;
	[tilespmem:$0x1E220] =	vst v63  }
0x2a: {  	_ = 	snop  }
0x2b: {  	[tilespmem:s22], [sflag:$0x1] =	stream.indirect.gather [hbm4b:s5+s15], $0x20, s21, s15, $0xb8;
	[tilespmem:$0x1E220] =	vst v63  }
0x2c: {  	_ = 	snop  }
0x2d: {  	[tilespmem:s24], [sflag:$0x1] =	stream.indirect.gather [hbm4b:s5+s15], $0x20, s23, s15, $0xb8;
	[tilespmem:$0x1E220] =	vst v63  }
0x2e: {  	v2 =	vld [tilespmem:s11+$0x0];
	_ =	sdelay $0x3  }
0x2f: {  	v3 =	vor.u32 s10, v1  }
0x30: {  	v3 =	vand.u32 $0x1FF, v3;
	v2 =	vsub.s32 v2, v0  }
0x31: {  	v3 =	vadd.s32 $0xC350, v3;
	vm0 =	vlt.u32 v2, $0xC350  }
0x32: {  	s8 =	simm.s32 $0x18FA0;
	v2 =	vsel vm0, v2, v3  }
0x33: {  	s10 =	simm.s32 $0x18D30;
	[tilespmem:s8+$0x0] =	vst v2  }
0x34: {  	s9 =	simm.s32 $0x20;
	s11 =	simm.s32 $0x10;
	v2 =	vld [tilespmem:s10+$0x0]  }
.LBB2_3:
0x35: {  	p0 =	sne.s32 s9, $0x270;
	_ =	sdelay $0x2  }
0x36: {  	v3 =	vor.u32 s11, v1;
	s11 =	smov.u32 s9  }
.Ltmp0:
0x37: {  	v3 =	vand.u32 $0x1FF, v3;
	v2 =	vsub.s32 v2, v0;
	(pc) =	sbr.rel @p0 .LBB2_3-.Ltmp0, $4  }
0x38: {  	v3 =	vadd.s32 $0xC350, v3;
	vm0 =	vlt.u32 v2, $0xC350  }
0x39: {  	s8 =	sadd.s32 $0x10, s8;
	v2 =	vsel vm0, v2, v3  }
0x3a: {  	s10 =	sadd.s32 $0x10, s10;
	[tilespmem:s8+$0x0] =	vst v2  }
0x3b: {  	s9 =	sadd.s32 $0x10, s9;
	v2 =	vld [tilespmem:s10+$0x0]  }
0x3c: {  	_ =	sdelay $0x2  }
0x3d: {  	v3 =	vor.u32 s11, v1  }
0x3e: {  	v3 =	vand.u32 $0x1FF, v3;
	v2 =	vsub.s32 v2, v0  }
0x3f: {  	v3 =	vadd.s32 $0xC350, v3;
	vm0 =	vlt.u32 v2, $0xC350  }
0x40: {  	s8 =	sadd.s32 $0x10, s8;
	v2 =	vsel vm0, v2, v3  }
0x41: {  	[tilespmem:s8+$0x0] =	vst v2  }
0x42: {  	_ =	swait.ge [sflag:s25], $0x1000  }
0x43: {  	[sflag:s25] =	ssyncset.done $0x0  }
0x44: {  	[sflag:s25] =	ssyncadd.s32 $0xFFFFF000  }
0x45: {  	_ =	swait.ge [sflag:s25], $0x1000  }
0x46: {  	[sflag:s25] =	ssyncset.done $0x0  }
0x47: {  	[sflag:s25] =	ssyncadd.s32 $0xFFFFF000  }
0x48: {  	_ =	swait.ge [sflag:s25], $0x1000  }
0x49: {  	[sflag:s25] =	ssyncset.done $0x0  }
0x4a: {  	[sflag:s25] =	ssyncadd.s32 $0xFFFFF000  }
0x4b: {  	_ =	swait.ge [sflag:s25], $0x1000  }
0x4c: {  	[sflag:s25] =	ssyncset.done $0x0  }
0x4d: {  	[sflag:s25] =	ssyncadd.s32 $0xFFFFF000  }
0x4e: {  	_ =	swait.ge [sflag:s25], $0x1000  }
0x4f: {  	[sflag:s25] =	ssyncset.done $0x0  }
0x50: {  	[sflag:s25] =	ssyncadd.s32 $0xFFFFF000  }
0x51: {  	[spmem:s1] =	stream.indirect.scatter.add.f32 [tilespmem:s16], [sflag:$0x2], $0x20, s26, s15, $0xb8;
	[tilespmem:$0x1E220] =	vst v63  }
0x52: {  	_ = 	snop  }
0x53: {  	[spmem:s1] =	stream.indirect.scatter.add.f32 [tilespmem:s18], [sflag:$0x2], $0x20, s28, s15, $0xb8;
	[tilespmem:$0x1E220] =	vst v63  }
0x54: {  	_ = 	snop  }
0x55: {  	[spmem:s1] =	stream.indirect.scatter.add.f32 [tilespmem:s20], [sflag:$0x2], $0x20, s29, s15, $0xb8;
	[tilespmem:$0x1E220] =	vst v63  }
0x56: {  	_ = 	snop  }
0x57: {  	[spmem:s1] =	stream.indirect.scatter.add.f32 [tilespmem:s22], [sflag:$0x2], $0x20, s30, s15, $0xb8;
	[tilespmem:$0x1E220] =	vst v63  }
0x58: {  	_ = 	snop  }
0x59: {  	[spmem:s1] =	stream.indirect.scatter.add.f32 [tilespmem:s24], [sflag:$0x2], $0x20, s31, s15, $0xb8;
	[tilespmem:$0x1E220] =	vst v63  }
0x5a: {  	_ =	swait.ge [sflag:s0], $0x1000  }
0x5b: {  	[sflag:s0] =	ssyncset.done $0x0  }
0x5c: {  	[sflag:s0] =	ssyncadd.s32 $0xFFFFF000  }
0x5d: {  	_ =	swait.ge [sflag:s0], $0x1000  }
0x5e: {  	[sflag:s0] =	ssyncset.done $0x0  }
0x5f: {  	[sflag:s0] =	ssyncadd.s32 $0xFFFFF000  }
0x60: {  	_ =	swait.ge [sflag:s0], $0x1000  }
0x61: {  	[sflag:s0] =	ssyncset.done $0x0  }
0x62: {  	s2 =	sadd.s32 $0x1, s2;
	[sflag:s0] =	ssyncadd.s32 $0xFFFFF000  }
0x63: {  	p0 =	sne.s32 s2, $0x271;
	_ =	swait.ge [sflag:s0], $0x1000  }
.Ltmp1:
0x64: {  	[sflag:s0] =	ssyncset.done $0x0;
	(pc) =	sbr.rel @p0 .LBB2_2-.Ltmp1, $4  }
0x65: {  	[sflag:s0] =	ssyncadd.s32 $0xFFFFF000  }
0x66: {  	_ =	swait.ge [sflag:s0], $0x1000  }
0x67: {  	[sflag:s0] =	ssyncset.done $0x0  }
0x68: {  	[sflag:s0] =	ssyncadd.s32 $0xFFFFF000  }
0x69: {  	[bflag:$0x0] =	sbarrier.arrive $0xFFFF  }
0x6a: {  	s2 =	rddreg [dreg:$0x4]  }
0x6b: {  	s10 =	rddreg [dreg:$0x6]  }
0x6c: {  	[hbm:s2], [sflag:s12] =	dma.local [spmem:s10], $0x30D4  }
0x6d: {  	_ =	swait.ge [sflag:s13], $0x30D4  }
0x6e: {  	s9 =	smov.u32 s12;
	s3 =	sadd.s32 $0x1, s3;
	s12 =	rddreg [dreg:$0x5]  }
0x6f: {  	p0 =	sne.s32 s3, s12  }
.Ltmp2:
0x70: {  	_ = 	snop;
	(pc) =	sbr.rel @p0 .LBB2_1-.Ltmp2, $3  }
0x71: {  	_ =	sdelay $0x1  }
0x72: {  	[sflag:s13] =	ssyncset.done $0x0  }
0x73: {  	[sflag:s13] =	ssyncadd.s32 $0xFFFFCF2C  }
0x74: {  	_ =	sfence.sel $0x180000  }
0x75: {  	[bflag:$0x0] =	sbarrier.arrive $0xFFFF  }
0x76: {  	_ =	strace $0x9000004D  }
0x77: {  	s0 =	stileid.u32;
	[bflag:$0x2] =	sbarrier.arrive $0xFFFF  }
0x78: {  	p0 =	sne.s32 s0, $0x0;
	s0 =	rddreg [dreg:$0x2]  }
0x79: {  	s0 =	sadd.s32 @!p0 $0x100000, s0  }
0x7a: {  	[sflag:s0] =	ssyncadd.tile.s32 @!p0 $0x1;
	_ =	shalt  }
.Lfunc_end2:
_tile_overlayer_lowered:
.L_overlay_start_2:
0x7b: {  	(tag) =	ssettag $0x2  }
0x7c: {  	s0 =	rddreg [dreg:$0x0];
	s2 =	stileid.u32  }
0x7d: {  	s1 =	rddreg [dreg:$0x1];
	p0 =	sne.s32 s2, $0x0  }
0x7e: {  	s3 =	rddreg [dreg:$0x2];
	[bflag:$0x3] =	sbarrier.arrive $0xFFFF;
	s2 =	simm.s32 @!p0 $0x1C03  }
0x7f: {  	[timem:s3], [sflag:s2] =	dma.local @!p0 [hbm:s0], s1  }
0x80: {  	s0 =	simm.s32 @!p0 $0x3  }
0x81: {  	_ =	swait.ge @!p0 [sflag:s0], s1  }
0x82: {  	s1 =	ssub.s32 @!p0 $0x0, s1;
	[sflag:s0] =	ssyncset.done @!p0 $0x0  }
0x83: {  	[sflag:s0] =	ssyncadd.s32 @!p0 s1  }
0x84: {  	[bflag:$0x3] =	sbarrier.arrive $0xFFFF  }
0x85: {  	_ =	shalt  }

// kernel: kernel.22.cloned.1.call-start
scs
__scs_entry_jumppad:
0x0: {  	(pc) =	sbr.rel $0x88, $3  }
0x1: {  	(tag) =	ssettag $0x0;
	lr =	simm.s32 $0x1  }
0x2: {  	[smem:$0x3F7C] =	sst lr;
	_ =	strace $0xD0000000  }
0x3: {  	_ = 	snop  }
0x4: {  	_ = 	snop  }
0x5: {  	_ = 	snop  }
0x6: {  	_ = 	snop  }
0x7: {  	_ = 	snop  }
__scs_overlays_trampoline_lowered:
0x8: {  	[smem:$0x3F8B] =	sst s0  }
0x9: {  	[smem:$0x3F8C] =	sst s1  }
0xa: {  	[smem:$0x3F8D] =	sst s2  }
0xb: {  	[smem:$0x3F8E] =	sst s3  }
0xc: {  	[smem:$0x3F8F] =	sst s4  }
0xd: {  	[smem:$0x3F90] =	sst s5  }
0xe: {  	[smem:$0x3F91] =	sst s6  }
0xf: {  	[smem:$0x3F92] =	sst s7  }
0x10: {  	[smem:$0x3F93] =	sst s8  }
0x11: {  	[smem:$0x3F94] =	sst s9;
	s0 =	simm.s32 @!p0 $0x0  }
0x12: {  	s1 =	sld [smem:$0x3F7A];
	s0 =	simm.s32 @p0 $0x1  }
0x13: {  	[smem:$0x3F95] =	sst s0;
	s0 =	simm.s32 @!p1 $0x0  }
0x14: {  	s2 =	sld [smem:$0x3F79];
	s0 =	simm.s32 @p1 $0x1  }
0x15: {  	[smem:$0x3F96] =	sst s0;
	s0 =	simm.s32 @!p2 $0x0  }
0x16: {  	s3 =	sld [smem:$0x3FDB];
	s0 =	simm.s32 @p2 $0x1  }
0x17: {  	s4 =	simm.s32 $0x1BF5;
	[smem:$0x3F98] =	sst s0  }
0x18: {  	s0 =	sld [smem:$0x3F7B];
	_ =	swait.ge [sflag:s4], $0x0  }
0x19: {  	s7 =	sld [smem:$0x3F7C]  }
0x1a: {  	s8 =	sadd.s32 $0xFFFFE003, lr  }
0x1b: {  	s9 =	sadd.s32 $0xFFFFFEF7, lr;
	s5 =	simm.s32 $0xFFFFFFFF;
	p2 =	slt.u32 s8, $0xFFFFF086  }
0x1c: {  	p1 =	slt.u32 s9, $0xF7A;
	s5 =	simm.s32 @!p2 $0x0  }
0x1d: {  	s5 =	simm.s32 @p1 $0x1;
	p0 =	seq.s32 s7, s2  }
0x1e: {  	s7 =	smul.u32 @!p0 $0xF7A, s2;
	p2 =	seq.s32 @!p0 s5, $0x0  }
0x1f: {  	s9 =	smul.u32 $0xF7A, s1;
	s8 =	simm.s32 @!p0 $0x1BF5;
	p2 =	por !p2, p0  }
0x20: {  	[sflag:s8] =	ssyncset.s32 @!p0 $0xFFFFF086;
	s6 =	sadd.s32 @!p0 s3, s7;
	s7 =	simm.s32 @!p0 $0x108  }
0x21: {  	s3 =	sadd.s32 s3, s9;
	s6 =	sadd.s32 @!p0 $0x88, s6;
	s7 =	simm.s32 @p2 $0x1082  }
0x22: {  	[simem:s7], [sflag:s8] =	dma.local @!p0 [hbm:s6], $0xF7A  }
0x23: {  	s9 =	sor.u32 $0xD0000000, s2;
	s6 =	simm.s32 $0x108;
	_ =	swait.ge @!p0 [sflag:s8], $0x0  }
0x24: {  	s3 =	sadd.s32 $0x88, s3;
	s6 =	simm.s32 @!p1 $0x1082;
	[sflag:s4] =	ssyncset.s32 $0xFFFFF086  }
0x25: {  	[simem:s6], [sflag:s4] =	dma.local [hbm:s3], $0xF7A  }
0x26: {  	[smem:$0x3F7C] =	sst s1;
	(tag) =	ssettag s2;
	_ =	strace s9  }
0x27: {  	s1 =	sld [smem:$0x3F8C]  }
0x28: {  	s2 =	sld [smem:$0x3F8D]  }
0x29: {  	s4 =	sld [smem:$0x3F8F]  }
0x2a: {  	p0 =	seq.s32 s5, $0x0;
	s5 =	sld [smem:$0x3F90]  }
0x2b: {  	s6 =	sld [smem:$0x3F91]  }
0x2c: {  	s7 =	sld [smem:$0x3F92]  }
0x2d: {  	s3 =	simm.s32 $0x108;
	s8 =	sld [smem:$0x3F93]  }
0x2e: {  	s3 =	simm.s32 @!p0 $0x1082;
	s9 =	sld [smem:$0x3F94]  }
0x2f: {  	lr =	sadd.s32 s0, s3;
	s0 =	sld [smem:$0x3F8B]  }
0x30: {  	s3 =	sld [smem:$0x3F8E]  }
0x31: {  	[smem:$0x3F97] =	sst s10  }
0x32: {  	s10 =	sld [smem:$0x3F95];
	_ =	sdelay $0x3  }
0x33: {  	p0 =	seq.s32 s10, $0x1;
	s10 =	sld [smem:$0x3F97];
	_ =	sdelay $0x3  }
0x34: {  	[smem:$0x3F97] =	sst s10  }
0x35: {  	s10 =	sld [smem:$0x3F96];
	_ =	sdelay $0x3  }
0x36: {  	p1 =	seq.s32 s10, $0x1;
	s10 =	sld [smem:$0x3F97];
	_ =	sdelay $0x3  }
0x37: {  	[smem:$0x3F97] =	sst s10  }
0x38: {  	s10 =	sld [smem:$0x3F98]  }
0x39: {  	_ = 	snop;
	(pc) =	sbr.ind lr, $3  }
0x3a: {  	_ = 	snop  }
0x3b: {  	_ = 	snop  }
0x3c: {  	p2 =	seq.s32 s10, $0x1;
	s10 =	sld [smem:$0x3F97]  }
0x3d: {  	_ =	shalt  }
0x3e: {  	_ =	shalt  }
0x3f: {  	_ =	shalt  }
0x40: {  	_ =	shalt  }
0x41: {  	_ =	shalt  }
0x42: {  	_ =	shalt  }
0x43: {  	_ =	shalt  }
0x44: {  	_ =	shalt  }
0x45: {  	_ =	shalt  }
0x46: {  	_ =	shalt  }
0x47: {  	_ =	shalt  }
0x48: {  	_ =	shalt  }
0x49: {  	_ =	shalt  }
0x4a: {  	_ =	shalt  }
0x4b: {  	_ =	shalt  }
0x4c: {  	_ =	shalt  }
0x4d: {  	_ =	shalt  }
0x4e: {  	_ =	shalt  }
0x4f: {  	_ =	shalt  }
0x50: {  	_ =	shalt  }
0x51: {  	_ =	shalt  }
0x52: {  	_ =	shalt  }
0x53: {  	_ =	shalt  }
0x54: {  	_ =	shalt  }
0x55: {  	_ =	shalt  }
0x56: {  	_ =	shalt  }
0x57: {  	_ =	shalt  }
0x58: {  	_ =	shalt  }
0x59: {  	_ =	shalt  }
0x5a: {  	_ =	shalt  }
0x5b: {  	_ =	shalt  }
0x5c: {  	_ =	shalt  }
0x5d: {  	_ =	shalt  }
0x5e: {  	_ =	shalt  }
0x5f: {  	_ =	shalt  }
0x60: {  	_ =	shalt  }
0x61: {  	_ =	shalt  }
0x62: {  	_ =	shalt  }
0x63: {  	_ =	shalt  }
0x64: {  	_ =	shalt  }
0x65: {  	_ =	shalt  }
0x66: {  	_ =	shalt  }
0x67: {  	_ =	shalt  }
0x68: {  	_ =	shalt  }
0x69: {  	_ =	shalt  }
0x6a: {  	_ =	shalt  }
0x6b: {  	_ =	shalt  }
0x6c: {  	_ =	shalt  }
0x6d: {  	_ =	shalt  }
0x6e: {  	_ =	shalt  }
0x6f: {  	_ =	shalt  }
0x70: {  	_ =	shalt  }
0x71: {  	_ =	shalt  }
0x72: {  	_ =	shalt  }
0x73: {  	_ =	shalt  }
0x74: {  	_ =	shalt  }
0x75: {  	_ =	shalt  }
0x76: {  	_ =	shalt  }
0x77: {  	_ =	shalt  }
0x78: {  	_ =	shalt  }
0x79: {  	_ =	shalt  }
0x7a: {  	_ =	shalt  }
0x7b: {  	_ =	shalt  }
0x7c: {  	_ =	shalt  }
0x7d: {  	_ =	shalt  }
0x7e: {  	_ =	shalt  }
0x7f: {  	_ =	shalt  }
0x80: {  	_ =	shalt  }
0x81: {  	_ =	shalt  }
0x82: {  	_ =	shalt  }
0x83: {  	_ =	shalt  }
0x84: {  	_ =	shalt  }
0x85: {  	_ =	shalt  }
0x86: {  	_ =	shalt  }
0x87: {  	_ =	shalt  }
.Lfunc_end0:
.L_simem_size_0:
called_computation.3_lowered:
.L_overlay_start_0:
0x88: {  	s2 =	sld [smem:$0x3FD9]  }
0x89: {  	s3 =	sld [smem:$0x3FFE];
	_ =	sdelay $0x1  }
0x8a: {  	s1 =	srdreg.scid  }
0x8b: {  	s0 =	sand.u32 $0x1, s1  }
0x8c: {  	s16 =	sshll.u32 s0, $0xA;
	s2 =	sadd.s32 s3, s2  }
0x8d: {  	s2 =	sadd.s32 s2, s16  }
0x8e: {  	[smem:$0x3FA3] =	sst s2  }
0x8f: {  	_ = 	snop  }
0x90: {  	(tm) =	ssettm $0x1  }
0x91: {  	s17 =	sld [smem:$0x3FFB];
	_ =	sdelay $0x3  }
0x92: {  	_ =	strace s17  }
0x93: {  	s2 =	sld [smem:$0x3FFC];
	_ =	sdelay $0x3  }
0x94: {  	_ =	strace s2  }
0x95: {  	s2 =	sld [smem:$0x3FFD];
	_ =	sdelay $0x3  }
0x96: {  	_ =	strace s2  }
0x97: {  	_ =	strace $0x8FFFFFFF  }
0x98: {  	s18 =	sld [smem:$0x3FDB];
	_ =	sdelay $0x1  }
0x99: {  	s19 =	simm.s32 $_scs_section_size  }
0x9a: {  	s4 =	simm.s32 $_size__tile_overlayer_lowered;
	s5 =	simm.s32 $_tile_overlayer_lowered  }
0x9b: {  	s22 =	simm.s32 $0x1BFF;
	s21 =	sshll.u32 s5, $0x1;
	s2 =	sadd.s32 s19, s18  }
0x9c: {  	s6 =	simm.s32 $0x0;
	s20 =	sshll.u32 s4, $0x1;
	s4 =	sadd.s32 s21, s2  }
0x9d: {  	[timem:s6], [sflag:s22] =	dma.local [hbm:s4], s20  }
0x9e: {  	_ =	swait.ge [sflag:s22], s20  }
0x9f: {  	s3 =	ssub.s32 $0x0, s20;
	[sflag:s22] =	ssyncset.done $0x0  }
0xa0: {  	[sflag:s22] =	ssyncadd.s32 s3;
	_ =	sdelay $0x1  }
0xa1: {  	s23 =	simm.s32 $0x1B8B  }
0xa2: {  	_ =	swait.ge [sflag:s23], $0x1  }
0xa3: {  	[sflag:s23] =	ssyncset.done $0x0  }
0xa4: {  	s25 =	simm.s32 $0x1B8E;
	s24 =	sld [smem:$0x3FFE];
	[sflag:s23] =	ssyncadd.s32 $0xFFFFFFFF  }
0xa5: {  	s26 =	simm.s32 $execute0_lowered;
	[smem:$0x3FD2] =	sst s25  }
0xa6: {  	s4 =	sshll.u32 s26, $0x1;
	_ =	strace $0x8000004F;
	[dreg:$0x1] =	wrdreg $0xFFFFFFFF  }
0xa7: {  	s28 =	simm.s32 $_size_execute0_lowered;
	s2 =	sadd.s32 s2, s4;
	[dreg:$0x0] =	wrdreg $0x0  }
0xa8: {  	s4 =	sshll.u32 s28, $0x1;
	[dreg:$0x2] =	wrdreg s2  }
0xa9: {  	[dreg:$0x3] =	wrdreg s4  }
0xaa: {  	[dreg:$0x4] =	wrdreg $0xC0  }
0xab: {  	_ =	task [dreg:s6], $0x5FFFF  }
0xac: {  	[dreg:$0x1] =	wrdreg $0xFFFFFFFF  }
0xad: {  	[dreg:$0x0] =	wrdreg $0x60  }
0xae: {  	[dreg:$0x2] =	wrdreg s24  }
0xaf: {  	[dreg:$0x3] =	wrdreg $0x0  }
0xb0: {  	[dreg:$0x4] =	wrdreg $0x9  }
0xb1: {  	_ =	task.clear_ibuf [dreg:s6], $0x5FFFF;
	_ =	strace $0x9000004F  }
0xb2: {  	s29 =	simm.s32 $0x9;
	_ =	strace $0x80000051  }
0xb3: {  	_ =	swait.ge [sflag:s29], $0x1  }
0xb4: {  	[sflag:s29] =	ssyncadd.s32 $0xFFFFFFFF  }
0xb5: {  	_ =	strace $0x90000051  }
0xb6: {  	_ =	sfence  }
0xb7: {  	s30 =	sld [smem:$0x0];
	_ =	sdelay $0x2  }
0xb8: {  	s31 =	sshll.u32 s1, $0xD;
	s1 =	sshrl.u32 s1, $0x2  }
0xb9: {  	s3 =	sand.u32 $0x4000, s31;
	s1 =	sadd.s32 s1, s30  }
0xba: {  	s0 =	sor.u32 s3, s0;
	s1 =	sshll.u32 s1, $0x11  }
0xbb: {  	s0 =	sor.u32 s1, s0  }
0xbc: {  	s0 =	sadd.s32 $0x8F2B, s0  }
0xbd: {  	[sflag:s0] =	ssyncadd.remote.s32 $0x1  }
0xbe: {  	_ =	sfence.sel $0xFFFF  }
0xbf: {  	[dreg:$0x0] =	wrdreg $0xFFFFFFFF;
	(pc) =	sbr.abs _section_cstart, $3  }
0xc0: {  	[dreg:$0x1] =	wrdreg $0xFFFFFFFF  }
0xc1: {  	_ =	task.clear_ibuf [dreg:s6], $0x2FFFF;
	_ =	strace $0x9FFFFFFF  }
0xc2: {  	(tm) =	ssettm $0x7FFFFFFF  }
0xc3: {  	_ =	shalt  }
tec
execute0_lowered:
.L_overlay_start_1:
0x0: {  	(tag) =	ssettag $0x1  }
0x1: {  	s0 =	rddreg [dreg:$0x0]  }
0x2: {  	s1 =	rddreg [dreg:$0x1];
	s2 =	srdreg.scid  }
0x3: {  	s3 =	simm.s32 $0x0;
	s12 =	stileid.u32;
	s13 =	simm.s32 $0x3  }
0x4: {  	s14 =	simm.s32 $0x18AA0;
	s15 =	simm.s32 $0x80;
	s16 =	simm.s32 $0x19220  }
0x5: {  	s17 =	simm.s32 $0x18B20;
	s18 =	simm.s32 $0x1A220;
	s19 =	simm.s32 $0x18BA0  }
0x6: {  	s20 =	simm.s32 $0x1B220;
	s21 =	simm.s32 $0x18C20;
	s22 =	simm.s32 $0x1C220  }
0x7: {  	s23 =	simm.s32 $0x18CA0;
	s24 =	simm.s32 $0x1D220;
	s28 =	simm.s32 $0x19020  }
0x8: {  	s29 =	simm.s32 $0x190A0;
	s30 =	simm.s32 $0x19120;
	s31 =	simm.s32 $0x191A0  }
0x9: {  	s2 =	sand.u32 $0x1, s2;
	[smem:$0x7FF] =	sst s3;
	s4 =	smul.u32 $0xC35, s12  }
0xa: {  	s5 =	sadd.s32 $0x18BE00, s0;
	s6 =	sadd.s32 $0xC8800, s0;
	s10 =	smul.u32 $0x61A80, s12  }
0xb: {  	s7 =	sadd.s32 $0x5200, s0;
	s8 =	smul.u32 $0xC350, s2;
	s2 =	ssub.s32 $0x2, s2  }
0xc: {  	s25 =	sshll.u32 s12, $0x6;
	_ =	strace $0x80000050;
	s11 =	sshrl.u32 s2, $0x1  }
0xd: {  	s10 =	sshrl.u32 s10, $0x2;
	s9 =	sadd.s32 s4, s8;
	s2 =	ssub.s32 s2, s11  }
0xe: {  	s10 =	sadd.s32 s10, s1;
	s9 =	sshll.u32 s9, $0x2;
	s26 =	smax.u32 s2, $0x1  }
0xf: {  	s10 =	sshrl.u32 s10, $0x3;
	s0 =	sadd.s32 s9, s0;
	[dreg:$0x5] =	wrdreg s26  }
0x10: {  	s9 =	sadd.s32 s5, s9;
	s26 =	simm.s32 $0x18FA0;
	[dreg:$0x6] =	wrdreg s10  }
0x11: {  	[dreg:$0x3] =	wrdreg s9;
	s9 =	sor.u32 $0x1C03, s25;
	s0 =	sadd.s32 $0x1EDA00, s0  }
0x12: {  	v1 =	vlaneseq.u32;
	v0 =	vmov s8;
	s25 =	simm.s32 $0x1;
	[dreg:$0x4] =	wrdreg s0;
	s0 =	simm.s32 $0x2  }
.LBB2_1:
0x13: {  	s2 =	rddreg [dreg:$0x3]  }
0x14: {  	[spmem:s10], [sflag:s9] =	dma.local [hbm:s2], $0x30D4  }
0x15: {  	_ =	swait.ge [sflag:s13], $0x30D4  }
0x16: {  	[sflag:s13] =	ssyncset.done $0x0  }
0x17: {  	[sflag:s13] =	ssyncadd.s32 $0xFFFFCF2C  }
0x18: {  	s12 =	smov.u32 s9;
	s2 =	simm.s32 $0x0;
	[bflag:$0x0] =	sbarrier.arrive $0xFFFF  }
.LBB2_2:
0x19: {  	s8 =	smul.u32 $0x5, s2;
	_ =	sdelay $0x1  }
0x1a: {  	s8 =	sadd.s32 s4, s8  }
0x1b: {  	s8 =	sshll.u32 s8, $0x4  }
0x1c: {  	s10 =	simm.s32 $0x0;
	s9 =	sadd.s32 s6, s8  }
0x1d: {  	[tilespmem:s14], [sflag:$0x3] =	stream.linear.gather [hbm4b:s9+s10], $0x280, $0x38;
	[tilespmem:$0x1E220] =	vst v63  }
0x1e: {  	_ =	swait.ge [sflag:s13], $0x280  }
0x1f: {  	[sflag:s13] =	ssyncset.done $0x0  }
0x20: {  	s11 =	simm.s32 $0x18D20;
	s8 =	sadd.s32 s7, s8;
	[sflag:s13] =	ssyncadd.s32 $0xFFFFFD80  }
0x21: {  	[tilespmem:s11], [sflag:$0x3] =	stream.linear.gather [hbm4b:s8+s10], $0x280, $0x38;
	[tilespmem:$0x1E220] =	vst v63  }
0x22: {  	_ =	swait.ge [sflag:s13], $0x280  }
0x23: {  	[sflag:s13] =	ssyncset.done $0x0  }
0x24: {  	[sflag:s13] =	ssyncadd.s32 $0xFFFFFD80  }
0x25: {  	[tilespmem:s16], [sflag:$0x1] =	stream.indirect.gather [hbm4b:s5+s15], $0x20, s14, s15, $0xb8;
	[tilespmem:$0x1E220] =	vst v63  }
0x26: {  	_ = 	snop  }
0x27: {  	[tilespmem:s18], [sflag:$0x1] =	stream.indirect.gather [hbm4b:s5+s15], $0x20, s17, s15, $0xb8;
	[tilespmem:$0x1E220] =	vst v63  }
0x28: {  	_ = 	snop  }
0x29: {  	[tilespmem:s20], [sflag:$0x1] =	stream.indirect.gather [hbm4b:s5+s15], $0x20, s19, s15, $0xb8;
	[tilespmem:$0x1E220] =	vst v63  }
0x2a: {  	_ = 	snop  }
0x2b: {  	[tilespmem:s22], [sflag:$0x1] =	stream.indirect.gather [hbm4b:s5+s15], $0x20, s21, s15, $0xb8;
	[tilespmem:$0x1E220] =	vst v63  }
0x2c: {  	_ = 	snop  }
0x2d: {  	[tilespmem:s24], [sflag:$0x1] =	stream.indirect.gather [hbm4b:s5+s15], $0x20, s23, s15, $0xb8;
	[tilespmem:$0x1E220] =	vst v63  }
0x2e: {  	v2 =	vld [tilespmem:s11+$0x0];
	_ =	sdelay $0x3  }
0x2f: {  	v3 =	vor.u32 s10, v1  }
0x30: {  	v3 =	vand.u32 $0x1FF, v3;
	v2 =	vsub.s32 v2, v0  }
0x31: {  	v3 =	vadd.s32 $0xC350, v3;
	vm0 =	vlt.u32 v2, $0xC350  }
0x32: {  	s8 =	simm.s32 $0x18FA0;
	v2 =	vsel vm0, v2, v3  }
0x33: {  	s10 =	simm.s32 $0x18D30;
	[tilespmem:s8+$0x0] =	vst v2  }
0x34: {  	s9 =	simm.s32 $0x20;
	s11 =	simm.s32 $0x10;
	v2 =	vld [tilespmem:s10+$0x0]  }
.LBB2_3:
0x35: {  	p0 =	sne.s32 s9, $0x270;
	_ =	sdelay $0x2  }
0x36: {  	v3 =	vor.u32 s11, v1;
	s11 =	smov.u32 s9  }
.Ltmp0:
0x37: {  	v3 =	vand.u32 $0x1FF, v3;
	v2 =	vsub.s32 v2, v0;
	(pc) =	sbr.rel @p0 .LBB2_3-.Ltmp0, $4  }
0x38: {  	v3 =	vadd.s32 $0xC350, v3;
	vm0 =	vlt.u32 v2, $0xC350  }
0x39: {  	s8 =	sadd.s32 $0x10, s8;
	v2 =	vsel vm0, v2, v3  }
0x3a: {  	s10 =	sadd.s32 $0x10, s10;
	[tilespmem:s8+$0x0] =	vst v2  }
0x3b: {  	s9 =	sadd.s32 $0x10, s9;
	v2 =	vld [tilespmem:s10+$0x0]  }
0x3c: {  	_ =	sdelay $0x2  }
0x3d: {  	v3 =	vor.u32 s11, v1  }
0x3e: {  	v3 =	vand.u32 $0x1FF, v3;
	v2 =	vsub.s32 v2, v0  }
0x3f: {  	v3 =	vadd.s32 $0xC350, v3;
	vm0 =	vlt.u32 v2, $0xC350  }
0x40: {  	s8 =	sadd.s32 $0x10, s8;
	v2 =	vsel vm0, v2, v3  }
0x41: {  	[tilespmem:s8+$0x0] =	vst v2  }
0x42: {  	_ =	swait.ge [sflag:s25], $0x1000  }
0x43: {  	[sflag:s25] =	ssyncset.done $0x0  }
0x44: {  	[sflag:s25] =	ssyncadd.s32 $0xFFFFF000  }
0x45: {  	_ =	swait.ge [sflag:s25], $0x1000  }
0x46: {  	[sflag:s25] =	ssyncset.done $0x0  }
0x47: {  	[sflag:s25] =	ssyncadd.s32 $0xFFFFF000  }
0x48: {  	_ =	swait.ge [sflag:s25], $0x1000  }
0x49: {  	[sflag:s25] =	ssyncset.done $0x0  }
0x4a: {  	[sflag:s25] =	ssyncadd.s32 $0xFFFFF000  }
0x4b: {  	_ =	swait.ge [sflag:s25], $0x1000  }
0x4c: {  	[sflag:s25] =	ssyncset.done $0x0  }
0x4d: {  	[sflag:s25] =	ssyncadd.s32 $0xFFFFF000  }
0x4e: {  	_ =	swait.ge [sflag:s25], $0x1000  }
0x4f: {  	[sflag:s25] =	ssyncset.done $0x0  }
0x50: {  	[sflag:s25] =	ssyncadd.s32 $0xFFFFF000  }
0x51: {  	[spmem:s1] =	stream.indirect.scatter.add.f32 [tilespmem:s16], [sflag:$0x2], $0x20, s26, s15, $0xb8;
	[tilespmem:$0x1E220] =	vst v63  }
0x52: {  	_ = 	snop  }
0x53: {  	[spmem:s1] =	stream.indirect.scatter.add.f32 [tilespmem:s18], [sflag:$0x2], $0x20, s28, s15, $0xb8;
	[tilespmem:$0x1E220] =	vst v63  }
0x54: {  	_ = 	snop  }
0x55: {  	[spmem:s1] =	stream.indirect.scatter.add.f32 [tilespmem:s20], [sflag:$0x2], $0x20, s29, s15, $0xb8;
	[tilespmem:$0x1E220] =	vst v63  }
0x56: {  	_ = 	snop  }
0x57: {  	[spmem:s1] =	stream.indirect.scatter.add.f32 [tilespmem:s22], [sflag:$0x2], $0x20, s30, s15, $0xb8;
	[tilespmem:$0x1E220] =	vst v63  }
0x58: {  	_ = 	snop  }
0x59: {  	[spmem:s1] =	stream.indirect.scatter.add.f32 [tilespmem:s24], [sflag:$0x2], $0x20, s31, s15, $0xb8;
	[tilespmem:$0x1E220] =	vst v63  }
0x5a: {  	_ =	swait.ge [sflag:s0], $0x1000  }
0x5b: {  	[sflag:s0] =	ssyncset.done $0x0  }
0x5c: {  	[sflag:s0] =	ssyncadd.s32 $0xFFFFF000  }
0x5d: {  	_ =	swait.ge [sflag:s0], $0x1000  }
0x5e: {  	[sflag:s0] =	ssyncset.done $0x0  }
0x5f: {  	[sflag:s0] =	ssyncadd.s32 $0xFFFFF000  }
0x60: {  	_ =	swait.ge [sflag:s0], $0x1000  }
0x61: {  	[sflag:s0] =	ssyncset.done $0x0  }
0x62: {  	s2 =	sadd.s32 $0x1, s2;
	[sflag:s0] =	ssyncadd.s32 $0xFFFFF000  }
0x63: {  	p0 =	sne.s32 s2, $0x271;
	_ =	swait.ge [sflag:s0], $0x1000  }
.Ltmp1:
0x64: {  	[sflag:s0] =	ssyncset.done $0x0;
	(pc) =	sbr.rel @p0 .LBB2_2-.Ltmp1, $4  }
0x65: {  	[sflag:s0] =	ssyncadd.s32 $0xFFFFF000  }
0x66: {  	_ =	swait.ge [sflag:s0], $0x1000  }
0x67: {  	[sflag:s0] =	ssyncset.done $0x0  }
0x68: {  	[sflag:s0] =	ssyncadd.s32 $0xFFFFF000  }
0x69: {  	[bflag:$0x0] =	sbarrier.arrive $0xFFFF  }
0x6a: {  	s2 =	rddreg [dreg:$0x4]  }
0x6b: {  	s10 =	rddreg [dreg:$0x6]  }
0x6c: {  	[hbm:s2], [sflag:s12] =	dma.local [spmem:s10], $0x30D4  }
0x6d: {  	_ =	swait.ge [sflag:s13], $0x30D4  }
0x6e: {  	s9 =	smov.u32 s12;
	s3 =	sadd.s32 $0x1, s3;
	s12 =	rddreg [dreg:$0x5]  }
0x6f: {  	p0 =	sne.s32 s3, s12  }
.Ltmp2:
0x70: {  	_ = 	snop;
	(pc) =	sbr.rel @p0 .LBB2_1-.Ltmp2, $3  }
0x71: {  	_ =	sdelay $0x1  }
0x72: {  	[sflag:s13] =	ssyncset.done $0x0  }
0x73: {  	[sflag:s13] =	ssyncadd.s32 $0xFFFFCF2C  }
0x74: {  	_ =	sfence.sel $0x180000  }
0x75: {  	[bflag:$0x0] =	sbarrier.arrive $0xFFFF  }
0x76: {  	_ =	strace $0x90000050  }
0x77: {  	s0 =	stileid.u32;
	[bflag:$0x2] =	sbarrier.arrive $0xFFFF  }
0x78: {  	p0 =	sne.s32 s0, $0x0;
	s0 =	rddreg [dreg:$0x2]  }
0x79: {  	s0 =	sadd.s32 @!p0 $0x100000, s0  }
0x7a: {  	[sflag:s0] =	ssyncadd.tile.s32 @!p0 $0x1;
	_ =	shalt  }
.Lfunc_end2:
_tile_overlayer_lowered:
.L_overlay_start_2:
0x7b: {  	(tag) =	ssettag $0x2  }
0x7c: {  	s0 =	rddreg [dreg:$0x0];
	s2 =	stileid.u32  }
0x7d: {  	s1 =	rddreg [dreg:$0x1];
	p0 =	sne.s32 s2, $0x0  }
0x7e: {  	s3 =	rddreg [dreg:$0x2];
	[bflag:$0x3] =	sbarrier.arrive $0xFFFF;
	s2 =	simm.s32 @!p0 $0x1C03  }
0x7f: {  	[timem:s3], [sflag:s2] =	dma.local @!p0 [hbm:s0], s1  }
0x80: {  	s0 =	simm.s32 @!p0 $0x3  }
0x81: {  	_ =	swait.ge @!p0 [sflag:s0], s1  }
0x82: {  	s1 =	ssub.s32 @!p0 $0x0, s1;
	[sflag:s0] =	ssyncset.done @!p0 $0x0  }
0x83: {  	[sflag:s0] =	ssyncadd.s32 @!p0 s1  }
0x84: {  	[bflag:$0x3] =	sbarrier.arrive $0xFFFF  }
0x85: {  	_ =	shalt  }

// kernel: kernel.25.cloned.1.call-start
scs
__scs_entry_jumppad:
0x0: {  	(pc) =	sbr.rel $0x88, $3  }
0x1: {  	(tag) =	ssettag $0x0;
	lr =	simm.s32 $0x1  }
0x2: {  	[smem:$0x3F7C] =	sst lr;
	_ =	strace $0xD0000000  }
0x3: {  	_ = 	snop  }
0x4: {  	_ = 	snop  }
0x5: {  	_ = 	snop  }
0x6: {  	_ = 	snop  }
0x7: {  	_ = 	snop  }
__scs_overlays_trampoline_lowered:
0x8: {  	[smem:$0x3F8B] =	sst s0  }
0x9: {  	[smem:$0x3F8C] =	sst s1  }
0xa: {  	[smem:$0x3F8D] =	sst s2  }
0xb: {  	[smem:$0x3F8E] =	sst s3  }
0xc: {  	[smem:$0x3F8F] =	sst s4  }
0xd: {  	[smem:$0x3F90] =	sst s5  }
0xe: {  	[smem:$0x3F91] =	sst s6  }
0xf: {  	[smem:$0x3F92] =	sst s7  }
0x10: {  	[smem:$0x3F93] =	sst s8  }
0x11: {  	[smem:$0x3F94] =	sst s9;
	s0 =	simm.s32 @!p0 $0x0  }
0x12: {  	s1 =	sld [smem:$0x3F7A];
	s0 =	simm.s32 @p0 $0x1  }
0x13: {  	[smem:$0x3F95] =	sst s0;
	s0 =	simm.s32 @!p1 $0x0  }
0x14: {  	s2 =	sld [smem:$0x3F79];
	s0 =	simm.s32 @p1 $0x1  }
0x15: {  	[smem:$0x3F96] =	sst s0;
	s0 =	simm.s32 @!p2 $0x0  }
0x16: {  	s3 =	sld [smem:$0x3FDB];
	s0 =	simm.s32 @p2 $0x1  }
0x17: {  	s4 =	simm.s32 $0x1BF5;
	[smem:$0x3F98] =	sst s0  }
0x18: {  	s0 =	sld [smem:$0x3F7B];
	_ =	swait.ge [sflag:s4], $0x0  }
0x19: {  	s7 =	sld [smem:$0x3F7C]  }
0x1a: {  	s8 =	sadd.s32 $0xFFFFE003, lr  }
0x1b: {  	s9 =	sadd.s32 $0xFFFFFEF7, lr;
	s5 =	simm.s32 $0xFFFFFFFF;
	p2 =	slt.u32 s8, $0xFFFFF086  }
0x1c: {  	p1 =	slt.u32 s9, $0xF7A;
	s5 =	simm.s32 @!p2 $0x0  }
0x1d: {  	s5 =	simm.s32 @p1 $0x1;
	p0 =	seq.s32 s7, s2  }
0x1e: {  	s7 =	smul.u32 @!p0 $0xF7A, s2;
	p2 =	seq.s32 @!p0 s5, $0x0  }
0x1f: {  	s9 =	smul.u32 $0xF7A, s1;
	s8 =	simm.s32 @!p0 $0x1BF5;
	p2 =	por !p2, p0  }
0x20: {  	[sflag:s8] =	ssyncset.s32 @!p0 $0xFFFFF086;
	s6 =	sadd.s32 @!p0 s3, s7;
	s7 =	simm.s32 @!p0 $0x108  }
0x21: {  	s3 =	sadd.s32 s3, s9;
	s6 =	sadd.s32 @!p0 $0x88, s6;
	s7 =	simm.s32 @p2 $0x1082  }
0x22: {  	[simem:s7], [sflag:s8] =	dma.local @!p0 [hbm:s6], $0xF7A  }
0x23: {  	s9 =	sor.u32 $0xD0000000, s2;
	s6 =	simm.s32 $0x108;
	_ =	swait.ge @!p0 [sflag:s8], $0x0  }
0x24: {  	s3 =	sadd.s32 $0x88, s3;
	s6 =	simm.s32 @!p1 $0x1082;
	[sflag:s4] =	ssyncset.s32 $0xFFFFF086  }
0x25: {  	[simem:s6], [sflag:s4] =	dma.local [hbm:s3], $0xF7A  }
0x26: {  	[smem:$0x3F7C] =	sst s1;
	(tag) =	ssettag s2;
	_ =	strace s9  }
0x27: {  	s1 =	sld [smem:$0x3F8C]  }
0x28: {  	s2 =	sld [smem:$0x3F8D]  }
0x29: {  	s4 =	sld [smem:$0x3F8F]  }
0x2a: {  	p0 =	seq.s32 s5, $0x0;
	s5 =	sld [smem:$0x3F90]  }
0x2b: {  	s6 =	sld [smem:$0x3F91]  }
0x2c: {  	s7 =	sld [smem:$0x3F92]  }
0x2d: {  	s3 =	simm.s32 $0x108;
	s8 =	sld [smem:$0x3F93]  }
0x2e: {  	s3 =	simm.s32 @!p0 $0x1082;
	s9 =	sld [smem:$0x3F94]  }
0x2f: {  	lr =	sadd.s32 s0, s3;
	s0 =	sld [smem:$0x3F8B]  }
0x30: {  	s3 =	sld [smem:$0x3F8E]  }
0x31: {  	[smem:$0x3F97] =	sst s10  }
0x32: {  	s10 =	sld [smem:$0x3F95];
	_ =	sdelay $0x3  }
0x33: {  	p0 =	seq.s32 s10, $0x1;
	s10 =	sld [smem:$0x3F97];
	_ =	sdelay $0x3  }
0x34: {  	[smem:$0x3F97] =	sst s10  }
0x35: {  	s10 =	sld [smem:$0x3F96];
	_ =	sdelay $0x3  }
0x36: {  	p1 =	seq.s32 s10, $0x1;
	s10 =	sld [smem:$0x3F97];
	_ =	sdelay $0x3  }
0x37: {  	[smem:$0x3F97] =	sst s10  }
0x38: {  	s10 =	sld [smem:$0x3F98]  }
0x39: {  	_ = 	snop;
	(pc) =	sbr.ind lr, $3  }
0x3a: {  	_ = 	snop  }
0x3b: {  	_ = 	snop  }
0x3c: {  	p2 =	seq.s32 s10, $0x1;
	s10 =	sld [smem:$0x3F97]  }
0x3d: {  	_ =	shalt  }
0x3e: {  	_ =	shalt  }
0x3f: {  	_ =	shalt  }
0x40: {  	_ =	shalt  }
0x41: {  	_ =	shalt  }
0x42: {  	_ =	shalt  }
0x43: {  	_ =	shalt  }
0x44: {  	_ =	shalt  }
0x45: {  	_ =	shalt  }
0x46: {  	_ =	shalt  }
0x47: {  	_ =	shalt  }
0x48: {  	_ =	shalt  }
0x49: {  	_ =	shalt  }
0x4a: {  	_ =	shalt  }
0x4b: {  	_ =	shalt  }
0x4c: {  	_ =	shalt  }
0x4d: {  	_ =	shalt  }
0x4e: {  	_ =	shalt  }
0x4f: {  	_ =	shalt  }
0x50: {  	_ =	shalt  }
0x51: {  	_ =	shalt  }
0x52: {  	_ =	shalt  }
0x53: {  	_ =	shalt  }
0x54: {  	_ =	shalt  }
0x55: {  	_ =	shalt  }
0x56: {  	_ =	shalt  }
0x57: {  	_ =	shalt  }
0x58: {  	_ =	shalt  }
0x59: {  	_ =	shalt  }
0x5a: {  	_ =	shalt  }
0x5b: {  	_ =	shalt  }
0x5c: {  	_ =	shalt  }
0x5d: {  	_ =	shalt  }
0x5e: {  	_ =	shalt  }
0x5f: {  	_ =	shalt  }
0x60: {  	_ =	shalt  }
0x61: {  	_ =	shalt  }
0x62: {  	_ =	shalt  }
0x63: {  	_ =	shalt  }
0x64: {  	_ =	shalt  }
0x65: {  	_ =	shalt  }
0x66: {  	_ =	shalt  }
0x67: {  	_ =	shalt  }
0x68: {  	_ =	shalt  }
0x69: {  	_ =	shalt  }
0x6a: {  	_ =	shalt  }
0x6b: {  	_ =	shalt  }
0x6c: {  	_ =	shalt  }
0x6d: {  	_ =	shalt  }
0x6e: {  	_ =	shalt  }
0x6f: {  	_ =	shalt  }
0x70: {  	_ =	shalt  }
0x71: {  	_ =	shalt  }
0x72: {  	_ =	shalt  }
0x73: {  	_ =	shalt  }
0x74: {  	_ =	shalt  }
0x75: {  	_ =	shalt  }
0x76: {  	_ =	shalt  }
0x77: {  	_ =	shalt  }
0x78: {  	_ =	shalt  }
0x79: {  	_ =	shalt  }
0x7a: {  	_ =	shalt  }
0x7b: {  	_ =	shalt  }
0x7c: {  	_ =	shalt  }
0x7d: {  	_ =	shalt  }
0x7e: {  	_ =	shalt  }
0x7f: {  	_ =	shalt  }
0x80: {  	_ =	shalt  }
0x81: {  	_ =	shalt  }
0x82: {  	_ =	shalt  }
0x83: {  	_ =	shalt  }
0x84: {  	_ =	shalt  }
0x85: {  	_ =	shalt  }
0x86: {  	_ =	shalt  }
0x87: {  	_ =	shalt  }
.Lfunc_end0:
.L_simem_size_0:
called_computation.4_lowered:
.L_overlay_start_0:
0x88: {  	s2 =	sld [smem:$0x3FD9]  }
0x89: {  	s3 =	sld [smem:$0x3FFE];
	_ =	sdelay $0x1  }
0x8a: {  	s1 =	srdreg.scid  }
0x8b: {  	s0 =	sand.u32 $0x1, s1  }
0x8c: {  	s16 =	sshll.u32 s0, $0xA;
	s2 =	sadd.s32 s3, s2  }
0x8d: {  	s2 =	sadd.s32 s2, s16  }
0x8e: {  	[smem:$0x3FA3] =	sst s2  }
0x8f: {  	_ = 	snop  }
0x90: {  	(tm) =	ssettm $0x1  }
0x91: {  	s17 =	sld [smem:$0x3FFB];
	_ =	sdelay $0x3  }
0x92: {  	_ =	strace s17  }
0x93: {  	s2 =	sld [smem:$0x3FFC];
	_ =	sdelay $0x3  }
0x94: {  	_ =	strace s2  }
0x95: {  	s2 =	sld [smem:$0x3FFD];
	_ =	sdelay $0x3  }
0x96: {  	_ =	strace s2  }
0x97: {  	_ =	strace $0x8FFFFFFF  }
0x98: {  	s18 =	sld [smem:$0x3FDB];
	_ =	sdelay $0x1  }
0x99: {  	s19 =	simm.s32 $_scs_section_size  }
0x9a: {  	s4 =	simm.s32 $_size__tile_overlayer_lowered;
	s5 =	simm.s32 $_tile_overlayer_lowered  }
0x9b: {  	s22 =	simm.s32 $0x1BFF;
	s21 =	sshll.u32 s5, $0x1;
	s2 =	sadd.s32 s19, s18  }
0x9c: {  	s6 =	simm.s32 $0x0;
	s20 =	sshll.u32 s4, $0x1;
	s4 =	sadd.s32 s21, s2  }
0x9d: {  	[timem:s6], [sflag:s22] =	dma.local [hbm:s4], s20  }
0x9e: {  	_ =	swait.ge [sflag:s22], s20  }
0x9f: {  	s3 =	ssub.s32 $0x0, s20;
	[sflag:s22] =	ssyncset.done $0x0  }
0xa0: {  	[sflag:s22] =	ssyncadd.s32 s3;
	_ =	sdelay $0x1  }
0xa1: {  	s23 =	simm.s32 $0x1B8B  }
0xa2: {  	_ =	swait.ge [sflag:s23], $0x1  }
0xa3: {  	[sflag:s23] =	ssyncset.done $0x0  }
0xa4: {  	s25 =	simm.s32 $0x1B8E;
	s24 =	sld [smem:$0x3FFE];
	[sflag:s23] =	ssyncadd.s32 $0xFFFFFFFF  }
0xa5: {  	s26 =	simm.s32 $execute0_lowered;
	[smem:$0x3FD2] =	sst s25  }
0xa6: {  	s4 =	sshll.u32 s26, $0x1;
	_ =	strace $0x80000052;
	[dreg:$0x1] =	wrdreg $0xFFFFFFFF  }
0xa7: {  	s28 =	simm.s32 $_size_execute0_lowered;
	s2 =	sadd.s32 s2, s4;
	[dreg:$0x0] =	wrdreg $0x0  }
0xa8: {  	s4 =	sshll.u32 s28, $0x1;
	[dreg:$0x2] =	wrdreg s2  }
0xa9: {  	[dreg:$0x3] =	wrdreg s4  }
0xaa: {  	[dreg:$0x4] =	wrdreg $0xC0  }
0xab: {  	_ =	task [dreg:s6], $0x5FFFF  }
0xac: {  	[dreg:$0x1] =	wrdreg $0xFFFFFFFF  }
0xad: {  	[dreg:$0x0] =	wrdreg $0x60  }
0xae: {  	[dreg:$0x2] =	wrdreg s24  }
0xaf: {  	[dreg:$0x3] =	wrdreg $0x0  }
0xb0: {  	[dreg:$0x4] =	wrdreg $0x9  }
0xb1: {  	_ =	task.clear_ibuf [dreg:s6], $0x5FFFF;
	_ =	strace $0x90000052  }
0xb2: {  	s29 =	simm.s32 $0x9;
	_ =	strace $0x80000054  }
0xb3: {  	_ =	swait.ge [sflag:s29], $0x1  }
0xb4: {  	[sflag:s29] =	ssyncadd.s32 $0xFFFFFFFF  }
0xb5: {  	_ =	strace $0x90000054  }
0xb6: {  	_ =	sfence  }
0xb7: {  	s30 =	sld [smem:$0x0];
	_ =	sdelay $0x2  }
0xb8: {  	s31 =	sshll.u32 s1, $0xD;
	s1 =	sshrl.u32 s1, $0x2  }
0xb9: {  	s3 =	sand.u32 $0x4000, s31;
	s1 =	sadd.s32 s1, s30  }
0xba: {  	s0 =	sor.u32 s3, s0;
	s1 =	sshll.u32 s1, $0x11  }
0xbb: {  	s0 =	sor.u32 s1, s0  }
0xbc: {  	s0 =	sadd.s32 $0x8F2B, s0  }
0xbd: {  	[sflag:s0] =	ssyncadd.remote.s32 $0x1  }
0xbe: {  	_ =	sfence.sel $0xFFFF  }
0xbf: {  	[dreg:$0x0] =	wrdreg $0xFFFFFFFF;
	(pc) =	sbr.abs _section_cstart, $3  }
0xc0: {  	[dreg:$0x1] =	wrdreg $0xFFFFFFFF  }
0xc1: {  	_ =	task.clear_ibuf [dreg:s6], $0x2FFFF;
	_ =	strace $0x9FFFFFFF  }
0xc2: {  	(tm) =	ssettm $0x7FFFFFFF  }
0xc3: {  	_ =	shalt  }
tec
execute0_lowered:
.L_overlay_start_1:
0x0: {  	(tag) =	ssettag $0x1  }
0x1: {  	s0 =	rddreg [dreg:$0x0]  }
0x2: {  	s1 =	rddreg [dreg:$0x1];
	s2 =	srdreg.scid  }
0x3: {  	s3 =	simm.s32 $0x0;
	s12 =	stileid.u32;
	s13 =	simm.s32 $0x3  }
0x4: {  	s14 =	simm.s32 $0x18AA0;
	s15 =	simm.s32 $0x80;
	s16 =	simm.s32 $0x19220  }
0x5: {  	s17 =	simm.s32 $0x18B20;
	s18 =	simm.s32 $0x1A220;
	s19 =	simm.s32 $0x18BA0  }
0x6: {  	s20 =	simm.s32 $0x1B220;
	s21 =	simm.s32 $0x18C20;
	s22 =	simm.s32 $0x1C220  }
0x7: {  	s23 =	simm.s32 $0x18CA0;
	s24 =	simm.s32 $0x1D220;
	s28 =	simm.s32 $0x19020  }
0x8: {  	s29 =	simm.s32 $0x190A0;
	s30 =	simm.s32 $0x19120;
	s31 =	simm.s32 $0x191A0  }
0x9: {  	s2 =	sand.u32 $0x1, s2;
	[smem:$0x7FF] =	sst s3;
	s4 =	smul.u32 $0xC35, s12  }
0xa: {  	s5 =	sadd.s32 $0x18BE00, s0;
	s6 =	sadd.s32 $0xC8800, s0;
	s10 =	smul.u32 $0x61A80, s12  }
0xb: {  	s7 =	sadd.s32 $0x5200, s0;
	s8 =	smul.u32 $0xC350, s2;
	s2 =	ssub.s32 $0x2, s2  }
0xc: {  	s25 =	sshll.u32 s12, $0x6;
	_ =	strace $0x80000053;
	s11 =	sshrl.u32 s2, $0x1  }
0xd: {  	s10 =	sshrl.u32 s10, $0x2;
	s9 =	sadd.s32 s4, s8;
	s2 =	ssub.s32 s2, s11  }
0xe: {  	s10 =	sadd.s32 s10, s1;
	s9 =	sshll.u32 s9, $0x2;
	s26 =	smax.u32 s2, $0x1  }
0xf: {  	s10 =	sshrl.u32 s10, $0x3;
	s0 =	sadd.s32 s9, s0;
	[dreg:$0x5] =	wrdreg s26  }
0x10: {  	s9 =	sadd.s32 s5, s9;
	s26 =	simm.s32 $0x18FA0;
	[dreg:$0x6] =	wrdreg s10  }
0x11: {  	[dreg:$0x3] =	wrdreg s9;
	s9 =	sor.u32 $0x1C03, s25;
	s0 =	sadd.s32 $0x1EDA00, s0  }
0x12: {  	v1 =	vlaneseq.u32;
	v0 =	vmov s8;
	s25 =	simm.s32 $0x1;
	[dreg:$0x4] =	wrdreg s0;
	s0 =	simm.s32 $0x2  }
.LBB2_1:
0x13: {  	s2 =	rddreg [dreg:$0x3]  }
0x14: {  	[spmem:s10], [sflag:s9] =	dma.local [hbm:s2], $0x30D4  }
0x15: {  	_ =	swait.ge [sflag:s13], $0x30D4  }
0x16: {  	[sflag:s13] =	ssyncset.done $0x0  }
0x17: {  	[sflag:s13] =	ssyncadd.s32 $0xFFFFCF2C  }
0x18: {  	s12 =	smov.u32 s9;
	s2 =	simm.s32 $0x0;
	[bflag:$0x0] =	sbarrier.arrive $0xFFFF  }
.LBB2_2:
0x19: {  	s8 =	smul.u32 $0x5, s2;
	_ =	sdelay $0x1  }
0x1a: {  	s8 =	sadd.s32 s4, s8  }
0x1b: {  	s8 =	sshll.u32 s8, $0x4  }
0x1c: {  	s10 =	simm.s32 $0x0;
	s9 =	sadd.s32 s6, s8  }
0x1d: {  	[tilespmem:s14], [sflag:$0x3] =	stream.linear.gather [hbm4b:s9+s10], $0x280, $0x38;
	[tilespmem:$0x1E220] =	vst v63  }
0x1e: {  	_ =	swait.ge [sflag:s13], $0x280  }
0x1f: {  	[sflag:s13] =	ssyncset.done $0x0  }
0x20: {  	s11 =	simm.s32 $0x18D20;
	s8 =	sadd.s32 s7, s8;
	[sflag:s13] =	ssyncadd.s32 $0xFFFFFD80  }
0x21: {  	[tilespmem:s11], [sflag:$0x3] =	stream.linear.gather [hbm4b:s8+s10], $0x280, $0x38;
	[tilespmem:$0x1E220] =	vst v63  }
0x22: {  	_ =	swait.ge [sflag:s13], $0x280  }
0x23: {  	[sflag:s13] =	ssyncset.done $0x0  }
0x24: {  	[sflag:s13] =	ssyncadd.s32 $0xFFFFFD80  }
0x25: {  	[tilespmem:s16], [sflag:$0x1] =	stream.indirect.gather [hbm4b:s5+s15], $0x20, s14, s15, $0xb8;
	[tilespmem:$0x1E220] =	vst v63  }
0x26: {  	_ = 	snop  }
0x27: {  	[tilespmem:s18], [sflag:$0x1] =	stream.indirect.gather [hbm4b:s5+s15], $0x20, s17, s15, $0xb8;
	[tilespmem:$0x1E220] =	vst v63  }
0x28: {  	_ = 	snop  }
0x29: {  	[tilespmem:s20], [sflag:$0x1] =	stream.indirect.gather [hbm4b:s5+s15], $0x20, s19, s15, $0xb8;
	[tilespmem:$0x1E220] =	vst v63  }
0x2a: {  	_ = 	snop  }
0x2b: {  	[tilespmem:s22], [sflag:$0x1] =	stream.indirect.gather [hbm4b:s5+s15], $0x20, s21, s15, $0xb8;
	[tilespmem:$0x1E220] =	vst v63  }
0x2c: {  	_ = 	snop  }
0x2d: {  	[tilespmem:s24], [sflag:$0x1] =	stream.indirect.gather [hbm4b:s5+s15], $0x20, s23, s15, $0xb8;
	[tilespmem:$0x1E220] =	vst v63  }
0x2e: {  	v2 =	vld [tilespmem:s11+$0x0];
	_ =	sdelay $0x3  }
0x2f: {  	v3 =	vor.u32 s10, v1  }
0x30: {  	v3 =	vand.u32 $0x1FF, v3;
	v2 =	vsub.s32 v2, v0  }
0x31: {  	v3 =	vadd.s32 $0xC350, v3;
	vm0 =	vlt.u32 v2, $0xC350  }
0x32: {  	s8 =	simm.s32 $0x18FA0;
	v2 =	vsel vm0, v2, v3  }
0x33: {  	s10 =	simm.s32 $0x18D30;
	[tilespmem:s8+$0x0] =	vst v2  }
0x34: {  	s9 =	simm.s32 $0x20;
	s11 =	simm.s32 $0x10;
	v2 =	vld [tilespmem:s10+$0x0]  }
.LBB2_3:
0x35: {  	p0 =	sne.s32 s9, $0x270;
	_ =	sdelay $0x2  }
0x36: {  	v3 =	vor.u32 s11, v1;
	s11 =	smov.u32 s9  }
.Ltmp0:
0x37: {  	v3 =	vand.u32 $0x1FF, v3;
	v2 =	vsub.s32 v2, v0;
	(pc) =	sbr.rel @p0 .LBB2_3-.Ltmp0, $4  }
0x38: {  	v3 =	vadd.s32 $0xC350, v3;
	vm0 =	vlt.u32 v2, $0xC350  }
0x39: {  	s8 =	sadd.s32 $0x10, s8;
	v2 =	vsel vm0, v2, v3  }
0x3a: {  	s10 =	sadd.s32 $0x10, s10;
	[tilespmem:s8+$0x0] =	vst v2  }
0x3b: {  	s9 =	sadd.s32 $0x10, s9;
	v2 =	vld [tilespmem:s10+$0x0]  }
0x3c: {  	_ =	sdelay $0x2  }
0x3d: {  	v3 =	vor.u32 s11, v1  }
0x3e: {  	v3 =	vand.u32 $0x1FF, v3;
	v2 =	vsub.s32 v2, v0  }
0x3f: {  	v3 =	vadd.s32 $0xC350, v3;
	vm0 =	vlt.u32 v2, $0xC350  }
0x40: {  	s8 =	sadd.s32 $0x10, s8;
	v2 =	vsel vm0, v2, v3  }
0x41: {  	[tilespmem:s8+$0x0] =	vst v2  }
0x42: {  	_ =	swait.ge [sflag:s25], $0x1000  }
0x43: {  	[sflag:s25] =	ssyncset.done $0x0  }
0x44: {  	[sflag:s25] =	ssyncadd.s32 $0xFFFFF000  }
0x45: {  	_ =	swait.ge [sflag:s25], $0x1000  }
0x46: {  	[sflag:s25] =	ssyncset.done $0x0  }
0x47: {  	[sflag:s25] =	ssyncadd.s32 $0xFFFFF000  }
0x48: {  	_ =	swait.ge [sflag:s25], $0x1000  }
0x49: {  	[sflag:s25] =	ssyncset.done $0x0  }
0x4a: {  	[sflag:s25] =	ssyncadd.s32 $0xFFFFF000  }
0x4b: {  	_ =	swait.ge [sflag:s25], $0x1000  }
0x4c: {  	[sflag:s25] =	ssyncset.done $0x0  }
0x4d: {  	[sflag:s25] =	ssyncadd.s32 $0xFFFFF000  }
0x4e: {  	_ =	swait.ge [sflag:s25], $0x1000  }
0x4f: {  	[sflag:s25] =	ssyncset.done $0x0  }
0x50: {  	[sflag:s25] =	ssyncadd.s32 $0xFFFFF000  }
0x51: {  	[spmem:s1] =	stream.indirect.scatter.add.f32 [tilespmem:s16], [sflag:$0x2], $0x20, s26, s15, $0xb8;
	[tilespmem:$0x1E220] =	vst v63  }
0x52: {  	_ = 	snop  }
0x53: {  	[spmem:s1] =	stream.indirect.scatter.add.f32 [tilespmem:s18], [sflag:$0x2], $0x20, s28, s15, $0xb8;
	[tilespmem:$0x1E220] =	vst v63  }
0x54: {  	_ = 	snop  }
0x55: {  	[spmem:s1] =	stream.indirect.scatter.add.f32 [tilespmem:s20], [sflag:$0x2], $0x20, s29, s15, $0xb8;
	[tilespmem:$0x1E220] =	vst v63  }
0x56: {  	_ = 	snop  }
0x57: {  	[spmem:s1] =	stream.indirect.scatter.add.f32 [tilespmem:s22], [sflag:$0x2], $0x20, s30, s15, $0xb8;
	[tilespmem:$0x1E220] =	vst v63  }
0x58: {  	_ = 	snop  }
0x59: {  	[spmem:s1] =	stream.indirect.scatter.add.f32 [tilespmem:s24], [sflag:$0x2], $0x20, s31, s15, $0xb8;
	[tilespmem:$0x1E220] =	vst v63  }
0x5a: {  	_ =	swait.ge [sflag:s0], $0x1000  }
0x5b: {  	[sflag:s0] =	ssyncset.done $0x0  }
0x5c: {  	[sflag:s0] =	ssyncadd.s32 $0xFFFFF000  }
0x5d: {  	_ =	swait.ge [sflag:s0], $0x1000  }
0x5e: {  	[sflag:s0] =	ssyncset.done $0x0  }
0x5f: {  	[sflag:s0] =	ssyncadd.s32 $0xFFFFF000  }
0x60: {  	_ =	swait.ge [sflag:s0], $0x1000  }
0x61: {  	[sflag:s0] =	ssyncset.done $0x0  }
0x62: {  	s2 =	sadd.s32 $0x1, s2;
	[sflag:s0] =	ssyncadd.s32 $0xFFFFF000  }
0x63: {  	p0 =	sne.s32 s2, $0x271;
	_ =	swait.ge [sflag:s0], $0x1000  }
.Ltmp1:
0x64: {  	[sflag:s0] =	ssyncset.done $0x0;
	(pc) =	sbr.rel @p0 .LBB2_2-.Ltmp1, $4  }
0x65: {  	[sflag:s0] =	ssyncadd.s32 $0xFFFFF000  }
0x66: {  	_ =	swait.ge [sflag:s0], $0x1000  }
0x67: {  	[sflag:s0] =	ssyncset.done $0x0  }
0x68: {  	[sflag:s0] =	ssyncadd.s32 $0xFFFFF000  }
0x69: {  	[bflag:$0x0] =	sbarrier.arrive $0xFFFF  }
0x6a: {  	s2 =	rddreg [dreg:$0x4]  }
0x6b: {  	s10 =	rddreg [dreg:$0x6]  }
0x6c: {  	[hbm:s2], [sflag:s12] =	dma.local [spmem:s10], $0x30D4  }
0x6d: {  	_ =	swait.ge [sflag:s13], $0x30D4  }
0x6e: {  	s9 =	smov.u32 s12;
	s3 =	sadd.s32 $0x1, s3;
	s12 =	rddreg [dreg:$0x5]  }
0x6f: {  	p0 =	sne.s32 s3, s12  }
.Ltmp2:
0x70: {  	_ = 	snop;
	(pc) =	sbr.rel @p0 .LBB2_1-.Ltmp2, $3  }
0x71: {  	_ =	sdelay $0x1  }
0x72: {  	[sflag:s13] =	ssyncset.done $0x0  }
0x73: {  	[sflag:s13] =	ssyncadd.s32 $0xFFFFCF2C  }
0x74: {  	_ =	sfence.sel $0x180000  }
0x75: {  	[bflag:$0x0] =	sbarrier.arrive $0xFFFF  }
0x76: {  	_ =	strace $0x90000053  }
0x77: {  	s0 =	stileid.u32;
	[bflag:$0x2] =	sbarrier.arrive $0xFFFF  }
0x78: {  	p0 =	sne.s32 s0, $0x0;
	s0 =	rddreg [dreg:$0x2]  }
0x79: {  	s0 =	sadd.s32 @!p0 $0x100000, s0  }
0x7a: {  	[sflag:s0] =	ssyncadd.tile.s32 @!p0 $0x1;
	_ =	shalt  }
.Lfunc_end2:
_tile_overlayer_lowered:
.L_overlay_start_2:
0x7b: {  	(tag) =	ssettag $0x2  }
0x7c: {  	s0 =	rddreg [dreg:$0x0];
	s2 =	stileid.u32  }
0x7d: {  	s1 =	rddreg [dreg:$0x1];
	p0 =	sne.s32 s2, $0x0  }
0x7e: {  	s3 =	rddreg [dreg:$0x2];
	[bflag:$0x3] =	sbarrier.arrive $0xFFFF;
	s2 =	simm.s32 @!p0 $0x1C03  }
0x7f: {  	[timem:s3], [sflag:s2] =	dma.local @!p0 [hbm:s0], s1  }
0x80: {  	s0 =	simm.s32 @!p0 $0x3  }
0x81: {  	_ =	swait.ge @!p0 [sflag:s0], s1  }
0x82: {  	s1 =	ssub.s32 @!p0 $0x0, s1;
	[sflag:s0] =	ssyncset.done @!p0 $0x0  }
0x83: {  	[sflag:s0] =	ssyncadd.s32 @!p0 s1  }
0x84: {  	[bflag:$0x3] =	sbarrier.arrive $0xFFFF  }
0x85: {  	_ =	shalt  }

</sc_bundles>
